<compile_context>
chip_gen: v7x
topology: tpu7x:2x2x1
jax: 0.10.2.dev20260603
libtpu: 0.0.44.dev20260713+nightly
codegen_flags: <defaults>
</compile_context>

<pallas_src>
import jax
import jax.numpy as jnp
from jax import lax
from jax.experimental import pallas as pl
from jax.experimental.pallas import tpu as pltpu
from jax.experimental.pallas import tpu_sc as plsc

N_PAD = 10240
ROWS_PT = N_PAD // 16
NW = 32
_G = 8


def _make_spmm(d, n_grp, untiled=False, dtype=jnp.float32):
    mesh = plsc.VectorSubcoreMesh(core_axis_name="c", subcore_axis_name="s")
    params = (pltpu.CompilerParams(use_tc_tiling_on_sc=False)
              if untiled else None)

    out_type = [jax.ShapeDtypeStruct((2, N_PAD, d), dtype)]
    scratch = [
        pltpu.VMEM((_G, 128), jnp.int32),
        pltpu.VMEM((_G, 128), jnp.int32),
        pltpu.VMEM((128, d), dtype),
        pltpu.VMEM((128, d), dtype),
        pltpu.VMEM_SHARED((N_PAD, d), dtype),
        pltpu.SemaphoreType.DMA,
        pltpu.SemaphoreType.DMA,
    ]

    def body(x_hbm, src_hbm, dst_hbm, zeros_hbm, out_hbm,
             sidx, didx, rows0, rows1, acc, sem0, sem1):
        c = lax.axis_index("c")
        s = lax.axis_index("s")
        w = c * 16 + s
        r0 = s * ROWS_PT

        pltpu.sync_copy(zeros_hbm, acc.at[pl.ds(r0, ROWS_PT)])
        plsc.subcore_barrier()

        bufs = (rows0, rows1)
        sems = (sem0, sem1)

        def group(g, carry):
            pltpu.sync_copy(src_hbm.at[w * n_grp + g], sidx)
            pltpu.sync_copy(dst_hbm.at[w * n_grp + g], didx)
            handles = [None] * _G
            handles[0] = pltpu.async_copy(x_hbm.at[sidx.at[0]], bufs[0],
                                          sems[0])
            for j in range(_G):
                handles[j].wait()
                if j + 1 < _G:
                    handles[j + 1] = pltpu.async_copy(
                        x_hbm.at[sidx.at[j + 1]], bufs[(j + 1) % 2],
                        sems[(j + 1) % 2])
                pltpu.sync_copy(bufs[j % 2], acc.at[didx.at[j]], add=True)
            return carry

        lax.fori_loop(0, n_grp, group, 0)

        plsc.subcore_barrier()
        pltpu.sync_copy(acc.at[pl.ds(r0, ROWS_PT)],
                        out_hbm.at[c, pl.ds(r0, ROWS_PT)])

    return pl.kernel(body, out_type=out_type, mesh=mesh,
                     scratch_types=scratch, compiler_params=params)


def _make_cnt(n_grp):
    mesh = plsc.VectorSubcoreMesh(core_axis_name="c", subcore_axis_name="s")

    out_type = [jax.ShapeDtypeStruct((2, N_PAD, 128), jnp.float32)]
    scratch = [
        pltpu.VMEM((_G, 128), jnp.int32),
        pltpu.VMEM((128, 128), jnp.float32),
        pltpu.VMEM_SHARED((N_PAD, 128), jnp.float32),
    ]

    def body(dst_hbm, zeros_hbm, ones_hbm, out_hbm, didx, ones_v, acc):
        c = lax.axis_index("c")
        s = lax.axis_index("s")
        w = c * 16 + s
        r0 = s * ROWS_PT

        pltpu.sync_copy(zeros_hbm, acc.at[pl.ds(r0, ROWS_PT)])
        pltpu.sync_copy(ones_hbm, ones_v)
        plsc.subcore_barrier()

        def group(g, carry):
            pltpu.sync_copy(dst_hbm.at[w * n_grp + g], didx)
            for j in range(_G):
                pltpu.sync_copy(ones_v, acc.at[didx.at[j]], add=True)
            return carry

        lax.fori_loop(0, n_grp, group, 0)

        plsc.subcore_barrier()
        pltpu.sync_copy(acc.at[pl.ds(r0, ROWS_PT)],
                        out_hbm.at[c, pl.ds(r0, ROWS_PT)])

    return pl.kernel(body, out_type=out_type, mesh=mesh,
                     scratch_types=scratch)


def _dot_t(a, w):
    return lax.dot_general(a, w, (((1,), (1,)), ((), ())),
                           preferred_element_type=jnp.float32)


_R = 256
_GRID = N_PAD // _R


def _full(shape):
    return pl.BlockSpec(shape, lambda i: (0,) * len(shape))


def _rows(minor):
    return pl.BlockSpec((_R, minor), lambda i: (i, 0))


def _pair(minor):
    return pl.BlockSpec((2, _R, minor), lambda i: (0, i, 0))


def _dense1_body(s1, c1, x, w1l, b1l, w1r, w2, t2_o, dinv_o, cntc_o):
    cnt = c1[0][:, :1] + c1[1][:, :1]
    cntc = jnp.maximum(cnt, 1.0)
    agg = (s1[0].astype(jnp.float32) + s1[1].astype(jnp.float32)) / cntc
    h1 = jnp.maximum(
        _dot_t(agg, w1l[...]) + b1l[...] + _dot_t(x[...], w1r[...]), 0.0)
    dinv = lax.rsqrt(cnt + 1.0)
    t2_o[...] = (dinv * _dot_t(h1, w2[...])).astype(jnp.bfloat16)
    dinv_o[...] = jnp.broadcast_to(dinv, (_R, 16))
    cntc_o[...] = jnp.broadcast_to(cntc, (_R, 16))


def _dense2_body(s2, t2, dinv16, b2, w3l, w3r, b3l, xw3_o, xr3_o):
    dinv = dinv16[...][:, :1]
    ssum = (s2[0].astype(jnp.float32) + s2[1].astype(jnp.float32)
            + t2[...].astype(jnp.float32))
    h2 = jnp.maximum(dinv * ssum + b2[...], 0.0)
    xw3_o[...] = _dot_t(h2, w3l[...])
    xr3_o[...] = _dot_t(h2, w3r[...]) + b3l[...]


def _dense3_body(s3, xr3, cntc16, dinv16, w4, t4_o):
    h3 = jnp.maximum(
        (s3[0] + s3[1]) / cntc16[...][:, :1] + xr3[...], 0.0)
    t4_o[...] = dinv16[...][:, :1] * _dot_t(h3, w4[...])


def _dense4_body(s4, t4, dinv16, b4, wfc, bfc, out_o):
    h4 = jnp.maximum(
        dinv16[...][:, :1] * (s4[0] + s4[1] + t4[...]) + b4[...], 0.0)
    out_o[...] = _dot_t(h4, wfc[...]) + bfc[...]


def _o(minor):
    return jax.ShapeDtypeStruct((N_PAD, minor), jnp.float32)


def kernel(x, edge_index, W1l, b1l, W1r, W2, b2, W3l, b3l, W3r, W4, b4,
           Wfc, bfc):
    n = x.shape[0]
    e = edge_index.shape[1]
    d_in = x.shape[1]
    h1d = W1l.shape[0]
    h2d = W3l.shape[0]
    d_out = Wfc.shape[0]

    n_grp = -(-e // (NW * 128 * _G))
    e_pad = NW * 128 * _G * n_grp
    src = edge_index[0].astype(jnp.int32)
    dst = edge_index[1].astype(jnp.int32)
    src3 = jnp.concatenate(
        [src, jnp.zeros((e_pad - e,), jnp.int32)]).reshape(
            NW * n_grp, _G, 128)
    dst3 = jnp.concatenate(
        [dst, jnp.full((e_pad - e,), n, jnp.int32)]).reshape(
            NW * n_grp, _G, 128)

    x_pad = jnp.pad(x, ((0, N_PAD - n), (0, 0)))
    x_pad_bf = x_pad.astype(jnp.bfloat16)
    zeros_b = jnp.zeros((ROWS_PT, 128), jnp.bfloat16)
    zeros_w = jnp.zeros((ROWS_PT, 128), jnp.float32)
    zeros_n = jnp.zeros((ROWS_PT, h2d), jnp.float32)
    ones128 = jnp.ones((128, 128), jnp.float32)

    spmm_b = _make_spmm(128, n_grp, untiled=True, dtype=jnp.bfloat16)
    spmm_n = _make_spmm(h2d, n_grp, untiled=True)
    cnt_fn = _make_cnt(n_grp)

    b1l_ = b1l.reshape(1, -1)
    b2_ = b2.reshape(1, -1)
    b3l_ = b3l.reshape(1, -1)
    b4_ = b4.reshape(1, -1)
    bfc_ = bfc.reshape(1, -1)

    (s1,) = spmm_b(x_pad_bf, src3, dst3, zeros_b)
    (c1,) = cnt_fn(dst3, zeros_w, ones128)

    t2, dinv16, cntc16 = pl.pallas_call(
        _dense1_body,
        grid=(_GRID,),
        in_specs=[_pair(d_in), _pair(128), _rows(d_in), _full((h1d, d_in)),
                  _full((1, h1d)), _full((h1d, d_in)), _full((h1d, h1d))],
        out_specs=[_rows(h1d), _rows(16), _rows(16)],
        out_shape=[jax.ShapeDtypeStruct((N_PAD, h1d), jnp.bfloat16),
                   _o(16), _o(16)],
    )(s1, c1, x_pad, W1l, b1l_, W1r, W2)

    (s2,) = spmm_b(t2, src3, dst3, zeros_b)

    xw3, xr3 = pl.pallas_call(
        _dense2_body,
        grid=(_GRID,),
        in_specs=[_pair(h1d), _rows(h1d), _rows(16), _full((1, h1d)),
                  _full((h2d, h1d)), _full((h2d, h1d)), _full((1, h2d))],
        out_specs=[_rows(h2d), _rows(h2d)],
        out_shape=[_o(h2d), _o(h2d)],
    )(s2, t2, dinv16, b2_, W3l, W3r, b3l_)

    (s3,) = spmm_n(xw3, src3, dst3, zeros_n)

    (t4,) = pl.pallas_call(
        _dense3_body,
        grid=(_GRID,),
        in_specs=[_pair(h2d), _rows(h2d), _rows(16), _rows(16),
                  _full((h2d, h2d))],
        out_specs=[_rows(h2d)],
        out_shape=[_o(h2d)],
    )(s3, xr3, cntc16, dinv16, W4)

    (s4,) = spmm_n(t4, src3, dst3, zeros_n)

    (out,) = pl.pallas_call(
        _dense4_body,
        grid=(_GRID,),
        in_specs=[_pair(h2d), _rows(h2d), _rows(16), _full((1, h2d)),
                  _full((d_out, h2d)), _full((1, d_out))],
        out_specs=[_rows(d_out)],
        out_shape=[_o(d_out)],
    )(s4, t4, dinv16, b4_, Wfc, bfc_)

    return out[:n]

# --- scband reference (transcript-rebuilt; emitter-appended) ---
"""Pipeline reference for scband-graph-gcn-52355651338902 (READ-ONLY COPY).

The authoritative reference and input builder live on the scoring server;
editing this copy changes nothing except your own understanding.
"""

import jax, jax.numpy as jnp
import numpy as np

N_NODES = 10000


def sage_conv(x, edge_index, Wl, bl, Wr):
    # PyG SAGEConv default: mean aggregation, lin_l(aggr) + lin_r(x)
    src = edge_index[0]
    dst = edge_index[1]
    n = x.shape[0]
    msg = x[src]
    agg_sum = jax.ops.segment_sum(msg, dst, num_segments=n)
    cnt = jax.ops.segment_sum(jnp.ones((src.shape[0],), dtype=x.dtype), dst, num_segments=n)
    agg = agg_sum / jnp.clip(cnt, 1.0, None)[:, None]
    return agg @ Wl.T + bl + x @ Wr.T


def gcn_conv(x, edge_index, W, b):
    # PyG GCNConv: add self loops, symmetric normalization D^-1/2 (A+I) D^-1/2 (X W) + b
    n = x.shape[0]
    loop = jnp.arange(n, dtype=edge_index.dtype)
    src = jnp.concatenate([edge_index[0], loop])
    dst = jnp.concatenate([edge_index[1], loop])
    deg = jax.ops.segment_sum(jnp.ones((src.shape[0],), dtype=x.dtype), dst, num_segments=n)
    dinv = jnp.where(deg > 0, 1.0 / jnp.sqrt(deg), 0.0)
    norm = dinv[src] * dinv[dst]
    xw = x @ W.T
    out = jax.ops.segment_sum(norm[:, None] * xw[src], dst, num_segments=n)
    return out + b


def setup_inputs(seed: int = 0) -> dict:
    key = jax.random.key(seed)
    ks = [jax.random.fold_in(key, i) for i in range(16)]
    d_in, h1, h2, d_out = 128, 128, 64, 16
    E = 320000
    x = jax.random.normal(ks[0], (N_NODES, d_in), dtype=jnp.float32)
    edge_index = jax.random.randint(ks[1], (2, E), 0, N_NODES, dtype=jnp.int64)
    s = 0.05
    return {
        "x": x,
        "edge_index": edge_index,
        "W1l": jax.random.normal(ks[2], (h1, d_in), dtype=jnp.float32) * s,
        "b1l": jnp.zeros((h1,), dtype=jnp.float32),
        "W1r": jax.random.normal(ks[3], (h1, d_in), dtype=jnp.float32) * s,
        "W2": jax.random.normal(ks[4], (h1, h1), dtype=jnp.float32) * s,
        "b2": jnp.zeros((h1,), dtype=jnp.float32),
        "W3l": jax.random.normal(ks[5], (h2, h1), dtype=jnp.float32) * s,
        "b3l": jnp.zeros((h2,), dtype=jnp.float32),
        "W3r": jax.random.normal(ks[6], (h2, h1), dtype=jnp.float32) * s,
        "W4": jax.random.normal(ks[7], (h2, h2), dtype=jnp.float32) * s,
        "b4": jnp.zeros((h2,), dtype=jnp.float32),
        "Wfc": jax.random.normal(ks[8], (d_out, h2), dtype=jnp.float32) * s,
        "bfc": jnp.zeros((d_out,), dtype=jnp.float32),
    }


def reference(x, edge_index, W1l, b1l, W1r, W2, b2, W3l, b3l, W3r, W4, b4, Wfc, bfc):
    # dropout is identity in eval mode
    h = sage_conv(x, edge_index, W1l, b1l, W1r)
    h = jax.nn.relu(h)
    h = gcn_conv(h, edge_index, W2, b2)
    h = jax.nn.relu(h)
    h = sage_conv(h, edge_index, W3l, b3l, W3r)
    h = jax.nn.relu(h)
    h = gcn_conv(h, edge_index, W4, b4)
    h = jax.nn.relu(h)
    out = h @ Wfc.T + bfc
    return out

if __name__ == "__main__":
    import jax
    _d = setup_inputs()
    print(jax.jit(kernel)(*tuple(_d.values())))

</pallas_src>

<mosaic_0001>
#map = affine_map<(d0, d1) -> (0, 0)>
#map1 = affine_map<(d0, d1) -> (0, 0, 0)>
module attributes {stable_mosaic.version = 14 : i64} {
  func.func @body(%arg0: i32, %arg1: i32, %arg2: memref<10240x128xbf16, #tpu.memory_space<hbm>>, %arg3: memref<320x8x128xi32, #tpu.memory_space<hbm>>, %arg4: memref<320x8x128xi32, #tpu.memory_space<hbm>>, %arg5: memref<640x128xbf16, #tpu.memory_space<hbm>>, %arg6: memref<2x10240x128xbf16, #tpu.memory_space<hbm>>, %arg7: memref<8x128xi32, #tpu.memory_space<vmem>>, %arg8: memref<8x128xi32, #tpu.memory_space<vmem>>, %arg9: memref<128x128xbf16, #tpu.memory_space<vmem>>, %arg10: memref<128x128xbf16, #tpu.memory_space<vmem>>, %arg11: memref<10240x128xbf16, #tpu.memory_space<vmem_shared>>, %arg12: memref<!tpu.dma_semaphore, #tpu.memory_space<semaphore_mem>>, %arg13: memref<!tpu.dma_semaphore, #tpu.memory_space<semaphore_mem>>) attributes {dimension_semantics = [#tpu.dimension_semantics<core_parallel>, #tpu.dimension_semantics<subcore_parallel>], iteration_bounds = array<i64: 2, 16>, scalar_prefetch = 0 : i64, scratch_operands = 7 : i64, tpu.core_type = #tpu.core_type<sc_vector_subcore>, window_params = [{transform_indices = #map}, {transform_indices = #map1}, {transform_indices = #map1}, {transform_indices = #map}, {transform_indices = #map1}]} {
    %mul3A = arith.constant 16 : i32
    %mul3A_0 = arith.muli %arg0, %mul3A : i32
    %add3A = arith.addi %mul3A_0, %arg1 : i32
    %mul3A_1 = arith.constant 640 : i32
    %mul3A_2 = arith.muli %arg1, %mul3A_1 : i32
    "tpu.region"() ({
      %run_scoped3A = tpu.sem_alloc : memref<!tpu.dma_semaphore, #tpu.memory_space<semaphore_mem>>
      %dma_start3A = arith.constant 0 : i32
      %dma_start3A_9 = tpu.memref_slice %arg11[%mul3A_2, %dma_start3A] : memref<10240x128xbf16, #tpu.memory_space<vmem_shared>> -> memref<640x128xbf16, #tpu.memory_space<vmem_shared>>
      tpu.enqueue_dma source(%arg5 : memref<640x128xbf16, #tpu.memory_space<hbm>>) target(%dma_start3A_9 : memref<640x128xbf16, #tpu.memory_space<vmem_shared>>) target_semaphore(%run_scoped3A : memref<!tpu.dma_semaphore, #tpu.memory_space<semaphore_mem>>)
      %dma_wait3A = arith.constant 0 : i32
      %dma_wait3A_10 = tpu.memref_slice %arg11[%mul3A_2, %dma_wait3A] : memref<10240x128xbf16, #tpu.memory_space<vmem_shared>> -> memref<640x128xbf16, #tpu.memory_space<vmem_shared>>
      tpu.wait_dma2 semaphore(%run_scoped3A : memref<!tpu.dma_semaphore, #tpu.memory_space<semaphore_mem>>) src(%arg5 : memref<640x128xbf16, #tpu.memory_space<hbm>>) dst(%dma_wait3A_10 : memref<640x128xbf16, #tpu.memory_space<vmem_shared>>)
      tpu.yield
    }) : () -> ()
    %barrier3A = arith.constant 0 : index
    tpu.barrier barrier_id(%barrier3A)
    %scan3A = arith.constant 0 : i32
    %scan3A_3 = arith.constant 0 : i32
    %scan3A_4 = arith.constant 10 : i32
    %scan3A_5 = arith.addi %scan3A_3, %scan3A_4 : i32
    %scan3A_6 = arith.constant 1 : i32
    scf.for %scan3A_9 = %scan3A_3 to %scan3A_5 step %scan3A_6  : i32 {
      %mul3A_10 = arith.constant 10 : i32
      %mul3A_11 = arith.muli %add3A, %mul3A_10 : i32
      %add3A_12 = arith.addi %mul3A_11, %scan3A_9 : i32
      "tpu.region"() ({
        %run_scoped3A_133 = tpu.sem_alloc : memref<!tpu.dma_semaphore, #tpu.memory_space<semaphore_mem>>
        %dma_start3A_134 = arith.constant 0 : i32
        %dma_start3A_135 = arith.constant 0 : i32
        %dma_start3A_136 = tpu.memref_slice %arg3[%add3A_12, %dma_start3A_134, %dma_start3A_135] : memref<320x8x128xi32, #tpu.memory_space<hbm>> -> memref<1x8x128xi32, #tpu.memory_space<hbm>>
        %dma_start3A_137 = tpu.memref_squeeze %dma_start3A_136 : memref<1x8x128xi32, #tpu.memory_space<hbm>> -> memref<8x128xi32, #tpu.memory_space<hbm>>
        %dma_start3A_138 = arith.constant 0 : i32
        %dma_start3A_139 = arith.constant 0 : i32
        %dma_start3A_140 = tpu.memref_slice %arg3[%add3A_12, %dma_start3A_138, %dma_start3A_139] : memref<320x8x128xi32, #tpu.memory_space<hbm>> -> memref<1x8x128xi32, #tpu.memory_space<hbm>>
        %dma_start3A_141 = tpu.memref_squeeze %dma_start3A_140 : memref<1x8x128xi32, #tpu.memory_space<hbm>> -> memref<8x128xi32, #tpu.memory_space<hbm>>
        tpu.enqueue_dma source(%dma_start3A_141 : memref<8x128xi32, #tpu.memory_space<hbm>>) target(%arg7 : memref<8x128xi32, #tpu.memory_space<vmem>>) target_semaphore(%run_scoped3A_133 : memref<!tpu.dma_semaphore, #tpu.memory_space<semaphore_mem>>)
        %dma_wait3A_142 = arith.constant 0 : i32
        %dma_wait3A_143 = arith.constant 0 : i32
        %dma_wait3A_144 = tpu.memref_slice %arg3[%add3A_12, %dma_wait3A_142, %dma_wait3A_143] : memref<320x8x128xi32, #tpu.memory_space<hbm>> -> memref<1x8x128xi32, #tpu.memory_space<hbm>>
        %dma_wait3A_145 = tpu.memref_squeeze %dma_wait3A_144 : memref<1x8x128xi32, #tpu.memory_space<hbm>> -> memref<8x128xi32, #tpu.memory_space<hbm>>
        %dma_wait3A_146 = arith.constant 0 : i32
        %dma_wait3A_147 = arith.constant 0 : i32
        %dma_wait3A_148 = tpu.memref_slice %arg3[%add3A_12, %dma_wait3A_146, %dma_wait3A_147] : memref<320x8x128xi32, #tpu.memory_space<hbm>> -> memref<1x8x128xi32, #tpu.memory_space<hbm>>
        %dma_wait3A_149 = tpu.memref_squeeze %dma_wait3A_148 : memref<1x8x128xi32, #tpu.memory_space<hbm>> -> memref<8x128xi32, #tpu.memory_space<hbm>>
        tpu.wait_dma2 semaphore(%run_scoped3A_133 : memref<!tpu.dma_semaphore, #tpu.memory_space<semaphore_mem>>) src(%dma_wait3A_149 : memref<8x128xi32, #tpu.memory_space<hbm>>) dst(%arg7 : memref<8x128xi32, #tpu.memory_space<vmem>>)
        tpu.yield
      }) : () -> ()
      %mul3A_13 = arith.constant 10 : i32
      %mul3A_14 = arith.muli %add3A, %mul3A_13 : i32
      %add3A_15 = arith.addi %mul3A_14, %scan3A_9 : i32
      "tpu.region"() ({
        %run_scoped3A_133 = tpu.sem_alloc : memref<!tpu.dma_semaphore, #tpu.memory_space<semaphore_mem>>
        %dma_start3A_134 = arith.constant 0 : i32
        %dma_start3A_135 = arith.constant 0 : i32
        %dma_start3A_136 = tpu.memref_slice %arg4[%add3A_15, %dma_start3A_134, %dma_start3A_135] : memref<320x8x128xi32, #tpu.memory_space<hbm>> -> memref<1x8x128xi32, #tpu.memory_space<hbm>>
        %dma_start3A_137 = tpu.memref_squeeze %dma_start3A_136 : memref<1x8x128xi32, #tpu.memory_space<hbm>> -> memref<8x128xi32, #tpu.memory_space<hbm>>
        %dma_start3A_138 = arith.constant 0 : i32
        %dma_start3A_139 = arith.constant 0 : i32
        %dma_start3A_140 = tpu.memref_slice %arg4[%add3A_15, %dma_start3A_138, %dma_start3A_139] : memref<320x8x128xi32, #tpu.memory_space<hbm>> -> memref<1x8x128xi32, #tpu.memory_space<hbm>>
        %dma_start3A_141 = tpu.memref_squeeze %dma_start3A_140 : memref<1x8x128xi32, #tpu.memory_space<hbm>> -> memref<8x128xi32, #tpu.memory_space<hbm>>
        tpu.enqueue_dma source(%dma_start3A_141 : memref<8x128xi32, #tpu.memory_space<hbm>>) target(%arg8 : memref<8x128xi32, #tpu.memory_space<vmem>>) target_semaphore(%run_scoped3A_133 : memref<!tpu.dma_semaphore, #tpu.memory_space<semaphore_mem>>)
        %dma_wait3A_142 = arith.constant 0 : i32
        %dma_wait3A_143 = arith.constant 0 : i32
        %dma_wait3A_144 = tpu.memref_slice %arg4[%add3A_15, %dma_wait3A_142, %dma_wait3A_143] : memref<320x8x128xi32, #tpu.memory_space<hbm>> -> memref<1x8x128xi32, #tpu.memory_space<hbm>>
        %dma_wait3A_145 = tpu.memref_squeeze %dma_wait3A_144 : memref<1x8x128xi32, #tpu.memory_space<hbm>> -> memref<8x128xi32, #tpu.memory_space<hbm>>
        %dma_wait3A_146 = arith.constant 0 : i32
        %dma_wait3A_147 = arith.constant 0 : i32
        %dma_wait3A_148 = tpu.memref_slice %arg4[%add3A_15, %dma_wait3A_146, %dma_wait3A_147] : memref<320x8x128xi32, #tpu.memory_space<hbm>> -> memref<1x8x128xi32, #tpu.memory_space<hbm>>
        %dma_wait3A_149 = tpu.memref_squeeze %dma_wait3A_148 : memref<1x8x128xi32, #tpu.memory_space<hbm>> -> memref<8x128xi32, #tpu.memory_space<hbm>>
        tpu.wait_dma2 semaphore(%run_scoped3A_133 : memref<!tpu.dma_semaphore, #tpu.memory_space<semaphore_mem>>) src(%dma_wait3A_149 : memref<8x128xi32, #tpu.memory_space<hbm>>) dst(%arg8 : memref<8x128xi32, #tpu.memory_space<vmem>>)
        tpu.yield
      }) : () -> ()
      %dma_start3A = arith.constant 0 : i32
      %dma_start3A_16 = arith.constant 0 : i32
      %dma_start3A_17 = tpu.memref_slice %arg7[%dma_start3A, %dma_start3A_16] : memref<8x128xi32, #tpu.memory_space<vmem>> -> memref<1x128xi32, #tpu.memory_space<vmem>>
      %dma_start3A_18 = tpu.memref_squeeze %dma_start3A_17 : memref<1x128xi32, #tpu.memory_space<vmem>> -> memref<128xi32, #tpu.memory_space<vmem>>
      %dma_start3A_19 = arith.constant 0 : i32
      %dma_start3A_20 = arith.constant 0 : i32
      %dma_start3A_21 = tpu.memref_slice %arg2[%dma_start3A_19, %dma_start3A_20] : memref<10240x128xbf16, #tpu.memory_space<hbm>> -> memref<10240x128xbf16, #tpu.memory_space<hbm>>
      tpu.enqueue_indirect_dma source(%dma_start3A_21 : memref<10240x128xbf16, #tpu.memory_space<hbm>>) target(%arg9 : memref<128x128xbf16, #tpu.memory_space<vmem>>) offsets(%dma_start3A_18 : memref<128xi32, #tpu.memory_space<vmem>>) semaphore(%arg12 : memref<!tpu.dma_semaphore, #tpu.memory_space<semaphore_mem>>)
      %dma_wait3A = arith.constant 0 : i32
      %dma_wait3A_22 = arith.constant 0 : i32
      %dma_wait3A_23 = tpu.memref_slice %arg7[%dma_wait3A, %dma_wait3A_22] : memref<8x128xi32, #tpu.memory_space<vmem>> -> memref<1x128xi32, #tpu.memory_space<vmem>>
      %dma_wait3A_24 = tpu.memref_squeeze %dma_wait3A_23 : memref<1x128xi32, #tpu.memory_space<vmem>> -> memref<128xi32, #tpu.memory_space<vmem>>
      %dma_wait3A_25 = arith.constant 0 : i32
      %dma_wait3A_26 = arith.constant 0 : i32
      %dma_wait3A_27 = tpu.memref_slice %arg2[%dma_wait3A_25, %dma_wait3A_26] : memref<10240x128xbf16, #tpu.memory_space<hbm>> -> memref<10240x128xbf16, #tpu.memory_space<hbm>>
      tpu.wait_indirect_dma semaphore(%arg12 : memref<!tpu.dma_semaphore, #tpu.memory_space<semaphore_mem>>) src(%dma_wait3A_27 : memref<10240x128xbf16, #tpu.memory_space<hbm>>) dst(%arg9 : memref<128x128xbf16, #tpu.memory_space<vmem>>)
      %dma_start3A_28 = arith.constant 1 : i32
      %dma_start3A_29 = arith.constant 0 : i32
      %dma_start3A_30 = tpu.memref_slice %arg7[%dma_start3A_28, %dma_start3A_29] : memref<8x128xi32, #tpu.memory_space<vmem>> -> memref<1x128xi32, #tpu.memory_space<vmem>>
      %dma_start3A_31 = tpu.memref_squeeze %dma_start3A_30 : memref<1x128xi32, #tpu.memory_space<vmem>> -> memref<128xi32, #tpu.memory_space<vmem>>
      %dma_start3A_32 = arith.constant 0 : i32
      %dma_start3A_33 = arith.constant 0 : i32
      %dma_start3A_34 = tpu.memref_slice %arg2[%dma_start3A_32, %dma_start3A_33] : memref<10240x128xbf16, #tpu.memory_space<hbm>> -> memref<10240x128xbf16, #tpu.memory_space<hbm>>
      tpu.enqueue_indirect_dma source(%dma_start3A_34 : memref<10240x128xbf16, #tpu.memory_space<hbm>>) target(%arg10 : memref<128x128xbf16, #tpu.memory_space<vmem>>) offsets(%dma_start3A_31 : memref<128xi32, #tpu.memory_space<vmem>>) semaphore(%arg13 : memref<!tpu.dma_semaphore, #tpu.memory_space<semaphore_mem>>)
      %run_scoped3A = arith.constant 0 : i32
      "tpu.region"() ({
        %run_scoped3A_133 = tpu.sem_alloc : memref<!tpu.dma_semaphore, #tpu.memory_space<semaphore_mem>>
        %dma_start3A_134 = arith.constant 0 : i32
        %dma_start3A_135 = tpu.memref_slice %arg8[%run_scoped3A, %dma_start3A_134] : memref<8x128xi32, #tpu.memory_space<vmem>> -> memref<1x128xi32, #tpu.memory_space<vmem>>
        %dma_start3A_136 = tpu.memref_squeeze %dma_start3A_135 : memref<1x128xi32, #tpu.memory_space<vmem>> -> memref<128xi32, #tpu.memory_space<vmem>>
        %dma_start3A_137 = arith.constant 0 : i32
        %dma_start3A_138 = arith.constant 0 : i32
        %dma_start3A_139 = tpu.memref_slice %arg11[%dma_start3A_137, %dma_start3A_138] : memref<10240x128xbf16, #tpu.memory_space<vmem_shared>> -> memref<10240x128xbf16, #tpu.memory_space<vmem_shared>>
        tpu.enqueue_indirect_dma source(%arg9 : memref<128x128xbf16, #tpu.memory_space<vmem>>) target(%dma_start3A_139 : memref<10240x128xbf16, #tpu.memory_space<vmem_shared>>) offsets(%dma_start3A_136 : memref<128xi32, #tpu.memory_space<vmem>>) semaphore(%run_scoped3A_133 : memref<!tpu.dma_semaphore, #tpu.memory_space<semaphore_mem>>) {add = true}
        %dma_wait3A_140 = arith.constant 0 : i32
        %dma_wait3A_141 = tpu.memref_slice %arg8[%run_scoped3A, %dma_wait3A_140] : memref<8x128xi32, #tpu.memory_space<vmem>> -> memref<1x128xi32, #tpu.memory_space<vmem>>
        %dma_wait3A_142 = tpu.memref_squeeze %dma_wait3A_141 : memref<1x128xi32, #tpu.memory_space<vmem>> -> memref<128xi32, #tpu.memory_space<vmem>>
        %dma_wait3A_143 = arith.constant 0 : i32
        %dma_wait3A_144 = arith.constant 0 : i32
        %dma_wait3A_145 = tpu.memref_slice %arg11[%dma_wait3A_143, %dma_wait3A_144] : memref<10240x128xbf16, #tpu.memory_space<vmem_shared>> -> memref<10240x128xbf16, #tpu.memory_space<vmem_shared>>
        tpu.wait_indirect_dma semaphore(%run_scoped3A_133 : memref<!tpu.dma_semaphore, #tpu.memory_space<semaphore_mem>>) src(%arg9 : memref<128x128xbf16, #tpu.memory_space<vmem>>) dst(%dma_wait3A_145 : memref<10240x128xbf16, #tpu.memory_space<vmem_shared>>)
        tpu.yield
      }) : () -> ()
      %dma_wait3A_35 = arith.constant 1 : i32
      %dma_wait3A_36 = arith.constant 0 : i32
      %dma_wait3A_37 = tpu.memref_slice %arg7[%dma_wait3A_35, %dma_wait3A_36] : memref<8x128xi32, #tpu.memory_space<vmem>> -> memref<1x128xi32, #tpu.memory_space<vmem>>
      %dma_wait3A_38 = tpu.memref_squeeze %dma_wait3A_37 : memref<1x128xi32, #tpu.memory_space<vmem>> -> memref<128xi32, #tpu.memory_space<vmem>>
      %dma_wait3A_39 = arith.constant 0 : i32
      %dma_wait3A_40 = arith.constant 0 : i32
      %dma_wait3A_41 = tpu.memref_slice %arg2[%dma_wait3A_39, %dma_wait3A_40] : memref<10240x128xbf16, #tpu.memory_space<hbm>> -> memref<10240x128xbf16, #tpu.memory_space<hbm>>
      tpu.wait_indirect_dma semaphore(%arg13 : memref<!tpu.dma_semaphore, #tpu.memory_space<semaphore_mem>>) src(%dma_wait3A_41 : memref<10240x128xbf16, #tpu.memory_space<hbm>>) dst(%arg10 : memref<128x128xbf16, #tpu.memory_space<vmem>>)
      %dma_start3A_42 = arith.constant 2 : i32
      %dma_start3A_43 = arith.constant 0 : i32
      %dma_start3A_44 = tpu.memref_slice %arg7[%dma_start3A_42, %dma_start3A_43] : memref<8x128xi32, #tpu.memory_space<vmem>> -> memref<1x128xi32, #tpu.memory_space<vmem>>
      %dma_start3A_45 = tpu.memref_squeeze %dma_start3A_44 : memref<1x128xi32, #tpu.memory_space<vmem>> -> memref<128xi32, #tpu.memory_space<vmem>>
      %dma_start3A_46 = arith.constant 0 : i32
      %dma_start3A_47 = arith.constant 0 : i32
      %dma_start3A_48 = tpu.memref_slice %arg2[%dma_start3A_46, %dma_start3A_47] : memref<10240x128xbf16, #tpu.memory_space<hbm>> -> memref<10240x128xbf16, #tpu.memory_space<hbm>>
      tpu.enqueue_indirect_dma source(%dma_start3A_48 : memref<10240x128xbf16, #tpu.memory_space<hbm>>) target(%arg9 : memref<128x128xbf16, #tpu.memory_space<vmem>>) offsets(%dma_start3A_45 : memref<128xi32, #tpu.memory_space<vmem>>) semaphore(%arg12 : memref<!tpu.dma_semaphore, #tpu.memory_space<semaphore_mem>>)
      %run_scoped3A_49 = arith.constant 1 : i32
      "tpu.region"() ({
        %run_scoped3A_133 = tpu.sem_alloc : memref<!tpu.dma_semaphore, #tpu.memory_space<semaphore_mem>>
        %dma_start3A_134 = arith.constant 0 : i32
        %dma_start3A_135 = tpu.memref_slice %arg8[%run_scoped3A_49, %dma_start3A_134] : memref<8x128xi32, #tpu.memory_space<vmem>> -> memref<1x128xi32, #tpu.memory_space<vmem>>
        %dma_start3A_136 = tpu.memref_squeeze %dma_start3A_135 : memref<1x128xi32, #tpu.memory_space<vmem>> -> memref<128xi32, #tpu.memory_space<vmem>>
        %dma_start3A_137 = arith.constant 0 : i32
        %dma_start3A_138 = arith.constant 0 : i32
        %dma_start3A_139 = tpu.memref_slice %arg11[%dma_start3A_137, %dma_start3A_138] : memref<10240x128xbf16, #tpu.memory_space<vmem_shared>> -> memref<10240x128xbf16, #tpu.memory_space<vmem_shared>>
        tpu.enqueue_indirect_dma source(%arg10 : memref<128x128xbf16, #tpu.memory_space<vmem>>) target(%dma_start3A_139 : memref<10240x128xbf16, #tpu.memory_space<vmem_shared>>) offsets(%dma_start3A_136 : memref<128xi32, #tpu.memory_space<vmem>>) semaphore(%run_scoped3A_133 : memref<!tpu.dma_semaphore, #tpu.memory_space<semaphore_mem>>) {add = true}
        %dma_wait3A_140 = arith.constant 0 : i32
        %dma_wait3A_141 = tpu.memref_slice %arg8[%run_scoped3A_49, %dma_wait3A_140] : memref<8x128xi32, #tpu.memory_space<vmem>> -> memref<1x128xi32, #tpu.memory_space<vmem>>
        %dma_wait3A_142 = tpu.memref_squeeze %dma_wait3A_141 : memref<1x128xi32, #tpu.memory_space<vmem>> -> memref<128xi32, #tpu.memory_space<vmem>>
        %dma_wait3A_143 = arith.constant 0 : i32
        %dma_wait3A_144 = arith.constant 0 : i32
        %dma_wait3A_145 = tpu.memref_slice %arg11[%dma_wait3A_143, %dma_wait3A_144] : memref<10240x128xbf16, #tpu.memory_space<vmem_shared>> -> memref<10240x128xbf16, #tpu.memory_space<vmem_shared>>
        tpu.wait_indirect_dma semaphore(%run_scoped3A_133 : memref<!tpu.dma_semaphore, #tpu.memory_space<semaphore_mem>>) src(%arg10 : memref<128x128xbf16, #tpu.memory_space<vmem>>) dst(%dma_wait3A_145 : memref<10240x128xbf16, #tpu.memory_space<vmem_shared>>)
        tpu.yield
      }) : () -> ()
      %dma_wait3A_50 = arith.constant 2 : i32
      %dma_wait3A_51 = arith.constant 0 : i32
      %dma_wait3A_52 = tpu.memref_slice %arg7[%dma_wait3A_50, %dma_wait3A_51] : memref<8x128xi32, #tpu.memory_space<vmem>> -> memref<1x128xi32, #tpu.memory_space<vmem>>
      %dma_wait3A_53 = tpu.memref_squeeze %dma_wait3A_52 : memref<1x128xi32, #tpu.memory_space<vmem>> -> memref<128xi32, #tpu.memory_space<vmem>>
      %dma_wait3A_54 = arith.constant 0 : i32
      %dma_wait3A_55 = arith.constant 0 : i32
      %dma_wait3A_56 = tpu.memref_slice %arg2[%dma_wait3A_54, %dma_wait3A_55] : memref<10240x128xbf16, #tpu.memory_space<hbm>> -> memref<10240x128xbf16, #tpu.memory_space<hbm>>
      tpu.wait_indirect_dma semaphore(%arg12 : memref<!tpu.dma_semaphore, #tpu.memory_space<semaphore_mem>>) src(%dma_wait3A_56 : memref<10240x128xbf16, #tpu.memory_space<hbm>>) dst(%arg9 : memref<128x128xbf16, #tpu.memory_space<vmem>>)
      %dma_start3A_57 = arith.constant 3 : i32
      %dma_start3A_58 = arith.constant 0 : i32
      %dma_start3A_59 = tpu.memref_slice %arg7[%dma_start3A_57, %dma_start3A_58] : memref<8x128xi32, #tpu.memory_space<vmem>> -> memref<1x128xi32, #tpu.memory_space<vmem>>
      %dma_start3A_60 = tpu.memref_squeeze %dma_start3A_59 : memref<1x128xi32, #tpu.memory_space<vmem>> -> memref<128xi32, #tpu.memory_space<vmem>>
      %dma_start3A_61 = arith.constant 0 : i32
      %dma_start3A_62 = arith.constant 0 : i32
      %dma_start3A_63 = tpu.memref_slice %arg2[%dma_start3A_61, %dma_start3A_62] : memref<10240x128xbf16, #tpu.memory_space<hbm>> -> memref<10240x128xbf16, #tpu.memory_space<hbm>>
      tpu.enqueue_indirect_dma source(%dma_start3A_63 : memref<10240x128xbf16, #tpu.memory_space<hbm>>) target(%arg10 : memref<128x128xbf16, #tpu.memory_space<vmem>>) offsets(%dma_start3A_60 : memref<128xi32, #tpu.memory_space<vmem>>) semaphore(%arg13 : memref<!tpu.dma_semaphore, #tpu.memory_space<semaphore_mem>>)
      %run_scoped3A_64 = arith.constant 2 : i32
      "tpu.region"() ({
        %run_scoped3A_133 = tpu.sem_alloc : memref<!tpu.dma_semaphore, #tpu.memory_space<semaphore_mem>>
        %dma_start3A_134 = arith.constant 0 : i32
        %dma_start3A_135 = tpu.memref_slice %arg8[%run_scoped3A_64, %dma_start3A_134] : memref<8x128xi32, #tpu.memory_space<vmem>> -> memref<1x128xi32, #tpu.memory_space<vmem>>
        %dma_start3A_136 = tpu.memref_squeeze %dma_start3A_135 : memref<1x128xi32, #tpu.memory_space<vmem>> -> memref<128xi32, #tpu.memory_space<vmem>>
        %dma_start3A_137 = arith.constant 0 : i32
        %dma_start3A_138 = arith.constant 0 : i32
        %dma_start3A_139 = tpu.memref_slice %arg11[%dma_start3A_137, %dma_start3A_138] : memref<10240x128xbf16, #tpu.memory_space<vmem_shared>> -> memref<10240x128xbf16, #tpu.memory_space<vmem_shared>>
        tpu.enqueue_indirect_dma source(%arg9 : memref<128x128xbf16, #tpu.memory_space<vmem>>) target(%dma_start3A_139 : memref<10240x128xbf16, #tpu.memory_space<vmem_shared>>) offsets(%dma_start3A_136 : memref<128xi32, #tpu.memory_space<vmem>>) semaphore(%run_scoped3A_133 : memref<!tpu.dma_semaphore, #tpu.memory_space<semaphore_mem>>) {add = true}
        %dma_wait3A_140 = arith.constant 0 : i32
        %dma_wait3A_141 = tpu.memref_slice %arg8[%run_scoped3A_64, %dma_wait3A_140] : memref<8x128xi32, #tpu.memory_space<vmem>> -> memref<1x128xi32, #tpu.memory_space<vmem>>
        %dma_wait3A_142 = tpu.memref_squeeze %dma_wait3A_141 : memref<1x128xi32, #tpu.memory_space<vmem>> -> memref<128xi32, #tpu.memory_space<vmem>>
        %dma_wait3A_143 = arith.constant 0 : i32
        %dma_wait3A_144 = arith.constant 0 : i32
        %dma_wait3A_145 = tpu.memref_slice %arg11[%dma_wait3A_143, %dma_wait3A_144] : memref<10240x128xbf16, #tpu.memory_space<vmem_shared>> -> memref<10240x128xbf16, #tpu.memory_space<vmem_shared>>
        tpu.wait_indirect_dma semaphore(%run_scoped3A_133 : memref<!tpu.dma_semaphore, #tpu.memory_space<semaphore_mem>>) src(%arg9 : memref<128x128xbf16, #tpu.memory_space<vmem>>) dst(%dma_wait3A_145 : memref<10240x128xbf16, #tpu.memory_space<vmem_shared>>)
        tpu.yield
      }) : () -> ()
      %dma_wait3A_65 = arith.constant 3 : i32
      %dma_wait3A_66 = arith.constant 0 : i32
      %dma_wait3A_67 = tpu.memref_slice %arg7[%dma_wait3A_65, %dma_wait3A_66] : memref<8x128xi32, #tpu.memory_space<vmem>> -> memref<1x128xi32, #tpu.memory_space<vmem>>
      %dma_wait3A_68 = tpu.memref_squeeze %dma_wait3A_67 : memref<1x128xi32, #tpu.memory_space<vmem>> -> memref<128xi32, #tpu.memory_space<vmem>>
      %dma_wait3A_69 = arith.constant 0 : i32
      %dma_wait3A_70 = arith.constant 0 : i32
      %dma_wait3A_71 = tpu.memref_slice %arg2[%dma_wait3A_69, %dma_wait3A_70] : memref<10240x128xbf16, #tpu.memory_space<hbm>> -> memref<10240x128xbf16, #tpu.memory_space<hbm>>
      tpu.wait_indirect_dma semaphore(%arg13 : memref<!tpu.dma_semaphore, #tpu.memory_space<semaphore_mem>>) src(%dma_wait3A_71 : memref<10240x128xbf16, #tpu.memory_space<hbm>>) dst(%arg10 : memref<128x128xbf16, #tpu.memory_space<vmem>>)
      %dma_start3A_72 = arith.constant 4 : i32
      %dma_start3A_73 = arith.constant 0 : i32
      %dma_start3A_74 = tpu.memref_slice %arg7[%dma_start3A_72, %dma_start3A_73] : memref<8x128xi32, #tpu.memory_space<vmem>> -> memref<1x128xi32, #tpu.memory_space<vmem>>
      %dma_start3A_75 = tpu.memref_squeeze %dma_start3A_74 : memref<1x128xi32, #tpu.memory_space<vmem>> -> memref<128xi32, #tpu.memory_space<vmem>>
      %dma_start3A_76 = arith.constant 0 : i32
      %dma_start3A_77 = arith.constant 0 : i32
      %dma_start3A_78 = tpu.memref_slice %arg2[%dma_start3A_76, %dma_start3A_77] : memref<10240x128xbf16, #tpu.memory_space<hbm>> -> memref<10240x128xbf16, #tpu.memory_space<hbm>>
      tpu.enqueue_indirect_dma source(%dma_start3A_78 : memref<10240x128xbf16, #tpu.memory_space<hbm>>) target(%arg9 : memref<128x128xbf16, #tpu.memory_space<vmem>>) offsets(%dma_start3A_75 : memref<128xi32, #tpu.memory_space<vmem>>) semaphore(%arg12 : memref<!tpu.dma_semaphore, #tpu.memory_space<semaphore_mem>>)
      %run_scoped3A_79 = arith.constant 3 : i32
      "tpu.region"() ({
        %run_scoped3A_133 = tpu.sem_alloc : memref<!tpu.dma_semaphore, #tpu.memory_space<semaphore_mem>>
        %dma_start3A_134 = arith.constant 0 : i32
        %dma_start3A_135 = tpu.memref_slice %arg8[%run_scoped3A_79, %dma_start3A_134] : memref<8x128xi32, #tpu.memory_space<vmem>> -> memref<1x128xi32, #tpu.memory_space<vmem>>
        %dma_start3A_136 = tpu.memref_squeeze %dma_start3A_135 : memref<1x128xi32, #tpu.memory_space<vmem>> -> memref<128xi32, #tpu.memory_space<vmem>>
        %dma_start3A_137 = arith.constant 0 : i32
        %dma_start3A_138 = arith.constant 0 : i32
        %dma_start3A_139 = tpu.memref_slice %arg11[%dma_start3A_137, %dma_start3A_138] : memref<10240x128xbf16, #tpu.memory_space<vmem_shared>> -> memref<10240x128xbf16, #tpu.memory_space<vmem_shared>>
        tpu.enqueue_indirect_dma source(%arg10 : memref<128x128xbf16, #tpu.memory_space<vmem>>) target(%dma_start3A_139 : memref<10240x128xbf16, #tpu.memory_space<vmem_shared>>) offsets(%dma_start3A_136 : memref<128xi32, #tpu.memory_space<vmem>>) semaphore(%run_scoped3A_133 : memref<!tpu.dma_semaphore, #tpu.memory_space<semaphore_mem>>) {add = true}
        %dma_wait3A_140 = arith.constant 0 : i32
        %dma_wait3A_141 = tpu.memref_slice %arg8[%run_scoped3A_79, %dma_wait3A_140] : memref<8x128xi32, #tpu.memory_space<vmem>> -> memref<1x128xi32, #tpu.memory_space<vmem>>
        %dma_wait3A_142 = tpu.memref_squeeze %dma_wait3A_141 : memref<1x128xi32, #tpu.memory_space<vmem>> -> memref<128xi32, #tpu.memory_space<vmem>>
        %dma_wait3A_143 = arith.constant 0 : i32
        %dma_wait3A_144 = arith.constant 0 : i32
        %dma_wait3A_145 = tpu.memref_slice %arg11[%dma_wait3A_143, %dma_wait3A_144] : memref<10240x128xbf16, #tpu.memory_space<vmem_shared>> -> memref<10240x128xbf16, #tpu.memory_space<vmem_shared>>
        tpu.wait_indirect_dma semaphore(%run_scoped3A_133 : memref<!tpu.dma_semaphore, #tpu.memory_space<semaphore_mem>>) src(%arg10 : memref<128x128xbf16, #tpu.memory_space<vmem>>) dst(%dma_wait3A_145 : memref<10240x128xbf16, #tpu.memory_space<vmem_shared>>)
        tpu.yield
      }) : () -> ()
      %dma_wait3A_80 = arith.constant 4 : i32
      %dma_wait3A_81 = arith.constant 0 : i32
      %dma_wait3A_82 = tpu.memref_slice %arg7[%dma_wait3A_80, %dma_wait3A_81] : memref<8x128xi32, #tpu.memory_space<vmem>> -> memref<1x128xi32, #tpu.memory_space<vmem>>
      %dma_wait3A_83 = tpu.memref_squeeze %dma_wait3A_82 : memref<1x128xi32, #tpu.memory_space<vmem>> -> memref<128xi32, #tpu.memory_space<vmem>>
      %dma_wait3A_84 = arith.constant 0 : i32
      %dma_wait3A_85 = arith.constant 0 : i32
      %dma_wait3A_86 = tpu.memref_slice %arg2[%dma_wait3A_84, %dma_wait3A_85] : memref<10240x128xbf16, #tpu.memory_space<hbm>> -> memref<10240x128xbf16, #tpu.memory_space<hbm>>
      tpu.wait_indirect_dma semaphore(%arg12 : memref<!tpu.dma_semaphore, #tpu.memory_space<semaphore_mem>>) src(%dma_wait3A_86 : memref<10240x128xbf16, #tpu.memory_space<hbm>>) dst(%arg9 : memref<128x128xbf16, #tpu.memory_space<vmem>>)
      %dma_start3A_87 = arith.constant 5 : i32
      %dma_start3A_88 = arith.constant 0 : i32
      %dma_start3A_89 = tpu.memref_slice %arg7[%dma_start3A_87, %dma_start3A_88] : memref<8x128xi32, #tpu.memory_space<vmem>> -> memref<1x128xi32, #tpu.memory_space<vmem>>
      %dma_start3A_90 = tpu.memref_squeeze %dma_start3A_89 : memref<1x128xi32, #tpu.memory_space<vmem>> -> memref<128xi32, #tpu.memory_space<vmem>>
      %dma_start3A_91 = arith.constant 0 : i32
      %dma_start3A_92 = arith.constant 0 : i32
      %dma_start3A_93 = tpu.memref_slice %arg2[%dma_start3A_91, %dma_start3A_92] : memref<10240x128xbf16, #tpu.memory_space<hbm>> -> memref<10240x128xbf16, #tpu.memory_space<hbm>>
      tpu.enqueue_indirect_dma source(%dma_start3A_93 : memref<10240x128xbf16, #tpu.memory_space<hbm>>) target(%arg10 : memref<128x128xbf16, #tpu.memory_space<vmem>>) offsets(%dma_start3A_90 : memref<128xi32, #tpu.memory_space<vmem>>) semaphore(%arg13 : memref<!tpu.dma_semaphore, #tpu.memory_space<semaphore_mem>>)
      %run_scoped3A_94 = arith.constant 4 : i32
      "tpu.region"() ({
        %run_scoped3A_133 = tpu.sem_alloc : memref<!tpu.dma_semaphore, #tpu.memory_space<semaphore_mem>>
        %dma_start3A_134 = arith.constant 0 : i32
        %dma_start3A_135 = tpu.memref_slice %arg8[%run_scoped3A_94, %dma_start3A_134] : memref<8x128xi32, #tpu.memory_space<vmem>> -> memref<1x128xi32, #tpu.memory_space<vmem>>
        %dma_start3A_136 = tpu.memref_squeeze %dma_start3A_135 : memref<1x128xi32, #tpu.memory_space<vmem>> -> memref<128xi32, #tpu.memory_space<vmem>>
        %dma_start3A_137 = arith.constant 0 : i32
        %dma_start3A_138 = arith.constant 0 : i32
        %dma_start3A_139 = tpu.memref_slice %arg11[%dma_start3A_137, %dma_start3A_138] : memref<10240x128xbf16, #tpu.memory_space<vmem_shared>> -> memref<10240x128xbf16, #tpu.memory_space<vmem_shared>>
        tpu.enqueue_indirect_dma source(%arg9 : memref<128x128xbf16, #tpu.memory_space<vmem>>) target(%dma_start3A_139 : memref<10240x128xbf16, #tpu.memory_space<vmem_shared>>) offsets(%dma_start3A_136 : memref<128xi32, #tpu.memory_space<vmem>>) semaphore(%run_scoped3A_133 : memref<!tpu.dma_semaphore, #tpu.memory_space<semaphore_mem>>) {add = true}
        %dma_wait3A_140 = arith.constant 0 : i32
        %dma_wait3A_141 = tpu.memref_slice %arg8[%run_scoped3A_94, %dma_wait3A_140] : memref<8x128xi32, #tpu.memory_space<vmem>> -> memref<1x128xi32, #tpu.memory_space<vmem>>
        %dma_wait3A_142 = tpu.memref_squeeze %dma_wait3A_141 : memref<1x128xi32, #tpu.memory_space<vmem>> -> memref<128xi32, #tpu.memory_space<vmem>>
        %dma_wait3A_143 = arith.constant 0 : i32
        %dma_wait3A_144 = arith.constant 0 : i32
        %dma_wait3A_145 = tpu.memref_slice %arg11[%dma_wait3A_143, %dma_wait3A_144] : memref<10240x128xbf16, #tpu.memory_space<vmem_shared>> -> memref<10240x128xbf16, #tpu.memory_space<vmem_shared>>
        tpu.wait_indirect_dma semaphore(%run_scoped3A_133 : memref<!tpu.dma_semaphore, #tpu.memory_space<semaphore_mem>>) src(%arg9 : memref<128x128xbf16, #tpu.memory_space<vmem>>) dst(%dma_wait3A_145 : memref<10240x128xbf16, #tpu.memory_space<vmem_shared>>)
        tpu.yield
      }) : () -> ()
      %dma_wait3A_95 = arith.constant 5 : i32
      %dma_wait3A_96 = arith.constant 0 : i32
      %dma_wait3A_97 = tpu.memref_slice %arg7[%dma_wait3A_95, %dma_wait3A_96] : memref<8x128xi32, #tpu.memory_space<vmem>> -> memref<1x128xi32, #tpu.memory_space<vmem>>
      %dma_wait3A_98 = tpu.memref_squeeze %dma_wait3A_97 : memref<1x128xi32, #tpu.memory_space<vmem>> -> memref<128xi32, #tpu.memory_space<vmem>>
      %dma_wait3A_99 = arith.constant 0 : i32
      %dma_wait3A_100 = arith.constant 0 : i32
      %dma_wait3A_101 = tpu.memref_slice %arg2[%dma_wait3A_99, %dma_wait3A_100] : memref<10240x128xbf16, #tpu.memory_space<hbm>> -> memref<10240x128xbf16, #tpu.memory_space<hbm>>
      tpu.wait_indirect_dma semaphore(%arg13 : memref<!tpu.dma_semaphore, #tpu.memory_space<semaphore_mem>>) src(%dma_wait3A_101 : memref<10240x128xbf16, #tpu.memory_space<hbm>>) dst(%arg10 : memref<128x128xbf16, #tpu.memory_space<vmem>>)
      %dma_start3A_102 = arith.constant 6 : i32
      %dma_start3A_103 = arith.constant 0 : i32
      %dma_start3A_104 = tpu.memref_slice %arg7[%dma_start3A_102, %dma_start3A_103] : memref<8x128xi32, #tpu.memory_space<vmem>> -> memref<1x128xi32, #tpu.memory_space<vmem>>
      %dma_start3A_105 = tpu.memref_squeeze %dma_start3A_104 : memref<1x128xi32, #tpu.memory_space<vmem>> -> memref<128xi32, #tpu.memory_space<vmem>>
      %dma_start3A_106 = arith.constant 0 : i32
      %dma_start3A_107 = arith.constant 0 : i32
      %dma_start3A_108 = tpu.memref_slice %arg2[%dma_start3A_106, %dma_start3A_107] : memref<10240x128xbf16, #tpu.memory_space<hbm>> -> memref<10240x128xbf16, #tpu.memory_space<hbm>>
      tpu.enqueue_indirect_dma source(%dma_start3A_108 : memref<10240x128xbf16, #tpu.memory_space<hbm>>) target(%arg9 : memref<128x128xbf16, #tpu.memory_space<vmem>>) offsets(%dma_start3A_105 : memref<128xi32, #tpu.memory_space<vmem>>) semaphore(%arg12 : memref<!tpu.dma_semaphore, #tpu.memory_space<semaphore_mem>>)
      %run_scoped3A_109 = arith.constant 5 : i32
      "tpu.region"() ({
        %run_scoped3A_133 = tpu.sem_alloc : memref<!tpu.dma_semaphore, #tpu.memory_space<semaphore_mem>>
        %dma_start3A_134 = arith.constant 0 : i32
        %dma_start3A_135 = tpu.memref_slice %arg8[%run_scoped3A_109, %dma_start3A_134] : memref<8x128xi32, #tpu.memory_space<vmem>> -> memref<1x128xi32, #tpu.memory_space<vmem>>
        %dma_start3A_136 = tpu.memref_squeeze %dma_start3A_135 : memref<1x128xi32, #tpu.memory_space<vmem>> -> memref<128xi32, #tpu.memory_space<vmem>>
        %dma_start3A_137 = arith.constant 0 : i32
        %dma_start3A_138 = arith.constant 0 : i32
        %dma_start3A_139 = tpu.memref_slice %arg11[%dma_start3A_137, %dma_start3A_138] : memref<10240x128xbf16, #tpu.memory_space<vmem_shared>> -> memref<10240x128xbf16, #tpu.memory_space<vmem_shared>>
        tpu.enqueue_indirect_dma source(%arg10 : memref<128x128xbf16, #tpu.memory_space<vmem>>) target(%dma_start3A_139 : memref<10240x128xbf16, #tpu.memory_space<vmem_shared>>) offsets(%dma_start3A_136 : memref<128xi32, #tpu.memory_space<vmem>>) semaphore(%run_scoped3A_133 : memref<!tpu.dma_semaphore, #tpu.memory_space<semaphore_mem>>) {add = true}
        %dma_wait3A_140 = arith.constant 0 : i32
        %dma_wait3A_141 = tpu.memref_slice %arg8[%run_scoped3A_109, %dma_wait3A_140] : memref<8x128xi32, #tpu.memory_space<vmem>> -> memref<1x128xi32, #tpu.memory_space<vmem>>
        %dma_wait3A_142 = tpu.memref_squeeze %dma_wait3A_141 : memref<1x128xi32, #tpu.memory_space<vmem>> -> memref<128xi32, #tpu.memory_space<vmem>>
        %dma_wait3A_143 = arith.constant 0 : i32
        %dma_wait3A_144 = arith.constant 0 : i32
        %dma_wait3A_145 = tpu.memref_slice %arg11[%dma_wait3A_143, %dma_wait3A_144] : memref<10240x128xbf16, #tpu.memory_space<vmem_shared>> -> memref<10240x128xbf16, #tpu.memory_space<vmem_shared>>
        tpu.wait_indirect_dma semaphore(%run_scoped3A_133 : memref<!tpu.dma_semaphore, #tpu.memory_space<semaphore_mem>>) src(%arg10 : memref<128x128xbf16, #tpu.memory_space<vmem>>) dst(%dma_wait3A_145 : memref<10240x128xbf16, #tpu.memory_space<vmem_shared>>)
        tpu.yield
      }) : () -> ()
      %dma_wait3A_110 = arith.constant 6 : i32
      %dma_wait3A_111 = arith.constant 0 : i32
      %dma_wait3A_112 = tpu.memref_slice %arg7[%dma_wait3A_110, %dma_wait3A_111] : memref<8x128xi32, #tpu.memory_space<vmem>> -> memref<1x128xi32, #tpu.memory_space<vmem>>
      %dma_wait3A_113 = tpu.memref_squeeze %dma_wait3A_112 : memref<1x128xi32, #tpu.memory_space<vmem>> -> memref<128xi32, #tpu.memory_space<vmem>>
      %dma_wait3A_114 = arith.constant 0 : i32
      %dma_wait3A_115 = arith.constant 0 : i32
      %dma_wait3A_116 = tpu.memref_slice %arg2[%dma_wait3A_114, %dma_wait3A_115] : memref<10240x128xbf16, #tpu.memory_space<hbm>> -> memref<10240x128xbf16, #tpu.memory_space<hbm>>
      tpu.wait_indirect_dma semaphore(%arg12 : memref<!tpu.dma_semaphore, #tpu.memory_space<semaphore_mem>>) src(%dma_wait3A_116 : memref<10240x128xbf16, #tpu.memory_space<hbm>>) dst(%arg9 : memref<128x128xbf16, #tpu.memory_space<vmem>>)
      %dma_start3A_117 = arith.constant 7 : i32
      %dma_start3A_118 = arith.constant 0 : i32
      %dma_start3A_119 = tpu.memref_slice %arg7[%dma_start3A_117, %dma_start3A_118] : memref<8x128xi32, #tpu.memory_space<vmem>> -> memref<1x128xi32, #tpu.memory_space<vmem>>
      %dma_start3A_120 = tpu.memref_squeeze %dma_start3A_119 : memref<1x128xi32, #tpu.memory_space<vmem>> -> memref<128xi32, #tpu.memory_space<vmem>>
      %dma_start3A_121 = arith.constant 0 : i32
      %dma_start3A_122 = arith.constant 0 : i32
      %dma_start3A_123 = tpu.memref_slice %arg2[%dma_start3A_121, %dma_start3A_122] : memref<10240x128xbf16, #tpu.memory_space<hbm>> -> memref<10240x128xbf16, #tpu.memory_space<hbm>>
      tpu.enqueue_indirect_dma source(%dma_start3A_123 : memref<10240x128xbf16, #tpu.memory_space<hbm>>) target(%arg10 : memref<128x128xbf16, #tpu.memory_space<vmem>>) offsets(%dma_start3A_120 : memref<128xi32, #tpu.memory_space<vmem>>) semaphore(%arg13 : memref<!tpu.dma_semaphore, #tpu.memory_space<semaphore_mem>>)
      %run_scoped3A_124 = arith.constant 6 : i32
      "tpu.region"() ({
        %run_scoped3A_133 = tpu.sem_alloc : memref<!tpu.dma_semaphore, #tpu.memory_space<semaphore_mem>>
        %dma_start3A_134 = arith.constant 0 : i32
        %dma_start3A_135 = tpu.memref_slice %arg8[%run_scoped3A_124, %dma_start3A_134] : memref<8x128xi32, #tpu.memory_space<vmem>> -> memref<1x128xi32, #tpu.memory_space<vmem>>
        %dma_start3A_136 = tpu.memref_squeeze %dma_start3A_135 : memref<1x128xi32, #tpu.memory_space<vmem>> -> memref<128xi32, #tpu.memory_space<vmem>>
        %dma_start3A_137 = arith.constant 0 : i32
        %dma_start3A_138 = arith.constant 0 : i32
        %dma_start3A_139 = tpu.memref_slice %arg11[%dma_start3A_137, %dma_start3A_138] : memref<10240x128xbf16, #tpu.memory_space<vmem_shared>> -> memref<10240x128xbf16, #tpu.memory_space<vmem_shared>>
        tpu.enqueue_indirect_dma source(%arg9 : memref<128x128xbf16, #tpu.memory_space<vmem>>) target(%dma_start3A_139 : memref<10240x128xbf16, #tpu.memory_space<vmem_shared>>) offsets(%dma_start3A_136 : memref<128xi32, #tpu.memory_space<vmem>>) semaphore(%run_scoped3A_133 : memref<!tpu.dma_semaphore, #tpu.memory_space<semaphore_mem>>) {add = true}
        %dma_wait3A_140 = arith.constant 0 : i32
        %dma_wait3A_141 = tpu.memref_slice %arg8[%run_scoped3A_124, %dma_wait3A_140] : memref<8x128xi32, #tpu.memory_space<vmem>> -> memref<1x128xi32, #tpu.memory_space<vmem>>
        %dma_wait3A_142 = tpu.memref_squeeze %dma_wait3A_141 : memref<1x128xi32, #tpu.memory_space<vmem>> -> memref<128xi32, #tpu.memory_space<vmem>>
        %dma_wait3A_143 = arith.constant 0 : i32
        %dma_wait3A_144 = arith.constant 0 : i32
        %dma_wait3A_145 = tpu.memref_slice %arg11[%dma_wait3A_143, %dma_wait3A_144] : memref<10240x128xbf16, #tpu.memory_space<vmem_shared>> -> memref<10240x128xbf16, #tpu.memory_space<vmem_shared>>
        tpu.wait_indirect_dma semaphore(%run_scoped3A_133 : memref<!tpu.dma_semaphore, #tpu.memory_space<semaphore_mem>>) src(%arg9 : memref<128x128xbf16, #tpu.memory_space<vmem>>) dst(%dma_wait3A_145 : memref<10240x128xbf16, #tpu.memory_space<vmem_shared>>)
        tpu.yield
      }) : () -> ()
      %dma_wait3A_125 = arith.constant 7 : i32
      %dma_wait3A_126 = arith.constant 0 : i32
      %dma_wait3A_127 = tpu.memref_slice %arg7[%dma_wait3A_125, %dma_wait3A_126] : memref<8x128xi32, #tpu.memory_space<vmem>> -> memref<1x128xi32, #tpu.memory_space<vmem>>
      %dma_wait3A_128 = tpu.memref_squeeze %dma_wait3A_127 : memref<1x128xi32, #tpu.memory_space<vmem>> -> memref<128xi32, #tpu.memory_space<vmem>>
      %dma_wait3A_129 = arith.constant 0 : i32
      %dma_wait3A_130 = arith.constant 0 : i32
      %dma_wait3A_131 = tpu.memref_slice %arg2[%dma_wait3A_129, %dma_wait3A_130] : memref<10240x128xbf16, #tpu.memory_space<hbm>> -> memref<10240x128xbf16, #tpu.memory_space<hbm>>
      tpu.wait_indirect_dma semaphore(%arg13 : memref<!tpu.dma_semaphore, #tpu.memory_space<semaphore_mem>>) src(%dma_wait3A_131 : memref<10240x128xbf16, #tpu.memory_space<hbm>>) dst(%arg10 : memref<128x128xbf16, #tpu.memory_space<vmem>>)
      %run_scoped3A_132 = arith.constant 7 : i32
      "tpu.region"() ({
        %run_scoped3A_133 = tpu.sem_alloc : memref<!tpu.dma_semaphore, #tpu.memory_space<semaphore_mem>>
        %dma_start3A_134 = arith.constant 0 : i32
        %dma_start3A_135 = tpu.memref_slice %arg8[%run_scoped3A_132, %dma_start3A_134] : memref<8x128xi32, #tpu.memory_space<vmem>> -> memref<1x128xi32, #tpu.memory_space<vmem>>
        %dma_start3A_136 = tpu.memref_squeeze %dma_start3A_135 : memref<1x128xi32, #tpu.memory_space<vmem>> -> memref<128xi32, #tpu.memory_space<vmem>>
        %dma_start3A_137 = arith.constant 0 : i32
        %dma_start3A_138 = arith.constant 0 : i32
        %dma_start3A_139 = tpu.memref_slice %arg11[%dma_start3A_137, %dma_start3A_138] : memref<10240x128xbf16, #tpu.memory_space<vmem_shared>> -> memref<10240x128xbf16, #tpu.memory_space<vmem_shared>>
        tpu.enqueue_indirect_dma source(%arg10 : memref<128x128xbf16, #tpu.memory_space<vmem>>) target(%dma_start3A_139 : memref<10240x128xbf16, #tpu.memory_space<vmem_shared>>) offsets(%dma_start3A_136 : memref<128xi32, #tpu.memory_space<vmem>>) semaphore(%run_scoped3A_133 : memref<!tpu.dma_semaphore, #tpu.memory_space<semaphore_mem>>) {add = true}
        %dma_wait3A_140 = arith.constant 0 : i32
        %dma_wait3A_141 = tpu.memref_slice %arg8[%run_scoped3A_132, %dma_wait3A_140] : memref<8x128xi32, #tpu.memory_space<vmem>> -> memref<1x128xi32, #tpu.memory_space<vmem>>
        %dma_wait3A_142 = tpu.memref_squeeze %dma_wait3A_141 : memref<1x128xi32, #tpu.memory_space<vmem>> -> memref<128xi32, #tpu.memory_space<vmem>>
        %dma_wait3A_143 = arith.constant 0 : i32
        %dma_wait3A_144 = arith.constant 0 : i32
        %dma_wait3A_145 = tpu.memref_slice %arg11[%dma_wait3A_143, %dma_wait3A_144] : memref<10240x128xbf16, #tpu.memory_space<vmem_shared>> -> memref<10240x128xbf16, #tpu.memory_space<vmem_shared>>
        tpu.wait_indirect_dma semaphore(%run_scoped3A_133 : memref<!tpu.dma_semaphore, #tpu.memory_space<semaphore_mem>>) src(%arg10 : memref<128x128xbf16, #tpu.memory_space<vmem>>) dst(%dma_wait3A_145 : memref<10240x128xbf16, #tpu.memory_space<vmem_shared>>)
        tpu.yield
      }) : () -> ()
    }
    %scan3A_7 = arith.constant 10 : i32
    %barrier3A_8 = arith.constant 0 : index
    tpu.barrier barrier_id(%barrier3A_8)
    "tpu.region"() ({
      %run_scoped3A = tpu.sem_alloc : memref<!tpu.dma_semaphore, #tpu.memory_space<semaphore_mem>>
      %dma_start3A = arith.constant 0 : i32
      %dma_start3A_9 = tpu.memref_slice %arg6[%arg0, %mul3A_2, %dma_start3A] : memref<2x10240x128xbf16, #tpu.memory_space<hbm>> -> memref<1x640x128xbf16, #tpu.memory_space<hbm>>
      %dma_start3A_10 = tpu.memref_squeeze %dma_start3A_9 : memref<1x640x128xbf16, #tpu.memory_space<hbm>> -> memref<640x128xbf16, #tpu.memory_space<hbm>>
      %dma_start3A_11 = arith.constant 0 : i32
      %dma_start3A_12 = tpu.memref_slice %arg11[%mul3A_2, %dma_start3A_11] : memref<10240x128xbf16, #tpu.memory_space<vmem_shared>> -> memref<640x128xbf16, #tpu.memory_space<vmem_shared>>
      tpu.enqueue_dma source(%dma_start3A_12 : memref<640x128xbf16, #tpu.memory_space<vmem_shared>>) target(%dma_start3A_10 : memref<640x128xbf16, #tpu.memory_space<hbm>>) target_semaphore(%run_scoped3A : memref<!tpu.dma_semaphore, #tpu.memory_space<semaphore_mem>>)
      %dma_wait3A = arith.constant 0 : i32
      %dma_wait3A_13 = tpu.memref_slice %arg6[%arg0, %mul3A_2, %dma_wait3A] : memref<2x10240x128xbf16, #tpu.memory_space<hbm>> -> memref<1x640x128xbf16, #tpu.memory_space<hbm>>
      %dma_wait3A_14 = tpu.memref_squeeze %dma_wait3A_13 : memref<1x640x128xbf16, #tpu.memory_space<hbm>> -> memref<640x128xbf16, #tpu.memory_space<hbm>>
      %dma_wait3A_15 = arith.constant 0 : i32
      %dma_wait3A_16 = tpu.memref_slice %arg11[%mul3A_2, %dma_wait3A_15] : memref<10240x128xbf16, #tpu.memory_space<vmem_shared>> -> memref<640x128xbf16, #tpu.memory_space<vmem_shared>>
      tpu.wait_dma2 semaphore(%run_scoped3A : memref<!tpu.dma_semaphore, #tpu.memory_space<semaphore_mem>>) src(%dma_wait3A_16 : memref<640x128xbf16, #tpu.memory_space<vmem_shared>>) dst(%dma_wait3A_14 : memref<640x128xbf16, #tpu.memory_space<hbm>>)
      tpu.yield
    }) : () -> ()
    return
  }
}

#map = affine_map<(d0, d1) -> (0, 0, 0)>
#map1 = affine_map<(d0, d1) -> (0, 0)>
module attributes {stable_mosaic.version = 14 : i64} {
  func.func @body(%arg0: i32, %arg1: i32, %arg2: memref<320x8x128xi32, #tpu.memory_space<hbm>>, %arg3: memref<640x128xf32, #tpu.memory_space<hbm>>, %arg4: memref<128x128xf32, #tpu.memory_space<hbm>>, %arg5: memref<2x10240x128xf32, #tpu.memory_space<hbm>>, %arg6: memref<8x128xi32, #tpu.memory_space<vmem>>, %arg7: memref<128x128xf32, #tpu.memory_space<vmem>>, %arg8: memref<10240x128xf32, #tpu.memory_space<vmem_shared>>) attributes {dimension_semantics = [#tpu.dimension_semantics<core_parallel>, #tpu.dimension_semantics<subcore_parallel>], iteration_bounds = array<i64: 2, 16>, scalar_prefetch = 0 : i64, scratch_operands = 3 : i64, tpu.core_type = #tpu.core_type<sc_vector_subcore>, window_params = [{transform_indices = #map}, {transform_indices = #map1}, {transform_indices = #map1}, {transform_indices = #map}]} {
    %mul3A = arith.constant 16 : i32
    %mul3A_0 = arith.muli %arg0, %mul3A : i32
    %add3A = arith.addi %mul3A_0, %arg1 : i32
    %mul3A_1 = arith.constant 640 : i32
    %mul3A_2 = arith.muli %arg1, %mul3A_1 : i32
    "tpu.region"() ({
      %run_scoped3A = tpu.sem_alloc : memref<!tpu.dma_semaphore, #tpu.memory_space<semaphore_mem>>
      %dma_start3A = arith.constant 0 : i32
      %dma_start3A_9 = tpu.memref_slice %arg8[%mul3A_2, %dma_start3A] : memref<10240x128xf32, #tpu.memory_space<vmem_shared>> -> memref<640x128xf32, #tpu.memory_space<vmem_shared>>
      tpu.enqueue_dma source(%arg3 : memref<640x128xf32, #tpu.memory_space<hbm>>) target(%dma_start3A_9 : memref<640x128xf32, #tpu.memory_space<vmem_shared>>) target_semaphore(%run_scoped3A : memref<!tpu.dma_semaphore, #tpu.memory_space<semaphore_mem>>)
      %dma_wait3A = arith.constant 0 : i32
      %dma_wait3A_10 = tpu.memref_slice %arg8[%mul3A_2, %dma_wait3A] : memref<10240x128xf32, #tpu.memory_space<vmem_shared>> -> memref<640x128xf32, #tpu.memory_space<vmem_shared>>
      tpu.wait_dma2 semaphore(%run_scoped3A : memref<!tpu.dma_semaphore, #tpu.memory_space<semaphore_mem>>) src(%arg3 : memref<640x128xf32, #tpu.memory_space<hbm>>) dst(%dma_wait3A_10 : memref<640x128xf32, #tpu.memory_space<vmem_shared>>)
      tpu.yield
    }) : () -> ()
    "tpu.region"() ({
      %run_scoped3A = tpu.sem_alloc : memref<!tpu.dma_semaphore, #tpu.memory_space<semaphore_mem>>
      tpu.enqueue_dma source(%arg4 : memref<128x128xf32, #tpu.memory_space<hbm>>) target(%arg7 : memref<128x128xf32, #tpu.memory_space<vmem>>) target_semaphore(%run_scoped3A : memref<!tpu.dma_semaphore, #tpu.memory_space<semaphore_mem>>)
      tpu.wait_dma2 semaphore(%run_scoped3A : memref<!tpu.dma_semaphore, #tpu.memory_space<semaphore_mem>>) src(%arg4 : memref<128x128xf32, #tpu.memory_space<hbm>>) dst(%arg7 : memref<128x128xf32, #tpu.memory_space<vmem>>)
      tpu.yield
    }) : () -> ()
    %barrier3A = arith.constant 0 : index
    tpu.barrier barrier_id(%barrier3A)
    %scan3A = arith.constant 0 : i32
    %scan3A_3 = arith.constant 0 : i32
    %scan3A_4 = arith.constant 10 : i32
    %scan3A_5 = arith.addi %scan3A_3, %scan3A_4 : i32
    %scan3A_6 = arith.constant 1 : i32
    scf.for %scan3A_9 = %scan3A_3 to %scan3A_5 step %scan3A_6  : i32 {
      %mul3A_10 = arith.constant 10 : i32
      %mul3A_11 = arith.muli %add3A, %mul3A_10 : i32
      %add3A_12 = arith.addi %mul3A_11, %scan3A_9 : i32
      "tpu.region"() ({
        %run_scoped3A_20 = tpu.sem_alloc : memref<!tpu.dma_semaphore, #tpu.memory_space<semaphore_mem>>
        %dma_start3A = arith.constant 0 : i32
        %dma_start3A_21 = arith.constant 0 : i32
        %dma_start3A_22 = tpu.memref_slice %arg2[%add3A_12, %dma_start3A, %dma_start3A_21] : memref<320x8x128xi32, #tpu.memory_space<hbm>> -> memref<1x8x128xi32, #tpu.memory_space<hbm>>
        %dma_start3A_23 = tpu.memref_squeeze %dma_start3A_22 : memref<1x8x128xi32, #tpu.memory_space<hbm>> -> memref<8x128xi32, #tpu.memory_space<hbm>>
        %dma_start3A_24 = arith.constant 0 : i32
        %dma_start3A_25 = arith.constant 0 : i32
        %dma_start3A_26 = tpu.memref_slice %arg2[%add3A_12, %dma_start3A_24, %dma_start3A_25] : memref<320x8x128xi32, #tpu.memory_space<hbm>> -> memref<1x8x128xi32, #tpu.memory_space<hbm>>
        %dma_start3A_27 = tpu.memref_squeeze %dma_start3A_26 : memref<1x8x128xi32, #tpu.memory_space<hbm>> -> memref<8x128xi32, #tpu.memory_space<hbm>>
        tpu.enqueue_dma source(%dma_start3A_27 : memref<8x128xi32, #tpu.memory_space<hbm>>) target(%arg6 : memref<8x128xi32, #tpu.memory_space<vmem>>) target_semaphore(%run_scoped3A_20 : memref<!tpu.dma_semaphore, #tpu.memory_space<semaphore_mem>>)
        %dma_wait3A = arith.constant 0 : i32
        %dma_wait3A_28 = arith.constant 0 : i32
        %dma_wait3A_29 = tpu.memref_slice %arg2[%add3A_12, %dma_wait3A, %dma_wait3A_28] : memref<320x8x128xi32, #tpu.memory_space<hbm>> -> memref<1x8x128xi32, #tpu.memory_space<hbm>>
        %dma_wait3A_30 = tpu.memref_squeeze %dma_wait3A_29 : memref<1x8x128xi32, #tpu.memory_space<hbm>> -> memref<8x128xi32, #tpu.memory_space<hbm>>
        %dma_wait3A_31 = arith.constant 0 : i32
        %dma_wait3A_32 = arith.constant 0 : i32
        %dma_wait3A_33 = tpu.memref_slice %arg2[%add3A_12, %dma_wait3A_31, %dma_wait3A_32] : memref<320x8x128xi32, #tpu.memory_space<hbm>> -> memref<1x8x128xi32, #tpu.memory_space<hbm>>
        %dma_wait3A_34 = tpu.memref_squeeze %dma_wait3A_33 : memref<1x8x128xi32, #tpu.memory_space<hbm>> -> memref<8x128xi32, #tpu.memory_space<hbm>>
        tpu.wait_dma2 semaphore(%run_scoped3A_20 : memref<!tpu.dma_semaphore, #tpu.memory_space<semaphore_mem>>) src(%dma_wait3A_34 : memref<8x128xi32, #tpu.memory_space<hbm>>) dst(%arg6 : memref<8x128xi32, #tpu.memory_space<vmem>>)
        tpu.yield
      }) : () -> ()
      %run_scoped3A = arith.constant 0 : i32
      "tpu.region"() ({
        %run_scoped3A_20 = tpu.sem_alloc : memref<!tpu.dma_semaphore, #tpu.memory_space<semaphore_mem>>
        %dma_start3A = arith.constant 0 : i32
        %dma_start3A_21 = tpu.memref_slice %arg6[%run_scoped3A, %dma_start3A] : memref<8x128xi32, #tpu.memory_space<vmem>> -> memref<1x128xi32, #tpu.memory_space<vmem>>
        %dma_start3A_22 = tpu.memref_squeeze %dma_start3A_21 : memref<1x128xi32, #tpu.memory_space<vmem>> -> memref<128xi32, #tpu.memory_space<vmem>>
        %dma_start3A_23 = arith.constant 0 : i32
        %dma_start3A_24 = arith.constant 0 : i32
        %dma_start3A_25 = tpu.memref_slice %arg8[%dma_start3A_23, %dma_start3A_24] : memref<10240x128xf32, #tpu.memory_space<vmem_shared>> -> memref<10240x128xf32, #tpu.memory_space<vmem_shared>>
        tpu.enqueue_indirect_dma source(%arg7 : memref<128x128xf32, #tpu.memory_space<vmem>>) target(%dma_start3A_25 : memref<10240x128xf32, #tpu.memory_space<vmem_shared>>) offsets(%dma_start3A_22 : memref<128xi32, #tpu.memory_space<vmem>>) semaphore(%run_scoped3A_20 : memref<!tpu.dma_semaphore, #tpu.memory_space<semaphore_mem>>) {add = true}
        %dma_wait3A = arith.constant 0 : i32
        %dma_wait3A_26 = tpu.memref_slice %arg6[%run_scoped3A, %dma_wait3A] : memref<8x128xi32, #tpu.memory_space<vmem>> -> memref<1x128xi32, #tpu.memory_space<vmem>>
        %dma_wait3A_27 = tpu.memref_squeeze %dma_wait3A_26 : memref<1x128xi32, #tpu.memory_space<vmem>> -> memref<128xi32, #tpu.memory_space<vmem>>
        %dma_wait3A_28 = arith.constant 0 : i32
        %dma_wait3A_29 = arith.constant 0 : i32
        %dma_wait3A_30 = tpu.memref_slice %arg8[%dma_wait3A_28, %dma_wait3A_29] : memref<10240x128xf32, #tpu.memory_space<vmem_shared>> -> memref<10240x128xf32, #tpu.memory_space<vmem_shared>>
        tpu.wait_indirect_dma semaphore(%run_scoped3A_20 : memref<!tpu.dma_semaphore, #tpu.memory_space<semaphore_mem>>) src(%arg7 : memref<128x128xf32, #tpu.memory_space<vmem>>) dst(%dma_wait3A_30 : memref<10240x128xf32, #tpu.memory_space<vmem_shared>>)
        tpu.yield
      }) : () -> ()
      %run_scoped3A_13 = arith.constant 1 : i32
      "tpu.region"() ({
        %run_scoped3A_20 = tpu.sem_alloc : memref<!tpu.dma_semaphore, #tpu.memory_space<semaphore_mem>>
        %dma_start3A = arith.constant 0 : i32
        %dma_start3A_21 = tpu.memref_slice %arg6[%run_scoped3A_13, %dma_start3A] : memref<8x128xi32, #tpu.memory_space<vmem>> -> memref<1x128xi32, #tpu.memory_space<vmem>>
        %dma_start3A_22 = tpu.memref_squeeze %dma_start3A_21 : memref<1x128xi32, #tpu.memory_space<vmem>> -> memref<128xi32, #tpu.memory_space<vmem>>
        %dma_start3A_23 = arith.constant 0 : i32
        %dma_start3A_24 = arith.constant 0 : i32
        %dma_start3A_25 = tpu.memref_slice %arg8[%dma_start3A_23, %dma_start3A_24] : memref<10240x128xf32, #tpu.memory_space<vmem_shared>> -> memref<10240x128xf32, #tpu.memory_space<vmem_shared>>
        tpu.enqueue_indirect_dma source(%arg7 : memref<128x128xf32, #tpu.memory_space<vmem>>) target(%dma_start3A_25 : memref<10240x128xf32, #tpu.memory_space<vmem_shared>>) offsets(%dma_start3A_22 : memref<128xi32, #tpu.memory_space<vmem>>) semaphore(%run_scoped3A_20 : memref<!tpu.dma_semaphore, #tpu.memory_space<semaphore_mem>>) {add = true}
        %dma_wait3A = arith.constant 0 : i32
        %dma_wait3A_26 = tpu.memref_slice %arg6[%run_scoped3A_13, %dma_wait3A] : memref<8x128xi32, #tpu.memory_space<vmem>> -> memref<1x128xi32, #tpu.memory_space<vmem>>
        %dma_wait3A_27 = tpu.memref_squeeze %dma_wait3A_26 : memref<1x128xi32, #tpu.memory_space<vmem>> -> memref<128xi32, #tpu.memory_space<vmem>>
        %dma_wait3A_28 = arith.constant 0 : i32
        %dma_wait3A_29 = arith.constant 0 : i32
        %dma_wait3A_30 = tpu.memref_slice %arg8[%dma_wait3A_28, %dma_wait3A_29] : memref<10240x128xf32, #tpu.memory_space<vmem_shared>> -> memref<10240x128xf32, #tpu.memory_space<vmem_shared>>
        tpu.wait_indirect_dma semaphore(%run_scoped3A_20 : memref<!tpu.dma_semaphore, #tpu.memory_space<semaphore_mem>>) src(%arg7 : memref<128x128xf32, #tpu.memory_space<vmem>>) dst(%dma_wait3A_30 : memref<10240x128xf32, #tpu.memory_space<vmem_shared>>)
        tpu.yield
      }) : () -> ()
      %run_scoped3A_14 = arith.constant 2 : i32
      "tpu.region"() ({
        %run_scoped3A_20 = tpu.sem_alloc : memref<!tpu.dma_semaphore, #tpu.memory_space<semaphore_mem>>
        %dma_start3A = arith.constant 0 : i32
        %dma_start3A_21 = tpu.memref_slice %arg6[%run_scoped3A_14, %dma_start3A] : memref<8x128xi32, #tpu.memory_space<vmem>> -> memref<1x128xi32, #tpu.memory_space<vmem>>
        %dma_start3A_22 = tpu.memref_squeeze %dma_start3A_21 : memref<1x128xi32, #tpu.memory_space<vmem>> -> memref<128xi32, #tpu.memory_space<vmem>>
        %dma_start3A_23 = arith.constant 0 : i32
        %dma_start3A_24 = arith.constant 0 : i32
        %dma_start3A_25 = tpu.memref_slice %arg8[%dma_start3A_23, %dma_start3A_24] : memref<10240x128xf32, #tpu.memory_space<vmem_shared>> -> memref<10240x128xf32, #tpu.memory_space<vmem_shared>>
        tpu.enqueue_indirect_dma source(%arg7 : memref<128x128xf32, #tpu.memory_space<vmem>>) target(%dma_start3A_25 : memref<10240x128xf32, #tpu.memory_space<vmem_shared>>) offsets(%dma_start3A_22 : memref<128xi32, #tpu.memory_space<vmem>>) semaphore(%run_scoped3A_20 : memref<!tpu.dma_semaphore, #tpu.memory_space<semaphore_mem>>) {add = true}
        %dma_wait3A = arith.constant 0 : i32
        %dma_wait3A_26 = tpu.memref_slice %arg6[%run_scoped3A_14, %dma_wait3A] : memref<8x128xi32, #tpu.memory_space<vmem>> -> memref<1x128xi32, #tpu.memory_space<vmem>>
        %dma_wait3A_27 = tpu.memref_squeeze %dma_wait3A_26 : memref<1x128xi32, #tpu.memory_space<vmem>> -> memref<128xi32, #tpu.memory_space<vmem>>
        %dma_wait3A_28 = arith.constant 0 : i32
        %dma_wait3A_29 = arith.constant 0 : i32
        %dma_wait3A_30 = tpu.memref_slice %arg8[%dma_wait3A_28, %dma_wait3A_29] : memref<10240x128xf32, #tpu.memory_space<vmem_shared>> -> memref<10240x128xf32, #tpu.memory_space<vmem_shared>>
        tpu.wait_indirect_dma semaphore(%run_scoped3A_20 : memref<!tpu.dma_semaphore, #tpu.memory_space<semaphore_mem>>) src(%arg7 : memref<128x128xf32, #tpu.memory_space<vmem>>) dst(%dma_wait3A_30 : memref<10240x128xf32, #tpu.memory_space<vmem_shared>>)
        tpu.yield
      }) : () -> ()
      %run_scoped3A_15 = arith.constant 3 : i32
      "tpu.region"() ({
        %run_scoped3A_20 = tpu.sem_alloc : memref<!tpu.dma_semaphore, #tpu.memory_space<semaphore_mem>>
        %dma_start3A = arith.constant 0 : i32
        %dma_start3A_21 = tpu.memref_slice %arg6[%run_scoped3A_15, %dma_start3A] : memref<8x128xi32, #tpu.memory_space<vmem>> -> memref<1x128xi32, #tpu.memory_space<vmem>>
        %dma_start3A_22 = tpu.memref_squeeze %dma_start3A_21 : memref<1x128xi32, #tpu.memory_space<vmem>> -> memref<128xi32, #tpu.memory_space<vmem>>
        %dma_start3A_23 = arith.constant 0 : i32
        %dma_start3A_24 = arith.constant 0 : i32
        %dma_start3A_25 = tpu.memref_slice %arg8[%dma_start3A_23, %dma_start3A_24] : memref<10240x128xf32, #tpu.memory_space<vmem_shared>> -> memref<10240x128xf32, #tpu.memory_space<vmem_shared>>
        tpu.enqueue_indirect_dma source(%arg7 : memref<128x128xf32, #tpu.memory_space<vmem>>) target(%dma_start3A_25 : memref<10240x128xf32, #tpu.memory_space<vmem_shared>>) offsets(%dma_start3A_22 : memref<128xi32, #tpu.memory_space<vmem>>) semaphore(%run_scoped3A_20 : memref<!tpu.dma_semaphore, #tpu.memory_space<semaphore_mem>>) {add = true}
        %dma_wait3A = arith.constant 0 : i32
        %dma_wait3A_26 = tpu.memref_slice %arg6[%run_scoped3A_15, %dma_wait3A] : memref<8x128xi32, #tpu.memory_space<vmem>> -> memref<1x128xi32, #tpu.memory_space<vmem>>
        %dma_wait3A_27 = tpu.memref_squeeze %dma_wait3A_26 : memref<1x128xi32, #tpu.memory_space<vmem>> -> memref<128xi32, #tpu.memory_space<vmem>>
        %dma_wait3A_28 = arith.constant 0 : i32
        %dma_wait3A_29 = arith.constant 0 : i32
        %dma_wait3A_30 = tpu.memref_slice %arg8[%dma_wait3A_28, %dma_wait3A_29] : memref<10240x128xf32, #tpu.memory_space<vmem_shared>> -> memref<10240x128xf32, #tpu.memory_space<vmem_shared>>
        tpu.wait_indirect_dma semaphore(%run_scoped3A_20 : memref<!tpu.dma_semaphore, #tpu.memory_space<semaphore_mem>>) src(%arg7 : memref<128x128xf32, #tpu.memory_space<vmem>>) dst(%dma_wait3A_30 : memref<10240x128xf32, #tpu.memory_space<vmem_shared>>)
        tpu.yield
      }) : () -> ()
      %run_scoped3A_16 = arith.constant 4 : i32
      "tpu.region"() ({
        %run_scoped3A_20 = tpu.sem_alloc : memref<!tpu.dma_semaphore, #tpu.memory_space<semaphore_mem>>
        %dma_start3A = arith.constant 0 : i32
        %dma_start3A_21 = tpu.memref_slice %arg6[%run_scoped3A_16, %dma_start3A] : memref<8x128xi32, #tpu.memory_space<vmem>> -> memref<1x128xi32, #tpu.memory_space<vmem>>
        %dma_start3A_22 = tpu.memref_squeeze %dma_start3A_21 : memref<1x128xi32, #tpu.memory_space<vmem>> -> memref<128xi32, #tpu.memory_space<vmem>>
        %dma_start3A_23 = arith.constant 0 : i32
        %dma_start3A_24 = arith.constant 0 : i32
        %dma_start3A_25 = tpu.memref_slice %arg8[%dma_start3A_23, %dma_start3A_24] : memref<10240x128xf32, #tpu.memory_space<vmem_shared>> -> memref<10240x128xf32, #tpu.memory_space<vmem_shared>>
        tpu.enqueue_indirect_dma source(%arg7 : memref<128x128xf32, #tpu.memory_space<vmem>>) target(%dma_start3A_25 : memref<10240x128xf32, #tpu.memory_space<vmem_shared>>) offsets(%dma_start3A_22 : memref<128xi32, #tpu.memory_space<vmem>>) semaphore(%run_scoped3A_20 : memref<!tpu.dma_semaphore, #tpu.memory_space<semaphore_mem>>) {add = true}
        %dma_wait3A = arith.constant 0 : i32
        %dma_wait3A_26 = tpu.memref_slice %arg6[%run_scoped3A_16, %dma_wait3A] : memref<8x128xi32, #tpu.memory_space<vmem>> -> memref<1x128xi32, #tpu.memory_space<vmem>>
        %dma_wait3A_27 = tpu.memref_squeeze %dma_wait3A_26 : memref<1x128xi32, #tpu.memory_space<vmem>> -> memref<128xi32, #tpu.memory_space<vmem>>
        %dma_wait3A_28 = arith.constant 0 : i32
        %dma_wait3A_29 = arith.constant 0 : i32
        %dma_wait3A_30 = tpu.memref_slice %arg8[%dma_wait3A_28, %dma_wait3A_29] : memref<10240x128xf32, #tpu.memory_space<vmem_shared>> -> memref<10240x128xf32, #tpu.memory_space<vmem_shared>>
        tpu.wait_indirect_dma semaphore(%run_scoped3A_20 : memref<!tpu.dma_semaphore, #tpu.memory_space<semaphore_mem>>) src(%arg7 : memref<128x128xf32, #tpu.memory_space<vmem>>) dst(%dma_wait3A_30 : memref<10240x128xf32, #tpu.memory_space<vmem_shared>>)
        tpu.yield
      }) : () -> ()
      %run_scoped3A_17 = arith.constant 5 : i32
      "tpu.region"() ({
        %run_scoped3A_20 = tpu.sem_alloc : memref<!tpu.dma_semaphore, #tpu.memory_space<semaphore_mem>>
        %dma_start3A = arith.constant 0 : i32
        %dma_start3A_21 = tpu.memref_slice %arg6[%run_scoped3A_17, %dma_start3A] : memref<8x128xi32, #tpu.memory_space<vmem>> -> memref<1x128xi32, #tpu.memory_space<vmem>>
        %dma_start3A_22 = tpu.memref_squeeze %dma_start3A_21 : memref<1x128xi32, #tpu.memory_space<vmem>> -> memref<128xi32, #tpu.memory_space<vmem>>
        %dma_start3A_23 = arith.constant 0 : i32
        %dma_start3A_24 = arith.constant 0 : i32
        %dma_start3A_25 = tpu.memref_slice %arg8[%dma_start3A_23, %dma_start3A_24] : memref<10240x128xf32, #tpu.memory_space<vmem_shared>> -> memref<10240x128xf32, #tpu.memory_space<vmem_shared>>
        tpu.enqueue_indirect_dma source(%arg7 : memref<128x128xf32, #tpu.memory_space<vmem>>) target(%dma_start3A_25 : memref<10240x128xf32, #tpu.memory_space<vmem_shared>>) offsets(%dma_start3A_22 : memref<128xi32, #tpu.memory_space<vmem>>) semaphore(%run_scoped3A_20 : memref<!tpu.dma_semaphore, #tpu.memory_space<semaphore_mem>>) {add = true}
        %dma_wait3A = arith.constant 0 : i32
        %dma_wait3A_26 = tpu.memref_slice %arg6[%run_scoped3A_17, %dma_wait3A] : memref<8x128xi32, #tpu.memory_space<vmem>> -> memref<1x128xi32, #tpu.memory_space<vmem>>
        %dma_wait3A_27 = tpu.memref_squeeze %dma_wait3A_26 : memref<1x128xi32, #tpu.memory_space<vmem>> -> memref<128xi32, #tpu.memory_space<vmem>>
        %dma_wait3A_28 = arith.constant 0 : i32
        %dma_wait3A_29 = arith.constant 0 : i32
        %dma_wait3A_30 = tpu.memref_slice %arg8[%dma_wait3A_28, %dma_wait3A_29] : memref<10240x128xf32, #tpu.memory_space<vmem_shared>> -> memref<10240x128xf32, #tpu.memory_space<vmem_shared>>
        tpu.wait_indirect_dma semaphore(%run_scoped3A_20 : memref<!tpu.dma_semaphore, #tpu.memory_space<semaphore_mem>>) src(%arg7 : memref<128x128xf32, #tpu.memory_space<vmem>>) dst(%dma_wait3A_30 : memref<10240x128xf32, #tpu.memory_space<vmem_shared>>)
        tpu.yield
      }) : () -> ()
      %run_scoped3A_18 = arith.constant 6 : i32
      "tpu.region"() ({
        %run_scoped3A_20 = tpu.sem_alloc : memref<!tpu.dma_semaphore, #tpu.memory_space<semaphore_mem>>
        %dma_start3A = arith.constant 0 : i32
        %dma_start3A_21 = tpu.memref_slice %arg6[%run_scoped3A_18, %dma_start3A] : memref<8x128xi32, #tpu.memory_space<vmem>> -> memref<1x128xi32, #tpu.memory_space<vmem>>
        %dma_start3A_22 = tpu.memref_squeeze %dma_start3A_21 : memref<1x128xi32, #tpu.memory_space<vmem>> -> memref<128xi32, #tpu.memory_space<vmem>>
        %dma_start3A_23 = arith.constant 0 : i32
        %dma_start3A_24 = arith.constant 0 : i32
        %dma_start3A_25 = tpu.memref_slice %arg8[%dma_start3A_23, %dma_start3A_24] : memref<10240x128xf32, #tpu.memory_space<vmem_shared>> -> memref<10240x128xf32, #tpu.memory_space<vmem_shared>>
        tpu.enqueue_indirect_dma source(%arg7 : memref<128x128xf32, #tpu.memory_space<vmem>>) target(%dma_start3A_25 : memref<10240x128xf32, #tpu.memory_space<vmem_shared>>) offsets(%dma_start3A_22 : memref<128xi32, #tpu.memory_space<vmem>>) semaphore(%run_scoped3A_20 : memref<!tpu.dma_semaphore, #tpu.memory_space<semaphore_mem>>) {add = true}
        %dma_wait3A = arith.constant 0 : i32
        %dma_wait3A_26 = tpu.memref_slice %arg6[%run_scoped3A_18, %dma_wait3A] : memref<8x128xi32, #tpu.memory_space<vmem>> -> memref<1x128xi32, #tpu.memory_space<vmem>>
        %dma_wait3A_27 = tpu.memref_squeeze %dma_wait3A_26 : memref<1x128xi32, #tpu.memory_space<vmem>> -> memref<128xi32, #tpu.memory_space<vmem>>
        %dma_wait3A_28 = arith.constant 0 : i32
        %dma_wait3A_29 = arith.constant 0 : i32
        %dma_wait3A_30 = tpu.memref_slice %arg8[%dma_wait3A_28, %dma_wait3A_29] : memref<10240x128xf32, #tpu.memory_space<vmem_shared>> -> memref<10240x128xf32, #tpu.memory_space<vmem_shared>>
        tpu.wait_indirect_dma semaphore(%run_scoped3A_20 : memref<!tpu.dma_semaphore, #tpu.memory_space<semaphore_mem>>) src(%arg7 : memref<128x128xf32, #tpu.memory_space<vmem>>) dst(%dma_wait3A_30 : memref<10240x128xf32, #tpu.memory_space<vmem_shared>>)
        tpu.yield
      }) : () -> ()
      %run_scoped3A_19 = arith.constant 7 : i32
      "tpu.region"() ({
        %run_scoped3A_20 = tpu.sem_alloc : memref<!tpu.dma_semaphore, #tpu.memory_space<semaphore_mem>>
        %dma_start3A = arith.constant 0 : i32
        %dma_start3A_21 = tpu.memref_slice %arg6[%run_scoped3A_19, %dma_start3A] : memref<8x128xi32, #tpu.memory_space<vmem>> -> memref<1x128xi32, #tpu.memory_space<vmem>>
        %dma_start3A_22 = tpu.memref_squeeze %dma_start3A_21 : memref<1x128xi32, #tpu.memory_space<vmem>> -> memref<128xi32, #tpu.memory_space<vmem>>
        %dma_start3A_23 = arith.constant 0 : i32
        %dma_start3A_24 = arith.constant 0 : i32
        %dma_start3A_25 = tpu.memref_slice %arg8[%dma_start3A_23, %dma_start3A_24] : memref<10240x128xf32, #tpu.memory_space<vmem_shared>> -> memref<10240x128xf32, #tpu.memory_space<vmem_shared>>
        tpu.enqueue_indirect_dma source(%arg7 : memref<128x128xf32, #tpu.memory_space<vmem>>) target(%dma_start3A_25 : memref<10240x128xf32, #tpu.memory_space<vmem_shared>>) offsets(%dma_start3A_22 : memref<128xi32, #tpu.memory_space<vmem>>) semaphore(%run_scoped3A_20 : memref<!tpu.dma_semaphore, #tpu.memory_space<semaphore_mem>>) {add = true}
        %dma_wait3A = arith.constant 0 : i32
        %dma_wait3A_26 = tpu.memref_slice %arg6[%run_scoped3A_19, %dma_wait3A] : memref<8x128xi32, #tpu.memory_space<vmem>> -> memref<1x128xi32, #tpu.memory_space<vmem>>
        %dma_wait3A_27 = tpu.memref_squeeze %dma_wait3A_26 : memref<1x128xi32, #tpu.memory_space<vmem>> -> memref<128xi32, #tpu.memory_space<vmem>>
        %dma_wait3A_28 = arith.constant 0 : i32
        %dma_wait3A_29 = arith.constant 0 : i32
        %dma_wait3A_30 = tpu.memref_slice %arg8[%dma_wait3A_28, %dma_wait3A_29] : memref<10240x128xf32, #tpu.memory_space<vmem_shared>> -> memref<10240x128xf32, #tpu.memory_space<vmem_shared>>
        tpu.wait_indirect_dma semaphore(%run_scoped3A_20 : memref<!tpu.dma_semaphore, #tpu.memory_space<semaphore_mem>>) src(%arg7 : memref<128x128xf32, #tpu.memory_space<vmem>>) dst(%dma_wait3A_30 : memref<10240x128xf32, #tpu.memory_space<vmem_shared>>)
        tpu.yield
      }) : () -> ()
    }
    %scan3A_7 = arith.constant 10 : i32
    %barrier3A_8 = arith.constant 0 : index
    tpu.barrier barrier_id(%barrier3A_8)
    "tpu.region"() ({
      %run_scoped3A = tpu.sem_alloc : memref<!tpu.dma_semaphore, #tpu.memory_space<semaphore_mem>>
      %dma_start3A = arith.constant 0 : i32
      %dma_start3A_9 = tpu.memref_slice %arg5[%arg0, %mul3A_2, %dma_start3A] : memref<2x10240x128xf32, #tpu.memory_space<hbm>> -> memref<1x640x128xf32, #tpu.memory_space<hbm>>
      %dma_start3A_10 = tpu.memref_squeeze %dma_start3A_9 : memref<1x640x128xf32, #tpu.memory_space<hbm>> -> memref<640x128xf32, #tpu.memory_space<hbm>>
      %dma_start3A_11 = arith.constant 0 : i32
      %dma_start3A_12 = tpu.memref_slice %arg8[%mul3A_2, %dma_start3A_11] : memref<10240x128xf32, #tpu.memory_space<vmem_shared>> -> memref<640x128xf32, #tpu.memory_space<vmem_shared>>
      tpu.enqueue_dma source(%dma_start3A_12 : memref<640x128xf32, #tpu.memory_space<vmem_shared>>) target(%dma_start3A_10 : memref<640x128xf32, #tpu.memory_space<hbm>>) target_semaphore(%run_scoped3A : memref<!tpu.dma_semaphore, #tpu.memory_space<semaphore_mem>>)
      %dma_wait3A = arith.constant 0 : i32
      %dma_wait3A_13 = tpu.memref_slice %arg5[%arg0, %mul3A_2, %dma_wait3A] : memref<2x10240x128xf32, #tpu.memory_space<hbm>> -> memref<1x640x128xf32, #tpu.memory_space<hbm>>
      %dma_wait3A_14 = tpu.memref_squeeze %dma_wait3A_13 : memref<1x640x128xf32, #tpu.memory_space<hbm>> -> memref<640x128xf32, #tpu.memory_space<hbm>>
      %dma_wait3A_15 = arith.constant 0 : i32
      %dma_wait3A_16 = tpu.memref_slice %arg8[%mul3A_2, %dma_wait3A_15] : memref<10240x128xf32, #tpu.memory_space<vmem_shared>> -> memref<640x128xf32, #tpu.memory_space<vmem_shared>>
      tpu.wait_dma2 semaphore(%run_scoped3A : memref<!tpu.dma_semaphore, #tpu.memory_space<semaphore_mem>>) src(%dma_wait3A_16 : memref<640x128xf32, #tpu.memory_space<vmem_shared>>) dst(%dma_wait3A_14 : memref<640x128xf32, #tpu.memory_space<hbm>>)
      tpu.yield
    }) : () -> ()
    return
  }
}

#map = affine_map<(d0, d1) -> (0, 0)>
#map1 = affine_map<(d0, d1) -> (0, 0, 0)>
module attributes {stable_mosaic.version = 14 : i64} {
  func.func @body(%arg0: i32, %arg1: i32, %arg2: memref<10240x64xf32, #tpu.memory_space<hbm>>, %arg3: memref<320x8x128xi32, #tpu.memory_space<hbm>>, %arg4: memref<320x8x128xi32, #tpu.memory_space<hbm>>, %arg5: memref<640x64xf32, #tpu.memory_space<hbm>>, %arg6: memref<2x10240x64xf32, #tpu.memory_space<hbm>>, %arg7: memref<8x128xi32, #tpu.memory_space<vmem>>, %arg8: memref<8x128xi32, #tpu.memory_space<vmem>>, %arg9: memref<128x64xf32, #tpu.memory_space<vmem>>, %arg10: memref<128x64xf32, #tpu.memory_space<vmem>>, %arg11: memref<10240x64xf32, #tpu.memory_space<vmem_shared>>, %arg12: memref<!tpu.dma_semaphore, #tpu.memory_space<semaphore_mem>>, %arg13: memref<!tpu.dma_semaphore, #tpu.memory_space<semaphore_mem>>) attributes {dimension_semantics = [#tpu.dimension_semantics<core_parallel>, #tpu.dimension_semantics<subcore_parallel>], iteration_bounds = array<i64: 2, 16>, scalar_prefetch = 0 : i64, scratch_operands = 7 : i64, tpu.core_type = #tpu.core_type<sc_vector_subcore>, window_params = [{transform_indices = #map}, {transform_indices = #map1}, {transform_indices = #map1}, {transform_indices = #map}, {transform_indices = #map1}]} {
    %mul3A = arith.constant 16 : i32
    %mul3A_0 = arith.muli %arg0, %mul3A : i32
    %add3A = arith.addi %mul3A_0, %arg1 : i32
    %mul3A_1 = arith.constant 640 : i32
    %mul3A_2 = arith.muli %arg1, %mul3A_1 : i32
    "tpu.region"() ({
      %run_scoped3A = tpu.sem_alloc : memref<!tpu.dma_semaphore, #tpu.memory_space<semaphore_mem>>
      %dma_start3A = arith.constant 0 : i32
      %dma_start3A_9 = tpu.memref_slice %arg11[%mul3A_2, %dma_start3A] : memref<10240x64xf32, #tpu.memory_space<vmem_shared>> -> memref<640x64xf32, #tpu.memory_space<vmem_shared>>
      tpu.enqueue_dma source(%arg5 : memref<640x64xf32, #tpu.memory_space<hbm>>) target(%dma_start3A_9 : memref<640x64xf32, #tpu.memory_space<vmem_shared>>) target_semaphore(%run_scoped3A : memref<!tpu.dma_semaphore, #tpu.memory_space<semaphore_mem>>)
      %dma_wait3A = arith.constant 0 : i32
      %dma_wait3A_10 = tpu.memref_slice %arg11[%mul3A_2, %dma_wait3A] : memref<10240x64xf32, #tpu.memory_space<vmem_shared>> -> memref<640x64xf32, #tpu.memory_space<vmem_shared>>
      tpu.wait_dma2 semaphore(%run_scoped3A : memref<!tpu.dma_semaphore, #tpu.memory_space<semaphore_mem>>) src(%arg5 : memref<640x64xf32, #tpu.memory_space<hbm>>) dst(%dma_wait3A_10 : memref<640x64xf32, #tpu.memory_space<vmem_shared>>)
      tpu.yield
    }) : () -> ()
    %barrier3A = arith.constant 0 : index
    tpu.barrier barrier_id(%barrier3A)
    %scan3A = arith.constant 0 : i32
    %scan3A_3 = arith.constant 0 : i32
    %scan3A_4 = arith.constant 10 : i32
    %scan3A_5 = arith.addi %scan3A_3, %scan3A_4 : i32
    %scan3A_6 = arith.constant 1 : i32
    scf.for %scan3A_9 = %scan3A_3 to %scan3A_5 step %scan3A_6  : i32 {
      %mul3A_10 = arith.constant 10 : i32
      %mul3A_11 = arith.muli %add3A, %mul3A_10 : i32
      %add3A_12 = arith.addi %mul3A_11, %scan3A_9 : i32
      "tpu.region"() ({
        %run_scoped3A_133 = tpu.sem_alloc : memref<!tpu.dma_semaphore, #tpu.memory_space<semaphore_mem>>
        %dma_start3A_134 = arith.constant 0 : i32
        %dma_start3A_135 = arith.constant 0 : i32
        %dma_start3A_136 = tpu.memref_slice %arg3[%add3A_12, %dma_start3A_134, %dma_start3A_135] : memref<320x8x128xi32, #tpu.memory_space<hbm>> -> memref<1x8x128xi32, #tpu.memory_space<hbm>>
        %dma_start3A_137 = tpu.memref_squeeze %dma_start3A_136 : memref<1x8x128xi32, #tpu.memory_space<hbm>> -> memref<8x128xi32, #tpu.memory_space<hbm>>
        %dma_start3A_138 = arith.constant 0 : i32
        %dma_start3A_139 = arith.constant 0 : i32
        %dma_start3A_140 = tpu.memref_slice %arg3[%add3A_12, %dma_start3A_138, %dma_start3A_139] : memref<320x8x128xi32, #tpu.memory_space<hbm>> -> memref<1x8x128xi32, #tpu.memory_space<hbm>>
        %dma_start3A_141 = tpu.memref_squeeze %dma_start3A_140 : memref<1x8x128xi32, #tpu.memory_space<hbm>> -> memref<8x128xi32, #tpu.memory_space<hbm>>
        tpu.enqueue_dma source(%dma_start3A_141 : memref<8x128xi32, #tpu.memory_space<hbm>>) target(%arg7 : memref<8x128xi32, #tpu.memory_space<vmem>>) target_semaphore(%run_scoped3A_133 : memref<!tpu.dma_semaphore, #tpu.memory_space<semaphore_mem>>)
        %dma_wait3A_142 = arith.constant 0 : i32
        %dma_wait3A_143 = arith.constant 0 : i32
        %dma_wait3A_144 = tpu.memref_slice %arg3[%add3A_12, %dma_wait3A_142, %dma_wait3A_143] : memref<320x8x128xi32, #tpu.memory_space<hbm>> -> memref<1x8x128xi32, #tpu.memory_space<hbm>>
        %dma_wait3A_145 = tpu.memref_squeeze %dma_wait3A_144 : memref<1x8x128xi32, #tpu.memory_space<hbm>> -> memref<8x128xi32, #tpu.memory_space<hbm>>
        %dma_wait3A_146 = arith.constant 0 : i32
        %dma_wait3A_147 = arith.constant 0 : i32
        %dma_wait3A_148 = tpu.memref_slice %arg3[%add3A_12, %dma_wait3A_146, %dma_wait3A_147] : memref<320x8x128xi32, #tpu.memory_space<hbm>> -> memref<1x8x128xi32, #tpu.memory_space<hbm>>
        %dma_wait3A_149 = tpu.memref_squeeze %dma_wait3A_148 : memref<1x8x128xi32, #tpu.memory_space<hbm>> -> memref<8x128xi32, #tpu.memory_space<hbm>>
        tpu.wait_dma2 semaphore(%run_scoped3A_133 : memref<!tpu.dma_semaphore, #tpu.memory_space<semaphore_mem>>) src(%dma_wait3A_149 : memref<8x128xi32, #tpu.memory_space<hbm>>) dst(%arg7 : memref<8x128xi32, #tpu.memory_space<vmem>>)
        tpu.yield
      }) : () -> ()
      %mul3A_13 = arith.constant 10 : i32
      %mul3A_14 = arith.muli %add3A, %mul3A_13 : i32
      %add3A_15 = arith.addi %mul3A_14, %scan3A_9 : i32
      "tpu.region"() ({
        %run_scoped3A_133 = tpu.sem_alloc : memref<!tpu.dma_semaphore, #tpu.memory_space<semaphore_mem>>
        %dma_start3A_134 = arith.constant 0 : i32
        %dma_start3A_135 = arith.constant 0 : i32
        %dma_start3A_136 = tpu.memref_slice %arg4[%add3A_15, %dma_start3A_134, %dma_start3A_135] : memref<320x8x128xi32, #tpu.memory_space<hbm>> -> memref<1x8x128xi32, #tpu.memory_space<hbm>>
        %dma_start3A_137 = tpu.memref_squeeze %dma_start3A_136 : memref<1x8x128xi32, #tpu.memory_space<hbm>> -> memref<8x128xi32, #tpu.memory_space<hbm>>
        %dma_start3A_138 = arith.constant 0 : i32
        %dma_start3A_139 = arith.constant 0 : i32
        %dma_start3A_140 = tpu.memref_slice %arg4[%add3A_15, %dma_start3A_138, %dma_start3A_139] : memref<320x8x128xi32, #tpu.memory_space<hbm>> -> memref<1x8x128xi32, #tpu.memory_space<hbm>>
        %dma_start3A_141 = tpu.memref_squeeze %dma_start3A_140 : memref<1x8x128xi32, #tpu.memory_space<hbm>> -> memref<8x128xi32, #tpu.memory_space<hbm>>
        tpu.enqueue_dma source(%dma_start3A_141 : memref<8x128xi32, #tpu.memory_space<hbm>>) target(%arg8 : memref<8x128xi32, #tpu.memory_space<vmem>>) target_semaphore(%run_scoped3A_133 : memref<!tpu.dma_semaphore, #tpu.memory_space<semaphore_mem>>)
        %dma_wait3A_142 = arith.constant 0 : i32
        %dma_wait3A_143 = arith.constant 0 : i32
        %dma_wait3A_144 = tpu.memref_slice %arg4[%add3A_15, %dma_wait3A_142, %dma_wait3A_143] : memref<320x8x128xi32, #tpu.memory_space<hbm>> -> memref<1x8x128xi32, #tpu.memory_space<hbm>>
        %dma_wait3A_145 = tpu.memref_squeeze %dma_wait3A_144 : memref<1x8x128xi32, #tpu.memory_space<hbm>> -> memref<8x128xi32, #tpu.memory_space<hbm>>
        %dma_wait3A_146 = arith.constant 0 : i32
        %dma_wait3A_147 = arith.constant 0 : i32
        %dma_wait3A_148 = tpu.memref_slice %arg4[%add3A_15, %dma_wait3A_146, %dma_wait3A_147] : memref<320x8x128xi32, #tpu.memory_space<hbm>> -> memref<1x8x128xi32, #tpu.memory_space<hbm>>
        %dma_wait3A_149 = tpu.memref_squeeze %dma_wait3A_148 : memref<1x8x128xi32, #tpu.memory_space<hbm>> -> memref<8x128xi32, #tpu.memory_space<hbm>>
        tpu.wait_dma2 semaphore(%run_scoped3A_133 : memref<!tpu.dma_semaphore, #tpu.memory_space<semaphore_mem>>) src(%dma_wait3A_149 : memref<8x128xi32, #tpu.memory_space<hbm>>) dst(%arg8 : memref<8x128xi32, #tpu.memory_space<vmem>>)
        tpu.yield
      }) : () -> ()
      %dma_start3A = arith.constant 0 : i32
      %dma_start3A_16 = arith.constant 0 : i32
      %dma_start3A_17 = tpu.memref_slice %arg7[%dma_start3A, %dma_start3A_16] : memref<8x128xi32, #tpu.memory_space<vmem>> -> memref<1x128xi32, #tpu.memory_space<vmem>>
      %dma_start3A_18 = tpu.memref_squeeze %dma_start3A_17 : memref<1x128xi32, #tpu.memory_space<vmem>> -> memref<128xi32, #tpu.memory_space<vmem>>
      %dma_start3A_19 = arith.constant 0 : i32
      %dma_start3A_20 = arith.constant 0 : i32
      %dma_start3A_21 = tpu.memref_slice %arg2[%dma_start3A_19, %dma_start3A_20] : memref<10240x64xf32, #tpu.memory_space<hbm>> -> memref<10240x64xf32, #tpu.memory_space<hbm>>
      tpu.enqueue_indirect_dma source(%dma_start3A_21 : memref<10240x64xf32, #tpu.memory_space<hbm>>) target(%arg9 : memref<128x64xf32, #tpu.memory_space<vmem>>) offsets(%dma_start3A_18 : memref<128xi32, #tpu.memory_space<vmem>>) semaphore(%arg12 : memref<!tpu.dma_semaphore, #tpu.memory_space<semaphore_mem>>)
      %dma_wait3A = arith.constant 0 : i32
      %dma_wait3A_22 = arith.constant 0 : i32
      %dma_wait3A_23 = tpu.memref_slice %arg7[%dma_wait3A, %dma_wait3A_22] : memref<8x128xi32, #tpu.memory_space<vmem>> -> memref<1x128xi32, #tpu.memory_space<vmem>>
      %dma_wait3A_24 = tpu.memref_squeeze %dma_wait3A_23 : memref<1x128xi32, #tpu.memory_space<vmem>> -> memref<128xi32, #tpu.memory_space<vmem>>
      %dma_wait3A_25 = arith.constant 0 : i32
      %dma_wait3A_26 = arith.constant 0 : i32
      %dma_wait3A_27 = tpu.memref_slice %arg2[%dma_wait3A_25, %dma_wait3A_26] : memref<10240x64xf32, #tpu.memory_space<hbm>> -> memref<10240x64xf32, #tpu.memory_space<hbm>>
      tpu.wait_indirect_dma semaphore(%arg12 : memref<!tpu.dma_semaphore, #tpu.memory_space<semaphore_mem>>) src(%dma_wait3A_27 : memref<10240x64xf32, #tpu.memory_space<hbm>>) dst(%arg9 : memref<128x64xf32, #tpu.memory_space<vmem>>)
      %dma_start3A_28 = arith.constant 1 : i32
      %dma_start3A_29 = arith.constant 0 : i32
      %dma_start3A_30 = tpu.memref_slice %arg7[%dma_start3A_28, %dma_start3A_29] : memref<8x128xi32, #tpu.memory_space<vmem>> -> memref<1x128xi32, #tpu.memory_space<vmem>>
      %dma_start3A_31 = tpu.memref_squeeze %dma_start3A_30 : memref<1x128xi32, #tpu.memory_space<vmem>> -> memref<128xi32, #tpu.memory_space<vmem>>
      %dma_start3A_32 = arith.constant 0 : i32
      %dma_start3A_33 = arith.constant 0 : i32
      %dma_start3A_34 = tpu.memref_slice %arg2[%dma_start3A_32, %dma_start3A_33] : memref<10240x64xf32, #tpu.memory_space<hbm>> -> memref<10240x64xf32, #tpu.memory_space<hbm>>
      tpu.enqueue_indirect_dma source(%dma_start3A_34 : memref<10240x64xf32, #tpu.memory_space<hbm>>) target(%arg10 : memref<128x64xf32, #tpu.memory_space<vmem>>) offsets(%dma_start3A_31 : memref<128xi32, #tpu.memory_space<vmem>>) semaphore(%arg13 : memref<!tpu.dma_semaphore, #tpu.memory_space<semaphore_mem>>)
      %run_scoped3A = arith.constant 0 : i32
      "tpu.region"() ({
        %run_scoped3A_133 = tpu.sem_alloc : memref<!tpu.dma_semaphore, #tpu.memory_space<semaphore_mem>>
        %dma_start3A_134 = arith.constant 0 : i32
        %dma_start3A_135 = tpu.memref_slice %arg8[%run_scoped3A, %dma_start3A_134] : memref<8x128xi32, #tpu.memory_space<vmem>> -> memref<1x128xi32, #tpu.memory_space<vmem>>
        %dma_start3A_136 = tpu.memref_squeeze %dma_start3A_135 : memref<1x128xi32, #tpu.memory_space<vmem>> -> memref<128xi32, #tpu.memory_space<vmem>>
        %dma_start3A_137 = arith.constant 0 : i32
        %dma_start3A_138 = arith.constant 0 : i32
        %dma_start3A_139 = tpu.memref_slice %arg11[%dma_start3A_137, %dma_start3A_138] : memref<10240x64xf32, #tpu.memory_space<vmem_shared>> -> memref<10240x64xf32, #tpu.memory_space<vmem_shared>>
        tpu.enqueue_indirect_dma source(%arg9 : memref<128x64xf32, #tpu.memory_space<vmem>>) target(%dma_start3A_139 : memref<10240x64xf32, #tpu.memory_space<vmem_shared>>) offsets(%dma_start3A_136 : memref<128xi32, #tpu.memory_space<vmem>>) semaphore(%run_scoped3A_133 : memref<!tpu.dma_semaphore, #tpu.memory_space<semaphore_mem>>) {add = true}
        %dma_wait3A_140 = arith.constant 0 : i32
        %dma_wait3A_141 = tpu.memref_slice %arg8[%run_scoped3A, %dma_wait3A_140] : memref<8x128xi32, #tpu.memory_space<vmem>> -> memref<1x128xi32, #tpu.memory_space<vmem>>
        %dma_wait3A_142 = tpu.memref_squeeze %dma_wait3A_141 : memref<1x128xi32, #tpu.memory_space<vmem>> -> memref<128xi32, #tpu.memory_space<vmem>>
        %dma_wait3A_143 = arith.constant 0 : i32
        %dma_wait3A_144 = arith.constant 0 : i32
        %dma_wait3A_145 = tpu.memref_slice %arg11[%dma_wait3A_143, %dma_wait3A_144] : memref<10240x64xf32, #tpu.memory_space<vmem_shared>> -> memref<10240x64xf32, #tpu.memory_space<vmem_shared>>
        tpu.wait_indirect_dma semaphore(%run_scoped3A_133 : memref<!tpu.dma_semaphore, #tpu.memory_space<semaphore_mem>>) src(%arg9 : memref<128x64xf32, #tpu.memory_space<vmem>>) dst(%dma_wait3A_145 : memref<10240x64xf32, #tpu.memory_space<vmem_shared>>)
        tpu.yield
      }) : () -> ()
      %dma_wait3A_35 = arith.constant 1 : i32
      %dma_wait3A_36 = arith.constant 0 : i32
      %dma_wait3A_37 = tpu.memref_slice %arg7[%dma_wait3A_35, %dma_wait3A_36] : memref<8x128xi32, #tpu.memory_space<vmem>> -> memref<1x128xi32, #tpu.memory_space<vmem>>
      %dma_wait3A_38 = tpu.memref_squeeze %dma_wait3A_37 : memref<1x128xi32, #tpu.memory_space<vmem>> -> memref<128xi32, #tpu.memory_space<vmem>>
      %dma_wait3A_39 = arith.constant 0 : i32
      %dma_wait3A_40 = arith.constant 0 : i32
      %dma_wait3A_41 = tpu.memref_slice %arg2[%dma_wait3A_39, %dma_wait3A_40] : memref<10240x64xf32, #tpu.memory_space<hbm>> -> memref<10240x64xf32, #tpu.memory_space<hbm>>
      tpu.wait_indirect_dma semaphore(%arg13 : memref<!tpu.dma_semaphore, #tpu.memory_space<semaphore_mem>>) src(%dma_wait3A_41 : memref<10240x64xf32, #tpu.memory_space<hbm>>) dst(%arg10 : memref<128x64xf32, #tpu.memory_space<vmem>>)
      %dma_start3A_42 = arith.constant 2 : i32
      %dma_start3A_43 = arith.constant 0 : i32
      %dma_start3A_44 = tpu.memref_slice %arg7[%dma_start3A_42, %dma_start3A_43] : memref<8x128xi32, #tpu.memory_space<vmem>> -> memref<1x128xi32, #tpu.memory_space<vmem>>
      %dma_start3A_45 = tpu.memref_squeeze %dma_start3A_44 : memref<1x128xi32, #tpu.memory_space<vmem>> -> memref<128xi32, #tpu.memory_space<vmem>>
      %dma_start3A_46 = arith.constant 0 : i32
      %dma_start3A_47 = arith.constant 0 : i32
      %dma_start3A_48 = tpu.memref_slice %arg2[%dma_start3A_46, %dma_start3A_47] : memref<10240x64xf32, #tpu.memory_space<hbm>> -> memref<10240x64xf32, #tpu.memory_space<hbm>>
      tpu.enqueue_indirect_dma source(%dma_start3A_48 : memref<10240x64xf32, #tpu.memory_space<hbm>>) target(%arg9 : memref<128x64xf32, #tpu.memory_space<vmem>>) offsets(%dma_start3A_45 : memref<128xi32, #tpu.memory_space<vmem>>) semaphore(%arg12 : memref<!tpu.dma_semaphore, #tpu.memory_space<semaphore_mem>>)
      %run_scoped3A_49 = arith.constant 1 : i32
      "tpu.region"() ({
        %run_scoped3A_133 = tpu.sem_alloc : memref<!tpu.dma_semaphore, #tpu.memory_space<semaphore_mem>>
        %dma_start3A_134 = arith.constant 0 : i32
        %dma_start3A_135 = tpu.memref_slice %arg8[%run_scoped3A_49, %dma_start3A_134] : memref<8x128xi32, #tpu.memory_space<vmem>> -> memref<1x128xi32, #tpu.memory_space<vmem>>
        %dma_start3A_136 = tpu.memref_squeeze %dma_start3A_135 : memref<1x128xi32, #tpu.memory_space<vmem>> -> memref<128xi32, #tpu.memory_space<vmem>>
        %dma_start3A_137 = arith.constant 0 : i32
        %dma_start3A_138 = arith.constant 0 : i32
        %dma_start3A_139 = tpu.memref_slice %arg11[%dma_start3A_137, %dma_start3A_138] : memref<10240x64xf32, #tpu.memory_space<vmem_shared>> -> memref<10240x64xf32, #tpu.memory_space<vmem_shared>>
        tpu.enqueue_indirect_dma source(%arg10 : memref<128x64xf32, #tpu.memory_space<vmem>>) target(%dma_start3A_139 : memref<10240x64xf32, #tpu.memory_space<vmem_shared>>) offsets(%dma_start3A_136 : memref<128xi32, #tpu.memory_space<vmem>>) semaphore(%run_scoped3A_133 : memref<!tpu.dma_semaphore, #tpu.memory_space<semaphore_mem>>) {add = true}
        %dma_wait3A_140 = arith.constant 0 : i32
        %dma_wait3A_141 = tpu.memref_slice %arg8[%run_scoped3A_49, %dma_wait3A_140] : memref<8x128xi32, #tpu.memory_space<vmem>> -> memref<1x128xi32, #tpu.memory_space<vmem>>
        %dma_wait3A_142 = tpu.memref_squeeze %dma_wait3A_141 : memref<1x128xi32, #tpu.memory_space<vmem>> -> memref<128xi32, #tpu.memory_space<vmem>>
        %dma_wait3A_143 = arith.constant 0 : i32
        %dma_wait3A_144 = arith.constant 0 : i32
        %dma_wait3A_145 = tpu.memref_slice %arg11[%dma_wait3A_143, %dma_wait3A_144] : memref<10240x64xf32, #tpu.memory_space<vmem_shared>> -> memref<10240x64xf32, #tpu.memory_space<vmem_shared>>
        tpu.wait_indirect_dma semaphore(%run_scoped3A_133 : memref<!tpu.dma_semaphore, #tpu.memory_space<semaphore_mem>>) src(%arg10 : memref<128x64xf32, #tpu.memory_space<vmem>>) dst(%dma_wait3A_145 : memref<10240x64xf32, #tpu.memory_space<vmem_shared>>)
        tpu.yield
      }) : () -> ()
      %dma_wait3A_50 = arith.constant 2 : i32
      %dma_wait3A_51 = arith.constant 0 : i32
      %dma_wait3A_52 = tpu.memref_slice %arg7[%dma_wait3A_50, %dma_wait3A_51] : memref<8x128xi32, #tpu.memory_space<vmem>> -> memref<1x128xi32, #tpu.memory_space<vmem>>
      %dma_wait3A_53 = tpu.memref_squeeze %dma_wait3A_52 : memref<1x128xi32, #tpu.memory_space<vmem>> -> memref<128xi32, #tpu.memory_space<vmem>>
      %dma_wait3A_54 = arith.constant 0 : i32
      %dma_wait3A_55 = arith.constant 0 : i32
      %dma_wait3A_56 = tpu.memref_slice %arg2[%dma_wait3A_54, %dma_wait3A_55] : memref<10240x64xf32, #tpu.memory_space<hbm>> -> memref<10240x64xf32, #tpu.memory_space<hbm>>
      tpu.wait_indirect_dma semaphore(%arg12 : memref<!tpu.dma_semaphore, #tpu.memory_space<semaphore_mem>>) src(%dma_wait3A_56 : memref<10240x64xf32, #tpu.memory_space<hbm>>) dst(%arg9 : memref<128x64xf32, #tpu.memory_space<vmem>>)
      %dma_start3A_57 = arith.constant 3 : i32
      %dma_start3A_58 = arith.constant 0 : i32
      %dma_start3A_59 = tpu.memref_slice %arg7[%dma_start3A_57, %dma_start3A_58] : memref<8x128xi32, #tpu.memory_space<vmem>> -> memref<1x128xi32, #tpu.memory_space<vmem>>
      %dma_start3A_60 = tpu.memref_squeeze %dma_start3A_59 : memref<1x128xi32, #tpu.memory_space<vmem>> -> memref<128xi32, #tpu.memory_space<vmem>>
      %dma_start3A_61 = arith.constant 0 : i32
      %dma_start3A_62 = arith.constant 0 : i32
      %dma_start3A_63 = tpu.memref_slice %arg2[%dma_start3A_61, %dma_start3A_62] : memref<10240x64xf32, #tpu.memory_space<hbm>> -> memref<10240x64xf32, #tpu.memory_space<hbm>>
      tpu.enqueue_indirect_dma source(%dma_start3A_63 : memref<10240x64xf32, #tpu.memory_space<hbm>>) target(%arg10 : memref<128x64xf32, #tpu.memory_space<vmem>>) offsets(%dma_start3A_60 : memref<128xi32, #tpu.memory_space<vmem>>) semaphore(%arg13 : memref<!tpu.dma_semaphore, #tpu.memory_space<semaphore_mem>>)
      %run_scoped3A_64 = arith.constant 2 : i32
      "tpu.region"() ({
        %run_scoped3A_133 = tpu.sem_alloc : memref<!tpu.dma_semaphore, #tpu.memory_space<semaphore_mem>>
        %dma_start3A_134 = arith.constant 0 : i32
        %dma_start3A_135 = tpu.memref_slice %arg8[%run_scoped3A_64, %dma_start3A_134] : memref<8x128xi32, #tpu.memory_space<vmem>> -> memref<1x128xi32, #tpu.memory_space<vmem>>
        %dma_start3A_136 = tpu.memref_squeeze %dma_start3A_135 : memref<1x128xi32, #tpu.memory_space<vmem>> -> memref<128xi32, #tpu.memory_space<vmem>>
        %dma_start3A_137 = arith.constant 0 : i32
        %dma_start3A_138 = arith.constant 0 : i32
        %dma_start3A_139 = tpu.memref_slice %arg11[%dma_start3A_137, %dma_start3A_138] : memref<10240x64xf32, #tpu.memory_space<vmem_shared>> -> memref<10240x64xf32, #tpu.memory_space<vmem_shared>>
        tpu.enqueue_indirect_dma source(%arg9 : memref<128x64xf32, #tpu.memory_space<vmem>>) target(%dma_start3A_139 : memref<10240x64xf32, #tpu.memory_space<vmem_shared>>) offsets(%dma_start3A_136 : memref<128xi32, #tpu.memory_space<vmem>>) semaphore(%run_scoped3A_133 : memref<!tpu.dma_semaphore, #tpu.memory_space<semaphore_mem>>) {add = true}
        %dma_wait3A_140 = arith.constant 0 : i32
        %dma_wait3A_141 = tpu.memref_slice %arg8[%run_scoped3A_64, %dma_wait3A_140] : memref<8x128xi32, #tpu.memory_space<vmem>> -> memref<1x128xi32, #tpu.memory_space<vmem>>
        %dma_wait3A_142 = tpu.memref_squeeze %dma_wait3A_141 : memref<1x128xi32, #tpu.memory_space<vmem>> -> memref<128xi32, #tpu.memory_space<vmem>>
        %dma_wait3A_143 = arith.constant 0 : i32
        %dma_wait3A_144 = arith.constant 0 : i32
        %dma_wait3A_145 = tpu.memref_slice %arg11[%dma_wait3A_143, %dma_wait3A_144] : memref<10240x64xf32, #tpu.memory_space<vmem_shared>> -> memref<10240x64xf32, #tpu.memory_space<vmem_shared>>
        tpu.wait_indirect_dma semaphore(%run_scoped3A_133 : memref<!tpu.dma_semaphore, #tpu.memory_space<semaphore_mem>>) src(%arg9 : memref<128x64xf32, #tpu.memory_space<vmem>>) dst(%dma_wait3A_145 : memref<10240x64xf32, #tpu.memory_space<vmem_shared>>)
        tpu.yield
      }) : () -> ()
      %dma_wait3A_65 = arith.constant 3 : i32
      %dma_wait3A_66 = arith.constant 0 : i32
      %dma_wait3A_67 = tpu.memref_slice %arg7[%dma_wait3A_65, %dma_wait3A_66] : memref<8x128xi32, #tpu.memory_space<vmem>> -> memref<1x128xi32, #tpu.memory_space<vmem>>
      %dma_wait3A_68 = tpu.memref_squeeze %dma_wait3A_67 : memref<1x128xi32, #tpu.memory_space<vmem>> -> memref<128xi32, #tpu.memory_space<vmem>>
      %dma_wait3A_69 = arith.constant 0 : i32
      %dma_wait3A_70 = arith.constant 0 : i32
      %dma_wait3A_71 = tpu.memref_slice %arg2[%dma_wait3A_69, %dma_wait3A_70] : memref<10240x64xf32, #tpu.memory_space<hbm>> -> memref<10240x64xf32, #tpu.memory_space<hbm>>
      tpu.wait_indirect_dma semaphore(%arg13 : memref<!tpu.dma_semaphore, #tpu.memory_space<semaphore_mem>>) src(%dma_wait3A_71 : memref<10240x64xf32, #tpu.memory_space<hbm>>) dst(%arg10 : memref<128x64xf32, #tpu.memory_space<vmem>>)
      %dma_start3A_72 = arith.constant 4 : i32
      %dma_start3A_73 = arith.constant 0 : i32
      %dma_start3A_74 = tpu.memref_slice %arg7[%dma_start3A_72, %dma_start3A_73] : memref<8x128xi32, #tpu.memory_space<vmem>> -> memref<1x128xi32, #tpu.memory_space<vmem>>
      %dma_start3A_75 = tpu.memref_squeeze %dma_start3A_74 : memref<1x128xi32, #tpu.memory_space<vmem>> -> memref<128xi32, #tpu.memory_space<vmem>>
      %dma_start3A_76 = arith.constant 0 : i32
      %dma_start3A_77 = arith.constant 0 : i32
      %dma_start3A_78 = tpu.memref_slice %arg2[%dma_start3A_76, %dma_start3A_77] : memref<10240x64xf32, #tpu.memory_space<hbm>> -> memref<10240x64xf32, #tpu.memory_space<hbm>>
      tpu.enqueue_indirect_dma source(%dma_start3A_78 : memref<10240x64xf32, #tpu.memory_space<hbm>>) target(%arg9 : memref<128x64xf32, #tpu.memory_space<vmem>>) offsets(%dma_start3A_75 : memref<128xi32, #tpu.memory_space<vmem>>) semaphore(%arg12 : memref<!tpu.dma_semaphore, #tpu.memory_space<semaphore_mem>>)
      %run_scoped3A_79 = arith.constant 3 : i32
      "tpu.region"() ({
        %run_scoped3A_133 = tpu.sem_alloc : memref<!tpu.dma_semaphore, #tpu.memory_space<semaphore_mem>>
        %dma_start3A_134 = arith.constant 0 : i32
        %dma_start3A_135 = tpu.memref_slice %arg8[%run_scoped3A_79, %dma_start3A_134] : memref<8x128xi32, #tpu.memory_space<vmem>> -> memref<1x128xi32, #tpu.memory_space<vmem>>
        %dma_start3A_136 = tpu.memref_squeeze %dma_start3A_135 : memref<1x128xi32, #tpu.memory_space<vmem>> -> memref<128xi32, #tpu.memory_space<vmem>>
        %dma_start3A_137 = arith.constant 0 : i32
        %dma_start3A_138 = arith.constant 0 : i32
        %dma_start3A_139 = tpu.memref_slice %arg11[%dma_start3A_137, %dma_start3A_138] : memref<10240x64xf32, #tpu.memory_space<vmem_shared>> -> memref<10240x64xf32, #tpu.memory_space<vmem_shared>>
        tpu.enqueue_indirect_dma source(%arg10 : memref<128x64xf32, #tpu.memory_space<vmem>>) target(%dma_start3A_139 : memref<10240x64xf32, #tpu.memory_space<vmem_shared>>) offsets(%dma_start3A_136 : memref<128xi32, #tpu.memory_space<vmem>>) semaphore(%run_scoped3A_133 : memref<!tpu.dma_semaphore, #tpu.memory_space<semaphore_mem>>) {add = true}
        %dma_wait3A_140 = arith.constant 0 : i32
        %dma_wait3A_141 = tpu.memref_slice %arg8[%run_scoped3A_79, %dma_wait3A_140] : memref<8x128xi32, #tpu.memory_space<vmem>> -> memref<1x128xi32, #tpu.memory_space<vmem>>
        %dma_wait3A_142 = tpu.memref_squeeze %dma_wait3A_141 : memref<1x128xi32, #tpu.memory_space<vmem>> -> memref<128xi32, #tpu.memory_space<vmem>>
        %dma_wait3A_143 = arith.constant 0 : i32
        %dma_wait3A_144 = arith.constant 0 : i32
        %dma_wait3A_145 = tpu.memref_slice %arg11[%dma_wait3A_143, %dma_wait3A_144] : memref<10240x64xf32, #tpu.memory_space<vmem_shared>> -> memref<10240x64xf32, #tpu.memory_space<vmem_shared>>
        tpu.wait_indirect_dma semaphore(%run_scoped3A_133 : memref<!tpu.dma_semaphore, #tpu.memory_space<semaphore_mem>>) src(%arg10 : memref<128x64xf32, #tpu.memory_space<vmem>>) dst(%dma_wait3A_145 : memref<10240x64xf32, #tpu.memory_space<vmem_shared>>)
        tpu.yield
      }) : () -> ()
      %dma_wait3A_80 = arith.constant 4 : i32
      %dma_wait3A_81 = arith.constant 0 : i32
      %dma_wait3A_82 = tpu.memref_slice %arg7[%dma_wait3A_80, %dma_wait3A_81] : memref<8x128xi32, #tpu.memory_space<vmem>> -> memref<1x128xi32, #tpu.memory_space<vmem>>
      %dma_wait3A_83 = tpu.memref_squeeze %dma_wait3A_82 : memref<1x128xi32, #tpu.memory_space<vmem>> -> memref<128xi32, #tpu.memory_space<vmem>>
      %dma_wait3A_84 = arith.constant 0 : i32
      %dma_wait3A_85 = arith.constant 0 : i32
      %dma_wait3A_86 = tpu.memref_slice %arg2[%dma_wait3A_84, %dma_wait3A_85] : memref<10240x64xf32, #tpu.memory_space<hbm>> -> memref<10240x64xf32, #tpu.memory_space<hbm>>
      tpu.wait_indirect_dma semaphore(%arg12 : memref<!tpu.dma_semaphore, #tpu.memory_space<semaphore_mem>>) src(%dma_wait3A_86 : memref<10240x64xf32, #tpu.memory_space<hbm>>) dst(%arg9 : memref<128x64xf32, #tpu.memory_space<vmem>>)
      %dma_start3A_87 = arith.constant 5 : i32
      %dma_start3A_88 = arith.constant 0 : i32
      %dma_start3A_89 = tpu.memref_slice %arg7[%dma_start3A_87, %dma_start3A_88] : memref<8x128xi32, #tpu.memory_space<vmem>> -> memref<1x128xi32, #tpu.memory_space<vmem>>
      %dma_start3A_90 = tpu.memref_squeeze %dma_start3A_89 : memref<1x128xi32, #tpu.memory_space<vmem>> -> memref<128xi32, #tpu.memory_space<vmem>>
      %dma_start3A_91 = arith.constant 0 : i32
      %dma_start3A_92 = arith.constant 0 : i32
      %dma_start3A_93 = tpu.memref_slice %arg2[%dma_start3A_91, %dma_start3A_92] : memref<10240x64xf32, #tpu.memory_space<hbm>> -> memref<10240x64xf32, #tpu.memory_space<hbm>>
      tpu.enqueue_indirect_dma source(%dma_start3A_93 : memref<10240x64xf32, #tpu.memory_space<hbm>>) target(%arg10 : memref<128x64xf32, #tpu.memory_space<vmem>>) offsets(%dma_start3A_90 : memref<128xi32, #tpu.memory_space<vmem>>) semaphore(%arg13 : memref<!tpu.dma_semaphore, #tpu.memory_space<semaphore_mem>>)
      %run_scoped3A_94 = arith.constant 4 : i32
      "tpu.region"() ({
        %run_scoped3A_133 = tpu.sem_alloc : memref<!tpu.dma_semaphore, #tpu.memory_space<semaphore_mem>>
        %dma_start3A_134 = arith.constant 0 : i32
        %dma_start3A_135 = tpu.memref_slice %arg8[%run_scoped3A_94, %dma_start3A_134] : memref<8x128xi32, #tpu.memory_space<vmem>> -> memref<1x128xi32, #tpu.memory_space<vmem>>
        %dma_start3A_136 = tpu.memref_squeeze %dma_start3A_135 : memref<1x128xi32, #tpu.memory_space<vmem>> -> memref<128xi32, #tpu.memory_space<vmem>>
        %dma_start3A_137 = arith.constant 0 : i32
        %dma_start3A_138 = arith.constant 0 : i32
        %dma_start3A_139 = tpu.memref_slice %arg11[%dma_start3A_137, %dma_start3A_138] : memref<10240x64xf32, #tpu.memory_space<vmem_shared>> -> memref<10240x64xf32, #tpu.memory_space<vmem_shared>>
        tpu.enqueue_indirect_dma source(%arg9 : memref<128x64xf32, #tpu.memory_space<vmem>>) target(%dma_start3A_139 : memref<10240x64xf32, #tpu.memory_space<vmem_shared>>) offsets(%dma_start3A_136 : memref<128xi32, #tpu.memory_space<vmem>>) semaphore(%run_scoped3A_133 : memref<!tpu.dma_semaphore, #tpu.memory_space<semaphore_mem>>) {add = true}
        %dma_wait3A_140 = arith.constant 0 : i32
        %dma_wait3A_141 = tpu.memref_slice %arg8[%run_scoped3A_94, %dma_wait3A_140] : memref<8x128xi32, #tpu.memory_space<vmem>> -> memref<1x128xi32, #tpu.memory_space<vmem>>
        %dma_wait3A_142 = tpu.memref_squeeze %dma_wait3A_141 : memref<1x128xi32, #tpu.memory_space<vmem>> -> memref<128xi32, #tpu.memory_space<vmem>>
        %dma_wait3A_143 = arith.constant 0 : i32
        %dma_wait3A_144 = arith.constant 0 : i32
        %dma_wait3A_145 = tpu.memref_slice %arg11[%dma_wait3A_143, %dma_wait3A_144] : memref<10240x64xf32, #tpu.memory_space<vmem_shared>> -> memref<10240x64xf32, #tpu.memory_space<vmem_shared>>
        tpu.wait_indirect_dma semaphore(%run_scoped3A_133 : memref<!tpu.dma_semaphore, #tpu.memory_space<semaphore_mem>>) src(%arg9 : memref<128x64xf32, #tpu.memory_space<vmem>>) dst(%dma_wait3A_145 : memref<10240x64xf32, #tpu.memory_space<vmem_shared>>)
        tpu.yield
      }) : () -> ()
      %dma_wait3A_95 = arith.constant 5 : i32
      %dma_wait3A_96 = arith.constant 0 : i32
      %dma_wait3A_97 = tpu.memref_slice %arg7[%dma_wait3A_95, %dma_wait3A_96] : memref<8x128xi32, #tpu.memory_space<vmem>> -> memref<1x128xi32, #tpu.memory_space<vmem>>
      %dma_wait3A_98 = tpu.memref_squeeze %dma_wait3A_97 : memref<1x128xi32, #tpu.memory_space<vmem>> -> memref<128xi32, #tpu.memory_space<vmem>>
      %dma_wait3A_99 = arith.constant 0 : i32
      %dma_wait3A_100 = arith.constant 0 : i32
      %dma_wait3A_101 = tpu.memref_slice %arg2[%dma_wait3A_99, %dma_wait3A_100] : memref<10240x64xf32, #tpu.memory_space<hbm>> -> memref<10240x64xf32, #tpu.memory_space<hbm>>
      tpu.wait_indirect_dma semaphore(%arg13 : memref<!tpu.dma_semaphore, #tpu.memory_space<semaphore_mem>>) src(%dma_wait3A_101 : memref<10240x64xf32, #tpu.memory_space<hbm>>) dst(%arg10 : memref<128x64xf32, #tpu.memory_space<vmem>>)
      %dma_start3A_102 = arith.constant 6 : i32
      %dma_start3A_103 = arith.constant 0 : i32
      %dma_start3A_104 = tpu.memref_slice %arg7[%dma_start3A_102, %dma_start3A_103] : memref<8x128xi32, #tpu.memory_space<vmem>> -> memref<1x128xi32, #tpu.memory_space<vmem>>
      %dma_start3A_105 = tpu.memref_squeeze %dma_start3A_104 : memref<1x128xi32, #tpu.memory_space<vmem>> -> memref<128xi32, #tpu.memory_space<vmem>>
      %dma_start3A_106 = arith.constant 0 : i32
      %dma_start3A_107 = arith.constant 0 : i32
      %dma_start3A_108 = tpu.memref_slice %arg2[%dma_start3A_106, %dma_start3A_107] : memref<10240x64xf32, #tpu.memory_space<hbm>> -> memref<10240x64xf32, #tpu.memory_space<hbm>>
      tpu.enqueue_indirect_dma source(%dma_start3A_108 : memref<10240x64xf32, #tpu.memory_space<hbm>>) target(%arg9 : memref<128x64xf32, #tpu.memory_space<vmem>>) offsets(%dma_start3A_105 : memref<128xi32, #tpu.memory_space<vmem>>) semaphore(%arg12 : memref<!tpu.dma_semaphore, #tpu.memory_space<semaphore_mem>>)
      %run_scoped3A_109 = arith.constant 5 : i32
      "tpu.region"() ({
        %run_scoped3A_133 = tpu.sem_alloc : memref<!tpu.dma_semaphore, #tpu.memory_space<semaphore_mem>>
        %dma_start3A_134 = arith.constant 0 : i32
        %dma_start3A_135 = tpu.memref_slice %arg8[%run_scoped3A_109, %dma_start3A_134] : memref<8x128xi32, #tpu.memory_space<vmem>> -> memref<1x128xi32, #tpu.memory_space<vmem>>
        %dma_start3A_136 = tpu.memref_squeeze %dma_start3A_135 : memref<1x128xi32, #tpu.memory_space<vmem>> -> memref<128xi32, #tpu.memory_space<vmem>>
        %dma_start3A_137 = arith.constant 0 : i32
        %dma_start3A_138 = arith.constant 0 : i32
        %dma_start3A_139 = tpu.memref_slice %arg11[%dma_start3A_137, %dma_start3A_138] : memref<10240x64xf32, #tpu.memory_space<vmem_shared>> -> memref<10240x64xf32, #tpu.memory_space<vmem_shared>>
        tpu.enqueue_indirect_dma source(%arg10 : memref<128x64xf32, #tpu.memory_space<vmem>>) target(%dma_start3A_139 : memref<10240x64xf32, #tpu.memory_space<vmem_shared>>) offsets(%dma_start3A_136 : memref<128xi32, #tpu.memory_space<vmem>>) semaphore(%run_scoped3A_133 : memref<!tpu.dma_semaphore, #tpu.memory_space<semaphore_mem>>) {add = true}
        %dma_wait3A_140 = arith.constant 0 : i32
        %dma_wait3A_141 = tpu.memref_slice %arg8[%run_scoped3A_109, %dma_wait3A_140] : memref<8x128xi32, #tpu.memory_space<vmem>> -> memref<1x128xi32, #tpu.memory_space<vmem>>
        %dma_wait3A_142 = tpu.memref_squeeze %dma_wait3A_141 : memref<1x128xi32, #tpu.memory_space<vmem>> -> memref<128xi32, #tpu.memory_space<vmem>>
        %dma_wait3A_143 = arith.constant 0 : i32
        %dma_wait3A_144 = arith.constant 0 : i32
        %dma_wait3A_145 = tpu.memref_slice %arg11[%dma_wait3A_143, %dma_wait3A_144] : memref<10240x64xf32, #tpu.memory_space<vmem_shared>> -> memref<10240x64xf32, #tpu.memory_space<vmem_shared>>
        tpu.wait_indirect_dma semaphore(%run_scoped3A_133 : memref<!tpu.dma_semaphore, #tpu.memory_space<semaphore_mem>>) src(%arg10 : memref<128x64xf32, #tpu.memory_space<vmem>>) dst(%dma_wait3A_145 : memref<10240x64xf32, #tpu.memory_space<vmem_shared>>)
        tpu.yield
      }) : () -> ()
      %dma_wait3A_110 = arith.constant 6 : i32
      %dma_wait3A_111 = arith.constant 0 : i32
      %dma_wait3A_112 = tpu.memref_slice %arg7[%dma_wait3A_110, %dma_wait3A_111] : memref<8x128xi32, #tpu.memory_space<vmem>> -> memref<1x128xi32, #tpu.memory_space<vmem>>
      %dma_wait3A_113 = tpu.memref_squeeze %dma_wait3A_112 : memref<1x128xi32, #tpu.memory_space<vmem>> -> memref<128xi32, #tpu.memory_space<vmem>>
      %dma_wait3A_114 = arith.constant 0 : i32
      %dma_wait3A_115 = arith.constant 0 : i32
      %dma_wait3A_116 = tpu.memref_slice %arg2[%dma_wait3A_114, %dma_wait3A_115] : memref<10240x64xf32, #tpu.memory_space<hbm>> -> memref<10240x64xf32, #tpu.memory_space<hbm>>
      tpu.wait_indirect_dma semaphore(%arg12 : memref<!tpu.dma_semaphore, #tpu.memory_space<semaphore_mem>>) src(%dma_wait3A_116 : memref<10240x64xf32, #tpu.memory_space<hbm>>) dst(%arg9 : memref<128x64xf32, #tpu.memory_space<vmem>>)
      %dma_start3A_117 = arith.constant 7 : i32
      %dma_start3A_118 = arith.constant 0 : i32
      %dma_start3A_119 = tpu.memref_slice %arg7[%dma_start3A_117, %dma_start3A_118] : memref<8x128xi32, #tpu.memory_space<vmem>> -> memref<1x128xi32, #tpu.memory_space<vmem>>
      %dma_start3A_120 = tpu.memref_squeeze %dma_start3A_119 : memref<1x128xi32, #tpu.memory_space<vmem>> -> memref<128xi32, #tpu.memory_space<vmem>>
      %dma_start3A_121 = arith.constant 0 : i32
      %dma_start3A_122 = arith.constant 0 : i32
      %dma_start3A_123 = tpu.memref_slice %arg2[%dma_start3A_121, %dma_start3A_122] : memref<10240x64xf32, #tpu.memory_space<hbm>> -> memref<10240x64xf32, #tpu.memory_space<hbm>>
      tpu.enqueue_indirect_dma source(%dma_start3A_123 : memref<10240x64xf32, #tpu.memory_space<hbm>>) target(%arg10 : memref<128x64xf32, #tpu.memory_space<vmem>>) offsets(%dma_start3A_120 : memref<128xi32, #tpu.memory_space<vmem>>) semaphore(%arg13 : memref<!tpu.dma_semaphore, #tpu.memory_space<semaphore_mem>>)
      %run_scoped3A_124 = arith.constant 6 : i32
      "tpu.region"() ({
        %run_scoped3A_133 = tpu.sem_alloc : memref<!tpu.dma_semaphore, #tpu.memory_space<semaphore_mem>>
        %dma_start3A_134 = arith.constant 0 : i32
        %dma_start3A_135 = tpu.memref_slice %arg8[%run_scoped3A_124, %dma_start3A_134] : memref<8x128xi32, #tpu.memory_space<vmem>> -> memref<1x128xi32, #tpu.memory_space<vmem>>
        %dma_start3A_136 = tpu.memref_squeeze %dma_start3A_135 : memref<1x128xi32, #tpu.memory_space<vmem>> -> memref<128xi32, #tpu.memory_space<vmem>>
        %dma_start3A_137 = arith.constant 0 : i32
        %dma_start3A_138 = arith.constant 0 : i32
        %dma_start3A_139 = tpu.memref_slice %arg11[%dma_start3A_137, %dma_start3A_138] : memref<10240x64xf32, #tpu.memory_space<vmem_shared>> -> memref<10240x64xf32, #tpu.memory_space<vmem_shared>>
        tpu.enqueue_indirect_dma source(%arg9 : memref<128x64xf32, #tpu.memory_space<vmem>>) target(%dma_start3A_139 : memref<10240x64xf32, #tpu.memory_space<vmem_shared>>) offsets(%dma_start3A_136 : memref<128xi32, #tpu.memory_space<vmem>>) semaphore(%run_scoped3A_133 : memref<!tpu.dma_semaphore, #tpu.memory_space<semaphore_mem>>) {add = true}
        %dma_wait3A_140 = arith.constant 0 : i32
        %dma_wait3A_141 = tpu.memref_slice %arg8[%run_scoped3A_124, %dma_wait3A_140] : memref<8x128xi32, #tpu.memory_space<vmem>> -> memref<1x128xi32, #tpu.memory_space<vmem>>
        %dma_wait3A_142 = tpu.memref_squeeze %dma_wait3A_141 : memref<1x128xi32, #tpu.memory_space<vmem>> -> memref<128xi32, #tpu.memory_space<vmem>>
        %dma_wait3A_143 = arith.constant 0 : i32
        %dma_wait3A_144 = arith.constant 0 : i32
        %dma_wait3A_145 = tpu.memref_slice %arg11[%dma_wait3A_143, %dma_wait3A_144] : memref<10240x64xf32, #tpu.memory_space<vmem_shared>> -> memref<10240x64xf32, #tpu.memory_space<vmem_shared>>
        tpu.wait_indirect_dma semaphore(%run_scoped3A_133 : memref<!tpu.dma_semaphore, #tpu.memory_space<semaphore_mem>>) src(%arg9 : memref<128x64xf32, #tpu.memory_space<vmem>>) dst(%dma_wait3A_145 : memref<10240x64xf32, #tpu.memory_space<vmem_shared>>)
        tpu.yield
      }) : () -> ()
      %dma_wait3A_125 = arith.constant 7 : i32
      %dma_wait3A_126 = arith.constant 0 : i32
      %dma_wait3A_127 = tpu.memref_slice %arg7[%dma_wait3A_125, %dma_wait3A_126] : memref<8x128xi32, #tpu.memory_space<vmem>> -> memref<1x128xi32, #tpu.memory_space<vmem>>
      %dma_wait3A_128 = tpu.memref_squeeze %dma_wait3A_127 : memref<1x128xi32, #tpu.memory_space<vmem>> -> memref<128xi32, #tpu.memory_space<vmem>>
      %dma_wait3A_129 = arith.constant 0 : i32
      %dma_wait3A_130 = arith.constant 0 : i32
      %dma_wait3A_131 = tpu.memref_slice %arg2[%dma_wait3A_129, %dma_wait3A_130] : memref<10240x64xf32, #tpu.memory_space<hbm>> -> memref<10240x64xf32, #tpu.memory_space<hbm>>
      tpu.wait_indirect_dma semaphore(%arg13 : memref<!tpu.dma_semaphore, #tpu.memory_space<semaphore_mem>>) src(%dma_wait3A_131 : memref<10240x64xf32, #tpu.memory_space<hbm>>) dst(%arg10 : memref<128x64xf32, #tpu.memory_space<vmem>>)
      %run_scoped3A_132 = arith.constant 7 : i32
      "tpu.region"() ({
        %run_scoped3A_133 = tpu.sem_alloc : memref<!tpu.dma_semaphore, #tpu.memory_space<semaphore_mem>>
        %dma_start3A_134 = arith.constant 0 : i32
        %dma_start3A_135 = tpu.memref_slice %arg8[%run_scoped3A_132, %dma_start3A_134] : memref<8x128xi32, #tpu.memory_space<vmem>> -> memref<1x128xi32, #tpu.memory_space<vmem>>
        %dma_start3A_136 = tpu.memref_squeeze %dma_start3A_135 : memref<1x128xi32, #tpu.memory_space<vmem>> -> memref<128xi32, #tpu.memory_space<vmem>>
        %dma_start3A_137 = arith.constant 0 : i32
        %dma_start3A_138 = arith.constant 0 : i32
        %dma_start3A_139 = tpu.memref_slice %arg11[%dma_start3A_137, %dma_start3A_138] : memref<10240x64xf32, #tpu.memory_space<vmem_shared>> -> memref<10240x64xf32, #tpu.memory_space<vmem_shared>>
        tpu.enqueue_indirect_dma source(%arg10 : memref<128x64xf32, #tpu.memory_space<vmem>>) target(%dma_start3A_139 : memref<10240x64xf32, #tpu.memory_space<vmem_shared>>) offsets(%dma_start3A_136 : memref<128xi32, #tpu.memory_space<vmem>>) semaphore(%run_scoped3A_133 : memref<!tpu.dma_semaphore, #tpu.memory_space<semaphore_mem>>) {add = true}
        %dma_wait3A_140 = arith.constant 0 : i32
        %dma_wait3A_141 = tpu.memref_slice %arg8[%run_scoped3A_132, %dma_wait3A_140] : memref<8x128xi32, #tpu.memory_space<vmem>> -> memref<1x128xi32, #tpu.memory_space<vmem>>
        %dma_wait3A_142 = tpu.memref_squeeze %dma_wait3A_141 : memref<1x128xi32, #tpu.memory_space<vmem>> -> memref<128xi32, #tpu.memory_space<vmem>>
        %dma_wait3A_143 = arith.constant 0 : i32
        %dma_wait3A_144 = arith.constant 0 : i32
        %dma_wait3A_145 = tpu.memref_slice %arg11[%dma_wait3A_143, %dma_wait3A_144] : memref<10240x64xf32, #tpu.memory_space<vmem_shared>> -> memref<10240x64xf32, #tpu.memory_space<vmem_shared>>
        tpu.wait_indirect_dma semaphore(%run_scoped3A_133 : memref<!tpu.dma_semaphore, #tpu.memory_space<semaphore_mem>>) src(%arg10 : memref<128x64xf32, #tpu.memory_space<vmem>>) dst(%dma_wait3A_145 : memref<10240x64xf32, #tpu.memory_space<vmem_shared>>)
        tpu.yield
      }) : () -> ()
    }
    %scan3A_7 = arith.constant 10 : i32
    %barrier3A_8 = arith.constant 0 : index
    tpu.barrier barrier_id(%barrier3A_8)
    "tpu.region"() ({
      %run_scoped3A = tpu.sem_alloc : memref<!tpu.dma_semaphore, #tpu.memory_space<semaphore_mem>>
      %dma_start3A = arith.constant 0 : i32
      %dma_start3A_9 = tpu.memref_slice %arg6[%arg0, %mul3A_2, %dma_start3A] : memref<2x10240x64xf32, #tpu.memory_space<hbm>> -> memref<1x640x64xf32, #tpu.memory_space<hbm>>
      %dma_start3A_10 = tpu.memref_squeeze %dma_start3A_9 : memref<1x640x64xf32, #tpu.memory_space<hbm>> -> memref<640x64xf32, #tpu.memory_space<hbm>>
      %dma_start3A_11 = arith.constant 0 : i32
      %dma_start3A_12 = tpu.memref_slice %arg11[%mul3A_2, %dma_start3A_11] : memref<10240x64xf32, #tpu.memory_space<vmem_shared>> -> memref<640x64xf32, #tpu.memory_space<vmem_shared>>
      tpu.enqueue_dma source(%dma_start3A_12 : memref<640x64xf32, #tpu.memory_space<vmem_shared>>) target(%dma_start3A_10 : memref<640x64xf32, #tpu.memory_space<hbm>>) target_semaphore(%run_scoped3A : memref<!tpu.dma_semaphore, #tpu.memory_space<semaphore_mem>>)
      %dma_wait3A = arith.constant 0 : i32
      %dma_wait3A_13 = tpu.memref_slice %arg6[%arg0, %mul3A_2, %dma_wait3A] : memref<2x10240x64xf32, #tpu.memory_space<hbm>> -> memref<1x640x64xf32, #tpu.memory_space<hbm>>
      %dma_wait3A_14 = tpu.memref_squeeze %dma_wait3A_13 : memref<1x640x64xf32, #tpu.memory_space<hbm>> -> memref<640x64xf32, #tpu.memory_space<hbm>>
      %dma_wait3A_15 = arith.constant 0 : i32
      %dma_wait3A_16 = tpu.memref_slice %arg11[%mul3A_2, %dma_wait3A_15] : memref<10240x64xf32, #tpu.memory_space<vmem_shared>> -> memref<640x64xf32, #tpu.memory_space<vmem_shared>>
      tpu.wait_dma2 semaphore(%run_scoped3A : memref<!tpu.dma_semaphore, #tpu.memory_space<semaphore_mem>>) src(%dma_wait3A_16 : memref<640x64xf32, #tpu.memory_space<vmem_shared>>) dst(%dma_wait3A_14 : memref<640x64xf32, #tpu.memory_space<hbm>>)
      tpu.yield
    }) : () -> ()
    return
  }
}

#map = affine_map<(d0, d1) -> (0, 0)>
#map1 = affine_map<(d0, d1) -> (0, 0, 0)>
module attributes {stable_mosaic.version = 14 : i64} {
  func.func @body(%arg0: i32, %arg1: i32, %arg2: memref<10240x128xbf16, #tpu.memory_space<hbm>>, %arg3: memref<320x8x128xi32, #tpu.memory_space<hbm>>, %arg4: memref<320x8x128xi32, #tpu.memory_space<hbm>>, %arg5: memref<640x128xbf16, #tpu.memory_space<hbm>>, %arg6: memref<2x10240x128xbf16, #tpu.memory_space<hbm>>, %arg7: memref<8x128xi32, #tpu.memory_space<vmem>>, %arg8: memref<8x128xi32, #tpu.memory_space<vmem>>, %arg9: memref<128x128xbf16, #tpu.memory_space<vmem>>, %arg10: memref<128x128xbf16, #tpu.memory_space<vmem>>, %arg11: memref<10240x128xbf16, #tpu.memory_space<vmem_shared>>, %arg12: memref<!tpu.dma_semaphore, #tpu.memory_space<semaphore_mem>>, %arg13: memref<!tpu.dma_semaphore, #tpu.memory_space<semaphore_mem>>) attributes {dimension_semantics = [#tpu.dimension_semantics<core_parallel>, #tpu.dimension_semantics<subcore_parallel>], iteration_bounds = array<i64: 2, 16>, scalar_prefetch = 0 : i64, scratch_operands = 7 : i64, tpu.core_type = #tpu.core_type<sc_vector_subcore>, window_params = [{transform_indices = #map}, {transform_indices = #map1}, {transform_indices = #map1}, {transform_indices = #map}, {transform_indices = #map1}]} {
    %mul3A = arith.constant 16 : i32
    %mul3A_0 = arith.muli %arg0, %mul3A : i32
    %add3A = arith.addi %mul3A_0, %arg1 : i32
    %mul3A_1 = arith.constant 640 : i32
    %mul3A_2 = arith.muli %arg1, %mul3A_1 : i32
    "tpu.region"() ({
      %run_scoped3A = tpu.sem_alloc : memref<!tpu.dma_semaphore, #tpu.memory_space<semaphore_mem>>
      %dma_start3A = arith.constant 0 : i32
      %dma_start3A_9 = tpu.memref_slice %arg11[%mul3A_2, %dma_start3A] : memref<10240x128xbf16, #tpu.memory_space<vmem_shared>> -> memref<640x128xbf16, #tpu.memory_space<vmem_shared>>
      tpu.enqueue_dma source(%arg5 : memref<640x128xbf16, #tpu.memory_space<hbm>>) target(%dma_start3A_9 : memref<640x128xbf16, #tpu.memory_space<vmem_shared>>) target_semaphore(%run_scoped3A : memref<!tpu.dma_semaphore, #tpu.memory_space<semaphore_mem>>)
      %dma_wait3A = arith.constant 0 : i32
      %dma_wait3A_10 = tpu.memref_slice %arg11[%mul3A_2, %dma_wait3A] : memref<10240x128xbf16, #tpu.memory_space<vmem_shared>> -> memref<640x128xbf16, #tpu.memory_space<vmem_shared>>
      tpu.wait_dma2 semaphore(%run_scoped3A : memref<!tpu.dma_semaphore, #tpu.memory_space<semaphore_mem>>) src(%arg5 : memref<640x128xbf16, #tpu.memory_space<hbm>>) dst(%dma_wait3A_10 : memref<640x128xbf16, #tpu.memory_space<vmem_shared>>)
      tpu.yield
    }) : () -> ()
    %barrier3A = arith.constant 0 : index
    tpu.barrier barrier_id(%barrier3A)
    %scan3A = arith.constant 0 : i32
    %scan3A_3 = arith.constant 0 : i32
    %scan3A_4 = arith.constant 10 : i32
    %scan3A_5 = arith.addi %scan3A_3, %scan3A_4 : i32
    %scan3A_6 = arith.constant 1 : i32
    scf.for %scan3A_9 = %scan3A_3 to %scan3A_5 step %scan3A_6  : i32 {
      %mul3A_10 = arith.constant 10 : i32
      %mul3A_11 = arith.muli %add3A, %mul3A_10 : i32
      %add3A_12 = arith.addi %mul3A_11, %scan3A_9 : i32
      "tpu.region"() ({
        %run_scoped3A_133 = tpu.sem_alloc : memref<!tpu.dma_semaphore, #tpu.memory_space<semaphore_mem>>
        %dma_start3A_134 = arith.constant 0 : i32
        %dma_start3A_135 = arith.constant 0 : i32
        %dma_start3A_136 = tpu.memref_slice %arg3[%add3A_12, %dma_start3A_134, %dma_start3A_135] : memref<320x8x128xi32, #tpu.memory_space<hbm>> -> memref<1x8x128xi32, #tpu.memory_space<hbm>>
        %dma_start3A_137 = tpu.memref_squeeze %dma_start3A_136 : memref<1x8x128xi32, #tpu.memory_space<hbm>> -> memref<8x128xi32, #tpu.memory_space<hbm>>
        %dma_start3A_138 = arith.constant 0 : i32
        %dma_start3A_139 = arith.constant 0 : i32
        %dma_start3A_140 = tpu.memref_slice %arg3[%add3A_12, %dma_start3A_138, %dma_start3A_139] : memref<320x8x128xi32, #tpu.memory_space<hbm>> -> memref<1x8x128xi32, #tpu.memory_space<hbm>>
        %dma_start3A_141 = tpu.memref_squeeze %dma_start3A_140 : memref<1x8x128xi32, #tpu.memory_space<hbm>> -> memref<8x128xi32, #tpu.memory_space<hbm>>
        tpu.enqueue_dma source(%dma_start3A_141 : memref<8x128xi32, #tpu.memory_space<hbm>>) target(%arg7 : memref<8x128xi32, #tpu.memory_space<vmem>>) target_semaphore(%run_scoped3A_133 : memref<!tpu.dma_semaphore, #tpu.memory_space<semaphore_mem>>)
        %dma_wait3A_142 = arith.constant 0 : i32
        %dma_wait3A_143 = arith.constant 0 : i32
        %dma_wait3A_144 = tpu.memref_slice %arg3[%add3A_12, %dma_wait3A_142, %dma_wait3A_143] : memref<320x8x128xi32, #tpu.memory_space<hbm>> -> memref<1x8x128xi32, #tpu.memory_space<hbm>>
        %dma_wait3A_145 = tpu.memref_squeeze %dma_wait3A_144 : memref<1x8x128xi32, #tpu.memory_space<hbm>> -> memref<8x128xi32, #tpu.memory_space<hbm>>
        %dma_wait3A_146 = arith.constant 0 : i32
        %dma_wait3A_147 = arith.constant 0 : i32
        %dma_wait3A_148 = tpu.memref_slice %arg3[%add3A_12, %dma_wait3A_146, %dma_wait3A_147] : memref<320x8x128xi32, #tpu.memory_space<hbm>> -> memref<1x8x128xi32, #tpu.memory_space<hbm>>
        %dma_wait3A_149 = tpu.memref_squeeze %dma_wait3A_148 : memref<1x8x128xi32, #tpu.memory_space<hbm>> -> memref<8x128xi32, #tpu.memory_space<hbm>>
        tpu.wait_dma2 semaphore(%run_scoped3A_133 : memref<!tpu.dma_semaphore, #tpu.memory_space<semaphore_mem>>) src(%dma_wait3A_149 : memref<8x128xi32, #tpu.memory_space<hbm>>) dst(%arg7 : memref<8x128xi32, #tpu.memory_space<vmem>>)
        tpu.yield
      }) : () -> ()
      %mul3A_13 = arith.constant 10 : i32
      %mul3A_14 = arith.muli %add3A, %mul3A_13 : i32
      %add3A_15 = arith.addi %mul3A_14, %scan3A_9 : i32
      "tpu.region"() ({
        %run_scoped3A_133 = tpu.sem_alloc : memref<!tpu.dma_semaphore, #tpu.memory_space<semaphore_mem>>
        %dma_start3A_134 = arith.constant 0 : i32
        %dma_start3A_135 = arith.constant 0 : i32
        %dma_start3A_136 = tpu.memref_slice %arg4[%add3A_15, %dma_start3A_134, %dma_start3A_135] : memref<320x8x128xi32, #tpu.memory_space<hbm>> -> memref<1x8x128xi32, #tpu.memory_space<hbm>>
        %dma_start3A_137 = tpu.memref_squeeze %dma_start3A_136 : memref<1x8x128xi32, #tpu.memory_space<hbm>> -> memref<8x128xi32, #tpu.memory_space<hbm>>
        %dma_start3A_138 = arith.constant 0 : i32
        %dma_start3A_139 = arith.constant 0 : i32
        %dma_start3A_140 = tpu.memref_slice %arg4[%add3A_15, %dma_start3A_138, %dma_start3A_139] : memref<320x8x128xi32, #tpu.memory_space<hbm>> -> memref<1x8x128xi32, #tpu.memory_space<hbm>>
        %dma_start3A_141 = tpu.memref_squeeze %dma_start3A_140 : memref<1x8x128xi32, #tpu.memory_space<hbm>> -> memref<8x128xi32, #tpu.memory_space<hbm>>
        tpu.enqueue_dma source(%dma_start3A_141 : memref<8x128xi32, #tpu.memory_space<hbm>>) target(%arg8 : memref<8x128xi32, #tpu.memory_space<vmem>>) target_semaphore(%run_scoped3A_133 : memref<!tpu.dma_semaphore, #tpu.memory_space<semaphore_mem>>)
        %dma_wait3A_142 = arith.constant 0 : i32
        %dma_wait3A_143 = arith.constant 0 : i32
        %dma_wait3A_144 = tpu.memref_slice %arg4[%add3A_15, %dma_wait3A_142, %dma_wait3A_143] : memref<320x8x128xi32, #tpu.memory_space<hbm>> -> memref<1x8x128xi32, #tpu.memory_space<hbm>>
        %dma_wait3A_145 = tpu.memref_squeeze %dma_wait3A_144 : memref<1x8x128xi32, #tpu.memory_space<hbm>> -> memref<8x128xi32, #tpu.memory_space<hbm>>
        %dma_wait3A_146 = arith.constant 0 : i32
        %dma_wait3A_147 = arith.constant 0 : i32
        %dma_wait3A_148 = tpu.memref_slice %arg4[%add3A_15, %dma_wait3A_146, %dma_wait3A_147] : memref<320x8x128xi32, #tpu.memory_space<hbm>> -> memref<1x8x128xi32, #tpu.memory_space<hbm>>
        %dma_wait3A_149 = tpu.memref_squeeze %dma_wait3A_148 : memref<1x8x128xi32, #tpu.memory_space<hbm>> -> memref<8x128xi32, #tpu.memory_space<hbm>>
        tpu.wait_dma2 semaphore(%run_scoped3A_133 : memref<!tpu.dma_semaphore, #tpu.memory_space<semaphore_mem>>) src(%dma_wait3A_149 : memref<8x128xi32, #tpu.memory_space<hbm>>) dst(%arg8 : memref<8x128xi32, #tpu.memory_space<vmem>>)
        tpu.yield
      }) : () -> ()
      %dma_start3A = arith.constant 0 : i32
      %dma_start3A_16 = arith.constant 0 : i32
      %dma_start3A_17 = tpu.memref_slice %arg7[%dma_start3A, %dma_start3A_16] : memref<8x128xi32, #tpu.memory_space<vmem>> -> memref<1x128xi32, #tpu.memory_space<vmem>>
      %dma_start3A_18 = tpu.memref_squeeze %dma_start3A_17 : memref<1x128xi32, #tpu.memory_space<vmem>> -> memref<128xi32, #tpu.memory_space<vmem>>
      %dma_start3A_19 = arith.constant 0 : i32
      %dma_start3A_20 = arith.constant 0 : i32
      %dma_start3A_21 = tpu.memref_slice %arg2[%dma_start3A_19, %dma_start3A_20] : memref<10240x128xbf16, #tpu.memory_space<hbm>> -> memref<10240x128xbf16, #tpu.memory_space<hbm>>
      tpu.enqueue_indirect_dma source(%dma_start3A_21 : memref<10240x128xbf16, #tpu.memory_space<hbm>>) target(%arg9 : memref<128x128xbf16, #tpu.memory_space<vmem>>) offsets(%dma_start3A_18 : memref<128xi32, #tpu.memory_space<vmem>>) semaphore(%arg12 : memref<!tpu.dma_semaphore, #tpu.memory_space<semaphore_mem>>)
      %dma_wait3A = arith.constant 0 : i32
      %dma_wait3A_22 = arith.constant 0 : i32
      %dma_wait3A_23 = tpu.memref_slice %arg7[%dma_wait3A, %dma_wait3A_22] : memref<8x128xi32, #tpu.memory_space<vmem>> -> memref<1x128xi32, #tpu.memory_space<vmem>>
      %dma_wait3A_24 = tpu.memref_squeeze %dma_wait3A_23 : memref<1x128xi32, #tpu.memory_space<vmem>> -> memref<128xi32, #tpu.memory_space<vmem>>
      %dma_wait3A_25 = arith.constant 0 : i32
      %dma_wait3A_26 = arith.constant 0 : i32
      %dma_wait3A_27 = tpu.memref_slice %arg2[%dma_wait3A_25, %dma_wait3A_26] : memref<10240x128xbf16, #tpu.memory_space<hbm>> -> memref<10240x128xbf16, #tpu.memory_space<hbm>>
      tpu.wait_indirect_dma semaphore(%arg12 : memref<!tpu.dma_semaphore, #tpu.memory_space<semaphore_mem>>) src(%dma_wait3A_27 : memref<10240x128xbf16, #tpu.memory_space<hbm>>) dst(%arg9 : memref<128x128xbf16, #tpu.memory_space<vmem>>)
      %dma_start3A_28 = arith.constant 1 : i32
      %dma_start3A_29 = arith.constant 0 : i32
      %dma_start3A_30 = tpu.memref_slice %arg7[%dma_start3A_28, %dma_start3A_29] : memref<8x128xi32, #tpu.memory_space<vmem>> -> memref<1x128xi32, #tpu.memory_space<vmem>>
      %dma_start3A_31 = tpu.memref_squeeze %dma_start3A_30 : memref<1x128xi32, #tpu.memory_space<vmem>> -> memref<128xi32, #tpu.memory_space<vmem>>
      %dma_start3A_32 = arith.constant 0 : i32
      %dma_start3A_33 = arith.constant 0 : i32
      %dma_start3A_34 = tpu.memref_slice %arg2[%dma_start3A_32, %dma_start3A_33] : memref<10240x128xbf16, #tpu.memory_space<hbm>> -> memref<10240x128xbf16, #tpu.memory_space<hbm>>
      tpu.enqueue_indirect_dma source(%dma_start3A_34 : memref<10240x128xbf16, #tpu.memory_space<hbm>>) target(%arg10 : memref<128x128xbf16, #tpu.memory_space<vmem>>) offsets(%dma_start3A_31 : memref<128xi32, #tpu.memory_space<vmem>>) semaphore(%arg13 : memref<!tpu.dma_semaphore, #tpu.memory_space<semaphore_mem>>)
      %run_scoped3A = arith.constant 0 : i32
      "tpu.region"() ({
        %run_scoped3A_133 = tpu.sem_alloc : memref<!tpu.dma_semaphore, #tpu.memory_space<semaphore_mem>>
        %dma_start3A_134 = arith.constant 0 : i32
        %dma_start3A_135 = tpu.memref_slice %arg8[%run_scoped3A, %dma_start3A_134] : memref<8x128xi32, #tpu.memory_space<vmem>> -> memref<1x128xi32, #tpu.memory_space<vmem>>
        %dma_start3A_136 = tpu.memref_squeeze %dma_start3A_135 : memref<1x128xi32, #tpu.memory_space<vmem>> -> memref<128xi32, #tpu.memory_space<vmem>>
        %dma_start3A_137 = arith.constant 0 : i32
        %dma_start3A_138 = arith.constant 0 : i32
        %dma_start3A_139 = tpu.memref_slice %arg11[%dma_start3A_137, %dma_start3A_138] : memref<10240x128xbf16, #tpu.memory_space<vmem_shared>> -> memref<10240x128xbf16, #tpu.memory_space<vmem_shared>>
        tpu.enqueue_indirect_dma source(%arg9 : memref<128x128xbf16, #tpu.memory_space<vmem>>) target(%dma_start3A_139 : memref<10240x128xbf16, #tpu.memory_space<vmem_shared>>) offsets(%dma_start3A_136 : memref<128xi32, #tpu.memory_space<vmem>>) semaphore(%run_scoped3A_133 : memref<!tpu.dma_semaphore, #tpu.memory_space<semaphore_mem>>) {add = true}
        %dma_wait3A_140 = arith.constant 0 : i32
        %dma_wait3A_141 = tpu.memref_slice %arg8[%run_scoped3A, %dma_wait3A_140] : memref<8x128xi32, #tpu.memory_space<vmem>> -> memref<1x128xi32, #tpu.memory_space<vmem>>
        %dma_wait3A_142 = tpu.memref_squeeze %dma_wait3A_141 : memref<1x128xi32, #tpu.memory_space<vmem>> -> memref<128xi32, #tpu.memory_space<vmem>>
        %dma_wait3A_143 = arith.constant 0 : i32
        %dma_wait3A_144 = arith.constant 0 : i32
        %dma_wait3A_145 = tpu.memref_slice %arg11[%dma_wait3A_143, %dma_wait3A_144] : memref<10240x128xbf16, #tpu.memory_space<vmem_shared>> -> memref<10240x128xbf16, #tpu.memory_space<vmem_shared>>
        tpu.wait_indirect_dma semaphore(%run_scoped3A_133 : memref<!tpu.dma_semaphore, #tpu.memory_space<semaphore_mem>>) src(%arg9 : memref<128x128xbf16, #tpu.memory_space<vmem>>) dst(%dma_wait3A_145 : memref<10240x128xbf16, #tpu.memory_space<vmem_shared>>)
        tpu.yield
      }) : () -> ()
      %dma_wait3A_35 = arith.constant 1 : i32
      %dma_wait3A_36 = arith.constant 0 : i32
      %dma_wait3A_37 = tpu.memref_slice %arg7[%dma_wait3A_35, %dma_wait3A_36] : memref<8x128xi32, #tpu.memory_space<vmem>> -> memref<1x128xi32, #tpu.memory_space<vmem>>
      %dma_wait3A_38 = tpu.memref_squeeze %dma_wait3A_37 : memref<1x128xi32, #tpu.memory_space<vmem>> -> memref<128xi32, #tpu.memory_space<vmem>>
      %dma_wait3A_39 = arith.constant 0 : i32
      %dma_wait3A_40 = arith.constant 0 : i32
      %dma_wait3A_41 = tpu.memref_slice %arg2[%dma_wait3A_39, %dma_wait3A_40] : memref<10240x128xbf16, #tpu.memory_space<hbm>> -> memref<10240x128xbf16, #tpu.memory_space<hbm>>
      tpu.wait_indirect_dma semaphore(%arg13 : memref<!tpu.dma_semaphore, #tpu.memory_space<semaphore_mem>>) src(%dma_wait3A_41 : memref<10240x128xbf16, #tpu.memory_space<hbm>>) dst(%arg10 : memref<128x128xbf16, #tpu.memory_space<vmem>>)
      %dma_start3A_42 = arith.constant 2 : i32
      %dma_start3A_43 = arith.constant 0 : i32
      %dma_start3A_44 = tpu.memref_slice %arg7[%dma_start3A_42, %dma_start3A_43] : memref<8x128xi32, #tpu.memory_space<vmem>> -> memref<1x128xi32, #tpu.memory_space<vmem>>
      %dma_start3A_45 = tpu.memref_squeeze %dma_start3A_44 : memref<1x128xi32, #tpu.memory_space<vmem>> -> memref<128xi32, #tpu.memory_space<vmem>>
      %dma_start3A_46 = arith.constant 0 : i32
      %dma_start3A_47 = arith.constant 0 : i32
      %dma_start3A_48 = tpu.memref_slice %arg2[%dma_start3A_46, %dma_start3A_47] : memref<10240x128xbf16, #tpu.memory_space<hbm>> -> memref<10240x128xbf16, #tpu.memory_space<hbm>>
      tpu.enqueue_indirect_dma source(%dma_start3A_48 : memref<10240x128xbf16, #tpu.memory_space<hbm>>) target(%arg9 : memref<128x128xbf16, #tpu.memory_space<vmem>>) offsets(%dma_start3A_45 : memref<128xi32, #tpu.memory_space<vmem>>) semaphore(%arg12 : memref<!tpu.dma_semaphore, #tpu.memory_space<semaphore_mem>>)
      %run_scoped3A_49 = arith.constant 1 : i32
      "tpu.region"() ({
        %run_scoped3A_133 = tpu.sem_alloc : memref<!tpu.dma_semaphore, #tpu.memory_space<semaphore_mem>>
        %dma_start3A_134 = arith.constant 0 : i32
        %dma_start3A_135 = tpu.memref_slice %arg8[%run_scoped3A_49, %dma_start3A_134] : memref<8x128xi32, #tpu.memory_space<vmem>> -> memref<1x128xi32, #tpu.memory_space<vmem>>
        %dma_start3A_136 = tpu.memref_squeeze %dma_start3A_135 : memref<1x128xi32, #tpu.memory_space<vmem>> -> memref<128xi32, #tpu.memory_space<vmem>>
        %dma_start3A_137 = arith.constant 0 : i32
        %dma_start3A_138 = arith.constant 0 : i32
        %dma_start3A_139 = tpu.memref_slice %arg11[%dma_start3A_137, %dma_start3A_138] : memref<10240x128xbf16, #tpu.memory_space<vmem_shared>> -> memref<10240x128xbf16, #tpu.memory_space<vmem_shared>>
        tpu.enqueue_indirect_dma source(%arg10 : memref<128x128xbf16, #tpu.memory_space<vmem>>) target(%dma_start3A_139 : memref<10240x128xbf16, #tpu.memory_space<vmem_shared>>) offsets(%dma_start3A_136 : memref<128xi32, #tpu.memory_space<vmem>>) semaphore(%run_scoped3A_133 : memref<!tpu.dma_semaphore, #tpu.memory_space<semaphore_mem>>) {add = true}
        %dma_wait3A_140 = arith.constant 0 : i32
        %dma_wait3A_141 = tpu.memref_slice %arg8[%run_scoped3A_49, %dma_wait3A_140] : memref<8x128xi32, #tpu.memory_space<vmem>> -> memref<1x128xi32, #tpu.memory_space<vmem>>
        %dma_wait3A_142 = tpu.memref_squeeze %dma_wait3A_141 : memref<1x128xi32, #tpu.memory_space<vmem>> -> memref<128xi32, #tpu.memory_space<vmem>>
        %dma_wait3A_143 = arith.constant 0 : i32
        %dma_wait3A_144 = arith.constant 0 : i32
        %dma_wait3A_145 = tpu.memref_slice %arg11[%dma_wait3A_143, %dma_wait3A_144] : memref<10240x128xbf16, #tpu.memory_space<vmem_shared>> -> memref<10240x128xbf16, #tpu.memory_space<vmem_shared>>
        tpu.wait_indirect_dma semaphore(%run_scoped3A_133 : memref<!tpu.dma_semaphore, #tpu.memory_space<semaphore_mem>>) src(%arg10 : memref<128x128xbf16, #tpu.memory_space<vmem>>) dst(%dma_wait3A_145 : memref<10240x128xbf16, #tpu.memory_space<vmem_shared>>)
        tpu.yield
      }) : () -> ()
      %dma_wait3A_50 = arith.constant 2 : i32
      %dma_wait3A_51 = arith.constant 0 : i32
      %dma_wait3A_52 = tpu.memref_slice %arg7[%dma_wait3A_50, %dma_wait3A_51] : memref<8x128xi32, #tpu.memory_space<vmem>> -> memref<1x128xi32, #tpu.memory_space<vmem>>
      %dma_wait3A_53 = tpu.memref_squeeze %dma_wait3A_52 : memref<1x128xi32, #tpu.memory_space<vmem>> -> memref<128xi32, #tpu.memory_space<vmem>>
      %dma_wait3A_54 = arith.constant 0 : i32
      %dma_wait3A_55 = arith.constant 0 : i32
      %dma_wait3A_56 = tpu.memref_slice %arg2[%dma_wait3A_54, %dma_wait3A_55] : memref<10240x128xbf16, #tpu.memory_space<hbm>> -> memref<10240x128xbf16, #tpu.memory_space<hbm>>
      tpu.wait_indirect_dma semaphore(%arg12 : memref<!tpu.dma_semaphore, #tpu.memory_space<semaphore_mem>>) src(%dma_wait3A_56 : memref<10240x128xbf16, #tpu.memory_space<hbm>>) dst(%arg9 : memref<128x128xbf16, #tpu.memory_space<vmem>>)
      %dma_start3A_57 = arith.constant 3 : i32
      %dma_start3A_58 = arith.constant 0 : i32
      %dma_start3A_59 = tpu.memref_slice %arg7[%dma_start3A_57, %dma_start3A_58] : memref<8x128xi32, #tpu.memory_space<vmem>> -> memref<1x128xi32, #tpu.memory_space<vmem>>
      %dma_start3A_60 = tpu.memref_squeeze %dma_start3A_59 : memref<1x128xi32, #tpu.memory_space<vmem>> -> memref<128xi32, #tpu.memory_space<vmem>>
      %dma_start3A_61 = arith.constant 0 : i32
      %dma_start3A_62 = arith.constant 0 : i32
      %dma_start3A_63 = tpu.memref_slice %arg2[%dma_start3A_61, %dma_start3A_62] : memref<10240x128xbf16, #tpu.memory_space<hbm>> -> memref<10240x128xbf16, #tpu.memory_space<hbm>>
      tpu.enqueue_indirect_dma source(%dma_start3A_63 : memref<10240x128xbf16, #tpu.memory_space<hbm>>) target(%arg10 : memref<128x128xbf16, #tpu.memory_space<vmem>>) offsets(%dma_start3A_60 : memref<128xi32, #tpu.memory_space<vmem>>) semaphore(%arg13 : memref<!tpu.dma_semaphore, #tpu.memory_space<semaphore_mem>>)
      %run_scoped3A_64 = arith.constant 2 : i32
      "tpu.region"() ({
        %run_scoped3A_133 = tpu.sem_alloc : memref<!tpu.dma_semaphore, #tpu.memory_space<semaphore_mem>>
        %dma_start3A_134 = arith.constant 0 : i32
        %dma_start3A_135 = tpu.memref_slice %arg8[%run_scoped3A_64, %dma_start3A_134] : memref<8x128xi32, #tpu.memory_space<vmem>> -> memref<1x128xi32, #tpu.memory_space<vmem>>
        %dma_start3A_136 = tpu.memref_squeeze %dma_start3A_135 : memref<1x128xi32, #tpu.memory_space<vmem>> -> memref<128xi32, #tpu.memory_space<vmem>>
        %dma_start3A_137 = arith.constant 0 : i32
        %dma_start3A_138 = arith.constant 0 : i32
        %dma_start3A_139 = tpu.memref_slice %arg11[%dma_start3A_137, %dma_start3A_138] : memref<10240x128xbf16, #tpu.memory_space<vmem_shared>> -> memref<10240x128xbf16, #tpu.memory_space<vmem_shared>>
        tpu.enqueue_indirect_dma source(%arg9 : memref<128x128xbf16, #tpu.memory_space<vmem>>) target(%dma_start3A_139 : memref<10240x128xbf16, #tpu.memory_space<vmem_shared>>) offsets(%dma_start3A_136 : memref<128xi32, #tpu.memory_space<vmem>>) semaphore(%run_scoped3A_133 : memref<!tpu.dma_semaphore, #tpu.memory_space<semaphore_mem>>) {add = true}
        %dma_wait3A_140 = arith.constant 0 : i32
        %dma_wait3A_141 = tpu.memref_slice %arg8[%run_scoped3A_64, %dma_wait3A_140] : memref<8x128xi32, #tpu.memory_space<vmem>> -> memref<1x128xi32, #tpu.memory_space<vmem>>
        %dma_wait3A_142 = tpu.memref_squeeze %dma_wait3A_141 : memref<1x128xi32, #tpu.memory_space<vmem>> -> memref<128xi32, #tpu.memory_space<vmem>>
        %dma_wait3A_143 = arith.constant 0 : i32
        %dma_wait3A_144 = arith.constant 0 : i32
        %dma_wait3A_145 = tpu.memref_slice %arg11[%dma_wait3A_143, %dma_wait3A_144] : memref<10240x128xbf16, #tpu.memory_space<vmem_shared>> -> memref<10240x128xbf16, #tpu.memory_space<vmem_shared>>
        tpu.wait_indirect_dma semaphore(%run_scoped3A_133 : memref<!tpu.dma_semaphore, #tpu.memory_space<semaphore_mem>>) src(%arg9 : memref<128x128xbf16, #tpu.memory_space<vmem>>) dst(%dma_wait3A_145 : memref<10240x128xbf16, #tpu.memory_space<vmem_shared>>)
        tpu.yield
      }) : () -> ()
      %dma_wait3A_65 = arith.constant 3 : i32
      %dma_wait3A_66 = arith.constant 0 : i32
      %dma_wait3A_67 = tpu.memref_slice %arg7[%dma_wait3A_65, %dma_wait3A_66] : memref<8x128xi32, #tpu.memory_space<vmem>> -> memref<1x128xi32, #tpu.memory_space<vmem>>
      %dma_wait3A_68 = tpu.memref_squeeze %dma_wait3A_67 : memref<1x128xi32, #tpu.memory_space<vmem>> -> memref<128xi32, #tpu.memory_space<vmem>>
      %dma_wait3A_69 = arith.constant 0 : i32
      %dma_wait3A_70 = arith.constant 0 : i32
      %dma_wait3A_71 = tpu.memref_slice %arg2[%dma_wait3A_69, %dma_wait3A_70] : memref<10240x128xbf16, #tpu.memory_space<hbm>> -> memref<10240x128xbf16, #tpu.memory_space<hbm>>
      tpu.wait_indirect_dma semaphore(%arg13 : memref<!tpu.dma_semaphore, #tpu.memory_space<semaphore_mem>>) src(%dma_wait3A_71 : memref<10240x128xbf16, #tpu.memory_space<hbm>>) dst(%arg10 : memref<128x128xbf16, #tpu.memory_space<vmem>>)
      %dma_start3A_72 = arith.constant 4 : i32
      %dma_start3A_73 = arith.constant 0 : i32
      %dma_start3A_74 = tpu.memref_slice %arg7[%dma_start3A_72, %dma_start3A_73] : memref<8x128xi32, #tpu.memory_space<vmem>> -> memref<1x128xi32, #tpu.memory_space<vmem>>
      %dma_start3A_75 = tpu.memref_squeeze %dma_start3A_74 : memref<1x128xi32, #tpu.memory_space<vmem>> -> memref<128xi32, #tpu.memory_space<vmem>>
      %dma_start3A_76 = arith.constant 0 : i32
      %dma_start3A_77 = arith.constant 0 : i32
      %dma_start3A_78 = tpu.memref_slice %arg2[%dma_start3A_76, %dma_start3A_77] : memref<10240x128xbf16, #tpu.memory_space<hbm>> -> memref<10240x128xbf16, #tpu.memory_space<hbm>>
      tpu.enqueue_indirect_dma source(%dma_start3A_78 : memref<10240x128xbf16, #tpu.memory_space<hbm>>) target(%arg9 : memref<128x128xbf16, #tpu.memory_space<vmem>>) offsets(%dma_start3A_75 : memref<128xi32, #tpu.memory_space<vmem>>) semaphore(%arg12 : memref<!tpu.dma_semaphore, #tpu.memory_space<semaphore_mem>>)
      %run_scoped3A_79 = arith.constant 3 : i32
      "tpu.region"() ({
        %run_scoped3A_133 = tpu.sem_alloc : memref<!tpu.dma_semaphore, #tpu.memory_space<semaphore_mem>>
        %dma_start3A_134 = arith.constant 0 : i32
        %dma_start3A_135 = tpu.memref_slice %arg8[%run_scoped3A_79, %dma_start3A_134] : memref<8x128xi32, #tpu.memory_space<vmem>> -> memref<1x128xi32, #tpu.memory_space<vmem>>
        %dma_start3A_136 = tpu.memref_squeeze %dma_start3A_135 : memref<1x128xi32, #tpu.memory_space<vmem>> -> memref<128xi32, #tpu.memory_space<vmem>>
        %dma_start3A_137 = arith.constant 0 : i32
        %dma_start3A_138 = arith.constant 0 : i32
        %dma_start3A_139 = tpu.memref_slice %arg11[%dma_start3A_137, %dma_start3A_138] : memref<10240x128xbf16, #tpu.memory_space<vmem_shared>> -> memref<10240x128xbf16, #tpu.memory_space<vmem_shared>>
        tpu.enqueue_indirect_dma source(%arg10 : memref<128x128xbf16, #tpu.memory_space<vmem>>) target(%dma_start3A_139 : memref<10240x128xbf16, #tpu.memory_space<vmem_shared>>) offsets(%dma_start3A_136 : memref<128xi32, #tpu.memory_space<vmem>>) semaphore(%run_scoped3A_133 : memref<!tpu.dma_semaphore, #tpu.memory_space<semaphore_mem>>) {add = true}
        %dma_wait3A_140 = arith.constant 0 : i32
        %dma_wait3A_141 = tpu.memref_slice %arg8[%run_scoped3A_79, %dma_wait3A_140] : memref<8x128xi32, #tpu.memory_space<vmem>> -> memref<1x128xi32, #tpu.memory_space<vmem>>
        %dma_wait3A_142 = tpu.memref_squeeze %dma_wait3A_141 : memref<1x128xi32, #tpu.memory_space<vmem>> -> memref<128xi32, #tpu.memory_space<vmem>>
        %dma_wait3A_143 = arith.constant 0 : i32
        %dma_wait3A_144 = arith.constant 0 : i32
        %dma_wait3A_145 = tpu.memref_slice %arg11[%dma_wait3A_143, %dma_wait3A_144] : memref<10240x128xbf16, #tpu.memory_space<vmem_shared>> -> memref<10240x128xbf16, #tpu.memory_space<vmem_shared>>
        tpu.wait_indirect_dma semaphore(%run_scoped3A_133 : memref<!tpu.dma_semaphore, #tpu.memory_space<semaphore_mem>>) src(%arg10 : memref<128x128xbf16, #tpu.memory_space<vmem>>) dst(%dma_wait3A_145 : memref<10240x128xbf16, #tpu.memory_space<vmem_shared>>)
        tpu.yield
      }) : () -> ()
      %dma_wait3A_80 = arith.constant 4 : i32
      %dma_wait3A_81 = arith.constant 0 : i32
      %dma_wait3A_82 = tpu.memref_slice %arg7[%dma_wait3A_80, %dma_wait3A_81] : memref<8x128xi32, #tpu.memory_space<vmem>> -> memref<1x128xi32, #tpu.memory_space<vmem>>
      %dma_wait3A_83 = tpu.memref_squeeze %dma_wait3A_82 : memref<1x128xi32, #tpu.memory_space<vmem>> -> memref<128xi32, #tpu.memory_space<vmem>>
      %dma_wait3A_84 = arith.constant 0 : i32
      %dma_wait3A_85 = arith.constant 0 : i32
      %dma_wait3A_86 = tpu.memref_slice %arg2[%dma_wait3A_84, %dma_wait3A_85] : memref<10240x128xbf16, #tpu.memory_space<hbm>> -> memref<10240x128xbf16, #tpu.memory_space<hbm>>
      tpu.wait_indirect_dma semaphore(%arg12 : memref<!tpu.dma_semaphore, #tpu.memory_space<semaphore_mem>>) src(%dma_wait3A_86 : memref<10240x128xbf16, #tpu.memory_space<hbm>>) dst(%arg9 : memref<128x128xbf16, #tpu.memory_space<vmem>>)
      %dma_start3A_87 = arith.constant 5 : i32
      %dma_start3A_88 = arith.constant 0 : i32
      %dma_start3A_89 = tpu.memref_slice %arg7[%dma_start3A_87, %dma_start3A_88] : memref<8x128xi32, #tpu.memory_space<vmem>> -> memref<1x128xi32, #tpu.memory_space<vmem>>
      %dma_start3A_90 = tpu.memref_squeeze %dma_start3A_89 : memref<1x128xi32, #tpu.memory_space<vmem>> -> memref<128xi32, #tpu.memory_space<vmem>>
      %dma_start3A_91 = arith.constant 0 : i32
      %dma_start3A_92 = arith.constant 0 : i32
      %dma_start3A_93 = tpu.memref_slice %arg2[%dma_start3A_91, %dma_start3A_92] : memref<10240x128xbf16, #tpu.memory_space<hbm>> -> memref<10240x128xbf16, #tpu.memory_space<hbm>>
      tpu.enqueue_indirect_dma source(%dma_start3A_93 : memref<10240x128xbf16, #tpu.memory_space<hbm>>) target(%arg10 : memref<128x128xbf16, #tpu.memory_space<vmem>>) offsets(%dma_start3A_90 : memref<128xi32, #tpu.memory_space<vmem>>) semaphore(%arg13 : memref<!tpu.dma_semaphore, #tpu.memory_space<semaphore_mem>>)
      %run_scoped3A_94 = arith.constant 4 : i32
      "tpu.region"() ({
        %run_scoped3A_133 = tpu.sem_alloc : memref<!tpu.dma_semaphore, #tpu.memory_space<semaphore_mem>>
        %dma_start3A_134 = arith.constant 0 : i32
        %dma_start3A_135 = tpu.memref_slice %arg8[%run_scoped3A_94, %dma_start3A_134] : memref<8x128xi32, #tpu.memory_space<vmem>> -> memref<1x128xi32, #tpu.memory_space<vmem>>
        %dma_start3A_136 = tpu.memref_squeeze %dma_start3A_135 : memref<1x128xi32, #tpu.memory_space<vmem>> -> memref<128xi32, #tpu.memory_space<vmem>>
        %dma_start3A_137 = arith.constant 0 : i32
        %dma_start3A_138 = arith.constant 0 : i32
        %dma_start3A_139 = tpu.memref_slice %arg11[%dma_start3A_137, %dma_start3A_138] : memref<10240x128xbf16, #tpu.memory_space<vmem_shared>> -> memref<10240x128xbf16, #tpu.memory_space<vmem_shared>>
        tpu.enqueue_indirect_dma source(%arg9 : memref<128x128xbf16, #tpu.memory_space<vmem>>) target(%dma_start3A_139 : memref<10240x128xbf16, #tpu.memory_space<vmem_shared>>) offsets(%dma_start3A_136 : memref<128xi32, #tpu.memory_space<vmem>>) semaphore(%run_scoped3A_133 : memref<!tpu.dma_semaphore, #tpu.memory_space<semaphore_mem>>) {add = true}
        %dma_wait3A_140 = arith.constant 0 : i32
        %dma_wait3A_141 = tpu.memref_slice %arg8[%run_scoped3A_94, %dma_wait3A_140] : memref<8x128xi32, #tpu.memory_space<vmem>> -> memref<1x128xi32, #tpu.memory_space<vmem>>
        %dma_wait3A_142 = tpu.memref_squeeze %dma_wait3A_141 : memref<1x128xi32, #tpu.memory_space<vmem>> -> memref<128xi32, #tpu.memory_space<vmem>>
        %dma_wait3A_143 = arith.constant 0 : i32
        %dma_wait3A_144 = arith.constant 0 : i32
        %dma_wait3A_145 = tpu.memref_slice %arg11[%dma_wait3A_143, %dma_wait3A_144] : memref<10240x128xbf16, #tpu.memory_space<vmem_shared>> -> memref<10240x128xbf16, #tpu.memory_space<vmem_shared>>
        tpu.wait_indirect_dma semaphore(%run_scoped3A_133 : memref<!tpu.dma_semaphore, #tpu.memory_space<semaphore_mem>>) src(%arg9 : memref<128x128xbf16, #tpu.memory_space<vmem>>) dst(%dma_wait3A_145 : memref<10240x128xbf16, #tpu.memory_space<vmem_shared>>)
        tpu.yield
      }) : () -> ()
      %dma_wait3A_95 = arith.constant 5 : i32
      %dma_wait3A_96 = arith.constant 0 : i32
      %dma_wait3A_97 = tpu.memref_slice %arg7[%dma_wait3A_95, %dma_wait3A_96] : memref<8x128xi32, #tpu.memory_space<vmem>> -> memref<1x128xi32, #tpu.memory_space<vmem>>
      %dma_wait3A_98 = tpu.memref_squeeze %dma_wait3A_97 : memref<1x128xi32, #tpu.memory_space<vmem>> -> memref<128xi32, #tpu.memory_space<vmem>>
      %dma_wait3A_99 = arith.constant 0 : i32
      %dma_wait3A_100 = arith.constant 0 : i32
      %dma_wait3A_101 = tpu.memref_slice %arg2[%dma_wait3A_99, %dma_wait3A_100] : memref<10240x128xbf16, #tpu.memory_space<hbm>> -> memref<10240x128xbf16, #tpu.memory_space<hbm>>
      tpu.wait_indirect_dma semaphore(%arg13 : memref<!tpu.dma_semaphore, #tpu.memory_space<semaphore_mem>>) src(%dma_wait3A_101 : memref<10240x128xbf16, #tpu.memory_space<hbm>>) dst(%arg10 : memref<128x128xbf16, #tpu.memory_space<vmem>>)
      %dma_start3A_102 = arith.constant 6 : i32
      %dma_start3A_103 = arith.constant 0 : i32
      %dma_start3A_104 = tpu.memref_slice %arg7[%dma_start3A_102, %dma_start3A_103] : memref<8x128xi32, #tpu.memory_space<vmem>> -> memref<1x128xi32, #tpu.memory_space<vmem>>
      %dma_start3A_105 = tpu.memref_squeeze %dma_start3A_104 : memref<1x128xi32, #tpu.memory_space<vmem>> -> memref<128xi32, #tpu.memory_space<vmem>>
      %dma_start3A_106 = arith.constant 0 : i32
      %dma_start3A_107 = arith.constant 0 : i32
      %dma_start3A_108 = tpu.memref_slice %arg2[%dma_start3A_106, %dma_start3A_107] : memref<10240x128xbf16, #tpu.memory_space<hbm>> -> memref<10240x128xbf16, #tpu.memory_space<hbm>>
      tpu.enqueue_indirect_dma source(%dma_start3A_108 : memref<10240x128xbf16, #tpu.memory_space<hbm>>) target(%arg9 : memref<128x128xbf16, #tpu.memory_space<vmem>>) offsets(%dma_start3A_105 : memref<128xi32, #tpu.memory_space<vmem>>) semaphore(%arg12 : memref<!tpu.dma_semaphore, #tpu.memory_space<semaphore_mem>>)
      %run_scoped3A_109 = arith.constant 5 : i32
      "tpu.region"() ({
        %run_scoped3A_133 = tpu.sem_alloc : memref<!tpu.dma_semaphore, #tpu.memory_space<semaphore_mem>>
        %dma_start3A_134 = arith.constant 0 : i32
        %dma_start3A_135 = tpu.memref_slice %arg8[%run_scoped3A_109, %dma_start3A_134] : memref<8x128xi32, #tpu.memory_space<vmem>> -> memref<1x128xi32, #tpu.memory_space<vmem>>
        %dma_start3A_136 = tpu.memref_squeeze %dma_start3A_135 : memref<1x128xi32, #tpu.memory_space<vmem>> -> memref<128xi32, #tpu.memory_space<vmem>>
        %dma_start3A_137 = arith.constant 0 : i32
        %dma_start3A_138 = arith.constant 0 : i32
        %dma_start3A_139 = tpu.memref_slice %arg11[%dma_start3A_137, %dma_start3A_138] : memref<10240x128xbf16, #tpu.memory_space<vmem_shared>> -> memref<10240x128xbf16, #tpu.memory_space<vmem_shared>>
        tpu.enqueue_indirect_dma source(%arg10 : memref<128x128xbf16, #tpu.memory_space<vmem>>) target(%dma_start3A_139 : memref<10240x128xbf16, #tpu.memory_space<vmem_shared>>) offsets(%dma_start3A_136 : memref<128xi32, #tpu.memory_space<vmem>>) semaphore(%run_scoped3A_133 : memref<!tpu.dma_semaphore, #tpu.memory_space<semaphore_mem>>) {add = true}
        %dma_wait3A_140 = arith.constant 0 : i32
        %dma_wait3A_141 = tpu.memref_slice %arg8[%run_scoped3A_109, %dma_wait3A_140] : memref<8x128xi32, #tpu.memory_space<vmem>> -> memref<1x128xi32, #tpu.memory_space<vmem>>
        %dma_wait3A_142 = tpu.memref_squeeze %dma_wait3A_141 : memref<1x128xi32, #tpu.memory_space<vmem>> -> memref<128xi32, #tpu.memory_space<vmem>>
        %dma_wait3A_143 = arith.constant 0 : i32
        %dma_wait3A_144 = arith.constant 0 : i32
        %dma_wait3A_145 = tpu.memref_slice %arg11[%dma_wait3A_143, %dma_wait3A_144] : memref<10240x128xbf16, #tpu.memory_space<vmem_shared>> -> memref<10240x128xbf16, #tpu.memory_space<vmem_shared>>
        tpu.wait_indirect_dma semaphore(%run_scoped3A_133 : memref<!tpu.dma_semaphore, #tpu.memory_space<semaphore_mem>>) src(%arg10 : memref<128x128xbf16, #tpu.memory_space<vmem>>) dst(%dma_wait3A_145 : memref<10240x128xbf16, #tpu.memory_space<vmem_shared>>)
        tpu.yield
      }) : () -> ()
      %dma_wait3A_110 = arith.constant 6 : i32
      %dma_wait3A_111 = arith.constant 0 : i32
      %dma_wait3A_112 = tpu.memref_slice %arg7[%dma_wait3A_110, %dma_wait3A_111] : memref<8x128xi32, #tpu.memory_space<vmem>> -> memref<1x128xi32, #tpu.memory_space<vmem>>
      %dma_wait3A_113 = tpu.memref_squeeze %dma_wait3A_112 : memref<1x128xi32, #tpu.memory_space<vmem>> -> memref<128xi32, #tpu.memory_space<vmem>>
      %dma_wait3A_114 = arith.constant 0 : i32
      %dma_wait3A_115 = arith.constant 0 : i32
      %dma_wait3A_116 = tpu.memref_slice %arg2[%dma_wait3A_114, %dma_wait3A_115] : memref<10240x128xbf16, #tpu.memory_space<hbm>> -> memref<10240x128xbf16, #tpu.memory_space<hbm>>
      tpu.wait_indirect_dma semaphore(%arg12 : memref<!tpu.dma_semaphore, #tpu.memory_space<semaphore_mem>>) src(%dma_wait3A_116 : memref<10240x128xbf16, #tpu.memory_space<hbm>>) dst(%arg9 : memref<128x128xbf16, #tpu.memory_space<vmem>>)
      %dma_start3A_117 = arith.constant 7 : i32
      %dma_start3A_118 = arith.constant 0 : i32
      %dma_start3A_119 = tpu.memref_slice %arg7[%dma_start3A_117, %dma_start3A_118] : memref<8x128xi32, #tpu.memory_space<vmem>> -> memref<1x128xi32, #tpu.memory_space<vmem>>
      %dma_start3A_120 = tpu.memref_squeeze %dma_start3A_119 : memref<1x128xi32, #tpu.memory_space<vmem>> -> memref<128xi32, #tpu.memory_space<vmem>>
      %dma_start3A_121 = arith.constant 0 : i32
      %dma_start3A_122 = arith.constant 0 : i32
      %dma_start3A_123 = tpu.memref_slice %arg2[%dma_start3A_121, %dma_start3A_122] : memref<10240x128xbf16, #tpu.memory_space<hbm>> -> memref<10240x128xbf16, #tpu.memory_space<hbm>>
      tpu.enqueue_indirect_dma source(%dma_start3A_123 : memref<10240x128xbf16, #tpu.memory_space<hbm>>) target(%arg10 : memref<128x128xbf16, #tpu.memory_space<vmem>>) offsets(%dma_start3A_120 : memref<128xi32, #tpu.memory_space<vmem>>) semaphore(%arg13 : memref<!tpu.dma_semaphore, #tpu.memory_space<semaphore_mem>>)
      %run_scoped3A_124 = arith.constant 6 : i32
      "tpu.region"() ({
        %run_scoped3A_133 = tpu.sem_alloc : memref<!tpu.dma_semaphore, #tpu.memory_space<semaphore_mem>>
        %dma_start3A_134 = arith.constant 0 : i32
        %dma_start3A_135 = tpu.memref_slice %arg8[%run_scoped3A_124, %dma_start3A_134] : memref<8x128xi32, #tpu.memory_space<vmem>> -> memref<1x128xi32, #tpu.memory_space<vmem>>
        %dma_start3A_136 = tpu.memref_squeeze %dma_start3A_135 : memref<1x128xi32, #tpu.memory_space<vmem>> -> memref<128xi32, #tpu.memory_space<vmem>>
        %dma_start3A_137 = arith.constant 0 : i32
        %dma_start3A_138 = arith.constant 0 : i32
        %dma_start3A_139 = tpu.memref_slice %arg11[%dma_start3A_137, %dma_start3A_138] : memref<10240x128xbf16, #tpu.memory_space<vmem_shared>> -> memref<10240x128xbf16, #tpu.memory_space<vmem_shared>>
        tpu.enqueue_indirect_dma source(%arg9 : memref<128x128xbf16, #tpu.memory_space<vmem>>) target(%dma_start3A_139 : memref<10240x128xbf16, #tpu.memory_space<vmem_shared>>) offsets(%dma_start3A_136 : memref<128xi32, #tpu.memory_space<vmem>>) semaphore(%run_scoped3A_133 : memref<!tpu.dma_semaphore, #tpu.memory_space<semaphore_mem>>) {add = true}
        %dma_wait3A_140 = arith.constant 0 : i32
        %dma_wait3A_141 = tpu.memref_slice %arg8[%run_scoped3A_124, %dma_wait3A_140] : memref<8x128xi32, #tpu.memory_space<vmem>> -> memref<1x128xi32, #tpu.memory_space<vmem>>
        %dma_wait3A_142 = tpu.memref_squeeze %dma_wait3A_141 : memref<1x128xi32, #tpu.memory_space<vmem>> -> memref<128xi32, #tpu.memory_space<vmem>>
        %dma_wait3A_143 = arith.constant 0 : i32
        %dma_wait3A_144 = arith.constant 0 : i32
        %dma_wait3A_145 = tpu.memref_slice %arg11[%dma_wait3A_143, %dma_wait3A_144] : memref<10240x128xbf16, #tpu.memory_space<vmem_shared>> -> memref<10240x128xbf16, #tpu.memory_space<vmem_shared>>
        tpu.wait_indirect_dma semaphore(%run_scoped3A_133 : memref<!tpu.dma_semaphore, #tpu.memory_space<semaphore_mem>>) src(%arg9 : memref<128x128xbf16, #tpu.memory_space<vmem>>) dst(%dma_wait3A_145 : memref<10240x128xbf16, #tpu.memory_space<vmem_shared>>)
        tpu.yield
      }) : () -> ()
      %dma_wait3A_125 = arith.constant 7 : i32
      %dma_wait3A_126 = arith.constant 0 : i32
      %dma_wait3A_127 = tpu.memref_slice %arg7[%dma_wait3A_125, %dma_wait3A_126] : memref<8x128xi32, #tpu.memory_space<vmem>> -> memref<1x128xi32, #tpu.memory_space<vmem>>
      %dma_wait3A_128 = tpu.memref_squeeze %dma_wait3A_127 : memref<1x128xi32, #tpu.memory_space<vmem>> -> memref<128xi32, #tpu.memory_space<vmem>>
      %dma_wait3A_129 = arith.constant 0 : i32
      %dma_wait3A_130 = arith.constant 0 : i32
      %dma_wait3A_131 = tpu.memref_slice %arg2[%dma_wait3A_129, %dma_wait3A_130] : memref<10240x128xbf16, #tpu.memory_space<hbm>> -> memref<10240x128xbf16, #tpu.memory_space<hbm>>
      tpu.wait_indirect_dma semaphore(%arg13 : memref<!tpu.dma_semaphore, #tpu.memory_space<semaphore_mem>>) src(%dma_wait3A_131 : memref<10240x128xbf16, #tpu.memory_space<hbm>>) dst(%arg10 : memref<128x128xbf16, #tpu.memory_space<vmem>>)
      %run_scoped3A_132 = arith.constant 7 : i32
      "tpu.region"() ({
        %run_scoped3A_133 = tpu.sem_alloc : memref<!tpu.dma_semaphore, #tpu.memory_space<semaphore_mem>>
        %dma_start3A_134 = arith.constant 0 : i32
        %dma_start3A_135 = tpu.memref_slice %arg8[%run_scoped3A_132, %dma_start3A_134] : memref<8x128xi32, #tpu.memory_space<vmem>> -> memref<1x128xi32, #tpu.memory_space<vmem>>
        %dma_start3A_136 = tpu.memref_squeeze %dma_start3A_135 : memref<1x128xi32, #tpu.memory_space<vmem>> -> memref<128xi32, #tpu.memory_space<vmem>>
        %dma_start3A_137 = arith.constant 0 : i32
        %dma_start3A_138 = arith.constant 0 : i32
        %dma_start3A_139 = tpu.memref_slice %arg11[%dma_start3A_137, %dma_start3A_138] : memref<10240x128xbf16, #tpu.memory_space<vmem_shared>> -> memref<10240x128xbf16, #tpu.memory_space<vmem_shared>>
        tpu.enqueue_indirect_dma source(%arg10 : memref<128x128xbf16, #tpu.memory_space<vmem>>) target(%dma_start3A_139 : memref<10240x128xbf16, #tpu.memory_space<vmem_shared>>) offsets(%dma_start3A_136 : memref<128xi32, #tpu.memory_space<vmem>>) semaphore(%run_scoped3A_133 : memref<!tpu.dma_semaphore, #tpu.memory_space<semaphore_mem>>) {add = true}
        %dma_wait3A_140 = arith.constant 0 : i32
        %dma_wait3A_141 = tpu.memref_slice %arg8[%run_scoped3A_132, %dma_wait3A_140] : memref<8x128xi32, #tpu.memory_space<vmem>> -> memref<1x128xi32, #tpu.memory_space<vmem>>
        %dma_wait3A_142 = tpu.memref_squeeze %dma_wait3A_141 : memref<1x128xi32, #tpu.memory_space<vmem>> -> memref<128xi32, #tpu.memory_space<vmem>>
        %dma_wait3A_143 = arith.constant 0 : i32
        %dma_wait3A_144 = arith.constant 0 : i32
        %dma_wait3A_145 = tpu.memref_slice %arg11[%dma_wait3A_143, %dma_wait3A_144] : memref<10240x128xbf16, #tpu.memory_space<vmem_shared>> -> memref<10240x128xbf16, #tpu.memory_space<vmem_shared>>
        tpu.wait_indirect_dma semaphore(%run_scoped3A_133 : memref<!tpu.dma_semaphore, #tpu.memory_space<semaphore_mem>>) src(%arg10 : memref<128x128xbf16, #tpu.memory_space<vmem>>) dst(%dma_wait3A_145 : memref<10240x128xbf16, #tpu.memory_space<vmem_shared>>)
        tpu.yield
      }) : () -> ()
    }
    %scan3A_7 = arith.constant 10 : i32
    %barrier3A_8 = arith.constant 0 : index
    tpu.barrier barrier_id(%barrier3A_8)
    "tpu.region"() ({
      %run_scoped3A = tpu.sem_alloc : memref<!tpu.dma_semaphore, #tpu.memory_space<semaphore_mem>>
      %dma_start3A = arith.constant 0 : i32
      %dma_start3A_9 = tpu.memref_slice %arg6[%arg0, %mul3A_2, %dma_start3A] : memref<2x10240x128xbf16, #tpu.memory_space<hbm>> -> memref<1x640x128xbf16, #tpu.memory_space<hbm>>
      %dma_start3A_10 = tpu.memref_squeeze %dma_start3A_9 : memref<1x640x128xbf16, #tpu.memory_space<hbm>> -> memref<640x128xbf16, #tpu.memory_space<hbm>>
      %dma_start3A_11 = arith.constant 0 : i32
      %dma_start3A_12 = tpu.memref_slice %arg11[%mul3A_2, %dma_start3A_11] : memref<10240x128xbf16, #tpu.memory_space<vmem_shared>> -> memref<640x128xbf16, #tpu.memory_space<vmem_shared>>
      tpu.enqueue_dma source(%dma_start3A_12 : memref<640x128xbf16, #tpu.memory_space<vmem_shared>>) target(%dma_start3A_10 : memref<640x128xbf16, #tpu.memory_space<hbm>>) target_semaphore(%run_scoped3A : memref<!tpu.dma_semaphore, #tpu.memory_space<semaphore_mem>>)
      %dma_wait3A = arith.constant 0 : i32
      %dma_wait3A_13 = tpu.memref_slice %arg6[%arg0, %mul3A_2, %dma_wait3A] : memref<2x10240x128xbf16, #tpu.memory_space<hbm>> -> memref<1x640x128xbf16, #tpu.memory_space<hbm>>
      %dma_wait3A_14 = tpu.memref_squeeze %dma_wait3A_13 : memref<1x640x128xbf16, #tpu.memory_space<hbm>> -> memref<640x128xbf16, #tpu.memory_space<hbm>>
      %dma_wait3A_15 = arith.constant 0 : i32
      %dma_wait3A_16 = tpu.memref_slice %arg11[%mul3A_2, %dma_wait3A_15] : memref<10240x128xbf16, #tpu.memory_space<vmem_shared>> -> memref<640x128xbf16, #tpu.memory_space<vmem_shared>>
      tpu.wait_dma2 semaphore(%run_scoped3A : memref<!tpu.dma_semaphore, #tpu.memory_space<semaphore_mem>>) src(%dma_wait3A_16 : memref<640x128xbf16, #tpu.memory_space<vmem_shared>>) dst(%dma_wait3A_14 : memref<640x128xbf16, #tpu.memory_space<hbm>>)
      tpu.yield
    }) : () -> ()
    return
  }
}

#map = affine_map<(d0, d1) -> (0, 0)>
#map1 = affine_map<(d0, d1) -> (0, 0, 0)>
module attributes {stable_mosaic.version = 14 : i64} {
  func.func @body(%arg0: i32, %arg1: i32, %arg2: memref<10240x64xf32, #tpu.memory_space<hbm>>, %arg3: memref<320x8x128xi32, #tpu.memory_space<hbm>>, %arg4: memref<320x8x128xi32, #tpu.memory_space<hbm>>, %arg5: memref<640x64xf32, #tpu.memory_space<hbm>>, %arg6: memref<2x10240x64xf32, #tpu.memory_space<hbm>>, %arg7: memref<8x128xi32, #tpu.memory_space<vmem>>, %arg8: memref<8x128xi32, #tpu.memory_space<vmem>>, %arg9: memref<128x64xf32, #tpu.memory_space<vmem>>, %arg10: memref<128x64xf32, #tpu.memory_space<vmem>>, %arg11: memref<10240x64xf32, #tpu.memory_space<vmem_shared>>, %arg12: memref<!tpu.dma_semaphore, #tpu.memory_space<semaphore_mem>>, %arg13: memref<!tpu.dma_semaphore, #tpu.memory_space<semaphore_mem>>) attributes {dimension_semantics = [#tpu.dimension_semantics<core_parallel>, #tpu.dimension_semantics<subcore_parallel>], iteration_bounds = array<i64: 2, 16>, scalar_prefetch = 0 : i64, scratch_operands = 7 : i64, tpu.core_type = #tpu.core_type<sc_vector_subcore>, window_params = [{transform_indices = #map}, {transform_indices = #map1}, {transform_indices = #map1}, {transform_indices = #map}, {transform_indices = #map1}]} {
    %mul3A = arith.constant 16 : i32
    %mul3A_0 = arith.muli %arg0, %mul3A : i32
    %add3A = arith.addi %mul3A_0, %arg1 : i32
    %mul3A_1 = arith.constant 640 : i32
    %mul3A_2 = arith.muli %arg1, %mul3A_1 : i32
    "tpu.region"() ({
      %run_scoped3A = tpu.sem_alloc : memref<!tpu.dma_semaphore, #tpu.memory_space<semaphore_mem>>
      %dma_start3A = arith.constant 0 : i32
      %dma_start3A_9 = tpu.memref_slice %arg11[%mul3A_2, %dma_start3A] : memref<10240x64xf32, #tpu.memory_space<vmem_shared>> -> memref<640x64xf32, #tpu.memory_space<vmem_shared>>
      tpu.enqueue_dma source(%arg5 : memref<640x64xf32, #tpu.memory_space<hbm>>) target(%dma_start3A_9 : memref<640x64xf32, #tpu.memory_space<vmem_shared>>) target_semaphore(%run_scoped3A : memref<!tpu.dma_semaphore, #tpu.memory_space<semaphore_mem>>)
      %dma_wait3A = arith.constant 0 : i32
      %dma_wait3A_10 = tpu.memref_slice %arg11[%mul3A_2, %dma_wait3A] : memref<10240x64xf32, #tpu.memory_space<vmem_shared>> -> memref<640x64xf32, #tpu.memory_space<vmem_shared>>
      tpu.wait_dma2 semaphore(%run_scoped3A : memref<!tpu.dma_semaphore, #tpu.memory_space<semaphore_mem>>) src(%arg5 : memref<640x64xf32, #tpu.memory_space<hbm>>) dst(%dma_wait3A_10 : memref<640x64xf32, #tpu.memory_space<vmem_shared>>)
      tpu.yield
    }) : () -> ()
    %barrier3A = arith.constant 0 : index
    tpu.barrier barrier_id(%barrier3A)
    %scan3A = arith.constant 0 : i32
    %scan3A_3 = arith.constant 0 : i32
    %scan3A_4 = arith.constant 10 : i32
    %scan3A_5 = arith.addi %scan3A_3, %scan3A_4 : i32
    %scan3A_6 = arith.constant 1 : i32
    scf.for %scan3A_9 = %scan3A_3 to %scan3A_5 step %scan3A_6  : i32 {
      %mul3A_10 = arith.constant 10 : i32
      %mul3A_11 = arith.muli %add3A, %mul3A_10 : i32
      %add3A_12 = arith.addi %mul3A_11, %scan3A_9 : i32
      "tpu.region"() ({
        %run_scoped3A_133 = tpu.sem_alloc : memref<!tpu.dma_semaphore, #tpu.memory_space<semaphore_mem>>
        %dma_start3A_134 = arith.constant 0 : i32
        %dma_start3A_135 = arith.constant 0 : i32
        %dma_start3A_136 = tpu.memref_slice %arg3[%add3A_12, %dma_start3A_134, %dma_start3A_135] : memref<320x8x128xi32, #tpu.memory_space<hbm>> -> memref<1x8x128xi32, #tpu.memory_space<hbm>>
        %dma_start3A_137 = tpu.memref_squeeze %dma_start3A_136 : memref<1x8x128xi32, #tpu.memory_space<hbm>> -> memref<8x128xi32, #tpu.memory_space<hbm>>
        %dma_start3A_138 = arith.constant 0 : i32
        %dma_start3A_139 = arith.constant 0 : i32
        %dma_start3A_140 = tpu.memref_slice %arg3[%add3A_12, %dma_start3A_138, %dma_start3A_139] : memref<320x8x128xi32, #tpu.memory_space<hbm>> -> memref<1x8x128xi32, #tpu.memory_space<hbm>>
        %dma_start3A_141 = tpu.memref_squeeze %dma_start3A_140 : memref<1x8x128xi32, #tpu.memory_space<hbm>> -> memref<8x128xi32, #tpu.memory_space<hbm>>
        tpu.enqueue_dma source(%dma_start3A_141 : memref<8x128xi32, #tpu.memory_space<hbm>>) target(%arg7 : memref<8x128xi32, #tpu.memory_space<vmem>>) target_semaphore(%run_scoped3A_133 : memref<!tpu.dma_semaphore, #tpu.memory_space<semaphore_mem>>)
        %dma_wait3A_142 = arith.constant 0 : i32
        %dma_wait3A_143 = arith.constant 0 : i32
        %dma_wait3A_144 = tpu.memref_slice %arg3[%add3A_12, %dma_wait3A_142, %dma_wait3A_143] : memref<320x8x128xi32, #tpu.memory_space<hbm>> -> memref<1x8x128xi32, #tpu.memory_space<hbm>>
        %dma_wait3A_145 = tpu.memref_squeeze %dma_wait3A_144 : memref<1x8x128xi32, #tpu.memory_space<hbm>> -> memref<8x128xi32, #tpu.memory_space<hbm>>
        %dma_wait3A_146 = arith.constant 0 : i32
        %dma_wait3A_147 = arith.constant 0 : i32
        %dma_wait3A_148 = tpu.memref_slice %arg3[%add3A_12, %dma_wait3A_146, %dma_wait3A_147] : memref<320x8x128xi32, #tpu.memory_space<hbm>> -> memref<1x8x128xi32, #tpu.memory_space<hbm>>
        %dma_wait3A_149 = tpu.memref_squeeze %dma_wait3A_148 : memref<1x8x128xi32, #tpu.memory_space<hbm>> -> memref<8x128xi32, #tpu.memory_space<hbm>>
        tpu.wait_dma2 semaphore(%run_scoped3A_133 : memref<!tpu.dma_semaphore, #tpu.memory_space<semaphore_mem>>) src(%dma_wait3A_149 : memref<8x128xi32, #tpu.memory_space<hbm>>) dst(%arg7 : memref<8x128xi32, #tpu.memory_space<vmem>>)
        tpu.yield
      }) : () -> ()
      %mul3A_13 = arith.constant 10 : i32
      %mul3A_14 = arith.muli %add3A, %mul3A_13 : i32
      %add3A_15 = arith.addi %mul3A_14, %scan3A_9 : i32
      "tpu.region"() ({
        %run_scoped3A_133 = tpu.sem_alloc : memref<!tpu.dma_semaphore, #tpu.memory_space<semaphore_mem>>
        %dma_start3A_134 = arith.constant 0 : i32
        %dma_start3A_135 = arith.constant 0 : i32
        %dma_start3A_136 = tpu.memref_slice %arg4[%add3A_15, %dma_start3A_134, %dma_start3A_135] : memref<320x8x128xi32, #tpu.memory_space<hbm>> -> memref<1x8x128xi32, #tpu.memory_space<hbm>>
        %dma_start3A_137 = tpu.memref_squeeze %dma_start3A_136 : memref<1x8x128xi32, #tpu.memory_space<hbm>> -> memref<8x128xi32, #tpu.memory_space<hbm>>
        %dma_start3A_138 = arith.constant 0 : i32
        %dma_start3A_139 = arith.constant 0 : i32
        %dma_start3A_140 = tpu.memref_slice %arg4[%add3A_15, %dma_start3A_138, %dma_start3A_139] : memref<320x8x128xi32, #tpu.memory_space<hbm>> -> memref<1x8x128xi32, #tpu.memory_space<hbm>>
        %dma_start3A_141 = tpu.memref_squeeze %dma_start3A_140 : memref<1x8x128xi32, #tpu.memory_space<hbm>> -> memref<8x128xi32, #tpu.memory_space<hbm>>
        tpu.enqueue_dma source(%dma_start3A_141 : memref<8x128xi32, #tpu.memory_space<hbm>>) target(%arg8 : memref<8x128xi32, #tpu.memory_space<vmem>>) target_semaphore(%run_scoped3A_133 : memref<!tpu.dma_semaphore, #tpu.memory_space<semaphore_mem>>)
        %dma_wait3A_142 = arith.constant 0 : i32
        %dma_wait3A_143 = arith.constant 0 : i32
        %dma_wait3A_144 = tpu.memref_slice %arg4[%add3A_15, %dma_wait3A_142, %dma_wait3A_143] : memref<320x8x128xi32, #tpu.memory_space<hbm>> -> memref<1x8x128xi32, #tpu.memory_space<hbm>>
        %dma_wait3A_145 = tpu.memref_squeeze %dma_wait3A_144 : memref<1x8x128xi32, #tpu.memory_space<hbm>> -> memref<8x128xi32, #tpu.memory_space<hbm>>
        %dma_wait3A_146 = arith.constant 0 : i32
        %dma_wait3A_147 = arith.constant 0 : i32
        %dma_wait3A_148 = tpu.memref_slice %arg4[%add3A_15, %dma_wait3A_146, %dma_wait3A_147] : memref<320x8x128xi32, #tpu.memory_space<hbm>> -> memref<1x8x128xi32, #tpu.memory_space<hbm>>
        %dma_wait3A_149 = tpu.memref_squeeze %dma_wait3A_148 : memref<1x8x128xi32, #tpu.memory_space<hbm>> -> memref<8x128xi32, #tpu.memory_space<hbm>>
        tpu.wait_dma2 semaphore(%run_scoped3A_133 : memref<!tpu.dma_semaphore, #tpu.memory_space<semaphore_mem>>) src(%dma_wait3A_149 : memref<8x128xi32, #tpu.memory_space<hbm>>) dst(%arg8 : memref<8x128xi32, #tpu.memory_space<vmem>>)
        tpu.yield
      }) : () -> ()
      %dma_start3A = arith.constant 0 : i32
      %dma_start3A_16 = arith.constant 0 : i32
      %dma_start3A_17 = tpu.memref_slice %arg7[%dma_start3A, %dma_start3A_16] : memref<8x128xi32, #tpu.memory_space<vmem>> -> memref<1x128xi32, #tpu.memory_space<vmem>>
      %dma_start3A_18 = tpu.memref_squeeze %dma_start3A_17 : memref<1x128xi32, #tpu.memory_space<vmem>> -> memref<128xi32, #tpu.memory_space<vmem>>
      %dma_start3A_19 = arith.constant 0 : i32
      %dma_start3A_20 = arith.constant 0 : i32
      %dma_start3A_21 = tpu.memref_slice %arg2[%dma_start3A_19, %dma_start3A_20] : memref<10240x64xf32, #tpu.memory_space<hbm>> -> memref<10240x64xf32, #tpu.memory_space<hbm>>
      tpu.enqueue_indirect_dma source(%dma_start3A_21 : memref<10240x64xf32, #tpu.memory_space<hbm>>) target(%arg9 : memref<128x64xf32, #tpu.memory_space<vmem>>) offsets(%dma_start3A_18 : memref<128xi32, #tpu.memory_space<vmem>>) semaphore(%arg12 : memref<!tpu.dma_semaphore, #tpu.memory_space<semaphore_mem>>)
      %dma_wait3A = arith.constant 0 : i32
      %dma_wait3A_22 = arith.constant 0 : i32
      %dma_wait3A_23 = tpu.memref_slice %arg7[%dma_wait3A, %dma_wait3A_22] : memref<8x128xi32, #tpu.memory_space<vmem>> -> memref<1x128xi32, #tpu.memory_space<vmem>>
      %dma_wait3A_24 = tpu.memref_squeeze %dma_wait3A_23 : memref<1x128xi32, #tpu.memory_space<vmem>> -> memref<128xi32, #tpu.memory_space<vmem>>
      %dma_wait3A_25 = arith.constant 0 : i32
      %dma_wait3A_26 = arith.constant 0 : i32
      %dma_wait3A_27 = tpu.memref_slice %arg2[%dma_wait3A_25, %dma_wait3A_26] : memref<10240x64xf32, #tpu.memory_space<hbm>> -> memref<10240x64xf32, #tpu.memory_space<hbm>>
      tpu.wait_indirect_dma semaphore(%arg12 : memref<!tpu.dma_semaphore, #tpu.memory_space<semaphore_mem>>) src(%dma_wait3A_27 : memref<10240x64xf32, #tpu.memory_space<hbm>>) dst(%arg9 : memref<128x64xf32, #tpu.memory_space<vmem>>)
      %dma_start3A_28 = arith.constant 1 : i32
      %dma_start3A_29 = arith.constant 0 : i32
      %dma_start3A_30 = tpu.memref_slice %arg7[%dma_start3A_28, %dma_start3A_29] : memref<8x128xi32, #tpu.memory_space<vmem>> -> memref<1x128xi32, #tpu.memory_space<vmem>>
      %dma_start3A_31 = tpu.memref_squeeze %dma_start3A_30 : memref<1x128xi32, #tpu.memory_space<vmem>> -> memref<128xi32, #tpu.memory_space<vmem>>
      %dma_start3A_32 = arith.constant 0 : i32
      %dma_start3A_33 = arith.constant 0 : i32
      %dma_start3A_34 = tpu.memref_slice %arg2[%dma_start3A_32, %dma_start3A_33] : memref<10240x64xf32, #tpu.memory_space<hbm>> -> memref<10240x64xf32, #tpu.memory_space<hbm>>
      tpu.enqueue_indirect_dma source(%dma_start3A_34 : memref<10240x64xf32, #tpu.memory_space<hbm>>) target(%arg10 : memref<128x64xf32, #tpu.memory_space<vmem>>) offsets(%dma_start3A_31 : memref<128xi32, #tpu.memory_space<vmem>>) semaphore(%arg13 : memref<!tpu.dma_semaphore, #tpu.memory_space<semaphore_mem>>)
      %run_scoped3A = arith.constant 0 : i32
      "tpu.region"() ({
        %run_scoped3A_133 = tpu.sem_alloc : memref<!tpu.dma_semaphore, #tpu.memory_space<semaphore_mem>>
        %dma_start3A_134 = arith.constant 0 : i32
        %dma_start3A_135 = tpu.memref_slice %arg8[%run_scoped3A, %dma_start3A_134] : memref<8x128xi32, #tpu.memory_space<vmem>> -> memref<1x128xi32, #tpu.memory_space<vmem>>
        %dma_start3A_136 = tpu.memref_squeeze %dma_start3A_135 : memref<1x128xi32, #tpu.memory_space<vmem>> -> memref<128xi32, #tpu.memory_space<vmem>>
        %dma_start3A_137 = arith.constant 0 : i32
        %dma_start3A_138 = arith.constant 0 : i32
        %dma_start3A_139 = tpu.memref_slice %arg11[%dma_start3A_137, %dma_start3A_138] : memref<10240x64xf32, #tpu.memory_space<vmem_shared>> -> memref<10240x64xf32, #tpu.memory_space<vmem_shared>>
        tpu.enqueue_indirect_dma source(%arg9 : memref<128x64xf32, #tpu.memory_space<vmem>>) target(%dma_start3A_139 : memref<10240x64xf32, #tpu.memory_space<vmem_shared>>) offsets(%dma_start3A_136 : memref<128xi32, #tpu.memory_space<vmem>>) semaphore(%run_scoped3A_133 : memref<!tpu.dma_semaphore, #tpu.memory_space<semaphore_mem>>) {add = true}
        %dma_wait3A_140 = arith.constant 0 : i32
        %dma_wait3A_141 = tpu.memref_slice %arg8[%run_scoped3A, %dma_wait3A_140] : memref<8x128xi32, #tpu.memory_space<vmem>> -> memref<1x128xi32, #tpu.memory_space<vmem>>
        %dma_wait3A_142 = tpu.memref_squeeze %dma_wait3A_141 : memref<1x128xi32, #tpu.memory_space<vmem>> -> memref<128xi32, #tpu.memory_space<vmem>>
        %dma_wait3A_143 = arith.constant 0 : i32
        %dma_wait3A_144 = arith.constant 0 : i32
        %dma_wait3A_145 = tpu.memref_slice %arg11[%dma_wait3A_143, %dma_wait3A_144] : memref<10240x64xf32, #tpu.memory_space<vmem_shared>> -> memref<10240x64xf32, #tpu.memory_space<vmem_shared>>
        tpu.wait_indirect_dma semaphore(%run_scoped3A_133 : memref<!tpu.dma_semaphore, #tpu.memory_space<semaphore_mem>>) src(%arg9 : memref<128x64xf32, #tpu.memory_space<vmem>>) dst(%dma_wait3A_145 : memref<10240x64xf32, #tpu.memory_space<vmem_shared>>)
        tpu.yield
      }) : () -> ()
      %dma_wait3A_35 = arith.constant 1 : i32
      %dma_wait3A_36 = arith.constant 0 : i32
      %dma_wait3A_37 = tpu.memref_slice %arg7[%dma_wait3A_35, %dma_wait3A_36] : memref<8x128xi32, #tpu.memory_space<vmem>> -> memref<1x128xi32, #tpu.memory_space<vmem>>
      %dma_wait3A_38 = tpu.memref_squeeze %dma_wait3A_37 : memref<1x128xi32, #tpu.memory_space<vmem>> -> memref<128xi32, #tpu.memory_space<vmem>>
      %dma_wait3A_39 = arith.constant 0 : i32
      %dma_wait3A_40 = arith.constant 0 : i32
      %dma_wait3A_41 = tpu.memref_slice %arg2[%dma_wait3A_39, %dma_wait3A_40] : memref<10240x64xf32, #tpu.memory_space<hbm>> -> memref<10240x64xf32, #tpu.memory_space<hbm>>
      tpu.wait_indirect_dma semaphore(%arg13 : memref<!tpu.dma_semaphore, #tpu.memory_space<semaphore_mem>>) src(%dma_wait3A_41 : memref<10240x64xf32, #tpu.memory_space<hbm>>) dst(%arg10 : memref<128x64xf32, #tpu.memory_space<vmem>>)
      %dma_start3A_42 = arith.constant 2 : i32
      %dma_start3A_43 = arith.constant 0 : i32
      %dma_start3A_44 = tpu.memref_slice %arg7[%dma_start3A_42, %dma_start3A_43] : memref<8x128xi32, #tpu.memory_space<vmem>> -> memref<1x128xi32, #tpu.memory_space<vmem>>
      %dma_start3A_45 = tpu.memref_squeeze %dma_start3A_44 : memref<1x128xi32, #tpu.memory_space<vmem>> -> memref<128xi32, #tpu.memory_space<vmem>>
      %dma_start3A_46 = arith.constant 0 : i32
      %dma_start3A_47 = arith.constant 0 : i32
      %dma_start3A_48 = tpu.memref_slice %arg2[%dma_start3A_46, %dma_start3A_47] : memref<10240x64xf32, #tpu.memory_space<hbm>> -> memref<10240x64xf32, #tpu.memory_space<hbm>>
      tpu.enqueue_indirect_dma source(%dma_start3A_48 : memref<10240x64xf32, #tpu.memory_space<hbm>>) target(%arg9 : memref<128x64xf32, #tpu.memory_space<vmem>>) offsets(%dma_start3A_45 : memref<128xi32, #tpu.memory_space<vmem>>) semaphore(%arg12 : memref<!tpu.dma_semaphore, #tpu.memory_space<semaphore_mem>>)
      %run_scoped3A_49 = arith.constant 1 : i32
      "tpu.region"() ({
        %run_scoped3A_133 = tpu.sem_alloc : memref<!tpu.dma_semaphore, #tpu.memory_space<semaphore_mem>>
        %dma_start3A_134 = arith.constant 0 : i32
        %dma_start3A_135 = tpu.memref_slice %arg8[%run_scoped3A_49, %dma_start3A_134] : memref<8x128xi32, #tpu.memory_space<vmem>> -> memref<1x128xi32, #tpu.memory_space<vmem>>
        %dma_start3A_136 = tpu.memref_squeeze %dma_start3A_135 : memref<1x128xi32, #tpu.memory_space<vmem>> -> memref<128xi32, #tpu.memory_space<vmem>>
        %dma_start3A_137 = arith.constant 0 : i32
        %dma_start3A_138 = arith.constant 0 : i32
        %dma_start3A_139 = tpu.memref_slice %arg11[%dma_start3A_137, %dma_start3A_138] : memref<10240x64xf32, #tpu.memory_space<vmem_shared>> -> memref<10240x64xf32, #tpu.memory_space<vmem_shared>>
        tpu.enqueue_indirect_dma source(%arg10 : memref<128x64xf32, #tpu.memory_space<vmem>>) target(%dma_start3A_139 : memref<10240x64xf32, #tpu.memory_space<vmem_shared>>) offsets(%dma_start3A_136 : memref<128xi32, #tpu.memory_space<vmem>>) semaphore(%run_scoped3A_133 : memref<!tpu.dma_semaphore, #tpu.memory_space<semaphore_mem>>) {add = true}
        %dma_wait3A_140 = arith.constant 0 : i32
        %dma_wait3A_141 = tpu.memref_slice %arg8[%run_scoped3A_49, %dma_wait3A_140] : memref<8x128xi32, #tpu.memory_space<vmem>> -> memref<1x128xi32, #tpu.memory_space<vmem>>
        %dma_wait3A_142 = tpu.memref_squeeze %dma_wait3A_141 : memref<1x128xi32, #tpu.memory_space<vmem>> -> memref<128xi32, #tpu.memory_space<vmem>>
        %dma_wait3A_143 = arith.constant 0 : i32
        %dma_wait3A_144 = arith.constant 0 : i32
        %dma_wait3A_145 = tpu.memref_slice %arg11[%dma_wait3A_143, %dma_wait3A_144] : memref<10240x64xf32, #tpu.memory_space<vmem_shared>> -> memref<10240x64xf32, #tpu.memory_space<vmem_shared>>
        tpu.wait_indirect_dma semaphore(%run_scoped3A_133 : memref<!tpu.dma_semaphore, #tpu.memory_space<semaphore_mem>>) src(%arg10 : memref<128x64xf32, #tpu.memory_space<vmem>>) dst(%dma_wait3A_145 : memref<10240x64xf32, #tpu.memory_space<vmem_shared>>)
        tpu.yield
      }) : () -> ()
      %dma_wait3A_50 = arith.constant 2 : i32
      %dma_wait3A_51 = arith.constant 0 : i32
      %dma_wait3A_52 = tpu.memref_slice %arg7[%dma_wait3A_50, %dma_wait3A_51] : memref<8x128xi32, #tpu.memory_space<vmem>> -> memref<1x128xi32, #tpu.memory_space<vmem>>
      %dma_wait3A_53 = tpu.memref_squeeze %dma_wait3A_52 : memref<1x128xi32, #tpu.memory_space<vmem>> -> memref<128xi32, #tpu.memory_space<vmem>>
      %dma_wait3A_54 = arith.constant 0 : i32
      %dma_wait3A_55 = arith.constant 0 : i32
      %dma_wait3A_56 = tpu.memref_slice %arg2[%dma_wait3A_54, %dma_wait3A_55] : memref<10240x64xf32, #tpu.memory_space<hbm>> -> memref<10240x64xf32, #tpu.memory_space<hbm>>
      tpu.wait_indirect_dma semaphore(%arg12 : memref<!tpu.dma_semaphore, #tpu.memory_space<semaphore_mem>>) src(%dma_wait3A_56 : memref<10240x64xf32, #tpu.memory_space<hbm>>) dst(%arg9 : memref<128x64xf32, #tpu.memory_space<vmem>>)
      %dma_start3A_57 = arith.constant 3 : i32
      %dma_start3A_58 = arith.constant 0 : i32
      %dma_start3A_59 = tpu.memref_slice %arg7[%dma_start3A_57, %dma_start3A_58] : memref<8x128xi32, #tpu.memory_space<vmem>> -> memref<1x128xi32, #tpu.memory_space<vmem>>
      %dma_start3A_60 = tpu.memref_squeeze %dma_start3A_59 : memref<1x128xi32, #tpu.memory_space<vmem>> -> memref<128xi32, #tpu.memory_space<vmem>>
      %dma_start3A_61 = arith.constant 0 : i32
      %dma_start3A_62 = arith.constant 0 : i32
      %dma_start3A_63 = tpu.memref_slice %arg2[%dma_start3A_61, %dma_start3A_62] : memref<10240x64xf32, #tpu.memory_space<hbm>> -> memref<10240x64xf32, #tpu.memory_space<hbm>>
      tpu.enqueue_indirect_dma source(%dma_start3A_63 : memref<10240x64xf32, #tpu.memory_space<hbm>>) target(%arg10 : memref<128x64xf32, #tpu.memory_space<vmem>>) offsets(%dma_start3A_60 : memref<128xi32, #tpu.memory_space<vmem>>) semaphore(%arg13 : memref<!tpu.dma_semaphore, #tpu.memory_space<semaphore_mem>>)
      %run_scoped3A_64 = arith.constant 2 : i32
      "tpu.region"() ({
        %run_scoped3A_133 = tpu.sem_alloc : memref<!tpu.dma_semaphore, #tpu.memory_space<semaphore_mem>>
        %dma_start3A_134 = arith.constant 0 : i32
        %dma_start3A_135 = tpu.memref_slice %arg8[%run_scoped3A_64, %dma_start3A_134] : memref<8x128xi32, #tpu.memory_space<vmem>> -> memref<1x128xi32, #tpu.memory_space<vmem>>
        %dma_start3A_136 = tpu.memref_squeeze %dma_start3A_135 : memref<1x128xi32, #tpu.memory_space<vmem>> -> memref<128xi32, #tpu.memory_space<vmem>>
        %dma_start3A_137 = arith.constant 0 : i32
        %dma_start3A_138 = arith.constant 0 : i32
        %dma_start3A_139 = tpu.memref_slice %arg11[%dma_start3A_137, %dma_start3A_138] : memref<10240x64xf32, #tpu.memory_space<vmem_shared>> -> memref<10240x64xf32, #tpu.memory_space<vmem_shared>>
        tpu.enqueue_indirect_dma source(%arg9 : memref<128x64xf32, #tpu.memory_space<vmem>>) target(%dma_start3A_139 : memref<10240x64xf32, #tpu.memory_space<vmem_shared>>) offsets(%dma_start3A_136 : memref<128xi32, #tpu.memory_space<vmem>>) semaphore(%run_scoped3A_133 : memref<!tpu.dma_semaphore, #tpu.memory_space<semaphore_mem>>) {add = true}
        %dma_wait3A_140 = arith.constant 0 : i32
        %dma_wait3A_141 = tpu.memref_slice %arg8[%run_scoped3A_64, %dma_wait3A_140] : memref<8x128xi32, #tpu.memory_space<vmem>> -> memref<1x128xi32, #tpu.memory_space<vmem>>
        %dma_wait3A_142 = tpu.memref_squeeze %dma_wait3A_141 : memref<1x128xi32, #tpu.memory_space<vmem>> -> memref<128xi32, #tpu.memory_space<vmem>>
        %dma_wait3A_143 = arith.constant 0 : i32
        %dma_wait3A_144 = arith.constant 0 : i32
        %dma_wait3A_145 = tpu.memref_slice %arg11[%dma_wait3A_143, %dma_wait3A_144] : memref<10240x64xf32, #tpu.memory_space<vmem_shared>> -> memref<10240x64xf32, #tpu.memory_space<vmem_shared>>
        tpu.wait_indirect_dma semaphore(%run_scoped3A_133 : memref<!tpu.dma_semaphore, #tpu.memory_space<semaphore_mem>>) src(%arg9 : memref<128x64xf32, #tpu.memory_space<vmem>>) dst(%dma_wait3A_145 : memref<10240x64xf32, #tpu.memory_space<vmem_shared>>)
        tpu.yield
      }) : () -> ()
      %dma_wait3A_65 = arith.constant 3 : i32
      %dma_wait3A_66 = arith.constant 0 : i32
      %dma_wait3A_67 = tpu.memref_slice %arg7[%dma_wait3A_65, %dma_wait3A_66] : memref<8x128xi32, #tpu.memory_space<vmem>> -> memref<1x128xi32, #tpu.memory_space<vmem>>
      %dma_wait3A_68 = tpu.memref_squeeze %dma_wait3A_67 : memref<1x128xi32, #tpu.memory_space<vmem>> -> memref<128xi32, #tpu.memory_space<vmem>>
      %dma_wait3A_69 = arith.constant 0 : i32
      %dma_wait3A_70 = arith.constant 0 : i32
      %dma_wait3A_71 = tpu.memref_slice %arg2[%dma_wait3A_69, %dma_wait3A_70] : memref<10240x64xf32, #tpu.memory_space<hbm>> -> memref<10240x64xf32, #tpu.memory_space<hbm>>
      tpu.wait_indirect_dma semaphore(%arg13 : memref<!tpu.dma_semaphore, #tpu.memory_space<semaphore_mem>>) src(%dma_wait3A_71 : memref<10240x64xf32, #tpu.memory_space<hbm>>) dst(%arg10 : memref<128x64xf32, #tpu.memory_space<vmem>>)
      %dma_start3A_72 = arith.constant 4 : i32
      %dma_start3A_73 = arith.constant 0 : i32
      %dma_start3A_74 = tpu.memref_slice %arg7[%dma_start3A_72, %dma_start3A_73] : memref<8x128xi32, #tpu.memory_space<vmem>> -> memref<1x128xi32, #tpu.memory_space<vmem>>
      %dma_start3A_75 = tpu.memref_squeeze %dma_start3A_74 : memref<1x128xi32, #tpu.memory_space<vmem>> -> memref<128xi32, #tpu.memory_space<vmem>>
      %dma_start3A_76 = arith.constant 0 : i32
      %dma_start3A_77 = arith.constant 0 : i32
      %dma_start3A_78 = tpu.memref_slice %arg2[%dma_start3A_76, %dma_start3A_77] : memref<10240x64xf32, #tpu.memory_space<hbm>> -> memref<10240x64xf32, #tpu.memory_space<hbm>>
      tpu.enqueue_indirect_dma source(%dma_start3A_78 : memref<10240x64xf32, #tpu.memory_space<hbm>>) target(%arg9 : memref<128x64xf32, #tpu.memory_space<vmem>>) offsets(%dma_start3A_75 : memref<128xi32, #tpu.memory_space<vmem>>) semaphore(%arg12 : memref<!tpu.dma_semaphore, #tpu.memory_space<semaphore_mem>>)
      %run_scoped3A_79 = arith.constant 3 : i32
      "tpu.region"() ({
        %run_scoped3A_133 = tpu.sem_alloc : memref<!tpu.dma_semaphore, #tpu.memory_space<semaphore_mem>>
        %dma_start3A_134 = arith.constant 0 : i32
        %dma_start3A_135 = tpu.memref_slice %arg8[%run_scoped3A_79, %dma_start3A_134] : memref<8x128xi32, #tpu.memory_space<vmem>> -> memref<1x128xi32, #tpu.memory_space<vmem>>
        %dma_start3A_136 = tpu.memref_squeeze %dma_start3A_135 : memref<1x128xi32, #tpu.memory_space<vmem>> -> memref<128xi32, #tpu.memory_space<vmem>>
        %dma_start3A_137 = arith.constant 0 : i32
        %dma_start3A_138 = arith.constant 0 : i32
        %dma_start3A_139 = tpu.memref_slice %arg11[%dma_start3A_137, %dma_start3A_138] : memref<10240x64xf32, #tpu.memory_space<vmem_shared>> -> memref<10240x64xf32, #tpu.memory_space<vmem_shared>>
        tpu.enqueue_indirect_dma source(%arg10 : memref<128x64xf32, #tpu.memory_space<vmem>>) target(%dma_start3A_139 : memref<10240x64xf32, #tpu.memory_space<vmem_shared>>) offsets(%dma_start3A_136 : memref<128xi32, #tpu.memory_space<vmem>>) semaphore(%run_scoped3A_133 : memref<!tpu.dma_semaphore, #tpu.memory_space<semaphore_mem>>) {add = true}
        %dma_wait3A_140 = arith.constant 0 : i32
        %dma_wait3A_141 = tpu.memref_slice %arg8[%run_scoped3A_79, %dma_wait3A_140] : memref<8x128xi32, #tpu.memory_space<vmem>> -> memref<1x128xi32, #tpu.memory_space<vmem>>
        %dma_wait3A_142 = tpu.memref_squeeze %dma_wait3A_141 : memref<1x128xi32, #tpu.memory_space<vmem>> -> memref<128xi32, #tpu.memory_space<vmem>>
        %dma_wait3A_143 = arith.constant 0 : i32
        %dma_wait3A_144 = arith.constant 0 : i32
        %dma_wait3A_145 = tpu.memref_slice %arg11[%dma_wait3A_143, %dma_wait3A_144] : memref<10240x64xf32, #tpu.memory_space<vmem_shared>> -> memref<10240x64xf32, #tpu.memory_space<vmem_shared>>
        tpu.wait_indirect_dma semaphore(%run_scoped3A_133 : memref<!tpu.dma_semaphore, #tpu.memory_space<semaphore_mem>>) src(%arg10 : memref<128x64xf32, #tpu.memory_space<vmem>>) dst(%dma_wait3A_145 : memref<10240x64xf32, #tpu.memory_space<vmem_shared>>)
        tpu.yield
      }) : () -> ()
      %dma_wait3A_80 = arith.constant 4 : i32
      %dma_wait3A_81 = arith.constant 0 : i32
      %dma_wait3A_82 = tpu.memref_slice %arg7[%dma_wait3A_80, %dma_wait3A_81] : memref<8x128xi32, #tpu.memory_space<vmem>> -> memref<1x128xi32, #tpu.memory_space<vmem>>
      %dma_wait3A_83 = tpu.memref_squeeze %dma_wait3A_82 : memref<1x128xi32, #tpu.memory_space<vmem>> -> memref<128xi32, #tpu.memory_space<vmem>>
      %dma_wait3A_84 = arith.constant 0 : i32
      %dma_wait3A_85 = arith.constant 0 : i32
      %dma_wait3A_86 = tpu.memref_slice %arg2[%dma_wait3A_84, %dma_wait3A_85] : memref<10240x64xf32, #tpu.memory_space<hbm>> -> memref<10240x64xf32, #tpu.memory_space<hbm>>
      tpu.wait_indirect_dma semaphore(%arg12 : memref<!tpu.dma_semaphore, #tpu.memory_space<semaphore_mem>>) src(%dma_wait3A_86 : memref<10240x64xf32, #tpu.memory_space<hbm>>) dst(%arg9 : memref<128x64xf32, #tpu.memory_space<vmem>>)
      %dma_start3A_87 = arith.constant 5 : i32
      %dma_start3A_88 = arith.constant 0 : i32
      %dma_start3A_89 = tpu.memref_slice %arg7[%dma_start3A_87, %dma_start3A_88] : memref<8x128xi32, #tpu.memory_space<vmem>> -> memref<1x128xi32, #tpu.memory_space<vmem>>
      %dma_start3A_90 = tpu.memref_squeeze %dma_start3A_89 : memref<1x128xi32, #tpu.memory_space<vmem>> -> memref<128xi32, #tpu.memory_space<vmem>>
      %dma_start3A_91 = arith.constant 0 : i32
      %dma_start3A_92 = arith.constant 0 : i32
      %dma_start3A_93 = tpu.memref_slice %arg2[%dma_start3A_91, %dma_start3A_92] : memref<10240x64xf32, #tpu.memory_space<hbm>> -> memref<10240x64xf32, #tpu.memory_space<hbm>>
      tpu.enqueue_indirect_dma source(%dma_start3A_93 : memref<10240x64xf32, #tpu.memory_space<hbm>>) target(%arg10 : memref<128x64xf32, #tpu.memory_space<vmem>>) offsets(%dma_start3A_90 : memref<128xi32, #tpu.memory_space<vmem>>) semaphore(%arg13 : memref<!tpu.dma_semaphore, #tpu.memory_space<semaphore_mem>>)
      %run_scoped3A_94 = arith.constant 4 : i32
      "tpu.region"() ({
        %run_scoped3A_133 = tpu.sem_alloc : memref<!tpu.dma_semaphore, #tpu.memory_space<semaphore_mem>>
        %dma_start3A_134 = arith.constant 0 : i32
        %dma_start3A_135 = tpu.memref_slice %arg8[%run_scoped3A_94, %dma_start3A_134] : memref<8x128xi32, #tpu.memory_space<vmem>> -> memref<1x128xi32, #tpu.memory_space<vmem>>
        %dma_start3A_136 = tpu.memref_squeeze %dma_start3A_135 : memref<1x128xi32, #tpu.memory_space<vmem>> -> memref<128xi32, #tpu.memory_space<vmem>>
        %dma_start3A_137 = arith.constant 0 : i32
        %dma_start3A_138 = arith.constant 0 : i32
        %dma_start3A_139 = tpu.memref_slice %arg11[%dma_start3A_137, %dma_start3A_138] : memref<10240x64xf32, #tpu.memory_space<vmem_shared>> -> memref<10240x64xf32, #tpu.memory_space<vmem_shared>>
        tpu.enqueue_indirect_dma source(%arg9 : memref<128x64xf32, #tpu.memory_space<vmem>>) target(%dma_start3A_139 : memref<10240x64xf32, #tpu.memory_space<vmem_shared>>) offsets(%dma_start3A_136 : memref<128xi32, #tpu.memory_space<vmem>>) semaphore(%run_scoped3A_133 : memref<!tpu.dma_semaphore, #tpu.memory_space<semaphore_mem>>) {add = true}
        %dma_wait3A_140 = arith.constant 0 : i32
        %dma_wait3A_141 = tpu.memref_slice %arg8[%run_scoped3A_94, %dma_wait3A_140] : memref<8x128xi32, #tpu.memory_space<vmem>> -> memref<1x128xi32, #tpu.memory_space<vmem>>
        %dma_wait3A_142 = tpu.memref_squeeze %dma_wait3A_141 : memref<1x128xi32, #tpu.memory_space<vmem>> -> memref<128xi32, #tpu.memory_space<vmem>>
        %dma_wait3A_143 = arith.constant 0 : i32
        %dma_wait3A_144 = arith.constant 0 : i32
        %dma_wait3A_145 = tpu.memref_slice %arg11[%dma_wait3A_143, %dma_wait3A_144] : memref<10240x64xf32, #tpu.memory_space<vmem_shared>> -> memref<10240x64xf32, #tpu.memory_space<vmem_shared>>
        tpu.wait_indirect_dma semaphore(%run_scoped3A_133 : memref<!tpu.dma_semaphore, #tpu.memory_space<semaphore_mem>>) src(%arg9 : memref<128x64xf32, #tpu.memory_space<vmem>>) dst(%dma_wait3A_145 : memref<10240x64xf32, #tpu.memory_space<vmem_shared>>)
        tpu.yield
      }) : () -> ()
      %dma_wait3A_95 = arith.constant 5 : i32
      %dma_wait3A_96 = arith.constant 0 : i32
      %dma_wait3A_97 = tpu.memref_slice %arg7[%dma_wait3A_95, %dma_wait3A_96] : memref<8x128xi32, #tpu.memory_space<vmem>> -> memref<1x128xi32, #tpu.memory_space<vmem>>
      %dma_wait3A_98 = tpu.memref_squeeze %dma_wait3A_97 : memref<1x128xi32, #tpu.memory_space<vmem>> -> memref<128xi32, #tpu.memory_space<vmem>>
      %dma_wait3A_99 = arith.constant 0 : i32
      %dma_wait3A_100 = arith.constant 0 : i32
      %dma_wait3A_101 = tpu.memref_slice %arg2[%dma_wait3A_99, %dma_wait3A_100] : memref<10240x64xf32, #tpu.memory_space<hbm>> -> memref<10240x64xf32, #tpu.memory_space<hbm>>
      tpu.wait_indirect_dma semaphore(%arg13 : memref<!tpu.dma_semaphore, #tpu.memory_space<semaphore_mem>>) src(%dma_wait3A_101 : memref<10240x64xf32, #tpu.memory_space<hbm>>) dst(%arg10 : memref<128x64xf32, #tpu.memory_space<vmem>>)
      %dma_start3A_102 = arith.constant 6 : i32
      %dma_start3A_103 = arith.constant 0 : i32
      %dma_start3A_104 = tpu.memref_slice %arg7[%dma_start3A_102, %dma_start3A_103] : memref<8x128xi32, #tpu.memory_space<vmem>> -> memref<1x128xi32, #tpu.memory_space<vmem>>
      %dma_start3A_105 = tpu.memref_squeeze %dma_start3A_104 : memref<1x128xi32, #tpu.memory_space<vmem>> -> memref<128xi32, #tpu.memory_space<vmem>>
      %dma_start3A_106 = arith.constant 0 : i32
      %dma_start3A_107 = arith.constant 0 : i32
      %dma_start3A_108 = tpu.memref_slice %arg2[%dma_start3A_106, %dma_start3A_107] : memref<10240x64xf32, #tpu.memory_space<hbm>> -> memref<10240x64xf32, #tpu.memory_space<hbm>>
      tpu.enqueue_indirect_dma source(%dma_start3A_108 : memref<10240x64xf32, #tpu.memory_space<hbm>>) target(%arg9 : memref<128x64xf32, #tpu.memory_space<vmem>>) offsets(%dma_start3A_105 : memref<128xi32, #tpu.memory_space<vmem>>) semaphore(%arg12 : memref<!tpu.dma_semaphore, #tpu.memory_space<semaphore_mem>>)
      %run_scoped3A_109 = arith.constant 5 : i32
      "tpu.region"() ({
        %run_scoped3A_133 = tpu.sem_alloc : memref<!tpu.dma_semaphore, #tpu.memory_space<semaphore_mem>>
        %dma_start3A_134 = arith.constant 0 : i32
        %dma_start3A_135 = tpu.memref_slice %arg8[%run_scoped3A_109, %dma_start3A_134] : memref<8x128xi32, #tpu.memory_space<vmem>> -> memref<1x128xi32, #tpu.memory_space<vmem>>
        %dma_start3A_136 = tpu.memref_squeeze %dma_start3A_135 : memref<1x128xi32, #tpu.memory_space<vmem>> -> memref<128xi32, #tpu.memory_space<vmem>>
        %dma_start3A_137 = arith.constant 0 : i32
        %dma_start3A_138 = arith.constant 0 : i32
        %dma_start3A_139 = tpu.memref_slice %arg11[%dma_start3A_137, %dma_start3A_138] : memref<10240x64xf32, #tpu.memory_space<vmem_shared>> -> memref<10240x64xf32, #tpu.memory_space<vmem_shared>>
        tpu.enqueue_indirect_dma source(%arg10 : memref<128x64xf32, #tpu.memory_space<vmem>>) target(%dma_start3A_139 : memref<10240x64xf32, #tpu.memory_space<vmem_shared>>) offsets(%dma_start3A_136 : memref<128xi32, #tpu.memory_space<vmem>>) semaphore(%run_scoped3A_133 : memref<!tpu.dma_semaphore, #tpu.memory_space<semaphore_mem>>) {add = true}
        %dma_wait3A_140 = arith.constant 0 : i32
        %dma_wait3A_141 = tpu.memref_slice %arg8[%run_scoped3A_109, %dma_wait3A_140] : memref<8x128xi32, #tpu.memory_space<vmem>> -> memref<1x128xi32, #tpu.memory_space<vmem>>
        %dma_wait3A_142 = tpu.memref_squeeze %dma_wait3A_141 : memref<1x128xi32, #tpu.memory_space<vmem>> -> memref<128xi32, #tpu.memory_space<vmem>>
        %dma_wait3A_143 = arith.constant 0 : i32
        %dma_wait3A_144 = arith.constant 0 : i32
        %dma_wait3A_145 = tpu.memref_slice %arg11[%dma_wait3A_143, %dma_wait3A_144] : memref<10240x64xf32, #tpu.memory_space<vmem_shared>> -> memref<10240x64xf32, #tpu.memory_space<vmem_shared>>
        tpu.wait_indirect_dma semaphore(%run_scoped3A_133 : memref<!tpu.dma_semaphore, #tpu.memory_space<semaphore_mem>>) src(%arg10 : memref<128x64xf32, #tpu.memory_space<vmem>>) dst(%dma_wait3A_145 : memref<10240x64xf32, #tpu.memory_space<vmem_shared>>)
        tpu.yield
      }) : () -> ()
      %dma_wait3A_110 = arith.constant 6 : i32
      %dma_wait3A_111 = arith.constant 0 : i32
      %dma_wait3A_112 = tpu.memref_slice %arg7[%dma_wait3A_110, %dma_wait3A_111] : memref<8x128xi32, #tpu.memory_space<vmem>> -> memref<1x128xi32, #tpu.memory_space<vmem>>
      %dma_wait3A_113 = tpu.memref_squeeze %dma_wait3A_112 : memref<1x128xi32, #tpu.memory_space<vmem>> -> memref<128xi32, #tpu.memory_space<vmem>>
      %dma_wait3A_114 = arith.constant 0 : i32
      %dma_wait3A_115 = arith.constant 0 : i32
      %dma_wait3A_116 = tpu.memref_slice %arg2[%dma_wait3A_114, %dma_wait3A_115] : memref<10240x64xf32, #tpu.memory_space<hbm>> -> memref<10240x64xf32, #tpu.memory_space<hbm>>
      tpu.wait_indirect_dma semaphore(%arg12 : memref<!tpu.dma_semaphore, #tpu.memory_space<semaphore_mem>>) src(%dma_wait3A_116 : memref<10240x64xf32, #tpu.memory_space<hbm>>) dst(%arg9 : memref<128x64xf32, #tpu.memory_space<vmem>>)
      %dma_start3A_117 = arith.constant 7 : i32
      %dma_start3A_118 = arith.constant 0 : i32
      %dma_start3A_119 = tpu.memref_slice %arg7[%dma_start3A_117, %dma_start3A_118] : memref<8x128xi32, #tpu.memory_space<vmem>> -> memref<1x128xi32, #tpu.memory_space<vmem>>
      %dma_start3A_120 = tpu.memref_squeeze %dma_start3A_119 : memref<1x128xi32, #tpu.memory_space<vmem>> -> memref<128xi32, #tpu.memory_space<vmem>>
      %dma_start3A_121 = arith.constant 0 : i32
      %dma_start3A_122 = arith.constant 0 : i32
      %dma_start3A_123 = tpu.memref_slice %arg2[%dma_start3A_121, %dma_start3A_122] : memref<10240x64xf32, #tpu.memory_space<hbm>> -> memref<10240x64xf32, #tpu.memory_space<hbm>>
      tpu.enqueue_indirect_dma source(%dma_start3A_123 : memref<10240x64xf32, #tpu.memory_space<hbm>>) target(%arg10 : memref<128x64xf32, #tpu.memory_space<vmem>>) offsets(%dma_start3A_120 : memref<128xi32, #tpu.memory_space<vmem>>) semaphore(%arg13 : memref<!tpu.dma_semaphore, #tpu.memory_space<semaphore_mem>>)
      %run_scoped3A_124 = arith.constant 6 : i32
      "tpu.region"() ({
        %run_scoped3A_133 = tpu.sem_alloc : memref<!tpu.dma_semaphore, #tpu.memory_space<semaphore_mem>>
        %dma_start3A_134 = arith.constant 0 : i32
        %dma_start3A_135 = tpu.memref_slice %arg8[%run_scoped3A_124, %dma_start3A_134] : memref<8x128xi32, #tpu.memory_space<vmem>> -> memref<1x128xi32, #tpu.memory_space<vmem>>
        %dma_start3A_136 = tpu.memref_squeeze %dma_start3A_135 : memref<1x128xi32, #tpu.memory_space<vmem>> -> memref<128xi32, #tpu.memory_space<vmem>>
        %dma_start3A_137 = arith.constant 0 : i32
        %dma_start3A_138 = arith.constant 0 : i32
        %dma_start3A_139 = tpu.memref_slice %arg11[%dma_start3A_137, %dma_start3A_138] : memref<10240x64xf32, #tpu.memory_space<vmem_shared>> -> memref<10240x64xf32, #tpu.memory_space<vmem_shared>>
        tpu.enqueue_indirect_dma source(%arg9 : memref<128x64xf32, #tpu.memory_space<vmem>>) target(%dma_start3A_139 : memref<10240x64xf32, #tpu.memory_space<vmem_shared>>) offsets(%dma_start3A_136 : memref<128xi32, #tpu.memory_space<vmem>>) semaphore(%run_scoped3A_133 : memref<!tpu.dma_semaphore, #tpu.memory_space<semaphore_mem>>) {add = true}
        %dma_wait3A_140 = arith.constant 0 : i32
        %dma_wait3A_141 = tpu.memref_slice %arg8[%run_scoped3A_124, %dma_wait3A_140] : memref<8x128xi32, #tpu.memory_space<vmem>> -> memref<1x128xi32, #tpu.memory_space<vmem>>
        %dma_wait3A_142 = tpu.memref_squeeze %dma_wait3A_141 : memref<1x128xi32, #tpu.memory_space<vmem>> -> memref<128xi32, #tpu.memory_space<vmem>>
        %dma_wait3A_143 = arith.constant 0 : i32
        %dma_wait3A_144 = arith.constant 0 : i32
        %dma_wait3A_145 = tpu.memref_slice %arg11[%dma_wait3A_143, %dma_wait3A_144] : memref<10240x64xf32, #tpu.memory_space<vmem_shared>> -> memref<10240x64xf32, #tpu.memory_space<vmem_shared>>
        tpu.wait_indirect_dma semaphore(%run_scoped3A_133 : memref<!tpu.dma_semaphore, #tpu.memory_space<semaphore_mem>>) src(%arg9 : memref<128x64xf32, #tpu.memory_space<vmem>>) dst(%dma_wait3A_145 : memref<10240x64xf32, #tpu.memory_space<vmem_shared>>)
        tpu.yield
      }) : () -> ()
      %dma_wait3A_125 = arith.constant 7 : i32
      %dma_wait3A_126 = arith.constant 0 : i32
      %dma_wait3A_127 = tpu.memref_slice %arg7[%dma_wait3A_125, %dma_wait3A_126] : memref<8x128xi32, #tpu.memory_space<vmem>> -> memref<1x128xi32, #tpu.memory_space<vmem>>
      %dma_wait3A_128 = tpu.memref_squeeze %dma_wait3A_127 : memref<1x128xi32, #tpu.memory_space<vmem>> -> memref<128xi32, #tpu.memory_space<vmem>>
      %dma_wait3A_129 = arith.constant 0 : i32
      %dma_wait3A_130 = arith.constant 0 : i32
      %dma_wait3A_131 = tpu.memref_slice %arg2[%dma_wait3A_129, %dma_wait3A_130] : memref<10240x64xf32, #tpu.memory_space<hbm>> -> memref<10240x64xf32, #tpu.memory_space<hbm>>
      tpu.wait_indirect_dma semaphore(%arg13 : memref<!tpu.dma_semaphore, #tpu.memory_space<semaphore_mem>>) src(%dma_wait3A_131 : memref<10240x64xf32, #tpu.memory_space<hbm>>) dst(%arg10 : memref<128x64xf32, #tpu.memory_space<vmem>>)
      %run_scoped3A_132 = arith.constant 7 : i32
      "tpu.region"() ({
        %run_scoped3A_133 = tpu.sem_alloc : memref<!tpu.dma_semaphore, #tpu.memory_space<semaphore_mem>>
        %dma_start3A_134 = arith.constant 0 : i32
        %dma_start3A_135 = tpu.memref_slice %arg8[%run_scoped3A_132, %dma_start3A_134] : memref<8x128xi32, #tpu.memory_space<vmem>> -> memref<1x128xi32, #tpu.memory_space<vmem>>
        %dma_start3A_136 = tpu.memref_squeeze %dma_start3A_135 : memref<1x128xi32, #tpu.memory_space<vmem>> -> memref<128xi32, #tpu.memory_space<vmem>>
        %dma_start3A_137 = arith.constant 0 : i32
        %dma_start3A_138 = arith.constant 0 : i32
        %dma_start3A_139 = tpu.memref_slice %arg11[%dma_start3A_137, %dma_start3A_138] : memref<10240x64xf32, #tpu.memory_space<vmem_shared>> -> memref<10240x64xf32, #tpu.memory_space<vmem_shared>>
        tpu.enqueue_indirect_dma source(%arg10 : memref<128x64xf32, #tpu.memory_space<vmem>>) target(%dma_start3A_139 : memref<10240x64xf32, #tpu.memory_space<vmem_shared>>) offsets(%dma_start3A_136 : memref<128xi32, #tpu.memory_space<vmem>>) semaphore(%run_scoped3A_133 : memref<!tpu.dma_semaphore, #tpu.memory_space<semaphore_mem>>) {add = true}
        %dma_wait3A_140 = arith.constant 0 : i32
        %dma_wait3A_141 = tpu.memref_slice %arg8[%run_scoped3A_132, %dma_wait3A_140] : memref<8x128xi32, #tpu.memory_space<vmem>> -> memref<1x128xi32, #tpu.memory_space<vmem>>
        %dma_wait3A_142 = tpu.memref_squeeze %dma_wait3A_141 : memref<1x128xi32, #tpu.memory_space<vmem>> -> memref<128xi32, #tpu.memory_space<vmem>>
        %dma_wait3A_143 = arith.constant 0 : i32
        %dma_wait3A_144 = arith.constant 0 : i32
        %dma_wait3A_145 = tpu.memref_slice %arg11[%dma_wait3A_143, %dma_wait3A_144] : memref<10240x64xf32, #tpu.memory_space<vmem_shared>> -> memref<10240x64xf32, #tpu.memory_space<vmem_shared>>
        tpu.wait_indirect_dma semaphore(%run_scoped3A_133 : memref<!tpu.dma_semaphore, #tpu.memory_space<semaphore_mem>>) src(%arg10 : memref<128x64xf32, #tpu.memory_space<vmem>>) dst(%dma_wait3A_145 : memref<10240x64xf32, #tpu.memory_space<vmem_shared>>)
        tpu.yield
      }) : () -> ()
    }
    %scan3A_7 = arith.constant 10 : i32
    %barrier3A_8 = arith.constant 0 : index
    tpu.barrier barrier_id(%barrier3A_8)
    "tpu.region"() ({
      %run_scoped3A = tpu.sem_alloc : memref<!tpu.dma_semaphore, #tpu.memory_space<semaphore_mem>>
      %dma_start3A = arith.constant 0 : i32
      %dma_start3A_9 = tpu.memref_slice %arg6[%arg0, %mul3A_2, %dma_start3A] : memref<2x10240x64xf32, #tpu.memory_space<hbm>> -> memref<1x640x64xf32, #tpu.memory_space<hbm>>
      %dma_start3A_10 = tpu.memref_squeeze %dma_start3A_9 : memref<1x640x64xf32, #tpu.memory_space<hbm>> -> memref<640x64xf32, #tpu.memory_space<hbm>>
      %dma_start3A_11 = arith.constant 0 : i32
      %dma_start3A_12 = tpu.memref_slice %arg11[%mul3A_2, %dma_start3A_11] : memref<10240x64xf32, #tpu.memory_space<vmem_shared>> -> memref<640x64xf32, #tpu.memory_space<vmem_shared>>
      tpu.enqueue_dma source(%dma_start3A_12 : memref<640x64xf32, #tpu.memory_space<vmem_shared>>) target(%dma_start3A_10 : memref<640x64xf32, #tpu.memory_space<hbm>>) target_semaphore(%run_scoped3A : memref<!tpu.dma_semaphore, #tpu.memory_space<semaphore_mem>>)
      %dma_wait3A = arith.constant 0 : i32
      %dma_wait3A_13 = tpu.memref_slice %arg6[%arg0, %mul3A_2, %dma_wait3A] : memref<2x10240x64xf32, #tpu.memory_space<hbm>> -> memref<1x640x64xf32, #tpu.memory_space<hbm>>
      %dma_wait3A_14 = tpu.memref_squeeze %dma_wait3A_13 : memref<1x640x64xf32, #tpu.memory_space<hbm>> -> memref<640x64xf32, #tpu.memory_space<hbm>>
      %dma_wait3A_15 = arith.constant 0 : i32
      %dma_wait3A_16 = tpu.memref_slice %arg11[%mul3A_2, %dma_wait3A_15] : memref<10240x64xf32, #tpu.memory_space<vmem_shared>> -> memref<640x64xf32, #tpu.memory_space<vmem_shared>>
      tpu.wait_dma2 semaphore(%run_scoped3A : memref<!tpu.dma_semaphore, #tpu.memory_space<semaphore_mem>>) src(%dma_wait3A_16 : memref<640x64xf32, #tpu.memory_space<vmem_shared>>) dst(%dma_wait3A_14 : memref<640x64xf32, #tpu.memory_space<hbm>>)
      tpu.yield
    }) : () -> ()
    return
  }
}

module attributes {stable_mosaic.version = 14 : i64} {
  func.func @_dense1_body(%arg0: i32, %arg1: memref<2x256x128xbf16, #tpu.memory_space<vmem>>, %arg2: memref<2x256x128xf32, #tpu.memory_space<vmem>>, %arg3: memref<256x128xf32, #tpu.memory_space<vmem>>, %arg4: memref<128x128xf32, #tpu.memory_space<vmem>>, %arg5: memref<1x128xf32, #tpu.memory_space<vmem>>, %arg6: memref<128x128xf32, #tpu.memory_space<vmem>>, %arg7: memref<128x128xf32, #tpu.memory_space<vmem>>, %arg8: memref<256x128xbf16, #tpu.memory_space<vmem>>, %arg9: memref<256x16xf32, #tpu.memory_space<vmem>>, %arg10: memref<256x16xf32, #tpu.memory_space<vmem>>) attributes {dimension_semantics = [#tpu.dimension_semantics<arbitrary>], iteration_bounds = array<i64: 40>, scalar_prefetch = 0 : i64, scratch_operands = 0 : i64, tpu.core_type = #tpu.core_type<tc>, window_params = [{transform_indices = @transform_0, window_bounds = array<i64: 2, 256, 128>}, {transform_indices = @transform_1, window_bounds = array<i64: 2, 256, 128>}, {transform_indices = @transform_2, window_bounds = array<i64: 256, 128>}, {pipeline_mode = #tpu.pipeline_mode<synchronous>, transform_indices = @transform_3, window_bounds = array<i64: 128, 128>}, {pipeline_mode = #tpu.pipeline_mode<synchronous>, transform_indices = @transform_4, window_bounds = array<i64: 1, 128>}, {pipeline_mode = #tpu.pipeline_mode<synchronous>, transform_indices = @transform_5, window_bounds = array<i64: 128, 128>}, {pipeline_mode = #tpu.pipeline_mode<synchronous>, transform_indices = @transform_6, window_bounds = array<i64: 128, 128>}, {transform_indices = @transform_7, window_bounds = array<i64: 256, 128>}, {transform_indices = @transform_8, window_bounds = array<i64: 256, 16>}, {transform_indices = @transform_9, window_bounds = array<i64: 256, 16>}]} {
    %get3A = arith.constant 0 : index
    %get3A_0 = arith.constant 0 : index
    %get3A_1 = arith.constant 0 : index
    %get3A_2 = vector.load %arg2[%get3A, %get3A_0, %get3A_1] : memref<2x256x128xf32, #tpu.memory_space<vmem>>, vector<1x256x128xf32>
    %get3A_3 = vector.shape_cast %get3A_2 : vector<1x256x128xf32> to vector<256x128xf32>
    %slice3A = vector.extract_strided_slice %get3A_3 {offsets = [0, 0], sizes = [256, 1], strides = [1, 1]} : vector<256x128xf32> to vector<256x1xf32>
    %get3A_4 = arith.constant 1 : index
    %get3A_5 = arith.constant 0 : index
    %get3A_6 = arith.constant 0 : index
    %get3A_7 = vector.load %arg2[%get3A_4, %get3A_5, %get3A_6] : memref<2x256x128xf32, #tpu.memory_space<vmem>>, vector<1x256x128xf32>
    %get3A_8 = vector.shape_cast %get3A_7 : vector<1x256x128xf32> to vector<256x128xf32>
    %slice3A_9 = vector.extract_strided_slice %get3A_8 {offsets = [0, 0], sizes = [256, 1], strides = [1, 1]} : vector<256x128xf32> to vector<256x1xf32>
    %add3A = arith.addf %slice3A, %slice3A_9 : vector<256x1xf32>
    %max3A = arith.constant 1.000000e+00 : f32
    %max3A_10 = vector.broadcast %max3A : f32 to vector<256x1xf32>
    %max3A_11 = arith.maximumf %add3A, %max3A_10 : vector<256x1xf32>
    %get3A_12 = arith.constant 0 : index
    %get3A_13 = arith.constant 0 : index
    %get3A_14 = arith.constant 0 : index
    %get3A_15 = vector.load %arg1[%get3A_12, %get3A_13, %get3A_14] : memref<2x256x128xbf16, #tpu.memory_space<vmem>>, vector<1x256x128xbf16>
    %get3A_16 = vector.shape_cast %get3A_15 : vector<1x256x128xbf16> to vector<256x128xbf16>
    %convert_element_type3A = arith.extf %get3A_16 : vector<256x128xbf16> to vector<256x128xf32>
    %get3A_17 = arith.constant 1 : index
    %get3A_18 = arith.constant 0 : index
    %get3A_19 = arith.constant 0 : index
    %get3A_20 = vector.load %arg1[%get3A_17, %get3A_18, %get3A_19] : memref<2x256x128xbf16, #tpu.memory_space<vmem>>, vector<1x256x128xbf16>
    %get3A_21 = vector.shape_cast %get3A_20 : vector<1x256x128xbf16> to vector<256x128xbf16>
    %convert_element_type3A_22 = arith.extf %get3A_21 : vector<256x128xbf16> to vector<256x128xf32>
    %add3A_23 = arith.addf %convert_element_type3A, %convert_element_type3A_22 : vector<256x128xf32>
    %div3A = vector.broadcast %max3A_11 : vector<256x1xf32> to vector<256x128xf32>
    %div3A_24 = arith.divf %add3A_23, %div3A : vector<256x128xf32>
    %get3A_25 = arith.constant 0 : index
    %get3A_26 = arith.constant 0 : index
    %get3A_27 = vector.load %arg4[%get3A_25, %get3A_26] : memref<128x128xf32, #tpu.memory_space<vmem>>, vector<128x128xf32>
    %dot_general3A = arith.constant dense<0.000000e+00> : vector<256x128xf32>
    %dot_general3A_28 = tpu.matmul %div3A_24, %get3A_27, %dot_general3A {dimension_numbers = #tpu.dot_dimension_numbers<[1], [1], [0], [0], [0, 0, 1, 0], [], []>, transpose_lhs_hint = false} : vector<256x128xf32>, vector<128x128xf32>, vector<256x128xf32> -> vector<256x128xf32>
    %get3A_29 = arith.constant 0 : index
    %get3A_30 = arith.constant 0 : index
    %get3A_31 = vector.load %arg5[%get3A_29, %get3A_30] : memref<1x128xf32, #tpu.memory_space<vmem>>, vector<1x128xf32>
    %add3A_32 = vector.broadcast %get3A_31 : vector<1x128xf32> to vector<256x128xf32>
    %add3A_33 = arith.addf %dot_general3A_28, %add3A_32 : vector<256x128xf32>
    %get3A_34 = arith.constant 0 : index
    %get3A_35 = arith.constant 0 : index
    %get3A_36 = vector.load %arg3[%get3A_34, %get3A_35] : memref<256x128xf32, #tpu.memory_space<vmem>>, vector<256x128xf32>
    %get3A_37 = arith.constant 0 : index
    %get3A_38 = arith.constant 0 : index
    %get3A_39 = vector.load %arg6[%get3A_37, %get3A_38] : memref<128x128xf32, #tpu.memory_space<vmem>>, vector<128x128xf32>
    %dot_general3A_40 = arith.constant dense<0.000000e+00> : vector<256x128xf32>
    %dot_general3A_41 = tpu.matmul %get3A_36, %get3A_39, %dot_general3A_40 {dimension_numbers = #tpu.dot_dimension_numbers<[1], [1], [0], [0], [0, 0, 1, 0], [], []>, transpose_lhs_hint = false} : vector<256x128xf32>, vector<128x128xf32>, vector<256x128xf32> -> vector<256x128xf32>
    %add3A_42 = arith.addf %add3A_33, %dot_general3A_41 : vector<256x128xf32>
    %max3A_43 = arith.constant 0.000000e+00 : f32
    %max3A_44 = vector.broadcast %max3A_43 : f32 to vector<256x128xf32>
    %max3A_45 = arith.maximumf %add3A_42, %max3A_44 : vector<256x128xf32>
    %add3A_46 = arith.constant 1.000000e+00 : f32
    %add3A_47 = vector.broadcast %add3A_46 : f32 to vector<256x1xf32>
    %add3A_48 = arith.addf %add3A, %add3A_47 : vector<256x1xf32>
    %rsqrt3A = math.rsqrt %add3A_48 : vector<256x1xf32>
    %get3A_49 = arith.constant 0 : index
    %get3A_50 = arith.constant 0 : index
    %get3A_51 = vector.load %arg7[%get3A_49, %get3A_50] : memref<128x128xf32, #tpu.memory_space<vmem>>, vector<128x128xf32>
    %dot_general3A_52 = arith.constant dense<0.000000e+00> : vector<256x128xf32>
    %dot_general3A_53 = tpu.matmul %max3A_45, %get3A_51, %dot_general3A_52 {dimension_numbers = #tpu.dot_dimension_numbers<[1], [1], [0], [0], [0, 0, 1, 0], [], []>, transpose_lhs_hint = false} : vector<256x128xf32>, vector<128x128xf32>, vector<256x128xf32> -> vector<256x128xf32>
    %mul3A = vector.broadcast %rsqrt3A : vector<256x1xf32> to vector<256x128xf32>
    %mul3A_54 = arith.mulf %mul3A, %dot_general3A_53 : vector<256x128xf32>
    %convert_element_type3A_55 = arith.truncf %mul3A_54 : vector<256x128xf32> to vector<256x128xbf16>
    %swap3A = arith.constant 0 : index
    %swap3A_56 = arith.constant 0 : index
    %swap3A_57 = vector.load %arg8[%swap3A, %swap3A_56] : memref<256x128xbf16, #tpu.memory_space<vmem>>, vector<256x128xbf16>
    tpu.vector_store %arg8[%swap3A, %swap3A_56], %convert_element_type3A_55 {strides = array<i32>} : memref<256x128xbf16, #tpu.memory_space<vmem>>, vector<256x128xbf16>,
    %broadcast_in_dim3A = vector.shape_cast %rsqrt3A : vector<256x1xf32> to vector<256x1xf32>
    %broadcast_in_dim3A_58 = vector.broadcast %broadcast_in_dim3A : vector<256x1xf32> to vector<256x16xf32>
    %swap3A_59 = arith.constant 0 : index
    %swap3A_60 = arith.constant 0 : index
    %swap3A_61 = vector.load %arg9[%swap3A_59, %swap3A_60] : memref<256x16xf32, #tpu.memory_space<vmem>>, vector<256x16xf32>
    tpu.vector_store %arg9[%swap3A_59, %swap3A_60], %broadcast_in_dim3A_58 {strides = array<i32>} : memref<256x16xf32, #tpu.memory_space<vmem>>, vector<256x16xf32>,
    %broadcast_in_dim3A_62 = vector.shape_cast %max3A_11 : vector<256x1xf32> to vector<256x1xf32>
    %broadcast_in_dim3A_63 = vector.broadcast %broadcast_in_dim3A_62 : vector<256x1xf32> to vector<256x16xf32>
    %swap3A_64 = arith.constant 0 : index
    %swap3A_65 = arith.constant 0 : index
    %swap3A_66 = vector.load %arg10[%swap3A_64, %swap3A_65] : memref<256x16xf32, #tpu.memory_space<vmem>>, vector<256x16xf32>
    tpu.vector_store %arg10[%swap3A_64, %swap3A_65], %broadcast_in_dim3A_63 {strides = array<i32>} : memref<256x16xf32, #tpu.memory_space<vmem>>, vector<256x16xf32>,
    return
  }
  func.func @transform_0(%arg0: i32) -> (i32, i32, i32) {
    %c0_i32 = arith.constant 0 : i32
    %c0_i32_0 = arith.constant 0 : i32
    %c0_i32_1 = arith.constant 0 : i32
    return %c0_i32, %arg0, %c0_i32_0 : i32, i32, i32
  }
  func.func @transform_1(%arg0: i32) -> (i32, i32, i32) {
    %c0_i32 = arith.constant 0 : i32
    %c0_i32_0 = arith.constant 0 : i32
    %c0_i32_1 = arith.constant 0 : i32
    return %c0_i32, %arg0, %c0_i32_0 : i32, i32, i32
  }
  func.func @transform_2(%arg0: i32) -> (i32, i32) {
    %c0_i32 = arith.constant 0 : i32
    %c0_i32_0 = arith.constant 0 : i32
    return %arg0, %c0_i32 : i32, i32
  }
  func.func @transform_3(%arg0: i32) -> (i32, i32) {
    %c0_i32 = arith.constant 0 : i32
    %c0_i32_0 = arith.constant 0 : i32
    %c0_i32_1 = arith.constant 0 : i32
    return %c0_i32, %c0_i32_0 : i32, i32
  }
  func.func @transform_4(%arg0: i32) -> (i32, i32) {
    %c0_i32 = arith.constant 0 : i32
    %c0_i32_0 = arith.constant 0 : i32
    %c0_i32_1 = arith.constant 0 : i32
    return %c0_i32, %c0_i32_0 : i32, i32
  }
  func.func @transform_5(%arg0: i32) -> (i32, i32) {
    %c0_i32 = arith.constant 0 : i32
    %c0_i32_0 = arith.constant 0 : i32
    %c0_i32_1 = arith.constant 0 : i32
    return %c0_i32, %c0_i32_0 : i32, i32
  }
  func.func @transform_6(%arg0: i32) -> (i32, i32) {
    %c0_i32 = arith.constant 0 : i32
    %c0_i32_0 = arith.constant 0 : i32
    %c0_i32_1 = arith.constant 0 : i32
    return %c0_i32, %c0_i32_0 : i32, i32
  }
  func.func @transform_7(%arg0: i32) -> (i32, i32) {
    %c0_i32 = arith.constant 0 : i32
    %c0_i32_0 = arith.constant 0 : i32
    return %arg0, %c0_i32 : i32, i32
  }
  func.func @transform_8(%arg0: i32) -> (i32, i32) {
    %c0_i32 = arith.constant 0 : i32
    %c0_i32_0 = arith.constant 0 : i32
    return %arg0, %c0_i32 : i32, i32
  }
  func.func @transform_9(%arg0: i32) -> (i32, i32) {
    %c0_i32 = arith.constant 0 : i32
    %c0_i32_0 = arith.constant 0 : i32
    return %arg0, %c0_i32 : i32, i32
  }
}

module attributes {stable_mosaic.version = 14 : i64} {
  func.func @_dense2_body(%arg0: i32, %arg1: memref<2x256x128xbf16, #tpu.memory_space<vmem>>, %arg2: memref<256x128xbf16, #tpu.memory_space<vmem>>, %arg3: memref<256x16xf32, #tpu.memory_space<vmem>>, %arg4: memref<1x128xf32, #tpu.memory_space<vmem>>, %arg5: memref<64x128xf32, #tpu.memory_space<vmem>>, %arg6: memref<64x128xf32, #tpu.memory_space<vmem>>, %arg7: memref<1x64xf32, #tpu.memory_space<vmem>>, %arg8: memref<256x64xf32, #tpu.memory_space<vmem>>, %arg9: memref<256x64xf32, #tpu.memory_space<vmem>>) attributes {dimension_semantics = [#tpu.dimension_semantics<arbitrary>], iteration_bounds = array<i64: 40>, scalar_prefetch = 0 : i64, scratch_operands = 0 : i64, tpu.core_type = #tpu.core_type<tc>, window_params = [{transform_indices = @transform_0, window_bounds = array<i64: 2, 256, 128>}, {transform_indices = @transform_1, window_bounds = array<i64: 256, 128>}, {transform_indices = @transform_2, window_bounds = array<i64: 256, 16>}, {pipeline_mode = #tpu.pipeline_mode<synchronous>, transform_indices = @transform_3, window_bounds = array<i64: 1, 128>}, {pipeline_mode = #tpu.pipeline_mode<synchronous>, transform_indices = @transform_4, window_bounds = array<i64: 64, 128>}, {pipeline_mode = #tpu.pipeline_mode<synchronous>, transform_indices = @transform_5, window_bounds = array<i64: 64, 128>}, {pipeline_mode = #tpu.pipeline_mode<synchronous>, transform_indices = @transform_6, window_bounds = array<i64: 1, 64>}, {transform_indices = @transform_7, window_bounds = array<i64: 256, 64>}, {transform_indices = @transform_8, window_bounds = array<i64: 256, 64>}]} {
    %get3A = arith.constant 0 : index
    %get3A_0 = arith.constant 0 : index
    %get3A_1 = vector.load %arg3[%get3A, %get3A_0] : memref<256x16xf32, #tpu.memory_space<vmem>>, vector<256x16xf32>
    %slice3A = vector.extract_strided_slice %get3A_1 {offsets = [0, 0], sizes = [256, 1], strides = [1, 1]} : vector<256x16xf32> to vector<256x1xf32>
    %get3A_2 = arith.constant 0 : index
    %get3A_3 = arith.constant 0 : index
    %get3A_4 = arith.constant 0 : index
    %get3A_5 = vector.load %arg1[%get3A_2, %get3A_3, %get3A_4] : memref<2x256x128xbf16, #tpu.memory_space<vmem>>, vector<1x256x128xbf16>
    %get3A_6 = vector.shape_cast %get3A_5 : vector<1x256x128xbf16> to vector<256x128xbf16>
    %convert_element_type3A = arith.extf %get3A_6 : vector<256x128xbf16> to vector<256x128xf32>
    %get3A_7 = arith.constant 1 : index
    %get3A_8 = arith.constant 0 : index
    %get3A_9 = arith.constant 0 : index
    %get3A_10 = vector.load %arg1[%get3A_7, %get3A_8, %get3A_9] : memref<2x256x128xbf16, #tpu.memory_space<vmem>>, vector<1x256x128xbf16>
    %get3A_11 = vector.shape_cast %get3A_10 : vector<1x256x128xbf16> to vector<256x128xbf16>
    %convert_element_type3A_12 = arith.extf %get3A_11 : vector<256x128xbf16> to vector<256x128xf32>
    %add3A = arith.addf %convert_element_type3A, %convert_element_type3A_12 : vector<256x128xf32>
    %get3A_13 = arith.constant 0 : index
    %get3A_14 = arith.constant 0 : index
    %get3A_15 = vector.load %arg2[%get3A_13, %get3A_14] : memref<256x128xbf16, #tpu.memory_space<vmem>>, vector<256x128xbf16>
    %convert_element_type3A_16 = arith.extf %get3A_15 : vector<256x128xbf16> to vector<256x128xf32>
    %add3A_17 = arith.addf %add3A, %convert_element_type3A_16 : vector<256x128xf32>
    %mul3A = vector.broadcast %slice3A : vector<256x1xf32> to vector<256x128xf32>
    %mul3A_18 = arith.mulf %mul3A, %add3A_17 : vector<256x128xf32>
    %get3A_19 = arith.constant 0 : index
    %get3A_20 = arith.constant 0 : index
    %get3A_21 = vector.load %arg4[%get3A_19, %get3A_20] : memref<1x128xf32, #tpu.memory_space<vmem>>, vector<1x128xf32>
    %add3A_22 = vector.broadcast %get3A_21 : vector<1x128xf32> to vector<256x128xf32>
    %add3A_23 = arith.addf %mul3A_18, %add3A_22 : vector<256x128xf32>
    %max3A = arith.constant 0.000000e+00 : f32
    %max3A_24 = vector.broadcast %max3A : f32 to vector<256x128xf32>
    %max3A_25 = arith.maximumf %add3A_23, %max3A_24 : vector<256x128xf32>
    %get3A_26 = arith.constant 0 : index
    %get3A_27 = arith.constant 0 : index
    %get3A_28 = vector.load %arg5[%get3A_26, %get3A_27] : memref<64x128xf32, #tpu.memory_space<vmem>>, vector<64x128xf32>
    %dot_general3A = arith.constant dense<0.000000e+00> : vector<256x64xf32>
    %dot_general3A_29 = tpu.matmul %max3A_25, %get3A_28, %dot_general3A {dimension_numbers = #tpu.dot_dimension_numbers<[1], [1], [0], [0], [0, 0, 1, 0], [], []>, transpose_lhs_hint = false} : vector<256x128xf32>, vector<64x128xf32>, vector<256x64xf32> -> vector<256x64xf32>
    %swap3A = arith.constant 0 : index
    %swap3A_30 = arith.constant 0 : index
    %swap3A_31 = vector.load %arg8[%swap3A, %swap3A_30] : memref<256x64xf32, #tpu.memory_space<vmem>>, vector<256x64xf32>
    tpu.vector_store %arg8[%swap3A, %swap3A_30], %dot_general3A_29 {strides = array<i32>} : memref<256x64xf32, #tpu.memory_space<vmem>>, vector<256x64xf32>,
    %get3A_32 = arith.constant 0 : index
    %get3A_33 = arith.constant 0 : index
    %get3A_34 = vector.load %arg6[%get3A_32, %get3A_33] : memref<64x128xf32, #tpu.memory_space<vmem>>, vector<64x128xf32>
    %dot_general3A_35 = arith.constant dense<0.000000e+00> : vector<256x64xf32>
    %dot_general3A_36 = tpu.matmul %max3A_25, %get3A_34, %dot_general3A_35 {dimension_numbers = #tpu.dot_dimension_numbers<[1], [1], [0], [0], [0, 0, 1, 0], [], []>, transpose_lhs_hint = false} : vector<256x128xf32>, vector<64x128xf32>, vector<256x64xf32> -> vector<256x64xf32>
    %get3A_37 = arith.constant 0 : index
    %get3A_38 = arith.constant 0 : index
    %get3A_39 = vector.load %arg7[%get3A_37, %get3A_38] : memref<1x64xf32, #tpu.memory_space<vmem>>, vector<1x64xf32>
    %add3A_40 = vector.broadcast %get3A_39 : vector<1x64xf32> to vector<256x64xf32>
    %add3A_41 = arith.addf %dot_general3A_36, %add3A_40 : vector<256x64xf32>
    %swap3A_42 = arith.constant 0 : index
    %swap3A_43 = arith.constant 0 : index
    %swap3A_44 = vector.load %arg9[%swap3A_42, %swap3A_43] : memref<256x64xf32, #tpu.memory_space<vmem>>, vector<256x64xf32>
    tpu.vector_store %arg9[%swap3A_42, %swap3A_43], %add3A_41 {strides = array<i32>} : memref<256x64xf32, #tpu.memory_space<vmem>>, vector<256x64xf32>,
    return
  }
  func.func @transform_0(%arg0: i32) -> (i32, i32, i32) {
    %c0_i32 = arith.constant 0 : i32
    %c0_i32_0 = arith.constant 0 : i32
    %c0_i32_1 = arith.constant 0 : i32
    return %c0_i32, %arg0, %c0_i32_0 : i32, i32, i32
  }
  func.func @transform_1(%arg0: i32) -> (i32, i32) {
    %c0_i32 = arith.constant 0 : i32
    %c0_i32_0 = arith.constant 0 : i32
    return %arg0, %c0_i32 : i32, i32
  }
  func.func @transform_2(%arg0: i32) -> (i32, i32) {
    %c0_i32 = arith.constant 0 : i32
    %c0_i32_0 = arith.constant 0 : i32
    return %arg0, %c0_i32 : i32, i32
  }
  func.func @transform_3(%arg0: i32) -> (i32, i32) {
    %c0_i32 = arith.constant 0 : i32
    %c0_i32_0 = arith.constant 0 : i32
    %c0_i32_1 = arith.constant 0 : i32
    return %c0_i32, %c0_i32_0 : i32, i32
  }
  func.func @transform_4(%arg0: i32) -> (i32, i32) {
    %c0_i32 = arith.constant 0 : i32
    %c0_i32_0 = arith.constant 0 : i32
    %c0_i32_1 = arith.constant 0 : i32
    return %c0_i32, %c0_i32_0 : i32, i32
  }
  func.func @transform_5(%arg0: i32) -> (i32, i32) {
    %c0_i32 = arith.constant 0 : i32
    %c0_i32_0 = arith.constant 0 : i32
    %c0_i32_1 = arith.constant 0 : i32
    return %c0_i32, %c0_i32_0 : i32, i32
  }
  func.func @transform_6(%arg0: i32) -> (i32, i32) {
    %c0_i32 = arith.constant 0 : i32
    %c0_i32_0 = arith.constant 0 : i32
    %c0_i32_1 = arith.constant 0 : i32
    return %c0_i32, %c0_i32_0 : i32, i32
  }
  func.func @transform_7(%arg0: i32) -> (i32, i32) {
    %c0_i32 = arith.constant 0 : i32
    %c0_i32_0 = arith.constant 0 : i32
    return %arg0, %c0_i32 : i32, i32
  }
  func.func @transform_8(%arg0: i32) -> (i32, i32) {
    %c0_i32 = arith.constant 0 : i32
    %c0_i32_0 = arith.constant 0 : i32
    return %arg0, %c0_i32 : i32, i32
  }
}

module attributes {stable_mosaic.version = 14 : i64} {
  func.func @_dense3_body(%arg0: i32, %arg1: memref<2x256x64xf32, #tpu.memory_space<vmem>>, %arg2: memref<256x64xf32, #tpu.memory_space<vmem>>, %arg3: memref<256x16xf32, #tpu.memory_space<vmem>>, %arg4: memref<256x16xf32, #tpu.memory_space<vmem>>, %arg5: memref<64x64xf32, #tpu.memory_space<vmem>>, %arg6: memref<256x64xf32, #tpu.memory_space<vmem>>) attributes {dimension_semantics = [#tpu.dimension_semantics<arbitrary>], iteration_bounds = array<i64: 40>, scalar_prefetch = 0 : i64, scratch_operands = 0 : i64, tpu.core_type = #tpu.core_type<tc>, window_params = [{transform_indices = @transform_0, window_bounds = array<i64: 2, 256, 64>}, {transform_indices = @transform_1, window_bounds = array<i64: 256, 64>}, {transform_indices = @transform_2, window_bounds = array<i64: 256, 16>}, {transform_indices = @transform_3, window_bounds = array<i64: 256, 16>}, {pipeline_mode = #tpu.pipeline_mode<synchronous>, transform_indices = @transform_4, window_bounds = array<i64: 64, 64>}, {transform_indices = @transform_5, window_bounds = array<i64: 256, 64>}]} {
    %get3A = arith.constant 0 : index
    %get3A_0 = arith.constant 0 : index
    %get3A_1 = arith.constant 0 : index
    %get3A_2 = vector.load %arg1[%get3A, %get3A_0, %get3A_1] : memref<2x256x64xf32, #tpu.memory_space<vmem>>, vector<1x256x64xf32>
    %get3A_3 = vector.shape_cast %get3A_2 : vector<1x256x64xf32> to vector<256x64xf32>
    %get3A_4 = arith.constant 1 : index
    %get3A_5 = arith.constant 0 : index
    %get3A_6 = arith.constant 0 : index
    %get3A_7 = vector.load %arg1[%get3A_4, %get3A_5, %get3A_6] : memref<2x256x64xf32, #tpu.memory_space<vmem>>, vector<1x256x64xf32>
    %get3A_8 = vector.shape_cast %get3A_7 : vector<1x256x64xf32> to vector<256x64xf32>
    %add3A = arith.addf %get3A_3, %get3A_8 : vector<256x64xf32>
    %get3A_9 = arith.constant 0 : index
    %get3A_10 = arith.constant 0 : index
    %get3A_11 = vector.load %arg3[%get3A_9, %get3A_10] : memref<256x16xf32, #tpu.memory_space<vmem>>, vector<256x16xf32>
    %slice3A = vector.extract_strided_slice %get3A_11 {offsets = [0, 0], sizes = [256, 1], strides = [1, 1]} : vector<256x16xf32> to vector<256x1xf32>
    %div3A = vector.broadcast %slice3A : vector<256x1xf32> to vector<256x64xf32>
    %div3A_12 = arith.divf %add3A, %div3A : vector<256x64xf32>
    %get3A_13 = arith.constant 0 : index
    %get3A_14 = arith.constant 0 : index
    %get3A_15 = vector.load %arg2[%get3A_13, %get3A_14] : memref<256x64xf32, #tpu.memory_space<vmem>>, vector<256x64xf32>
    %add3A_16 = arith.addf %div3A_12, %get3A_15 : vector<256x64xf32>
    %max3A = arith.constant 0.000000e+00 : f32
    %max3A_17 = vector.broadcast %max3A : f32 to vector<256x64xf32>
    %max3A_18 = arith.maximumf %add3A_16, %max3A_17 : vector<256x64xf32>
    %get3A_19 = arith.constant 0 : index
    %get3A_20 = arith.constant 0 : index
    %get3A_21 = vector.load %arg4[%get3A_19, %get3A_20] : memref<256x16xf32, #tpu.memory_space<vmem>>, vector<256x16xf32>
    %slice3A_22 = vector.extract_strided_slice %get3A_21 {offsets = [0, 0], sizes = [256, 1], strides = [1, 1]} : vector<256x16xf32> to vector<256x1xf32>
    %get3A_23 = arith.constant 0 : index
    %get3A_24 = arith.constant 0 : index
    %get3A_25 = vector.load %arg5[%get3A_23, %get3A_24] : memref<64x64xf32, #tpu.memory_space<vmem>>, vector<64x64xf32>
    %dot_general3A = arith.constant dense<0.000000e+00> : vector<256x64xf32>
    %dot_general3A_26 = tpu.matmul %max3A_18, %get3A_25, %dot_general3A {dimension_numbers = #tpu.dot_dimension_numbers<[1], [1], [0], [0], [0, 0, 1, 0], [], []>, transpose_lhs_hint = false} : vector<256x64xf32>, vector<64x64xf32>, vector<256x64xf32> -> vector<256x64xf32>
    %mul3A = vector.broadcast %slice3A_22 : vector<256x1xf32> to vector<256x64xf32>
    %mul3A_27 = arith.mulf %mul3A, %dot_general3A_26 : vector<256x64xf32>
    %swap3A = arith.constant 0 : index
    %swap3A_28 = arith.constant 0 : index
    %swap3A_29 = vector.load %arg6[%swap3A, %swap3A_28] : memref<256x64xf32, #tpu.memory_space<vmem>>, vector<256x64xf32>
    tpu.vector_store %arg6[%swap3A, %swap3A_28], %mul3A_27 {strides = array<i32>} : memref<256x64xf32, #tpu.memory_space<vmem>>, vector<256x64xf32>,
    return
  }
  func.func @transform_0(%arg0: i32) -> (i32, i32, i32) {
    %c0_i32 = arith.constant 0 : i32
    %c0_i32_0 = arith.constant 0 : i32
    %c0_i32_1 = arith.constant 0 : i32
    return %c0_i32, %arg0, %c0_i32_0 : i32, i32, i32
  }
  func.func @transform_1(%arg0: i32) -> (i32, i32) {
    %c0_i32 = arith.constant 0 : i32
    %c0_i32_0 = arith.constant 0 : i32
    return %arg0, %c0_i32 : i32, i32
  }
  func.func @transform_2(%arg0: i32) -> (i32, i32) {
    %c0_i32 = arith.constant 0 : i32
    %c0_i32_0 = arith.constant 0 : i32
    return %arg0, %c0_i32 : i32, i32
  }
  func.func @transform_3(%arg0: i32) -> (i32, i32) {
    %c0_i32 = arith.constant 0 : i32
    %c0_i32_0 = arith.constant 0 : i32
    return %arg0, %c0_i32 : i32, i32
  }
  func.func @transform_4(%arg0: i32) -> (i32, i32) {
    %c0_i32 = arith.constant 0 : i32
    %c0_i32_0 = arith.constant 0 : i32
    %c0_i32_1 = arith.constant 0 : i32
    return %c0_i32, %c0_i32_0 : i32, i32
  }
  func.func @transform_5(%arg0: i32) -> (i32, i32) {
    %c0_i32 = arith.constant 0 : i32
    %c0_i32_0 = arith.constant 0 : i32
    return %arg0, %c0_i32 : i32, i32
  }
}

module attributes {stable_mosaic.version = 14 : i64} {
  func.func @_dense4_body(%arg0: i32, %arg1: memref<2x256x64xf32, #tpu.memory_space<vmem>>, %arg2: memref<256x64xf32, #tpu.memory_space<vmem>>, %arg3: memref<256x16xf32, #tpu.memory_space<vmem>>, %arg4: memref<1x64xf32, #tpu.memory_space<vmem>>, %arg5: memref<16x64xf32, #tpu.memory_space<vmem>>, %arg6: memref<1x16xf32, #tpu.memory_space<vmem>>, %arg7: memref<256x16xf32, #tpu.memory_space<vmem>>) attributes {dimension_semantics = [#tpu.dimension_semantics<arbitrary>], iteration_bounds = array<i64: 40>, scalar_prefetch = 0 : i64, scratch_operands = 0 : i64, tpu.core_type = #tpu.core_type<tc>, window_params = [{transform_indices = @transform_0, window_bounds = array<i64: 2, 256, 64>}, {transform_indices = @transform_1, window_bounds = array<i64: 256, 64>}, {transform_indices = @transform_2, window_bounds = array<i64: 256, 16>}, {pipeline_mode = #tpu.pipeline_mode<synchronous>, transform_indices = @transform_3, window_bounds = array<i64: 1, 64>}, {pipeline_mode = #tpu.pipeline_mode<synchronous>, transform_indices = @transform_4, window_bounds = array<i64: 16, 64>}, {pipeline_mode = #tpu.pipeline_mode<synchronous>, transform_indices = @transform_5, window_bounds = array<i64: 1, 16>}, {transform_indices = @transform_6, window_bounds = array<i64: 256, 16>}]} {
    %get3A = arith.constant 0 : index
    %get3A_0 = arith.constant 0 : index
    %get3A_1 = vector.load %arg3[%get3A, %get3A_0] : memref<256x16xf32, #tpu.memory_space<vmem>>, vector<256x16xf32>
    %slice3A = vector.extract_strided_slice %get3A_1 {offsets = [0, 0], sizes = [256, 1], strides = [1, 1]} : vector<256x16xf32> to vector<256x1xf32>
    %get3A_2 = arith.constant 0 : index
    %get3A_3 = arith.constant 0 : index
    %get3A_4 = arith.constant 0 : index
    %get3A_5 = vector.load %arg1[%get3A_2, %get3A_3, %get3A_4] : memref<2x256x64xf32, #tpu.memory_space<vmem>>, vector<1x256x64xf32>
    %get3A_6 = vector.shape_cast %get3A_5 : vector<1x256x64xf32> to vector<256x64xf32>
    %get3A_7 = arith.constant 1 : index
    %get3A_8 = arith.constant 0 : index
    %get3A_9 = arith.constant 0 : index
    %get3A_10 = vector.load %arg1[%get3A_7, %get3A_8, %get3A_9] : memref<2x256x64xf32, #tpu.memory_space<vmem>>, vector<1x256x64xf32>
    %get3A_11 = vector.shape_cast %get3A_10 : vector<1x256x64xf32> to vector<256x64xf32>
    %add3A = arith.addf %get3A_6, %get3A_11 : vector<256x64xf32>
    %get3A_12 = arith.constant 0 : index
    %get3A_13 = arith.constant 0 : index
    %get3A_14 = vector.load %arg2[%get3A_12, %get3A_13] : memref<256x64xf32, #tpu.memory_space<vmem>>, vector<256x64xf32>
    %add3A_15 = arith.addf %add3A, %get3A_14 : vector<256x64xf32>
    %mul3A = vector.broadcast %slice3A : vector<256x1xf32> to vector<256x64xf32>
    %mul3A_16 = arith.mulf %mul3A, %add3A_15 : vector<256x64xf32>
    %get3A_17 = arith.constant 0 : index
    %get3A_18 = arith.constant 0 : index
    %get3A_19 = vector.load %arg4[%get3A_17, %get3A_18] : memref<1x64xf32, #tpu.memory_space<vmem>>, vector<1x64xf32>
    %add3A_20 = vector.broadcast %get3A_19 : vector<1x64xf32> to vector<256x64xf32>
    %add3A_21 = arith.addf %mul3A_16, %add3A_20 : vector<256x64xf32>
    %max3A = arith.constant 0.000000e+00 : f32
    %max3A_22 = vector.broadcast %max3A : f32 to vector<256x64xf32>
    %max3A_23 = arith.maximumf %add3A_21, %max3A_22 : vector<256x64xf32>
    %get3A_24 = arith.constant 0 : index
    %get3A_25 = arith.constant 0 : index
    %get3A_26 = vector.load %arg5[%get3A_24, %get3A_25] : memref<16x64xf32, #tpu.memory_space<vmem>>, vector<16x64xf32>
    %dot_general3A = arith.constant dense<0.000000e+00> : vector<256x16xf32>
    %dot_general3A_27 = tpu.matmul %max3A_23, %get3A_26, %dot_general3A {dimension_numbers = #tpu.dot_dimension_numbers<[1], [1], [0], [0], [0, 0, 1, 0], [], []>, transpose_lhs_hint = false} : vector<256x64xf32>, vector<16x64xf32>, vector<256x16xf32> -> vector<256x16xf32>
    %get3A_28 = arith.constant 0 : index
    %get3A_29 = arith.constant 0 : index
    %get3A_30 = vector.load %arg6[%get3A_28, %get3A_29] : memref<1x16xf32, #tpu.memory_space<vmem>>, vector<1x16xf32>
    %add3A_31 = vector.broadcast %get3A_30 : vector<1x16xf32> to vector<256x16xf32>
    %add3A_32 = arith.addf %dot_general3A_27, %add3A_31 : vector<256x16xf32>
    %swap3A = arith.constant 0 : index
    %swap3A_33 = arith.constant 0 : index
    %swap3A_34 = vector.load %arg7[%swap3A, %swap3A_33] : memref<256x16xf32, #tpu.memory_space<vmem>>, vector<256x16xf32>
    tpu.vector_store %arg7[%swap3A, %swap3A_33], %add3A_32 {strides = array<i32>} : memref<256x16xf32, #tpu.memory_space<vmem>>, vector<256x16xf32>,
    return
  }
  func.func @transform_0(%arg0: i32) -> (i32, i32, i32) {
    %c0_i32 = arith.constant 0 : i32
    %c0_i32_0 = arith.constant 0 : i32
    %c0_i32_1 = arith.constant 0 : i32
    return %c0_i32, %arg0, %c0_i32_0 : i32, i32, i32
  }
  func.func @transform_1(%arg0: i32) -> (i32, i32) {
    %c0_i32 = arith.constant 0 : i32
    %c0_i32_0 = arith.constant 0 : i32
    return %arg0, %c0_i32 : i32, i32
  }
  func.func @transform_2(%arg0: i32) -> (i32, i32) {
    %c0_i32 = arith.constant 0 : i32
    %c0_i32_0 = arith.constant 0 : i32
    return %arg0, %c0_i32 : i32, i32
  }
  func.func @transform_3(%arg0: i32) -> (i32, i32) {
    %c0_i32 = arith.constant 0 : i32
    %c0_i32_0 = arith.constant 0 : i32
    %c0_i32_1 = arith.constant 0 : i32
    return %c0_i32, %c0_i32_0 : i32, i32
  }
  func.func @transform_4(%arg0: i32) -> (i32, i32) {
    %c0_i32 = arith.constant 0 : i32
    %c0_i32_0 = arith.constant 0 : i32
    %c0_i32_1 = arith.constant 0 : i32
    return %c0_i32, %c0_i32_0 : i32, i32
  }
  func.func @transform_5(%arg0: i32) -> (i32, i32) {
    %c0_i32 = arith.constant 0 : i32
    %c0_i32_0 = arith.constant 0 : i32
    %c0_i32_1 = arith.constant 0 : i32
    return %c0_i32, %c0_i32_0 : i32, i32
  }
  func.func @transform_6(%arg0: i32) -> (i32, i32) {
    %c0_i32 = arith.constant 0 : i32
    %c0_i32_0 = arith.constant 0 : i32
    return %arg0, %c0_i32 : i32, i32
  }
}

</mosaic_0001>

<sc_bundles>
// kernel: kernel.11.cloned.1.call-start
scs
__scs_entry_jumppad:
0x0: {  	(pc) =	sbr.rel $0x88, $3  }
0x1: {  	(tag) =	ssettag $0x0;
	lr =	simm.s32 $0x1  }
0x2: {  	[smem:$0x3F93] =	sst lr;
	_ =	strace $0xD0000000  }
0x3: {  	_ = 	snop  }
0x4: {  	_ = 	snop  }
0x5: {  	_ = 	snop  }
0x6: {  	_ = 	snop  }
0x7: {  	_ = 	snop  }
__scs_overlays_trampoline_lowered:
0x8: {  	[smem:$0x3FA2] =	sst s0  }
0x9: {  	[smem:$0x3FA3] =	sst s1  }
0xa: {  	[smem:$0x3FA4] =	sst s2  }
0xb: {  	[smem:$0x3FA5] =	sst s3  }
0xc: {  	[smem:$0x3FA6] =	sst s4  }
0xd: {  	[smem:$0x3FA7] =	sst s5  }
0xe: {  	[smem:$0x3FA8] =	sst s6  }
0xf: {  	[smem:$0x3FA9] =	sst s7  }
0x10: {  	[smem:$0x3FAA] =	sst s8  }
0x11: {  	[smem:$0x3FAB] =	sst s9;
	s0 =	simm.s32 @!p0 $0x0  }
0x12: {  	s1 =	sld [smem:$0x3F91];
	s0 =	simm.s32 @p0 $0x1  }
0x13: {  	[smem:$0x3FAC] =	sst s0;
	s0 =	simm.s32 @!p1 $0x0  }
0x14: {  	s2 =	sld [smem:$0x3F90];
	s0 =	simm.s32 @p1 $0x1  }
0x15: {  	[smem:$0x3FAD] =	sst s0;
	s0 =	simm.s32 @!p2 $0x0  }
0x16: {  	s3 =	sld [smem:$0x3FDB];
	s0 =	simm.s32 @p2 $0x1  }
0x17: {  	s4 =	simm.s32 $0x1BF5;
	[smem:$0x3FAF] =	sst s0  }
0x18: {  	s0 =	sld [smem:$0x3F92];
	_ =	swait.ge [sflag:s4], $0x0  }
0x19: {  	s7 =	sld [smem:$0x3F93]  }
0x1a: {  	s8 =	sadd.s32 $0xFFFFE003, lr  }
0x1b: {  	s9 =	sadd.s32 $0xFFFFFEF7, lr;
	s5 =	simm.s32 $0xFFFFFFFF;
	p2 =	slt.u32 s8, $0xFFFFF086  }
0x1c: {  	p1 =	slt.u32 s9, $0xF7A;
	s5 =	simm.s32 @!p2 $0x0  }
0x1d: {  	s5 =	simm.s32 @p1 $0x1;
	p0 =	seq.s32 s7, s2  }
0x1e: {  	s7 =	smul.u32 @!p0 $0xF7A, s2;
	p2 =	seq.s32 @!p0 s5, $0x0  }
0x1f: {  	s9 =	smul.u32 $0xF7A, s1;
	s8 =	simm.s32 @!p0 $0x1BF5;
	p2 =	por !p2, p0  }
0x20: {  	[sflag:s8] =	ssyncset.s32 @!p0 $0xFFFFF086;
	s6 =	sadd.s32 @!p0 s3, s7;
	s7 =	simm.s32 @!p0 $0x108  }
0x21: {  	s3 =	sadd.s32 s3, s9;
	s6 =	sadd.s32 @!p0 $0x88, s6;
	s7 =	simm.s32 @p2 $0x1082  }
0x22: {  	[simem:s7], [sflag:s8] =	dma.local @!p0 [hbm:s6], $0xF7A  }
0x23: {  	s9 =	sor.u32 $0xD0000000, s2;
	s6 =	simm.s32 $0x108;
	_ =	swait.ge @!p0 [sflag:s8], $0x0  }
0x24: {  	s3 =	sadd.s32 $0x88, s3;
	s6 =	simm.s32 @!p1 $0x1082;
	[sflag:s4] =	ssyncset.s32 $0xFFFFF086  }
0x25: {  	[simem:s6], [sflag:s4] =	dma.local [hbm:s3], $0xF7A  }
0x26: {  	[smem:$0x3F93] =	sst s1;
	(tag) =	ssettag s2;
	_ =	strace s9  }
0x27: {  	s1 =	sld [smem:$0x3FA3]  }
0x28: {  	s2 =	sld [smem:$0x3FA4]  }
0x29: {  	s4 =	sld [smem:$0x3FA6]  }
0x2a: {  	p0 =	seq.s32 s5, $0x0;
	s5 =	sld [smem:$0x3FA7]  }
0x2b: {  	s6 =	sld [smem:$0x3FA8]  }
0x2c: {  	s7 =	sld [smem:$0x3FA9]  }
0x2d: {  	s3 =	simm.s32 $0x108;
	s8 =	sld [smem:$0x3FAA]  }
0x2e: {  	s3 =	simm.s32 @!p0 $0x1082;
	s9 =	sld [smem:$0x3FAB]  }
0x2f: {  	lr =	sadd.s32 s0, s3;
	s0 =	sld [smem:$0x3FA2]  }
0x30: {  	s3 =	sld [smem:$0x3FA5]  }
0x31: {  	[smem:$0x3FAE] =	sst s10  }
0x32: {  	s10 =	sld [smem:$0x3FAC];
	_ =	sdelay $0x3  }
0x33: {  	p0 =	seq.s32 s10, $0x1;
	s10 =	sld [smem:$0x3FAE];
	_ =	sdelay $0x3  }
0x34: {  	[smem:$0x3FAE] =	sst s10  }
0x35: {  	s10 =	sld [smem:$0x3FAD];
	_ =	sdelay $0x3  }
0x36: {  	p1 =	seq.s32 s10, $0x1;
	s10 =	sld [smem:$0x3FAE];
	_ =	sdelay $0x3  }
0x37: {  	[smem:$0x3FAE] =	sst s10  }
0x38: {  	s10 =	sld [smem:$0x3FAF]  }
0x39: {  	_ = 	snop;
	(pc) =	sbr.ind lr, $3  }
0x3a: {  	_ = 	snop  }
0x3b: {  	_ = 	snop  }
0x3c: {  	p2 =	seq.s32 s10, $0x1;
	s10 =	sld [smem:$0x3FAE]  }
0x3d: {  	_ =	shalt  }
0x3e: {  	_ =	shalt  }
0x3f: {  	_ =	shalt  }
0x40: {  	_ =	shalt  }
0x41: {  	_ =	shalt  }
0x42: {  	_ =	shalt  }
0x43: {  	_ =	shalt  }
0x44: {  	_ =	shalt  }
0x45: {  	_ =	shalt  }
0x46: {  	_ =	shalt  }
0x47: {  	_ =	shalt  }
0x48: {  	_ =	shalt  }
0x49: {  	_ =	shalt  }
0x4a: {  	_ =	shalt  }
0x4b: {  	_ =	shalt  }
0x4c: {  	_ =	shalt  }
0x4d: {  	_ =	shalt  }
0x4e: {  	_ =	shalt  }
0x4f: {  	_ =	shalt  }
0x50: {  	_ =	shalt  }
0x51: {  	_ =	shalt  }
0x52: {  	_ =	shalt  }
0x53: {  	_ =	shalt  }
0x54: {  	_ =	shalt  }
0x55: {  	_ =	shalt  }
0x56: {  	_ =	shalt  }
0x57: {  	_ =	shalt  }
0x58: {  	_ =	shalt  }
0x59: {  	_ =	shalt  }
0x5a: {  	_ =	shalt  }
0x5b: {  	_ =	shalt  }
0x5c: {  	_ =	shalt  }
0x5d: {  	_ =	shalt  }
0x5e: {  	_ =	shalt  }
0x5f: {  	_ =	shalt  }
0x60: {  	_ =	shalt  }
0x61: {  	_ =	shalt  }
0x62: {  	_ =	shalt  }
0x63: {  	_ =	shalt  }
0x64: {  	_ =	shalt  }
0x65: {  	_ =	shalt  }
0x66: {  	_ =	shalt  }
0x67: {  	_ =	shalt  }
0x68: {  	_ =	shalt  }
0x69: {  	_ =	shalt  }
0x6a: {  	_ =	shalt  }
0x6b: {  	_ =	shalt  }
0x6c: {  	_ =	shalt  }
0x6d: {  	_ =	shalt  }
0x6e: {  	_ =	shalt  }
0x6f: {  	_ =	shalt  }
0x70: {  	_ =	shalt  }
0x71: {  	_ =	shalt  }
0x72: {  	_ =	shalt  }
0x73: {  	_ =	shalt  }
0x74: {  	_ =	shalt  }
0x75: {  	_ =	shalt  }
0x76: {  	_ =	shalt  }
0x77: {  	_ =	shalt  }
0x78: {  	_ =	shalt  }
0x79: {  	_ =	shalt  }
0x7a: {  	_ =	shalt  }
0x7b: {  	_ =	shalt  }
0x7c: {  	_ =	shalt  }
0x7d: {  	_ =	shalt  }
0x7e: {  	_ =	shalt  }
0x7f: {  	_ =	shalt  }
0x80: {  	_ =	shalt  }
0x81: {  	_ =	shalt  }
0x82: {  	_ =	shalt  }
0x83: {  	_ =	shalt  }
0x84: {  	_ =	shalt  }
0x85: {  	_ =	shalt  }
0x86: {  	_ =	shalt  }
0x87: {  	_ =	shalt  }
.Lfunc_end0:
.L_simem_size_0:
called_computation_lowered:
.L_overlay_start_0:
0x88: {  	s2 =	sld [smem:$0x3FD9]  }
0x89: {  	s3 =	sld [smem:$0x3FFE];
	_ =	sdelay $0x1  }
0x8a: {  	s1 =	srdreg.scid  }
0x8b: {  	s0 =	sand.u32 $0x1, s1  }
0x8c: {  	s16 =	sshll.u32 s0, $0xA;
	s2 =	sadd.s32 s3, s2  }
0x8d: {  	s2 =	sadd.s32 s2, s16  }
0x8e: {  	[smem:$0x3FBA] =	sst s2  }
0x8f: {  	_ = 	snop  }
0x90: {  	(tm) =	ssettm $0x1  }
0x91: {  	s17 =	sld [smem:$0x3FFB];
	_ =	sdelay $0x3  }
0x92: {  	_ =	strace s17  }
0x93: {  	s2 =	sld [smem:$0x3FFC];
	_ =	sdelay $0x3  }
0x94: {  	_ =	strace s2  }
0x95: {  	s2 =	sld [smem:$0x3FFD];
	_ =	sdelay $0x3  }
0x96: {  	_ =	strace s2  }
0x97: {  	_ =	strace $0x8FFFFFFF  }
0x98: {  	s18 =	sld [smem:$0x3FDB];
	_ =	sdelay $0x1  }
0x99: {  	s19 =	simm.s32 $_scs_section_size  }
0x9a: {  	s4 =	simm.s32 $_size__tile_overlayer_lowered;
	s5 =	simm.s32 $_tile_overlayer_lowered  }
0x9b: {  	s22 =	simm.s32 $0x1BFF;
	s21 =	sshll.u32 s5, $0x1;
	s2 =	sadd.s32 s19, s18  }
0x9c: {  	s6 =	simm.s32 $0x0;
	s20 =	sshll.u32 s4, $0x1;
	s4 =	sadd.s32 s21, s2  }
0x9d: {  	[timem:s6], [sflag:s22] =	dma.local [hbm:s4], s20  }
0x9e: {  	_ =	swait.ge [sflag:s22], s20  }
0x9f: {  	s3 =	ssub.s32 $0x0, s20;
	[sflag:s22] =	ssyncset.done $0x0  }
0xa0: {  	[sflag:s22] =	ssyncadd.s32 s3;
	_ =	sdelay $0x1  }
0xa1: {  	s23 =	simm.s32 $0x1B8B  }
0xa2: {  	_ =	swait.ge [sflag:s23], $0x1  }
0xa3: {  	[sflag:s23] =	ssyncset.done $0x0  }
0xa4: {  	s25 =	simm.s32 $0x1B8E;
	s24 =	sld [smem:$0x3FFE];
	[sflag:s23] =	ssyncadd.s32 $0xFFFFFFFF  }
0xa5: {  	s26 =	simm.s32 $execute0_lowered;
	[smem:$0x3FD2] =	sst s25  }
0xa6: {  	s4 =	sshll.u32 s26, $0x1;
	_ =	strace $0x80000046;
	[dreg:$0x1] =	wrdreg $0xFFFFFFFF  }
0xa7: {  	s28 =	simm.s32 $_size_execute0_lowered;
	s2 =	sadd.s32 s2, s4;
	[dreg:$0x0] =	wrdreg $0x0  }
0xa8: {  	s4 =	sshll.u32 s28, $0x1;
	[dreg:$0x2] =	wrdreg s2  }
0xa9: {  	[dreg:$0x3] =	wrdreg s4  }
0xaa: {  	[dreg:$0x4] =	wrdreg $0xC0  }
0xab: {  	_ =	task [dreg:s6], $0x5FFFF  }
0xac: {  	[dreg:$0x1] =	wrdreg $0xFFFFFFFF  }
0xad: {  	[dreg:$0x0] =	wrdreg $0x60  }
0xae: {  	[dreg:$0x2] =	wrdreg s24  }
0xaf: {  	[dreg:$0x3] =	wrdreg $0x48000  }
0xb0: {  	[dreg:$0x4] =	wrdreg $0x9  }
0xb1: {  	_ =	task.clear_ibuf [dreg:s6], $0x5FFFF;
	_ =	strace $0x90000046  }
0xb2: {  	s29 =	simm.s32 $0x9;
	_ =	strace $0x80000048  }
0xb3: {  	_ =	swait.ge [sflag:s29], $0x1  }
0xb4: {  	[sflag:s29] =	ssyncadd.s32 $0xFFFFFFFF  }
0xb5: {  	_ =	strace $0x90000048  }
0xb6: {  	_ =	sfence  }
0xb7: {  	s30 =	sld [smem:$0x0];
	_ =	sdelay $0x2  }
0xb8: {  	s31 =	sshll.u32 s1, $0xD;
	s1 =	sshrl.u32 s1, $0x2  }
0xb9: {  	s3 =	sand.u32 $0x4000, s31;
	s1 =	sadd.s32 s1, s30  }
0xba: {  	s0 =	sor.u32 s3, s0;
	s1 =	sshll.u32 s1, $0x11  }
0xbb: {  	s0 =	sor.u32 s1, s0  }
0xbc: {  	s0 =	sadd.s32 $0x8F2B, s0  }
0xbd: {  	[sflag:s0] =	ssyncadd.remote.s32 $0x1  }
0xbe: {  	_ =	sfence.sel $0xFFFF  }
0xbf: {  	[dreg:$0x0] =	wrdreg $0xFFFFFFFF;
	(pc) =	sbr.abs _section_cstart, $3  }
0xc0: {  	[dreg:$0x1] =	wrdreg $0xFFFFFFFF  }
0xc1: {  	_ =	task.clear_ibuf [dreg:s6], $0x2FFFF;
	_ =	strace $0x9FFFFFFF  }
0xc2: {  	(tm) =	ssettm $0x7FFFFFFF  }
0xc3: {  	_ =	shalt  }
tec
execute0_lowered:
.L_overlay_start_1:
0x0: {  	(tag) =	ssettag $0x1  }
0x1: {  	s0 =	rddreg [dreg:$0x0]  }
0x2: {  	s1 =	srdreg.scid;
	s9 =	stileid.u32  }
0x3: {  	s2 =	rddreg [dreg:$0x1];
	s3 =	simm.s32 $0x0;
	s12 =	simm.s32 $0x3  }
0x4: {  	s13 =	simm.s32 $0x400;
	s14 =	simm.s32 $0x80;
	s15 =	simm.s32 $0x800  }
0x5: {  	s16 =	simm.s32 $0x1;
	s17 =	simm.s32 $0x2800;
	s18 =	simm.s32 $0x2  }
0x6: {  	s19 =	simm.s32 $0x100;
	s20 =	simm.s32 $0x480;
	s21 =	simm.s32 $0x180  }
0x7: {  	s22 =	simm.s32 $0x500;
	s28 =	simm.s32 $0x300;
	s29 =	simm.s32 $0x680  }
0x8: {  	s30 =	simm.s32 $0x380;
	s31 =	simm.s32 $0x700;
	s5 =	smul.u32 $0x14000, s9  }
0x9: {  	s1 =	sand.u32 $0x1, s1;
	s24 =	sshll.u32 s9, $0x6;
	s9 =	smul.u32 $0x500, s9  }
0xa: {  	[smem:$0x7FF] =	sst s3;
	s4 =	sadd.s32 $0x19A00, s0;
	s6 =	smul.u32 $0x140000, s1  }
0xb: {  	s8 =	sadd.s32 $0x18600, s0;
	s7 =	smul.u32 $0x5000, s1;
	s1 =	ssub.s32 $0x2, s1  }
0xc: {  	_ =	strace $0x80000047;
	[dreg:$0x3] =	wrdreg s8;
	s23 =	sshrl.u32 s1, $0x1  }
0xd: {  	s6 =	sadd.s32 s5, s6;
	s7 =	sadd.s32 s7, s0;
	s5 =	sshrl.u32 s5, $0x1  }
0xe: {  	s1 =	ssub.s32 s1, s23;
	s23 =	simm.s32 $0x200;
	s6 =	sshrl.u32 s6, $0x4  }
0xf: {  	s5 =	sadd.s32 s5, s2;
	s25 =	smax.u32 s1, $0x1;
	s26 =	sadd.s32 s9, s7  }
0x10: {  	s1 =	simm.s32 $0x780;
	s0 =	sadd.s32 s6, s0;
	s6 =	sor.u32 $0x1C03, s24  }
0x11: {  	[dreg:$0x6] =	wrdreg s25;
	s9 =	sadd.s32 $0xE600, s26;
	s10 =	sadd.s32 $0x2DA00, s26  }
0x12: {  	s7 =	sshrl.u32 s5, $0x3;
	s24 =	simm.s32 $0x580;
	[dreg:$0x4] =	wrdreg s6  }
0x13: {  	s25 =	simm.s32 $0x280;
	s0 =	sadd.s32 $0x37A00, s0;
	[dreg:$0x7] =	wrdreg s7  }
0x14: {  	s26 =	simm.s32 $0x600;
	[dreg:$0x5] =	wrdreg s0;
	s0 =	simm.s32 $0x0  }
.LBB2_1:
0x15: {  	s5 =	rddreg [dreg:$0x3]  }
0x16: {  	[spmem:s7], [sflag:s6] =	dma.local [hbm:s5], $0x1400  }
0x17: {  	_ =	swait.ge [sflag:s12], $0x1400  }
0x18: {  	[sflag:s12] =	ssyncset.done $0x0  }
0x19: {  	[sflag:s12] =	ssyncadd.s32 $0xFFFFEC00  }
0x1a: {  	s8 =	sadd.s32 $0x0, s10;
	[bflag:$0x0] =	sbarrier.arrive $0xFFFF  }
0x1b: {  	[tilespmem:s3], [sflag:$0x3] =	stream.linear.gather [hbm4b:s8+s3], $0x400, $0x38;
	[tilespmem:$0xE800] =	vst v63  }
0x1c: {  	_ =	swait.ge [sflag:s12], $0x400  }
0x1d: {  	[sflag:s12] =	ssyncset.done $0x0  }
0x1e: {  	s11 =	sadd.s32 $0x0, s9;
	[sflag:s12] =	ssyncadd.s32 $0xFFFFFC00  }
0x1f: {  	[tilespmem:s13], [sflag:$0x3] =	stream.linear.gather [hbm4b:s11+s3], $0x400, $0x38;
	[tilespmem:$0xE800] =	vst v63  }
0x20: {  	_ =	swait.ge [sflag:s12], $0x400  }
0x21: {  	[sflag:s12] =	ssyncset.done $0x0  }
0x22: {  	[sflag:s12] =	ssyncadd.s32 $0xFFFFFC00  }
0x23: {  	[tilespmem:s15], [sflag:$0x1] =	stream.indirect.gather [hbm4b:s4+s14], $0x40, s3, s14, $0xb8;
	[tilespmem:$0xE800] =	vst v63  }
0x24: {  	_ =	swait.ge [sflag:s16], $0x2000  }
0x25: {  	[sflag:s16] =	ssyncset.done $0x0  }
0x26: {  	[sflag:s16] =	ssyncadd.s32 $0xFFFFE000  }
0x27: {  	[tilespmem:s17], [sflag:$0x2] =	stream.indirect.gather [hbm4b:s4+s14], $0x40, s14, s14, $0xb8;
	[tilespmem:$0xE800] =	vst v63  }
0x28: {  	_ = 	snop  }
0x29: {  	[spmem:s2] =	stream.indirect.scatter.add.bf16 [tilespmem:s15], [sflag:$0x3], $0x40, s13, s14, $0xb8;
	[tilespmem:$0xE800] =	vst v63  }
0x2a: {  	_ =	swait.ge [sflag:s12], $0x2000  }
0x2b: {  	[sflag:s12] =	ssyncset.done $0x0  }
0x2c: {  	[sflag:s12] =	ssyncadd.s32 $0xFFFFE000  }
0x2d: {  	_ =	swait.ge [sflag:s18], $0x2000  }
0x2e: {  	[sflag:s18] =	ssyncset.done $0x0  }
0x2f: {  	[sflag:s18] =	ssyncadd.s32 $0xFFFFE000  }
0x30: {  	[tilespmem:s15], [sflag:$0x1] =	stream.indirect.gather [hbm4b:s4+s14], $0x40, s19, s14, $0xb8;
	[tilespmem:$0xE800] =	vst v63  }
0x31: {  	_ = 	snop  }
0x32: {  	[spmem:s2] =	stream.indirect.scatter.add.bf16 [tilespmem:s17], [sflag:$0x3], $0x40, s20, s14, $0xb8;
	[tilespmem:$0xE800] =	vst v63  }
0x33: {  	_ =	swait.ge [sflag:s12], $0x2000  }
0x34: {  	[sflag:s12] =	ssyncset.done $0x0  }
0x35: {  	[sflag:s12] =	ssyncadd.s32 $0xFFFFE000  }
0x36: {  	_ =	swait.ge [sflag:s16], $0x2000  }
0x37: {  	[sflag:s16] =	ssyncset.done $0x0  }
0x38: {  	[sflag:s16] =	ssyncadd.s32 $0xFFFFE000  }
0x39: {  	[tilespmem:s17], [sflag:$0x2] =	stream.indirect.gather [hbm4b:s4+s14], $0x40, s21, s14, $0xb8;
	[tilespmem:$0xE800] =	vst v63  }
0x3a: {  	_ = 	snop  }
0x3b: {  	[spmem:s2] =	stream.indirect.scatter.add.bf16 [tilespmem:s15], [sflag:$0x3], $0x40, s22, s14, $0xb8;
	[tilespmem:$0xE800] =	vst v63  }
0x3c: {  	_ =	swait.ge [sflag:s12], $0x2000  }
0x3d: {  	[sflag:s12] =	ssyncset.done $0x0  }
0x3e: {  	[sflag:s12] =	ssyncadd.s32 $0xFFFFE000  }
0x3f: {  	_ =	swait.ge [sflag:s18], $0x2000  }
0x40: {  	[sflag:s18] =	ssyncset.done $0x0  }
0x41: {  	[sflag:s18] =	ssyncadd.s32 $0xFFFFE000  }
0x42: {  	[tilespmem:s15], [sflag:$0x1] =	stream.indirect.gather [hbm4b:s4+s14], $0x40, s23, s14, $0xb8;
	[tilespmem:$0xE800] =	vst v63  }
0x43: {  	_ = 	snop  }
0x44: {  	[spmem:s2] =	stream.indirect.scatter.add.bf16 [tilespmem:s17], [sflag:$0x3], $0x40, s24, s14, $0xb8;
	[tilespmem:$0xE800] =	vst v63  }
0x45: {  	_ =	swait.ge [sflag:s12], $0x2000  }
0x46: {  	[sflag:s12] =	ssyncset.done $0x0  }
0x47: {  	[sflag:s12] =	ssyncadd.s32 $0xFFFFE000  }
0x48: {  	_ =	swait.ge [sflag:s16], $0x2000  }
0x49: {  	[sflag:s16] =	ssyncset.done $0x0  }
0x4a: {  	[sflag:s16] =	ssyncadd.s32 $0xFFFFE000  }
0x4b: {  	[tilespmem:s17], [sflag:$0x2] =	stream.indirect.gather [hbm4b:s4+s14], $0x40, s25, s14, $0xb8;
	[tilespmem:$0xE800] =	vst v63  }
0x4c: {  	_ = 	snop  }
0x4d: {  	[spmem:s2] =	stream.indirect.scatter.add.bf16 [tilespmem:s15], [sflag:$0x3], $0x40, s26, s14, $0xb8;
	[tilespmem:$0xE800] =	vst v63  }
0x4e: {  	_ =	swait.ge [sflag:s12], $0x2000  }
0x4f: {  	[sflag:s12] =	ssyncset.done $0x0  }
0x50: {  	[sflag:s12] =	ssyncadd.s32 $0xFFFFE000  }
0x51: {  	_ =	swait.ge [sflag:s18], $0x2000  }
0x52: {  	[sflag:s18] =	ssyncset.done $0x0  }
0x53: {  	[sflag:s18] =	ssyncadd.s32 $0xFFFFE000  }
0x54: {  	[tilespmem:s15], [sflag:$0x1] =	stream.indirect.gather [hbm4b:s4+s14], $0x40, s28, s14, $0xb8;
	[tilespmem:$0xE800] =	vst v63  }
0x55: {  	_ = 	snop  }
0x56: {  	[spmem:s2] =	stream.indirect.scatter.add.bf16 [tilespmem:s17], [sflag:$0x3], $0x40, s29, s14, $0xb8;
	[tilespmem:$0xE800] =	vst v63  }
0x57: {  	_ =	swait.ge [sflag:s12], $0x2000  }
0x58: {  	[sflag:s12] =	ssyncset.done $0x0  }
0x59: {  	[sflag:s12] =	ssyncadd.s32 $0xFFFFE000  }
0x5a: {  	_ =	swait.ge [sflag:s16], $0x2000  }
0x5b: {  	[sflag:s16] =	ssyncset.done $0x0  }
0x5c: {  	[sflag:s16] =	ssyncadd.s32 $0xFFFFE000  }
0x5d: {  	[tilespmem:s17], [sflag:$0x2] =	stream.indirect.gather [hbm4b:s4+s14], $0x40, s30, s14, $0xb8;
	[tilespmem:$0xE800] =	vst v63  }
0x5e: {  	_ = 	snop  }
0x5f: {  	[spmem:s2] =	stream.indirect.scatter.add.bf16 [tilespmem:s15], [sflag:$0x3], $0x40, s31, s14, $0xb8;
	[tilespmem:$0xE800] =	vst v63  }
0x60: {  	_ =	swait.ge [sflag:s12], $0x2000  }
0x61: {  	[sflag:s12] =	ssyncset.done $0x0  }
0x62: {  	[sflag:s12] =	ssyncadd.s32 $0xFFFFE000  }
0x63: {  	_ =	swait.ge [sflag:s18], $0x2000  }
0x64: {  	[sflag:s18] =	ssyncset.done $0x0  }
0x65: {  	[sflag:s18] =	ssyncadd.s32 $0xFFFFE000  }
0x66: {  	[spmem:s2] =	stream.indirect.scatter.add.bf16 [tilespmem:s17], [sflag:$0x3], $0x40, s1, s14, $0xb8;
	[tilespmem:$0xE800] =	vst v63  }
0x67: {  	_ =	swait.ge [sflag:s12], $0x2000  }
0x68: {  	s5 =	simm.s32 $0x80;
	s7 =	simm.s32 $0x100;
	[sflag:s12] =	ssyncset.done $0x0  }
.LBB2_2:
0x69: {  	s6 =	sadd.s32 s5, s10  }
0x6a: {  	[sflag:s12] =	ssyncadd.s32 $0xFFFFE000;
	s11 =	smov.u32 s7;
	s8 =	sadd.s32 $0x80, s7  }
0x6b: {  	[tilespmem:s3], [sflag:$0x3] =	stream.linear.gather [hbm4b:s6+s3], $0x400, $0x38;
	[tilespmem:$0xE800] =	vst v63  }
0x6c: {  	p0 =	sne.s32 s7, $0x480;
	_ =	swait.ge [sflag:s12], $0x400  }
0x6d: {  	[sflag:s12] =	ssyncset.done $0x0  }
0x6e: {  	s6 =	sadd.s32 s5, s9;
	s5 =	smov.u32 s11;
	[sflag:s12] =	ssyncadd.s32 $0xFFFFFC00  }
0x6f: {  	[tilespmem:s13], [sflag:$0x3] =	stream.linear.gather [hbm4b:s6+s3], $0x400, $0x38;
	[tilespmem:$0xE800] =	vst v63  }
0x70: {  	_ =	swait.ge [sflag:s12], $0x400  }
0x71: {  	[sflag:s12] =	ssyncset.done $0x0  }
0x72: {  	[sflag:s12] =	ssyncadd.s32 $0xFFFFFC00  }
0x73: {  	[tilespmem:s15], [sflag:$0x1] =	stream.indirect.gather [hbm4b:s4+s14], $0x40, s3, s14, $0xb8;
	[tilespmem:$0xE800] =	vst v63  }
0x74: {  	_ =	swait.ge [sflag:s16], $0x2000  }
0x75: {  	[sflag:s16] =	ssyncset.done $0x0  }
0x76: {  	[sflag:s16] =	ssyncadd.s32 $0xFFFFE000  }
0x77: {  	[tilespmem:s17], [sflag:$0x2] =	stream.indirect.gather [hbm4b:s4+s14], $0x40, s14, s14, $0xb8;
	[tilespmem:$0xE800] =	vst v63  }
0x78: {  	_ = 	snop  }
0x79: {  	[spmem:s2] =	stream.indirect.scatter.add.bf16 [tilespmem:s15], [sflag:$0x3], $0x40, s13, s14, $0xb8;
	[tilespmem:$0xE800] =	vst v63  }
0x7a: {  	_ =	swait.ge [sflag:s12], $0x2000  }
0x7b: {  	[sflag:s12] =	ssyncset.done $0x0  }
0x7c: {  	[sflag:s12] =	ssyncadd.s32 $0xFFFFE000  }
0x7d: {  	_ =	swait.ge [sflag:s18], $0x2000  }
0x7e: {  	[sflag:s18] =	ssyncset.done $0x0  }
0x7f: {  	[sflag:s18] =	ssyncadd.s32 $0xFFFFE000  }
0x80: {  	[tilespmem:s15], [sflag:$0x1] =	stream.indirect.gather [hbm4b:s4+s14], $0x40, s19, s14, $0xb8;
	[tilespmem:$0xE800] =	vst v63  }
0x81: {  	_ = 	snop  }
0x82: {  	[spmem:s2] =	stream.indirect.scatter.add.bf16 [tilespmem:s17], [sflag:$0x3], $0x40, s20, s14, $0xb8;
	[tilespmem:$0xE800] =	vst v63  }
0x83: {  	_ =	swait.ge [sflag:s12], $0x2000  }
0x84: {  	[sflag:s12] =	ssyncset.done $0x0  }
0x85: {  	[sflag:s12] =	ssyncadd.s32 $0xFFFFE000  }
0x86: {  	_ =	swait.ge [sflag:s16], $0x2000  }
0x87: {  	[sflag:s16] =	ssyncset.done $0x0  }
0x88: {  	[sflag:s16] =	ssyncadd.s32 $0xFFFFE000  }
0x89: {  	[tilespmem:s17], [sflag:$0x2] =	stream.indirect.gather [hbm4b:s4+s14], $0x40, s21, s14, $0xb8;
	[tilespmem:$0xE800] =	vst v63  }
0x8a: {  	_ = 	snop  }
0x8b: {  	[spmem:s2] =	stream.indirect.scatter.add.bf16 [tilespmem:s15], [sflag:$0x3], $0x40, s22, s14, $0xb8;
	[tilespmem:$0xE800] =	vst v63  }
0x8c: {  	_ =	swait.ge [sflag:s12], $0x2000  }
0x8d: {  	[sflag:s12] =	ssyncset.done $0x0  }
0x8e: {  	[sflag:s12] =	ssyncadd.s32 $0xFFFFE000  }
0x8f: {  	_ =	swait.ge [sflag:s18], $0x2000  }
0x90: {  	[sflag:s18] =	ssyncset.done $0x0  }
0x91: {  	[sflag:s18] =	ssyncadd.s32 $0xFFFFE000  }
0x92: {  	[tilespmem:s15], [sflag:$0x1] =	stream.indirect.gather [hbm4b:s4+s14], $0x40, s23, s14, $0xb8;
	[tilespmem:$0xE800] =	vst v63  }
0x93: {  	_ = 	snop  }
0x94: {  	[spmem:s2] =	stream.indirect.scatter.add.bf16 [tilespmem:s17], [sflag:$0x3], $0x40, s24, s14, $0xb8;
	[tilespmem:$0xE800] =	vst v63  }
0x95: {  	_ =	swait.ge [sflag:s12], $0x2000  }
0x96: {  	[sflag:s12] =	ssyncset.done $0x0  }
0x97: {  	[sflag:s12] =	ssyncadd.s32 $0xFFFFE000  }
0x98: {  	_ =	swait.ge [sflag:s16], $0x2000  }
0x99: {  	[sflag:s16] =	ssyncset.done $0x0  }
0x9a: {  	[sflag:s16] =	ssyncadd.s32 $0xFFFFE000  }
0x9b: {  	[tilespmem:s17], [sflag:$0x2] =	stream.indirect.gather [hbm4b:s4+s14], $0x40, s25, s14, $0xb8;
	[tilespmem:$0xE800] =	vst v63  }
0x9c: {  	_ = 	snop  }
0x9d: {  	[spmem:s2] =	stream.indirect.scatter.add.bf16 [tilespmem:s15], [sflag:$0x3], $0x40, s26, s14, $0xb8;
	[tilespmem:$0xE800] =	vst v63  }
0x9e: {  	_ =	swait.ge [sflag:s12], $0x2000  }
0x9f: {  	[sflag:s12] =	ssyncset.done $0x0  }
0xa0: {  	[sflag:s12] =	ssyncadd.s32 $0xFFFFE000  }
0xa1: {  	_ =	swait.ge [sflag:s18], $0x2000  }
0xa2: {  	[sflag:s18] =	ssyncset.done $0x0  }
0xa3: {  	[sflag:s18] =	ssyncadd.s32 $0xFFFFE000  }
0xa4: {  	[tilespmem:s15], [sflag:$0x1] =	stream.indirect.gather [hbm4b:s4+s14], $0x40, s28, s14, $0xb8;
	[tilespmem:$0xE800] =	vst v63  }
0xa5: {  	_ = 	snop  }
0xa6: {  	[spmem:s2] =	stream.indirect.scatter.add.bf16 [tilespmem:s17], [sflag:$0x3], $0x40, s29, s14, $0xb8;
	[tilespmem:$0xE800] =	vst v63  }
0xa7: {  	_ =	swait.ge [sflag:s12], $0x2000  }
0xa8: {  	[sflag:s12] =	ssyncset.done $0x0  }
0xa9: {  	[sflag:s12] =	ssyncadd.s32 $0xFFFFE000  }
0xaa: {  	_ =	swait.ge [sflag:s16], $0x2000  }
0xab: {  	[sflag:s16] =	ssyncset.done $0x0  }
0xac: {  	[sflag:s16] =	ssyncadd.s32 $0xFFFFE000  }
0xad: {  	[tilespmem:s17], [sflag:$0x2] =	stream.indirect.gather [hbm4b:s4+s14], $0x40, s30, s14, $0xb8;
	[tilespmem:$0xE800] =	vst v63  }
0xae: {  	_ = 	snop  }
0xaf: {  	[spmem:s2] =	stream.indirect.scatter.add.bf16 [tilespmem:s15], [sflag:$0x3], $0x40, s31, s14, $0xb8;
	[tilespmem:$0xE800] =	vst v63  }
0xb0: {  	_ =	swait.ge [sflag:s12], $0x2000  }
0xb1: {  	[sflag:s12] =	ssyncset.done $0x0  }
0xb2: {  	[sflag:s12] =	ssyncadd.s32 $0xFFFFE000  }
0xb3: {  	_ =	swait.ge [sflag:s18], $0x2000  }
.Ltmp0:
0xb4: {  	[sflag:s18] =	ssyncset.done $0x0;
	(pc) =	sbr.rel @p0 .LBB2_2-.Ltmp0, $4  }
0xb5: {  	[sflag:s18] =	ssyncadd.s32 $0xFFFFE000  }
0xb6: {  	[spmem:s2] =	stream.indirect.scatter.add.bf16 [tilespmem:s17], [sflag:$0x3], $0x40, s1, s14, $0xb8;
	[tilespmem:$0xE800] =	vst v63  }
0xb7: {  	_ =	swait.ge [sflag:s12], $0x2000  }
0xb8: {  	s7 =	smov.u32 s8;
	[sflag:s12] =	ssyncset.done $0x0  }
0xb9: {  	s6 =	sadd.s32 s5, s10;
	[sflag:s12] =	ssyncadd.s32 $0xFFFFE000  }
0xba: {  	[tilespmem:s3], [sflag:$0x3] =	stream.linear.gather [hbm4b:s6+s3], $0x400, $0x38;
	[tilespmem:$0xE800] =	vst v63  }
0xbb: {  	_ =	swait.ge [sflag:s12], $0x400  }
0xbc: {  	[sflag:s12] =	ssyncset.done $0x0  }
0xbd: {  	s7 =	sadd.s32 s5, s9;
	[sflag:s12] =	ssyncadd.s32 $0xFFFFFC00  }
0xbe: {  	[tilespmem:s13], [sflag:$0x3] =	stream.linear.gather [hbm4b:s7+s3], $0x400, $0x38;
	[tilespmem:$0xE800] =	vst v63  }
0xbf: {  	_ =	swait.ge [sflag:s12], $0x400  }
0xc0: {  	[sflag:s12] =	ssyncset.done $0x0  }
0xc1: {  	[sflag:s12] =	ssyncadd.s32 $0xFFFFFC00  }
0xc2: {  	[tilespmem:s15], [sflag:$0x1] =	stream.indirect.gather [hbm4b:s4+s14], $0x40, s3, s14, $0xb8;
	[tilespmem:$0xE800] =	vst v63  }
0xc3: {  	_ =	swait.ge [sflag:s16], $0x2000  }
0xc4: {  	[sflag:s16] =	ssyncset.done $0x0  }
0xc5: {  	[sflag:s16] =	ssyncadd.s32 $0xFFFFE000  }
0xc6: {  	[tilespmem:s17], [sflag:$0x2] =	stream.indirect.gather [hbm4b:s4+s14], $0x40, s14, s14, $0xb8;
	[tilespmem:$0xE800] =	vst v63  }
0xc7: {  	_ = 	snop  }
0xc8: {  	[spmem:s2] =	stream.indirect.scatter.add.bf16 [tilespmem:s15], [sflag:$0x3], $0x40, s13, s14, $0xb8;
	[tilespmem:$0xE800] =	vst v63  }
0xc9: {  	_ =	swait.ge [sflag:s12], $0x2000  }
0xca: {  	[sflag:s12] =	ssyncset.done $0x0  }
0xcb: {  	[sflag:s12] =	ssyncadd.s32 $0xFFFFE000  }
0xcc: {  	_ =	swait.ge [sflag:s18], $0x2000  }
0xcd: {  	[sflag:s18] =	ssyncset.done $0x0  }
0xce: {  	[sflag:s18] =	ssyncadd.s32 $0xFFFFE000  }
0xcf: {  	[tilespmem:s15], [sflag:$0x1] =	stream.indirect.gather [hbm4b:s4+s14], $0x40, s19, s14, $0xb8;
	[tilespmem:$0xE800] =	vst v63  }
0xd0: {  	_ = 	snop  }
0xd1: {  	[spmem:s2] =	stream.indirect.scatter.add.bf16 [tilespmem:s17], [sflag:$0x3], $0x40, s20, s14, $0xb8;
	[tilespmem:$0xE800] =	vst v63  }
0xd2: {  	_ =	swait.ge [sflag:s12], $0x2000  }
0xd3: {  	[sflag:s12] =	ssyncset.done $0x0  }
0xd4: {  	[sflag:s12] =	ssyncadd.s32 $0xFFFFE000  }
0xd5: {  	_ =	swait.ge [sflag:s16], $0x2000  }
0xd6: {  	[sflag:s16] =	ssyncset.done $0x0  }
0xd7: {  	[sflag:s16] =	ssyncadd.s32 $0xFFFFE000  }
0xd8: {  	[tilespmem:s17], [sflag:$0x2] =	stream.indirect.gather [hbm4b:s4+s14], $0x40, s21, s14, $0xb8;
	[tilespmem:$0xE800] =	vst v63  }
0xd9: {  	_ = 	snop  }
0xda: {  	[spmem:s2] =	stream.indirect.scatter.add.bf16 [tilespmem:s15], [sflag:$0x3], $0x40, s22, s14, $0xb8;
	[tilespmem:$0xE800] =	vst v63  }
0xdb: {  	_ =	swait.ge [sflag:s12], $0x2000  }
0xdc: {  	[sflag:s12] =	ssyncset.done $0x0  }
0xdd: {  	[sflag:s12] =	ssyncadd.s32 $0xFFFFE000  }
0xde: {  	_ =	swait.ge [sflag:s18], $0x2000  }
0xdf: {  	[sflag:s18] =	ssyncset.done $0x0  }
0xe0: {  	[sflag:s18] =	ssyncadd.s32 $0xFFFFE000  }
0xe1: {  	[tilespmem:s15], [sflag:$0x1] =	stream.indirect.gather [hbm4b:s4+s14], $0x40, s23, s14, $0xb8;
	[tilespmem:$0xE800] =	vst v63  }
0xe2: {  	_ = 	snop  }
0xe3: {  	[spmem:s2] =	stream.indirect.scatter.add.bf16 [tilespmem:s17], [sflag:$0x3], $0x40, s24, s14, $0xb8;
	[tilespmem:$0xE800] =	vst v63  }
0xe4: {  	_ =	swait.ge [sflag:s12], $0x2000  }
0xe5: {  	[sflag:s12] =	ssyncset.done $0x0  }
0xe6: {  	[sflag:s12] =	ssyncadd.s32 $0xFFFFE000  }
0xe7: {  	_ =	swait.ge [sflag:s16], $0x2000  }
0xe8: {  	[sflag:s16] =	ssyncset.done $0x0  }
0xe9: {  	[sflag:s16] =	ssyncadd.s32 $0xFFFFE000  }
0xea: {  	[tilespmem:s17], [sflag:$0x2] =	stream.indirect.gather [hbm4b:s4+s14], $0x40, s25, s14, $0xb8;
	[tilespmem:$0xE800] =	vst v63  }
0xeb: {  	_ = 	snop  }
0xec: {  	[spmem:s2] =	stream.indirect.scatter.add.bf16 [tilespmem:s15], [sflag:$0x3], $0x40, s26, s14, $0xb8;
	[tilespmem:$0xE800] =	vst v63  }
0xed: {  	_ =	swait.ge [sflag:s12], $0x2000  }
0xee: {  	[sflag:s12] =	ssyncset.done $0x0  }
0xef: {  	[sflag:s12] =	ssyncadd.s32 $0xFFFFE000  }
0xf0: {  	_ =	swait.ge [sflag:s18], $0x2000  }
0xf1: {  	[sflag:s18] =	ssyncset.done $0x0  }
0xf2: {  	[sflag:s18] =	ssyncadd.s32 $0xFFFFE000  }
0xf3: {  	[tilespmem:s15], [sflag:$0x1] =	stream.indirect.gather [hbm4b:s4+s14], $0x40, s28, s14, $0xb8;
	[tilespmem:$0xE800] =	vst v63  }
0xf4: {  	_ = 	snop  }
0xf5: {  	[spmem:s2] =	stream.indirect.scatter.add.bf16 [tilespmem:s17], [sflag:$0x3], $0x40, s29, s14, $0xb8;
	[tilespmem:$0xE800] =	vst v63  }
0xf6: {  	_ =	swait.ge [sflag:s12], $0x2000  }
0xf7: {  	[sflag:s12] =	ssyncset.done $0x0  }
0xf8: {  	[sflag:s12] =	ssyncadd.s32 $0xFFFFE000  }
0xf9: {  	_ =	swait.ge [sflag:s16], $0x2000  }
0xfa: {  	[sflag:s16] =	ssyncset.done $0x0  }
0xfb: {  	[sflag:s16] =	ssyncadd.s32 $0xFFFFE000  }
0xfc: {  	[tilespmem:s17], [sflag:$0x2] =	stream.indirect.gather [hbm4b:s4+s14], $0x40, s30, s14, $0xb8;
	[tilespmem:$0xE800] =	vst v63  }
0xfd: {  	_ = 	snop  }
0xfe: {  	[spmem:s2] =	stream.indirect.scatter.add.bf16 [tilespmem:s15], [sflag:$0x3], $0x40, s31, s14, $0xb8;
	[tilespmem:$0xE800] =	vst v63  }
0xff: {  	_ =	swait.ge [sflag:s12], $0x2000  }
0x100: {  	[sflag:s12] =	ssyncset.done $0x0  }
0x101: {  	[sflag:s12] =	ssyncadd.s32 $0xFFFFE000  }
0x102: {  	_ =	swait.ge [sflag:s18], $0x2000  }
0x103: {  	[sflag:s18] =	ssyncset.done $0x0  }
0x104: {  	[sflag:s18] =	ssyncadd.s32 $0xFFFFE000  }
0x105: {  	[spmem:s2] =	stream.indirect.scatter.add.bf16 [tilespmem:s17], [sflag:$0x3], $0x40, s1, s14, $0xb8;
	[tilespmem:$0xE800] =	vst v63  }
0x106: {  	_ =	swait.ge [sflag:s12], $0x2000  }
0x107: {  	[sflag:s12] =	ssyncset.done $0x0  }
0x108: {  	[sflag:s12] =	ssyncadd.s32 $0xFFFFE000  }
0x109: {  	[bflag:$0x0] =	sbarrier.arrive $0xFFFF  }
0x10a: {  	s6 =	rddreg [dreg:$0x4]  }
0x10b: {  	s8 =	rddreg [dreg:$0x5]  }
0x10c: {  	s7 =	rddreg [dreg:$0x7]  }
0x10d: {  	[hbm:s8], [sflag:s6] =	dma.local [spmem:s7], $0x1400  }
0x10e: {  	_ =	swait.ge [sflag:s12], $0x1400  }
0x10f: {  	s0 =	sadd.s32 $0x1, s0;
	s11 =	rddreg [dreg:$0x6]  }
0x110: {  	p0 =	sne.s32 s0, s11  }
.Ltmp1:
0x111: {  	_ = 	snop;
	(pc) =	sbr.rel @p0 .LBB2_1-.Ltmp1, $3  }
0x112: {  	_ =	sdelay $0x1  }
0x113: {  	[sflag:s12] =	ssyncset.done $0x0  }
0x114: {  	[sflag:s12] =	ssyncadd.s32 $0xFFFFEC00  }
0x115: {  	_ =	sfence.sel $0x180000  }
0x116: {  	[bflag:$0x0] =	sbarrier.arrive $0xFFFF  }
0x117: {  	_ =	strace $0x90000047  }
0x118: {  	s0 =	stileid.u32;
	[bflag:$0x2] =	sbarrier.arrive $0xFFFF  }
0x119: {  	p0 =	sne.s32 s0, $0x0;
	s0 =	rddreg [dreg:$0x2]  }
0x11a: {  	s0 =	sadd.s32 @!p0 $0x100000, s0  }
0x11b: {  	[sflag:s0] =	ssyncadd.tile.s32 @!p0 $0x1;
	_ =	shalt  }
.Lfunc_end2:
_tile_overlayer_lowered:
.L_overlay_start_2:
0x11c: {  	(tag) =	ssettag $0x2  }
0x11d: {  	s0 =	rddreg [dreg:$0x0];
	s2 =	stileid.u32  }
0x11e: {  	s1 =	rddreg [dreg:$0x1];
	p0 =	sne.s32 s2, $0x0  }
0x11f: {  	s3 =	rddreg [dreg:$0x2];
	[bflag:$0x3] =	sbarrier.arrive $0xFFFF;
	s2 =	simm.s32 @!p0 $0x1C03  }
0x120: {  	[timem:s3], [sflag:s2] =	dma.local @!p0 [hbm:s0], s1  }
0x121: {  	s0 =	simm.s32 @!p0 $0x3  }
0x122: {  	_ =	swait.ge @!p0 [sflag:s0], s1  }
0x123: {  	s1 =	ssub.s32 @!p0 $0x0, s1;
	[sflag:s0] =	ssyncset.done @!p0 $0x0  }
0x124: {  	[sflag:s0] =	ssyncadd.s32 @!p0 s1  }
0x125: {  	[bflag:$0x3] =	sbarrier.arrive $0xFFFF  }
0x126: {  	_ =	shalt  }

// kernel: kernel.14.cloned.1.call-start
scs
__scs_entry_jumppad:
0x0: {  	(pc) =	sbr.rel $0x88, $3  }
0x1: {  	(tag) =	ssettag $0x0;
	lr =	simm.s32 $0x1  }
0x2: {  	[smem:$0x3F93] =	sst lr;
	_ =	strace $0xD0000000  }
0x3: {  	_ = 	snop  }
0x4: {  	_ = 	snop  }
0x5: {  	_ = 	snop  }
0x6: {  	_ = 	snop  }
0x7: {  	_ = 	snop  }
__scs_overlays_trampoline_lowered:
0x8: {  	[smem:$0x3FA2] =	sst s0  }
0x9: {  	[smem:$0x3FA3] =	sst s1  }
0xa: {  	[smem:$0x3FA4] =	sst s2  }
0xb: {  	[smem:$0x3FA5] =	sst s3  }
0xc: {  	[smem:$0x3FA6] =	sst s4  }
0xd: {  	[smem:$0x3FA7] =	sst s5  }
0xe: {  	[smem:$0x3FA8] =	sst s6  }
0xf: {  	[smem:$0x3FA9] =	sst s7  }
0x10: {  	[smem:$0x3FAA] =	sst s8  }
0x11: {  	[smem:$0x3FAB] =	sst s9;
	s0 =	simm.s32 @!p0 $0x0  }
0x12: {  	s1 =	sld [smem:$0x3F91];
	s0 =	simm.s32 @p0 $0x1  }
0x13: {  	[smem:$0x3FAC] =	sst s0;
	s0 =	simm.s32 @!p1 $0x0  }
0x14: {  	s2 =	sld [smem:$0x3F90];
	s0 =	simm.s32 @p1 $0x1  }
0x15: {  	[smem:$0x3FAD] =	sst s0;
	s0 =	simm.s32 @!p2 $0x0  }
0x16: {  	s3 =	sld [smem:$0x3FDB];
	s0 =	simm.s32 @p2 $0x1  }
0x17: {  	s4 =	simm.s32 $0x1BF5;
	[smem:$0x3FAF] =	sst s0  }
0x18: {  	s0 =	sld [smem:$0x3F92];
	_ =	swait.ge [sflag:s4], $0x0  }
0x19: {  	s7 =	sld [smem:$0x3F93]  }
0x1a: {  	s8 =	sadd.s32 $0xFFFFE003, lr  }
0x1b: {  	s9 =	sadd.s32 $0xFFFFFEF7, lr;
	s5 =	simm.s32 $0xFFFFFFFF;
	p2 =	slt.u32 s8, $0xFFFFF086  }
0x1c: {  	p1 =	slt.u32 s9, $0xF7A;
	s5 =	simm.s32 @!p2 $0x0  }
0x1d: {  	s5 =	simm.s32 @p1 $0x1;
	p0 =	seq.s32 s7, s2  }
0x1e: {  	s7 =	smul.u32 @!p0 $0xF7A, s2;
	p2 =	seq.s32 @!p0 s5, $0x0  }
0x1f: {  	s9 =	smul.u32 $0xF7A, s1;
	s8 =	simm.s32 @!p0 $0x1BF5;
	p2 =	por !p2, p0  }
0x20: {  	[sflag:s8] =	ssyncset.s32 @!p0 $0xFFFFF086;
	s6 =	sadd.s32 @!p0 s3, s7;
	s7 =	simm.s32 @!p0 $0x108  }
0x21: {  	s3 =	sadd.s32 s3, s9;
	s6 =	sadd.s32 @!p0 $0x88, s6;
	s7 =	simm.s32 @p2 $0x1082  }
0x22: {  	[simem:s7], [sflag:s8] =	dma.local @!p0 [hbm:s6], $0xF7A  }
0x23: {  	s9 =	sor.u32 $0xD0000000, s2;
	s6 =	simm.s32 $0x108;
	_ =	swait.ge @!p0 [sflag:s8], $0x0  }
0x24: {  	s3 =	sadd.s32 $0x88, s3;
	s6 =	simm.s32 @!p1 $0x1082;
	[sflag:s4] =	ssyncset.s32 $0xFFFFF086  }
0x25: {  	[simem:s6], [sflag:s4] =	dma.local [hbm:s3], $0xF7A  }
0x26: {  	[smem:$0x3F93] =	sst s1;
	(tag) =	ssettag s2;
	_ =	strace s9  }
0x27: {  	s1 =	sld [smem:$0x3FA3]  }
0x28: {  	s2 =	sld [smem:$0x3FA4]  }
0x29: {  	s4 =	sld [smem:$0x3FA6]  }
0x2a: {  	p0 =	seq.s32 s5, $0x0;
	s5 =	sld [smem:$0x3FA7]  }
0x2b: {  	s6 =	sld [smem:$0x3FA8]  }
0x2c: {  	s7 =	sld [smem:$0x3FA9]  }
0x2d: {  	s3 =	simm.s32 $0x108;
	s8 =	sld [smem:$0x3FAA]  }
0x2e: {  	s3 =	simm.s32 @!p0 $0x1082;
	s9 =	sld [smem:$0x3FAB]  }
0x2f: {  	lr =	sadd.s32 s0, s3;
	s0 =	sld [smem:$0x3FA2]  }
0x30: {  	s3 =	sld [smem:$0x3FA5]  }
0x31: {  	[smem:$0x3FAE] =	sst s10  }
0x32: {  	s10 =	sld [smem:$0x3FAC];
	_ =	sdelay $0x3  }
0x33: {  	p0 =	seq.s32 s10, $0x1;
	s10 =	sld [smem:$0x3FAE];
	_ =	sdelay $0x3  }
0x34: {  	[smem:$0x3FAE] =	sst s10  }
0x35: {  	s10 =	sld [smem:$0x3FAD];
	_ =	sdelay $0x3  }
0x36: {  	p1 =	seq.s32 s10, $0x1;
	s10 =	sld [smem:$0x3FAE];
	_ =	sdelay $0x3  }
0x37: {  	[smem:$0x3FAE] =	sst s10  }
0x38: {  	s10 =	sld [smem:$0x3FAF]  }
0x39: {  	_ = 	snop;
	(pc) =	sbr.ind lr, $3  }
0x3a: {  	_ = 	snop  }
0x3b: {  	_ = 	snop  }
0x3c: {  	p2 =	seq.s32 s10, $0x1;
	s10 =	sld [smem:$0x3FAE]  }
0x3d: {  	_ =	shalt  }
0x3e: {  	_ =	shalt  }
0x3f: {  	_ =	shalt  }
0x40: {  	_ =	shalt  }
0x41: {  	_ =	shalt  }
0x42: {  	_ =	shalt  }
0x43: {  	_ =	shalt  }
0x44: {  	_ =	shalt  }
0x45: {  	_ =	shalt  }
0x46: {  	_ =	shalt  }
0x47: {  	_ =	shalt  }
0x48: {  	_ =	shalt  }
0x49: {  	_ =	shalt  }
0x4a: {  	_ =	shalt  }
0x4b: {  	_ =	shalt  }
0x4c: {  	_ =	shalt  }
0x4d: {  	_ =	shalt  }
0x4e: {  	_ =	shalt  }
0x4f: {  	_ =	shalt  }
0x50: {  	_ =	shalt  }
0x51: {  	_ =	shalt  }
0x52: {  	_ =	shalt  }
0x53: {  	_ =	shalt  }
0x54: {  	_ =	shalt  }
0x55: {  	_ =	shalt  }
0x56: {  	_ =	shalt  }
0x57: {  	_ =	shalt  }
0x58: {  	_ =	shalt  }
0x59: {  	_ =	shalt  }
0x5a: {  	_ =	shalt  }
0x5b: {  	_ =	shalt  }
0x5c: {  	_ =	shalt  }
0x5d: {  	_ =	shalt  }
0x5e: {  	_ =	shalt  }
0x5f: {  	_ =	shalt  }
0x60: {  	_ =	shalt  }
0x61: {  	_ =	shalt  }
0x62: {  	_ =	shalt  }
0x63: {  	_ =	shalt  }
0x64: {  	_ =	shalt  }
0x65: {  	_ =	shalt  }
0x66: {  	_ =	shalt  }
0x67: {  	_ =	shalt  }
0x68: {  	_ =	shalt  }
0x69: {  	_ =	shalt  }
0x6a: {  	_ =	shalt  }
0x6b: {  	_ =	shalt  }
0x6c: {  	_ =	shalt  }
0x6d: {  	_ =	shalt  }
0x6e: {  	_ =	shalt  }
0x6f: {  	_ =	shalt  }
0x70: {  	_ =	shalt  }
0x71: {  	_ =	shalt  }
0x72: {  	_ =	shalt  }
0x73: {  	_ =	shalt  }
0x74: {  	_ =	shalt  }
0x75: {  	_ =	shalt  }
0x76: {  	_ =	shalt  }
0x77: {  	_ =	shalt  }
0x78: {  	_ =	shalt  }
0x79: {  	_ =	shalt  }
0x7a: {  	_ =	shalt  }
0x7b: {  	_ =	shalt  }
0x7c: {  	_ =	shalt  }
0x7d: {  	_ =	shalt  }
0x7e: {  	_ =	shalt  }
0x7f: {  	_ =	shalt  }
0x80: {  	_ =	shalt  }
0x81: {  	_ =	shalt  }
0x82: {  	_ =	shalt  }
0x83: {  	_ =	shalt  }
0x84: {  	_ =	shalt  }
0x85: {  	_ =	shalt  }
0x86: {  	_ =	shalt  }
0x87: {  	_ =	shalt  }
.Lfunc_end0:
.L_simem_size_0:
called_computation.1_lowered:
.L_overlay_start_0:
0x88: {  	s2 =	sld [smem:$0x3FD9]  }
0x89: {  	s3 =	sld [smem:$0x3FFE];
	_ =	sdelay $0x1  }
0x8a: {  	s1 =	srdreg.scid  }
0x8b: {  	s0 =	sand.u32 $0x1, s1  }
0x8c: {  	s17 =	sshll.u32 s0, $0xA;
	s2 =	sadd.s32 s3, s2  }
0x8d: {  	s2 =	sadd.s32 s2, s17  }
0x8e: {  	[smem:$0x3FBA] =	sst s2  }
0x8f: {  	_ = 	snop  }
0x90: {  	s18 =	sld [smem:$0x3FD0];
	(tm) =	ssettm $0x1  }
0x91: {  	s19 =	sld [smem:$0x3FFB];
	_ =	sdelay $0x3  }
0x92: {  	_ =	strace s19  }
0x93: {  	s2 =	sld [smem:$0x3FFC];
	_ =	sdelay $0x3  }
0x94: {  	_ =	strace s2  }
0x95: {  	s2 =	sld [smem:$0x3FFD];
	_ =	sdelay $0x3  }
0x96: {  	_ =	strace s2  }
0x97: {  	_ =	strace $0x8FFFFFFF  }
0x98: {  	s20 =	sld [smem:$0x3FDB];
	_ =	sdelay $0x1  }
0x99: {  	s4 =	simm.s32 $_scs_section_size  }
0x9a: {  	s5 =	simm.s32 $_size__tile_overlayer_lowered;
	s6 =	simm.s32 $_tile_overlayer_lowered  }
0x9b: {  	s7 =	simm.s32 $0x1BFF;
	s21 =	sshll.u32 s6, $0x1;
	s4 =	sadd.s32 s4, s20  }
0x9c: {  	s22 =	simm.s32 $0x0;
	s5 =	sshll.u32 s5, $0x1;
	s6 =	sadd.s32 s21, s4  }
0x9d: {  	[timem:s22], [sflag:s7] =	dma.local [hbm:s6], s5  }
0x9e: {  	_ =	swait.ge [sflag:s7], s5  }
0x9f: {  	s5 =	ssub.s32 $0x0, s5;
	[sflag:s7] =	ssyncset.done $0x0  }
0xa0: {  	[sflag:s7] =	ssyncadd.s32 s5;
	_ =	sdelay $0x1  }
0xa1: {  	s23 =	simm.s32 $0x1B8B  }
0xa2: {  	_ =	swait.ge [sflag:s23], $0x1  }
0xa3: {  	[sflag:s23] =	ssyncset.done $0x0  }
0xa4: {  	[sflag:s23] =	ssyncadd.s32 $0xFFFFFFFF  }
0xa5: {  	s5 =	sld [smem:$0x0]  }
0xa6: {  	s6 =	sand.u32 $0xFFFFFFFE, s1  }
0xa7: {  	p0 =	sne.s32 s1, s6  }
0xa8: {  	s6 =	sshll.u32 @p0 s6, $0xE  }
0xa9: {  	s6 =	sadd.s32 @p0 $0x11B8D, s6;
	s7 =	sshll.u32 @p0 s5, $0x11  }
0xaa: {  	s6 =	sor.u32 @p0 s7, s6  }
0xab: {  	[sflag:s6] =	ssyncadd.remote.s32 @p0 $0x1;
	_ =	sdelay $0x1  }
0xac: {  	s6 =	simm.s32 @p0 $0x1B8D  }
0xad: {  	_ =	swait.eq @p0 [sflag:s6], $0x1  }
0xae: {  	[sflag:s6] =	ssyncadd.s32 @p0 $0xFFFFFFFF  }
0xaf: {  	s7 =	sshll.u32 @!p0 s1, $0xE  }
0xb0: {  	s7 =	sor.u32 @!p0 $0x4000, s7;
	s6 =	simm.s32 @!p0 $0x1B8D  }
0xb1: {  	s5 =	sshll.u32 @!p0 s5, $0x11;
	s7 =	sadd.s32 @!p0 $0x11B8D, s7;
	_ =	swait.eq @!p0 [sflag:s6], $0x1  }
0xb2: {  	s5 =	sor.u32 @!p0 s5, s7;
	[sflag:s6] =	ssyncadd.s32 @!p0 $0xFFFFFFFF  }
0xb3: {  	s25 =	simm.s32 $0x1B8E;
	s24 =	sld [smem:$0x3FFE];
	[sflag:s5] =	ssyncadd.remote.s32 @!p0 $0x1  }
0xb4: {  	s26 =	simm.s32 $execute0_lowered;
	[smem:$0x3FD2] =	sst s25  }
0xb5: {  	s6 =	sshll.u32 s26, $0x1;
	_ =	strace $0x80000049;
	[dreg:$0x1] =	wrdreg $0xFFFFFFFF  }
0xb6: {  	s28 =	simm.s32 $_size_execute0_lowered;
	s4 =	sadd.s32 s4, s6;
	[dreg:$0x0] =	wrdreg $0x0  }
0xb7: {  	s6 =	sshll.u32 s28, $0x1;
	[dreg:$0x2] =	wrdreg s4  }
0xb8: {  	[dreg:$0x3] =	wrdreg s6  }
0xb9: {  	[dreg:$0x4] =	wrdreg $0xC0  }
0xba: {  	_ =	task [dreg:s22], $0x5FFFF  }
0xbb: {  	[dreg:$0x1] =	wrdreg $0xFFFFFFFF  }
0xbc: {  	[dreg:$0x0] =	wrdreg $0x60  }
0xbd: {  	[dreg:$0x2] =	wrdreg s24  }
0xbe: {  	[dreg:$0x3] =	wrdreg s18  }
0xbf: {  	[dreg:$0x4] =	wrdreg $0x44000  }
0xc0: {  	[dreg:$0x5] =	wrdreg $0xA  }
0xc1: {  	_ =	task.clear_ibuf [dreg:s22], $0x6FFFF;
	_ =	strace $0x90000049  }
0xc2: {  	s29 =	simm.s32 $0xA;
	_ =	strace $0x8000004B  }
0xc3: {  	_ =	swait.ge [sflag:s29], $0x1  }
0xc4: {  	[sflag:s29] =	ssyncadd.s32 $0xFFFFFFFF  }
0xc5: {  	_ =	strace $0x9000004B  }
0xc6: {  	_ =	sfence  }
0xc7: {  	s30 =	sld [smem:$0x0];
	_ =	sdelay $0x2  }
0xc8: {  	s31 =	sshll.u32 s1, $0xD;
	s1 =	sshrl.u32 s1, $0x2  }
0xc9: {  	s4 =	sand.u32 $0x4000, s31;
	s1 =	sadd.s32 s1, s30  }
0xca: {  	s0 =	sor.u32 s4, s0;
	s1 =	sshll.u32 s1, $0x11  }
0xcb: {  	s0 =	sor.u32 s1, s0  }
0xcc: {  	s0 =	sadd.s32 $0x8F2B, s0  }
0xcd: {  	[sflag:s0] =	ssyncadd.remote.s32 $0x1  }
0xce: {  	_ =	sfence.sel $0xFFFF  }
0xcf: {  	[dreg:$0x0] =	wrdreg $0xFFFFFFFF;
	(pc) =	sbr.abs _section_cstart, $3  }
0xd0: {  	[dreg:$0x1] =	wrdreg $0xFFFFFFFF  }
0xd1: {  	_ =	task.clear_ibuf [dreg:s22], $0x2FFFF;
	_ =	strace $0x9FFFFFFF  }
0xd2: {  	(tm) =	ssettm $0x7FFFFFFF  }
0xd3: {  	_ =	shalt  }
tec
execute0_lowered:
.L_overlay_start_1:
0x0: {  	(tag) =	ssettag $0x1  }
0x1: {  	s6 =	rddreg [dreg:$0x0]  }
0x2: {  	s0 =	srdreg.scid;
	s2 =	rddreg [dreg:$0x1]  }
0x3: {  	s3 =	rddreg [dreg:$0x2];
	s1 =	stileid.u32;
	s4 =	simm.s32 $0x0  }
0x4: {  	s14 =	simm.s32 $0x100;
	s15 =	simm.s32 $0x180;
	s16 =	simm.s32 $0x200  }
0x5: {  	s17 =	simm.s32 $0x280;
	s18 =	simm.s32 $0x300;
	s9 =	smul.u32 $0x14000, s1  }
0x6: {  	s19 =	simm.s32 $0x380;
	s20 =	simm.s32 $0x0;
	s29 =	smul.u32 $0x50000, s1  }
0x7: {  	s5 =	sand.u32 $0x1, s0;
	s0 =	rddreg [dreg:$0x3];
	s12 =	smul.u32 $0x500, s1  }
0x8: {  	[smem:$0x7FF] =	sst s4;
	s11 =	sshll.u32 s1, $0x6;
	s7 =	smul.u32 $0x5000, s5  }
0x9: {  	s8 =	smul.u32 $0x140000, s5;
	_ =	strace $0x8000004A;
	s28 =	ssub.s32 $0x2, s5  }
0xa: {  	s5 =	sadd.s32 $0x5FA00, s6;
	s30 =	sshrl.u32 s28, $0x1;
	s10 =	sadd.s32 s7, s6  }
0xb: {  	s26 =	sadd.s32 s9, s8;
	s9 =	sshrl.u32 s29, $0x2;
	s8 =	ssub.s32 s28, s30  }
0xc: {  	s7 =	sshrl.u32 s26, $0x3;
	s13 =	sadd.s32 s9, s3;
	s8 =	smax.u32 s8, $0x1  }
0xd: {  	s31 =	sadd.s32 s12, s10;
	s12 =	simm.s32 $0x400;
	s7 =	sadd.s32 s7, s6  }
0xe: {  	s6 =	sor.u32 $0x1C01, s11;
	s9 =	sadd.s32 $0x4600, s31;
	s10 =	sshrl.u32 s13, $0x3  }
0xf: {  	s11 =	simm.s32 $0x1;
	s13 =	simm.s32 $0x80;
	s7 =	sadd.s32 $0x60200, s7  }
.LBB2_1:
0x10: {  	[spmem:s10], [sflag:s6] =	dma.local [hbm:s2], $0x2800  }
0x11: {  	_ =	swait.ge [sflag:s11], $0x2800  }
0x12: {  	[sflag:s11] =	ssyncset.done $0x0  }
0x13: {  	[sflag:s11] =	ssyncadd.s32 $0xFFFFD800  }
0x14: {  	[tilespmem:s12], [sflag:$0x1] =	stream.linear.gather [hbm4b:s5+s4], $0x4000, $0x38;
	[tilespmem:$0x18400] =	vst v63  }
0x15: {  	_ =	swait.ge [sflag:s11], $0x4000  }
0x16: {  	[sflag:s11] =	ssyncset.done $0x0  }
0x17: {  	[sflag:s11] =	ssyncadd.s32 $0xFFFFC000  }
0x18: {  	s21 =	sadd.s32 $0x0, s9;
	[bflag:$0x0] =	sbarrier.arrive $0xFFFF  }
0x19: {  	[tilespmem:s4], [sflag:$0x1] =	stream.linear.gather [hbm4b:s21+s4], $0x400, $0x38;
	[tilespmem:$0x18400] =	vst v63  }
0x1a: {  	_ =	swait.ge [sflag:s11], $0x400  }
0x1b: {  	[sflag:s11] =	ssyncset.done $0x0  }
0x1c: {  	[sflag:s11] =	ssyncadd.s32 $0xFFFFFC00  }
0x1d: {  	[spmem:s3] =	stream.indirect.scatter.add.f32 [tilespmem:s12], [sflag:$0x1], $0x80, s4, s13, $0xb8;
	[tilespmem:$0x18400] =	vst v63  }
0x1e: {  	_ =	swait.ge [sflag:s11], $0x4000  }
0x1f: {  	[sflag:s11] =	ssyncset.done $0x0  }
0x20: {  	[sflag:s11] =	ssyncadd.s32 $0xFFFFC000  }
0x21: {  	[spmem:s3] =	stream.indirect.scatter.add.f32 [tilespmem:s12], [sflag:$0x1], $0x80, s13, s13, $0xb8;
	[tilespmem:$0x18400] =	vst v63  }
0x22: {  	_ =	swait.ge [sflag:s11], $0x4000  }
0x23: {  	[sflag:s11] =	ssyncset.done $0x0  }
0x24: {  	[sflag:s11] =	ssyncadd.s32 $0xFFFFC000  }
0x25: {  	[spmem:s3] =	stream.indirect.scatter.add.f32 [tilespmem:s12], [sflag:$0x1], $0x80, s14, s13, $0xb8;
	[tilespmem:$0x18400] =	vst v63  }
0x26: {  	_ =	swait.ge [sflag:s11], $0x4000  }
0x27: {  	[sflag:s11] =	ssyncset.done $0x0  }
0x28: {  	[sflag:s11] =	ssyncadd.s32 $0xFFFFC000  }
0x29: {  	[spmem:s3] =	stream.indirect.scatter.add.f32 [tilespmem:s12], [sflag:$0x1], $0x80, s15, s13, $0xb8;
	[tilespmem:$0x18400] =	vst v63  }
0x2a: {  	_ =	swait.ge [sflag:s11], $0x4000  }
0x2b: {  	[sflag:s11] =	ssyncset.done $0x0  }
0x2c: {  	[sflag:s11] =	ssyncadd.s32 $0xFFFFC000  }
0x2d: {  	[spmem:s3] =	stream.indirect.scatter.add.f32 [tilespmem:s12], [sflag:$0x1], $0x80, s16, s13, $0xb8;
	[tilespmem:$0x18400] =	vst v63  }
0x2e: {  	_ =	swait.ge [sflag:s11], $0x4000  }
0x2f: {  	[sflag:s11] =	ssyncset.done $0x0  }
0x30: {  	[sflag:s11] =	ssyncadd.s32 $0xFFFFC000  }
0x31: {  	[spmem:s3] =	stream.indirect.scatter.add.f32 [tilespmem:s12], [sflag:$0x1], $0x80, s17, s13, $0xb8;
	[tilespmem:$0x18400] =	vst v63  }
0x32: {  	_ =	swait.ge [sflag:s11], $0x4000  }
0x33: {  	[sflag:s11] =	ssyncset.done $0x0  }
0x34: {  	[sflag:s11] =	ssyncadd.s32 $0xFFFFC000  }
0x35: {  	[spmem:s3] =	stream.indirect.scatter.add.f32 [tilespmem:s12], [sflag:$0x1], $0x80, s18, s13, $0xb8;
	[tilespmem:$0x18400] =	vst v63  }
0x36: {  	_ =	swait.ge [sflag:s11], $0x4000  }
0x37: {  	[sflag:s11] =	ssyncset.done $0x0  }
0x38: {  	[sflag:s11] =	ssyncadd.s32 $0xFFFFC000  }
0x39: {  	[spmem:s3] =	stream.indirect.scatter.add.f32 [tilespmem:s12], [sflag:$0x1], $0x80, s19, s13, $0xb8;
	[tilespmem:$0x18400] =	vst v63  }
0x3a: {  	_ =	swait.ge [sflag:s11], $0x4000  }
0x3b: {  	s23 =	simm.s32 $0x100;
	s21 =	simm.s32 $0x80;
	[sflag:s11] =	ssyncset.done $0x0  }
.LBB2_2:
0x3c: {  	s24 =	sadd.s32 s21, s9  }
0x3d: {  	[sflag:s11] =	ssyncadd.s32 $0xFFFFC000;
	s21 =	smov.u32 s23;
	s22 =	sadd.s32 $0x80, s23  }
0x3e: {  	[tilespmem:s4], [sflag:$0x1] =	stream.linear.gather [hbm4b:s24+s4], $0x400, $0x38;
	[tilespmem:$0x18400] =	vst v63  }
0x3f: {  	p0 =	sne.s32 s23, $0x480;
	_ =	swait.ge [sflag:s11], $0x400  }
0x40: {  	[sflag:s11] =	ssyncset.done $0x0  }
0x41: {  	[sflag:s11] =	ssyncadd.s32 $0xFFFFFC00  }
0x42: {  	[spmem:s3] =	stream.indirect.scatter.add.f32 [tilespmem:s12], [sflag:$0x1], $0x80, s4, s13, $0xb8;
	[tilespmem:$0x18400] =	vst v63  }
0x43: {  	_ =	swait.ge [sflag:s11], $0x4000  }
0x44: {  	[sflag:s11] =	ssyncset.done $0x0  }
0x45: {  	[sflag:s11] =	ssyncadd.s32 $0xFFFFC000  }
0x46: {  	[spmem:s3] =	stream.indirect.scatter.add.f32 [tilespmem:s12], [sflag:$0x1], $0x80, s13, s13, $0xb8;
	[tilespmem:$0x18400] =	vst v63  }
0x47: {  	_ =	swait.ge [sflag:s11], $0x4000  }
0x48: {  	[sflag:s11] =	ssyncset.done $0x0  }
0x49: {  	[sflag:s11] =	ssyncadd.s32 $0xFFFFC000  }
0x4a: {  	[spmem:s3] =	stream.indirect.scatter.add.f32 [tilespmem:s12], [sflag:$0x1], $0x80, s14, s13, $0xb8;
	[tilespmem:$0x18400] =	vst v63  }
0x4b: {  	_ =	swait.ge [sflag:s11], $0x4000  }
0x4c: {  	[sflag:s11] =	ssyncset.done $0x0  }
0x4d: {  	[sflag:s11] =	ssyncadd.s32 $0xFFFFC000  }
0x4e: {  	[spmem:s3] =	stream.indirect.scatter.add.f32 [tilespmem:s12], [sflag:$0x1], $0x80, s15, s13, $0xb8;
	[tilespmem:$0x18400] =	vst v63  }
0x4f: {  	_ =	swait.ge [sflag:s11], $0x4000  }
0x50: {  	[sflag:s11] =	ssyncset.done $0x0  }
0x51: {  	[sflag:s11] =	ssyncadd.s32 $0xFFFFC000  }
0x52: {  	[spmem:s3] =	stream.indirect.scatter.add.f32 [tilespmem:s12], [sflag:$0x1], $0x80, s16, s13, $0xb8;
	[tilespmem:$0x18400] =	vst v63  }
0x53: {  	_ =	swait.ge [sflag:s11], $0x4000  }
0x54: {  	[sflag:s11] =	ssyncset.done $0x0  }
0x55: {  	[sflag:s11] =	ssyncadd.s32 $0xFFFFC000  }
0x56: {  	[spmem:s3] =	stream.indirect.scatter.add.f32 [tilespmem:s12], [sflag:$0x1], $0x80, s17, s13, $0xb8;
	[tilespmem:$0x18400] =	vst v63  }
0x57: {  	_ =	swait.ge [sflag:s11], $0x4000  }
0x58: {  	[sflag:s11] =	ssyncset.done $0x0  }
0x59: {  	[sflag:s11] =	ssyncadd.s32 $0xFFFFC000  }
0x5a: {  	[spmem:s3] =	stream.indirect.scatter.add.f32 [tilespmem:s12], [sflag:$0x1], $0x80, s18, s13, $0xb8;
	[tilespmem:$0x18400] =	vst v63  }
0x5b: {  	_ =	swait.ge [sflag:s11], $0x4000  }
.Ltmp0:
0x5c: {  	[sflag:s11] =	ssyncset.done $0x0;
	(pc) =	sbr.rel @p0 .LBB2_2-.Ltmp0, $4  }
0x5d: {  	[sflag:s11] =	ssyncadd.s32 $0xFFFFC000  }
0x5e: {  	[spmem:s3] =	stream.indirect.scatter.add.f32 [tilespmem:s12], [sflag:$0x1], $0x80, s19, s13, $0xb8;
	[tilespmem:$0x18400] =	vst v63  }
0x5f: {  	_ =	swait.ge [sflag:s11], $0x4000  }
0x60: {  	s23 =	smov.u32 s22;
	[sflag:s11] =	ssyncset.done $0x0  }
0x61: {  	s21 =	sadd.s32 s21, s9;
	[sflag:s11] =	ssyncadd.s32 $0xFFFFC000  }
0x62: {  	[tilespmem:s4], [sflag:$0x1] =	stream.linear.gather [hbm4b:s21+s4], $0x400, $0x38;
	[tilespmem:$0x18400] =	vst v63  }
0x63: {  	_ =	swait.ge [sflag:s11], $0x400  }
0x64: {  	[sflag:s11] =	ssyncset.done $0x0  }
0x65: {  	[sflag:s11] =	ssyncadd.s32 $0xFFFFFC00  }
0x66: {  	[spmem:s3] =	stream.indirect.scatter.add.f32 [tilespmem:s12], [sflag:$0x1], $0x80, s4, s13, $0xb8;
	[tilespmem:$0x18400] =	vst v63  }
0x67: {  	_ =	swait.ge [sflag:s11], $0x4000  }
0x68: {  	[sflag:s11] =	ssyncset.done $0x0  }
0x69: {  	[sflag:s11] =	ssyncadd.s32 $0xFFFFC000  }
0x6a: {  	[spmem:s3] =	stream.indirect.scatter.add.f32 [tilespmem:s12], [sflag:$0x1], $0x80, s13, s13, $0xb8;
	[tilespmem:$0x18400] =	vst v63  }
0x6b: {  	_ =	swait.ge [sflag:s11], $0x4000  }
0x6c: {  	[sflag:s11] =	ssyncset.done $0x0  }
0x6d: {  	[sflag:s11] =	ssyncadd.s32 $0xFFFFC000  }
0x6e: {  	[spmem:s3] =	stream.indirect.scatter.add.f32 [tilespmem:s12], [sflag:$0x1], $0x80, s14, s13, $0xb8;
	[tilespmem:$0x18400] =	vst v63  }
0x6f: {  	_ =	swait.ge [sflag:s11], $0x4000  }
0x70: {  	[sflag:s11] =	ssyncset.done $0x0  }
0x71: {  	[sflag:s11] =	ssyncadd.s32 $0xFFFFC000  }
0x72: {  	[spmem:s3] =	stream.indirect.scatter.add.f32 [tilespmem:s12], [sflag:$0x1], $0x80, s15, s13, $0xb8;
	[tilespmem:$0x18400] =	vst v63  }
0x73: {  	_ =	swait.ge [sflag:s11], $0x4000  }
0x74: {  	[sflag:s11] =	ssyncset.done $0x0  }
0x75: {  	[sflag:s11] =	ssyncadd.s32 $0xFFFFC000  }
0x76: {  	[spmem:s3] =	stream.indirect.scatter.add.f32 [tilespmem:s12], [sflag:$0x1], $0x80, s16, s13, $0xb8;
	[tilespmem:$0x18400] =	vst v63  }
0x77: {  	_ =	swait.ge [sflag:s11], $0x4000  }
0x78: {  	[sflag:s11] =	ssyncset.done $0x0  }
0x79: {  	[sflag:s11] =	ssyncadd.s32 $0xFFFFC000  }
0x7a: {  	[spmem:s3] =	stream.indirect.scatter.add.f32 [tilespmem:s12], [sflag:$0x1], $0x80, s17, s13, $0xb8;
	[tilespmem:$0x18400] =	vst v63  }
0x7b: {  	_ =	swait.ge [sflag:s11], $0x4000  }
0x7c: {  	[sflag:s11] =	ssyncset.done $0x0  }
0x7d: {  	[sflag:s11] =	ssyncadd.s32 $0xFFFFC000  }
0x7e: {  	[spmem:s3] =	stream.indirect.scatter.add.f32 [tilespmem:s12], [sflag:$0x1], $0x80, s18, s13, $0xb8;
	[tilespmem:$0x18400] =	vst v63  }
0x7f: {  	_ =	swait.ge [sflag:s11], $0x4000  }
0x80: {  	[sflag:s11] =	ssyncset.done $0x0  }
0x81: {  	[sflag:s11] =	ssyncadd.s32 $0xFFFFC000  }
0x82: {  	[spmem:s3] =	stream.indirect.scatter.add.f32 [tilespmem:s12], [sflag:$0x1], $0x80, s19, s13, $0xb8;
	[tilespmem:$0x18400] =	vst v63  }
0x83: {  	_ =	swait.ge [sflag:s11], $0x4000  }
0x84: {  	s20 =	sadd.s32 $0x1, s20;
	[sflag:s11] =	ssyncset.done $0x0  }
0x85: {  	p0 =	sne.s32 s20, s8;
	[sflag:s11] =	ssyncadd.s32 $0xFFFFC000  }
.Ltmp1:
0x86: {  	[bflag:$0x0] =	sbarrier.arrive $0xFFFF;
	(pc) =	sbr.rel @p0 .LBB2_1-.Ltmp1, $4  }
0x87: {  	[hbm:s7], [sflag:s6] =	dma.local [spmem:s10], $0x2800  }
0x88: {  	_ =	swait.ge [sflag:s11], $0x2800  }
0x89: {  	[sflag:s11] =	ssyncset.done $0x0  }
0x8a: {  	[sflag:s11] =	ssyncadd.s32 $0xFFFFD800  }
0x8b: {  	_ =	sfence.sel $0x180000  }
0x8c: {  	[bflag:$0x0] =	sbarrier.arrive $0xFFFF  }
0x8d: {  	p0 =	sne.s32 s1, $0x0;
	_ =	strace $0x9000004A  }
0x8e: {  	s0 =	sadd.s32 @!p0 $0x100000, s0;
	[bflag:$0x2] =	sbarrier.arrive $0xFFFF  }
0x8f: {  	[sflag:s0] =	ssyncadd.tile.s32 @!p0 $0x1;
	_ =	shalt  }
.Lfunc_end2:
_tile_overlayer_lowered:
.L_overlay_start_2:
0x90: {  	(tag) =	ssettag $0x2  }
0x91: {  	s0 =	rddreg [dreg:$0x0];
	s2 =	stileid.u32  }
0x92: {  	s1 =	rddreg [dreg:$0x1];
	p0 =	sne.s32 s2, $0x0  }
0x93: {  	s3 =	rddreg [dreg:$0x2];
	[bflag:$0x3] =	sbarrier.arrive $0xFFFF;
	s2 =	simm.s32 @!p0 $0x1C01  }
0x94: {  	[timem:s3], [sflag:s2] =	dma.local @!p0 [hbm:s0], s1  }
0x95: {  	s0 =	simm.s32 @!p0 $0x1  }
0x96: {  	_ =	swait.ge @!p0 [sflag:s0], s1  }
0x97: {  	s1 =	ssub.s32 @!p0 $0x0, s1;
	[sflag:s0] =	ssyncset.done @!p0 $0x0  }
0x98: {  	[sflag:s0] =	ssyncadd.s32 @!p0 s1  }
0x99: {  	[bflag:$0x3] =	sbarrier.arrive $0xFFFF  }
0x9a: {  	_ =	shalt  }

// kernel: kernel.17.cloned.1.call-start
scs
__scs_entry_jumppad:
0x0: {  	(pc) =	sbr.rel $0x88, $3  }
0x1: {  	(tag) =	ssettag $0x0;
	lr =	simm.s32 $0x1  }
0x2: {  	[smem:$0x3F93] =	sst lr;
	_ =	strace $0xD0000000  }
0x3: {  	_ = 	snop  }
0x4: {  	_ = 	snop  }
0x5: {  	_ = 	snop  }
0x6: {  	_ = 	snop  }
0x7: {  	_ = 	snop  }
__scs_overlays_trampoline_lowered:
0x8: {  	[smem:$0x3FA2] =	sst s0  }
0x9: {  	[smem:$0x3FA3] =	sst s1  }
0xa: {  	[smem:$0x3FA4] =	sst s2  }
0xb: {  	[smem:$0x3FA5] =	sst s3  }
0xc: {  	[smem:$0x3FA6] =	sst s4  }
0xd: {  	[smem:$0x3FA7] =	sst s5  }
0xe: {  	[smem:$0x3FA8] =	sst s6  }
0xf: {  	[smem:$0x3FA9] =	sst s7  }
0x10: {  	[smem:$0x3FAA] =	sst s8  }
0x11: {  	[smem:$0x3FAB] =	sst s9;
	s0 =	simm.s32 @!p0 $0x0  }
0x12: {  	s1 =	sld [smem:$0x3F91];
	s0 =	simm.s32 @p0 $0x1  }
0x13: {  	[smem:$0x3FAC] =	sst s0;
	s0 =	simm.s32 @!p1 $0x0  }
0x14: {  	s2 =	sld [smem:$0x3F90];
	s0 =	simm.s32 @p1 $0x1  }
0x15: {  	[smem:$0x3FAD] =	sst s0;
	s0 =	simm.s32 @!p2 $0x0  }
0x16: {  	s3 =	sld [smem:$0x3FDB];
	s0 =	simm.s32 @p2 $0x1  }
0x17: {  	s4 =	simm.s32 $0x1BF5;
	[smem:$0x3FAF] =	sst s0  }
0x18: {  	s0 =	sld [smem:$0x3F92];
	_ =	swait.ge [sflag:s4], $0x0  }
0x19: {  	s7 =	sld [smem:$0x3F93]  }
0x1a: {  	s8 =	sadd.s32 $0xFFFFE003, lr  }
0x1b: {  	s9 =	sadd.s32 $0xFFFFFEF7, lr;
	s5 =	simm.s32 $0xFFFFFFFF;
	p2 =	slt.u32 s8, $0xFFFFF086  }
0x1c: {  	p1 =	slt.u32 s9, $0xF7A;
	s5 =	simm.s32 @!p2 $0x0  }
0x1d: {  	s5 =	simm.s32 @p1 $0x1;
	p0 =	seq.s32 s7, s2  }
0x1e: {  	s7 =	smul.u32 @!p0 $0xF7A, s2;
	p2 =	seq.s32 @!p0 s5, $0x0  }
0x1f: {  	s9 =	smul.u32 $0xF7A, s1;
	s8 =	simm.s32 @!p0 $0x1BF5;
	p2 =	por !p2, p0  }
0x20: {  	[sflag:s8] =	ssyncset.s32 @!p0 $0xFFFFF086;
	s6 =	sadd.s32 @!p0 s3, s7;
	s7 =	simm.s32 @!p0 $0x108  }
0x21: {  	s3 =	sadd.s32 s3, s9;
	s6 =	sadd.s32 @!p0 $0x88, s6;
	s7 =	simm.s32 @p2 $0x1082  }
0x22: {  	[simem:s7], [sflag:s8] =	dma.local @!p0 [hbm:s6], $0xF7A  }
0x23: {  	s9 =	sor.u32 $0xD0000000, s2;
	s6 =	simm.s32 $0x108;
	_ =	swait.ge @!p0 [sflag:s8], $0x0  }
0x24: {  	s3 =	sadd.s32 $0x88, s3;
	s6 =	simm.s32 @!p1 $0x1082;
	[sflag:s4] =	ssyncset.s32 $0xFFFFF086  }
0x25: {  	[simem:s6], [sflag:s4] =	dma.local [hbm:s3], $0xF7A  }
0x26: {  	[smem:$0x3F93] =	sst s1;
	(tag) =	ssettag s2;
	_ =	strace s9  }
0x27: {  	s1 =	sld [smem:$0x3FA3]  }
0x28: {  	s2 =	sld [smem:$0x3FA4]  }
0x29: {  	s4 =	sld [smem:$0x3FA6]  }
0x2a: {  	p0 =	seq.s32 s5, $0x0;
	s5 =	sld [smem:$0x3FA7]  }
0x2b: {  	s6 =	sld [smem:$0x3FA8]  }
0x2c: {  	s7 =	sld [smem:$0x3FA9]  }
0x2d: {  	s3 =	simm.s32 $0x108;
	s8 =	sld [smem:$0x3FAA]  }
0x2e: {  	s3 =	simm.s32 @!p0 $0x1082;
	s9 =	sld [smem:$0x3FAB]  }
0x2f: {  	lr =	sadd.s32 s0, s3;
	s0 =	sld [smem:$0x3FA2]  }
0x30: {  	s3 =	sld [smem:$0x3FA5]  }
0x31: {  	[smem:$0x3FAE] =	sst s10  }
0x32: {  	s10 =	sld [smem:$0x3FAC];
	_ =	sdelay $0x3  }
0x33: {  	p0 =	seq.s32 s10, $0x1;
	s10 =	sld [smem:$0x3FAE];
	_ =	sdelay $0x3  }
0x34: {  	[smem:$0x3FAE] =	sst s10  }
0x35: {  	s10 =	sld [smem:$0x3FAD];
	_ =	sdelay $0x3  }
0x36: {  	p1 =	seq.s32 s10, $0x1;
	s10 =	sld [smem:$0x3FAE];
	_ =	sdelay $0x3  }
0x37: {  	[smem:$0x3FAE] =	sst s10  }
0x38: {  	s10 =	sld [smem:$0x3FAF]  }
0x39: {  	_ = 	snop;
	(pc) =	sbr.ind lr, $3  }
0x3a: {  	_ = 	snop  }
0x3b: {  	_ = 	snop  }
0x3c: {  	p2 =	seq.s32 s10, $0x1;
	s10 =	sld [smem:$0x3FAE]  }
0x3d: {  	_ =	shalt  }
0x3e: {  	_ =	shalt  }
0x3f: {  	_ =	shalt  }
0x40: {  	_ =	shalt  }
0x41: {  	_ =	shalt  }
0x42: {  	_ =	shalt  }
0x43: {  	_ =	shalt  }
0x44: {  	_ =	shalt  }
0x45: {  	_ =	shalt  }
0x46: {  	_ =	shalt  }
0x47: {  	_ =	shalt  }
0x48: {  	_ =	shalt  }
0x49: {  	_ =	shalt  }
0x4a: {  	_ =	shalt  }
0x4b: {  	_ =	shalt  }
0x4c: {  	_ =	shalt  }
0x4d: {  	_ =	shalt  }
0x4e: {  	_ =	shalt  }
0x4f: {  	_ =	shalt  }
0x50: {  	_ =	shalt  }
0x51: {  	_ =	shalt  }
0x52: {  	_ =	shalt  }
0x53: {  	_ =	shalt  }
0x54: {  	_ =	shalt  }
0x55: {  	_ =	shalt  }
0x56: {  	_ =	shalt  }
0x57: {  	_ =	shalt  }
0x58: {  	_ =	shalt  }
0x59: {  	_ =	shalt  }
0x5a: {  	_ =	shalt  }
0x5b: {  	_ =	shalt  }
0x5c: {  	_ =	shalt  }
0x5d: {  	_ =	shalt  }
0x5e: {  	_ =	shalt  }
0x5f: {  	_ =	shalt  }
0x60: {  	_ =	shalt  }
0x61: {  	_ =	shalt  }
0x62: {  	_ =	shalt  }
0x63: {  	_ =	shalt  }
0x64: {  	_ =	shalt  }
0x65: {  	_ =	shalt  }
0x66: {  	_ =	shalt  }
0x67: {  	_ =	shalt  }
0x68: {  	_ =	shalt  }
0x69: {  	_ =	shalt  }
0x6a: {  	_ =	shalt  }
0x6b: {  	_ =	shalt  }
0x6c: {  	_ =	shalt  }
0x6d: {  	_ =	shalt  }
0x6e: {  	_ =	shalt  }
0x6f: {  	_ =	shalt  }
0x70: {  	_ =	shalt  }
0x71: {  	_ =	shalt  }
0x72: {  	_ =	shalt  }
0x73: {  	_ =	shalt  }
0x74: {  	_ =	shalt  }
0x75: {  	_ =	shalt  }
0x76: {  	_ =	shalt  }
0x77: {  	_ =	shalt  }
0x78: {  	_ =	shalt  }
0x79: {  	_ =	shalt  }
0x7a: {  	_ =	shalt  }
0x7b: {  	_ =	shalt  }
0x7c: {  	_ =	shalt  }
0x7d: {  	_ =	shalt  }
0x7e: {  	_ =	shalt  }
0x7f: {  	_ =	shalt  }
0x80: {  	_ =	shalt  }
0x81: {  	_ =	shalt  }
0x82: {  	_ =	shalt  }
0x83: {  	_ =	shalt  }
0x84: {  	_ =	shalt  }
0x85: {  	_ =	shalt  }
0x86: {  	_ =	shalt  }
0x87: {  	_ =	shalt  }
.Lfunc_end0:
.L_simem_size_0:
called_computation.2_lowered:
.L_overlay_start_0:
0x88: {  	s2 =	sld [smem:$0x3FD9]  }
0x89: {  	s3 =	sld [smem:$0x3FFE];
	_ =	sdelay $0x1  }
0x8a: {  	s1 =	srdreg.scid  }
0x8b: {  	s0 =	sand.u32 $0x1, s1  }
0x8c: {  	s16 =	sshll.u32 s0, $0xA;
	s2 =	sadd.s32 s3, s2  }
0x8d: {  	s2 =	sadd.s32 s2, s16  }
0x8e: {  	[smem:$0x3FBA] =	sst s2  }
0x8f: {  	_ = 	snop  }
0x90: {  	(tm) =	ssettm $0x1  }
0x91: {  	s17 =	sld [smem:$0x3FFB];
	_ =	sdelay $0x3  }
0x92: {  	_ =	strace s17  }
0x93: {  	s2 =	sld [smem:$0x3FFC];
	_ =	sdelay $0x3  }
0x94: {  	_ =	strace s2  }
0x95: {  	s2 =	sld [smem:$0x3FFD];
	_ =	sdelay $0x3  }
0x96: {  	_ =	strace s2  }
0x97: {  	_ =	strace $0x8FFFFFFF  }
0x98: {  	s18 =	sld [smem:$0x3FDB];
	_ =	sdelay $0x1  }
0x99: {  	s19 =	simm.s32 $_scs_section_size  }
0x9a: {  	s4 =	simm.s32 $_size__tile_overlayer_lowered;
	s5 =	simm.s32 $_tile_overlayer_lowered  }
0x9b: {  	s22 =	simm.s32 $0x1BFF;
	s21 =	sshll.u32 s5, $0x1;
	s2 =	sadd.s32 s19, s18  }
0x9c: {  	s6 =	simm.s32 $0x0;
	s20 =	sshll.u32 s4, $0x1;
	s4 =	sadd.s32 s21, s2  }
0x9d: {  	[timem:s6], [sflag:s22] =	dma.local [hbm:s4], s20  }
0x9e: {  	_ =	swait.ge [sflag:s22], s20  }
0x9f: {  	s3 =	ssub.s32 $0x0, s20;
	[sflag:s22] =	ssyncset.done $0x0  }
0xa0: {  	[sflag:s22] =	ssyncadd.s32 s3;
	_ =	sdelay $0x1  }
0xa1: {  	s23 =	simm.s32 $0x1B8B  }
0xa2: {  	_ =	swait.ge [sflag:s23], $0x1  }
0xa3: {  	[sflag:s23] =	ssyncset.done $0x0  }
0xa4: {  	s25 =	simm.s32 $0x1B8E;
	s24 =	sld [smem:$0x3FFE];
	[sflag:s23] =	ssyncadd.s32 $0xFFFFFFFF  }
0xa5: {  	s26 =	simm.s32 $execute0_lowered;
	[smem:$0x3FD2] =	sst s25  }
0xa6: {  	s4 =	sshll.u32 s26, $0x1;
	_ =	strace $0x8000004C;
	[dreg:$0x1] =	wrdreg $0xFFFFFFFF  }
0xa7: {  	s28 =	simm.s32 $_size_execute0_lowered;
	s2 =	sadd.s32 s2, s4;
	[dreg:$0x0] =	wrdreg $0x0  }
0xa8: {  	s4 =	sshll.u32 s28, $0x1;
	[dreg:$0x2] =	wrdreg s2  }
0xa9: {  	[dreg:$0x3] =	wrdreg s4  }
0xaa: {  	[dreg:$0x4] =	wrdreg $0xC0  }
0xab: {  	_ =	task [dreg:s6], $0x5FFFF  }
0xac: {  	[dreg:$0x1] =	wrdreg $0xFFFFFFFF  }
0xad: {  	[dreg:$0x0] =	wrdreg $0x60  }
0xae: {  	[dreg:$0x2] =	wrdreg s24  }
0xaf: {  	[dreg:$0x3] =	wrdreg $0x48000  }
0xb0: {  	[dreg:$0x4] =	wrdreg $0x9  }
0xb1: {  	_ =	task.clear_ibuf [dreg:s6], $0x5FFFF;
	_ =	strace $0x9000004C  }
0xb2: {  	s29 =	simm.s32 $0x9;
	_ =	strace $0x8000004E  }
0xb3: {  	_ =	swait.ge [sflag:s29], $0x1  }
0xb4: {  	[sflag:s29] =	ssyncadd.s32 $0xFFFFFFFF  }
0xb5: {  	_ =	strace $0x9000004E  }
0xb6: {  	_ =	sfence  }
0xb7: {  	s30 =	sld [smem:$0x0];
	_ =	sdelay $0x2  }
0xb8: {  	s31 =	sshll.u32 s1, $0xD;
	s1 =	sshrl.u32 s1, $0x2  }
0xb9: {  	s3 =	sand.u32 $0x4000, s31;
	s1 =	sadd.s32 s1, s30  }
0xba: {  	s0 =	sor.u32 s3, s0;
	s1 =	sshll.u32 s1, $0x11  }
0xbb: {  	s0 =	sor.u32 s1, s0  }
0xbc: {  	s0 =	sadd.s32 $0x8F2B, s0  }
0xbd: {  	[sflag:s0] =	ssyncadd.remote.s32 $0x1  }
0xbe: {  	_ =	sfence.sel $0xFFFF  }
0xbf: {  	[dreg:$0x0] =	wrdreg $0xFFFFFFFF;
	(pc) =	sbr.abs _section_cstart, $3  }
0xc0: {  	[dreg:$0x1] =	wrdreg $0xFFFFFFFF  }
0xc1: {  	_ =	task.clear_ibuf [dreg:s6], $0x2FFFF;
	_ =	strace $0x9FFFFFFF  }
0xc2: {  	(tm) =	ssettm $0x7FFFFFFF  }
0xc3: {  	_ =	shalt  }
tec
execute0_lowered:
.L_overlay_start_1:
0x0: {  	(tag) =	ssettag $0x1  }
0x1: {  	s0 =	rddreg [dreg:$0x0]  }
0x2: {  	s1 =	srdreg.scid;
	s9 =	stileid.u32  }
0x3: {  	s2 =	rddreg [dreg:$0x1];
	s3 =	simm.s32 $0x0;
	s12 =	simm.s32 $0x3  }
0x4: {  	s13 =	simm.s32 $0x400;
	s14 =	simm.s32 $0x80;
	s15 =	simm.s32 $0x800  }
0x5: {  	s16 =	simm.s32 $0x1;
	s17 =	simm.s32 $0x2800;
	s18 =	simm.s32 $0x2  }
0x6: {  	s19 =	simm.s32 $0x100;
	s20 =	simm.s32 $0x480;
	s21 =	simm.s32 $0x180  }
0x7: {  	s22 =	simm.s32 $0x500;
	s28 =	simm.s32 $0x300;
	s29 =	simm.s32 $0x680  }
0x8: {  	s30 =	simm.s32 $0x380;
	s31 =	simm.s32 $0x700;
	s5 =	smul.u32 $0x14000, s9  }
0x9: {  	s1 =	sand.u32 $0x1, s1;
	s24 =	sshll.u32 s9, $0x6;
	s9 =	smul.u32 $0x500, s9  }
0xa: {  	[smem:$0x7FF] =	sst s3;
	s4 =	sadd.s32 $0x19A00, s0;
	s6 =	smul.u32 $0x140000, s1  }
0xb: {  	s8 =	sadd.s32 $0x18600, s0;
	s7 =	smul.u32 $0x5000, s1;
	s1 =	ssub.s32 $0x2, s1  }
0xc: {  	_ =	strace $0x8000004D;
	[dreg:$0x3] =	wrdreg s8;
	s23 =	sshrl.u32 s1, $0x1  }
0xd: {  	s6 =	sadd.s32 s5, s6;
	s7 =	sadd.s32 s7, s0;
	s5 =	sshrl.u32 s5, $0x1  }
0xe: {  	s1 =	ssub.s32 s1, s23;
	s23 =	simm.s32 $0x200;
	s6 =	sshrl.u32 s6, $0x4  }
0xf: {  	s5 =	sadd.s32 s5, s2;
	s25 =	smax.u32 s1, $0x1;
	s26 =	sadd.s32 s9, s7  }
0x10: {  	s1 =	simm.s32 $0x780;
	s0 =	sadd.s32 s6, s0;
	s6 =	sor.u32 $0x1C03, s24  }
0x11: {  	[dreg:$0x6] =	wrdreg s25;
	s9 =	sadd.s32 $0xE600, s26;
	s10 =	sadd.s32 $0x2DA00, s26  }
0x12: {  	s7 =	sshrl.u32 s5, $0x3;
	s24 =	simm.s32 $0x580;
	[dreg:$0x4] =	wrdreg s6  }
0x13: {  	s25 =	simm.s32 $0x280;
	s0 =	sadd.s32 $0x5FA00, s0;
	[dreg:$0x7] =	wrdreg s7  }
0x14: {  	s26 =	simm.s32 $0x600;
	[dreg:$0x5] =	wrdreg s0;
	s0 =	simm.s32 $0x0  }
.LBB2_1:
0x15: {  	s5 =	rddreg [dreg:$0x3]  }
0x16: {  	[spmem:s7], [sflag:s6] =	dma.local [hbm:s5], $0x1400  }
0x17: {  	_ =	swait.ge [sflag:s12], $0x1400  }
0x18: {  	[sflag:s12] =	ssyncset.done $0x0  }
0x19: {  	[sflag:s12] =	ssyncadd.s32 $0xFFFFEC00  }
0x1a: {  	s8 =	sadd.s32 $0x0, s10;
	[bflag:$0x0] =	sbarrier.arrive $0xFFFF  }
0x1b: {  	[tilespmem:s3], [sflag:$0x3] =	stream.linear.gather [hbm4b:s8+s3], $0x400, $0x38;
	[tilespmem:$0xE800] =	vst v63  }
0x1c: {  	_ =	swait.ge [sflag:s12], $0x400  }
0x1d: {  	[sflag:s12] =	ssyncset.done $0x0  }
0x1e: {  	s11 =	sadd.s32 $0x0, s9;
	[sflag:s12] =	ssyncadd.s32 $0xFFFFFC00  }
0x1f: {  	[tilespmem:s13], [sflag:$0x3] =	stream.linear.gather [hbm4b:s11+s3], $0x400, $0x38;
	[tilespmem:$0xE800] =	vst v63  }
0x20: {  	_ =	swait.ge [sflag:s12], $0x400  }
0x21: {  	[sflag:s12] =	ssyncset.done $0x0  }
0x22: {  	[sflag:s12] =	ssyncadd.s32 $0xFFFFFC00  }
0x23: {  	[tilespmem:s15], [sflag:$0x1] =	stream.indirect.gather [hbm4b:s4+s14], $0x40, s3, s14, $0xb8;
	[tilespmem:$0xE800] =	vst v63  }
0x24: {  	_ =	swait.ge [sflag:s16], $0x2000  }
0x25: {  	[sflag:s16] =	ssyncset.done $0x0  }
0x26: {  	[sflag:s16] =	ssyncadd.s32 $0xFFFFE000  }
0x27: {  	[tilespmem:s17], [sflag:$0x2] =	stream.indirect.gather [hbm4b:s4+s14], $0x40, s14, s14, $0xb8;
	[tilespmem:$0xE800] =	vst v63  }
0x28: {  	_ = 	snop  }
0x29: {  	[spmem:s2] =	stream.indirect.scatter.add.bf16 [tilespmem:s15], [sflag:$0x3], $0x40, s13, s14, $0xb8;
	[tilespmem:$0xE800] =	vst v63  }
0x2a: {  	_ =	swait.ge [sflag:s12], $0x2000  }
0x2b: {  	[sflag:s12] =	ssyncset.done $0x0  }
0x2c: {  	[sflag:s12] =	ssyncadd.s32 $0xFFFFE000  }
0x2d: {  	_ =	swait.ge [sflag:s18], $0x2000  }
0x2e: {  	[sflag:s18] =	ssyncset.done $0x0  }
0x2f: {  	[sflag:s18] =	ssyncadd.s32 $0xFFFFE000  }
0x30: {  	[tilespmem:s15], [sflag:$0x1] =	stream.indirect.gather [hbm4b:s4+s14], $0x40, s19, s14, $0xb8;
	[tilespmem:$0xE800] =	vst v63  }
0x31: {  	_ = 	snop  }
0x32: {  	[spmem:s2] =	stream.indirect.scatter.add.bf16 [tilespmem:s17], [sflag:$0x3], $0x40, s20, s14, $0xb8;
	[tilespmem:$0xE800] =	vst v63  }
0x33: {  	_ =	swait.ge [sflag:s12], $0x2000  }
0x34: {  	[sflag:s12] =	ssyncset.done $0x0  }
0x35: {  	[sflag:s12] =	ssyncadd.s32 $0xFFFFE000  }
0x36: {  	_ =	swait.ge [sflag:s16], $0x2000  }
0x37: {  	[sflag:s16] =	ssyncset.done $0x0  }
0x38: {  	[sflag:s16] =	ssyncadd.s32 $0xFFFFE000  }
0x39: {  	[tilespmem:s17], [sflag:$0x2] =	stream.indirect.gather [hbm4b:s4+s14], $0x40, s21, s14, $0xb8;
	[tilespmem:$0xE800] =	vst v63  }
0x3a: {  	_ = 	snop  }
0x3b: {  	[spmem:s2] =	stream.indirect.scatter.add.bf16 [tilespmem:s15], [sflag:$0x3], $0x40, s22, s14, $0xb8;
	[tilespmem:$0xE800] =	vst v63  }
0x3c: {  	_ =	swait.ge [sflag:s12], $0x2000  }
0x3d: {  	[sflag:s12] =	ssyncset.done $0x0  }
0x3e: {  	[sflag:s12] =	ssyncadd.s32 $0xFFFFE000  }
0x3f: {  	_ =	swait.ge [sflag:s18], $0x2000  }
0x40: {  	[sflag:s18] =	ssyncset.done $0x0  }
0x41: {  	[sflag:s18] =	ssyncadd.s32 $0xFFFFE000  }
0x42: {  	[tilespmem:s15], [sflag:$0x1] =	stream.indirect.gather [hbm4b:s4+s14], $0x40, s23, s14, $0xb8;
	[tilespmem:$0xE800] =	vst v63  }
0x43: {  	_ = 	snop  }
0x44: {  	[spmem:s2] =	stream.indirect.scatter.add.bf16 [tilespmem:s17], [sflag:$0x3], $0x40, s24, s14, $0xb8;
	[tilespmem:$0xE800] =	vst v63  }
0x45: {  	_ =	swait.ge [sflag:s12], $0x2000  }
0x46: {  	[sflag:s12] =	ssyncset.done $0x0  }
0x47: {  	[sflag:s12] =	ssyncadd.s32 $0xFFFFE000  }
0x48: {  	_ =	swait.ge [sflag:s16], $0x2000  }
0x49: {  	[sflag:s16] =	ssyncset.done $0x0  }
0x4a: {  	[sflag:s16] =	ssyncadd.s32 $0xFFFFE000  }
0x4b: {  	[tilespmem:s17], [sflag:$0x2] =	stream.indirect.gather [hbm4b:s4+s14], $0x40, s25, s14, $0xb8;
	[tilespmem:$0xE800] =	vst v63  }
0x4c: {  	_ = 	snop  }
0x4d: {  	[spmem:s2] =	stream.indirect.scatter.add.bf16 [tilespmem:s15], [sflag:$0x3], $0x40, s26, s14, $0xb8;
	[tilespmem:$0xE800] =	vst v63  }
0x4e: {  	_ =	swait.ge [sflag:s12], $0x2000  }
0x4f: {  	[sflag:s12] =	ssyncset.done $0x0  }
0x50: {  	[sflag:s12] =	ssyncadd.s32 $0xFFFFE000  }
0x51: {  	_ =	swait.ge [sflag:s18], $0x2000  }
0x52: {  	[sflag:s18] =	ssyncset.done $0x0  }
0x53: {  	[sflag:s18] =	ssyncadd.s32 $0xFFFFE000  }
0x54: {  	[tilespmem:s15], [sflag:$0x1] =	stream.indirect.gather [hbm4b:s4+s14], $0x40, s28, s14, $0xb8;
	[tilespmem:$0xE800] =	vst v63  }
0x55: {  	_ = 	snop  }
0x56: {  	[spmem:s2] =	stream.indirect.scatter.add.bf16 [tilespmem:s17], [sflag:$0x3], $0x40, s29, s14, $0xb8;
	[tilespmem:$0xE800] =	vst v63  }
0x57: {  	_ =	swait.ge [sflag:s12], $0x2000  }
0x58: {  	[sflag:s12] =	ssyncset.done $0x0  }
0x59: {  	[sflag:s12] =	ssyncadd.s32 $0xFFFFE000  }
0x5a: {  	_ =	swait.ge [sflag:s16], $0x2000  }
0x5b: {  	[sflag:s16] =	ssyncset.done $0x0  }
0x5c: {  	[sflag:s16] =	ssyncadd.s32 $0xFFFFE000  }
0x5d: {  	[tilespmem:s17], [sflag:$0x2] =	stream.indirect.gather [hbm4b:s4+s14], $0x40, s30, s14, $0xb8;
	[tilespmem:$0xE800] =	vst v63  }
0x5e: {  	_ = 	snop  }
0x5f: {  	[spmem:s2] =	stream.indirect.scatter.add.bf16 [tilespmem:s15], [sflag:$0x3], $0x40, s31, s14, $0xb8;
	[tilespmem:$0xE800] =	vst v63  }
0x60: {  	_ =	swait.ge [sflag:s12], $0x2000  }
0x61: {  	[sflag:s12] =	ssyncset.done $0x0  }
0x62: {  	[sflag:s12] =	ssyncadd.s32 $0xFFFFE000  }
0x63: {  	_ =	swait.ge [sflag:s18], $0x2000  }
0x64: {  	[sflag:s18] =	ssyncset.done $0x0  }
0x65: {  	[sflag:s18] =	ssyncadd.s32 $0xFFFFE000  }
0x66: {  	[spmem:s2] =	stream.indirect.scatter.add.bf16 [tilespmem:s17], [sflag:$0x3], $0x40, s1, s14, $0xb8;
	[tilespmem:$0xE800] =	vst v63  }
0x67: {  	_ =	swait.ge [sflag:s12], $0x2000  }
0x68: {  	s5 =	simm.s32 $0x80;
	s7 =	simm.s32 $0x100;
	[sflag:s12] =	ssyncset.done $0x0  }
.LBB2_2:
0x69: {  	s6 =	sadd.s32 s5, s10  }
0x6a: {  	[sflag:s12] =	ssyncadd.s32 $0xFFFFE000;
	s11 =	smov.u32 s7;
	s8 =	sadd.s32 $0x80, s7  }
0x6b: {  	[tilespmem:s3], [sflag:$0x3] =	stream.linear.gather [hbm4b:s6+s3], $0x400, $0x38;
	[tilespmem:$0xE800] =	vst v63  }
0x6c: {  	p0 =	sne.s32 s7, $0x480;
	_ =	swait.ge [sflag:s12], $0x400  }
0x6d: {  	[sflag:s12] =	ssyncset.done $0x0  }
0x6e: {  	s6 =	sadd.s32 s5, s9;
	s5 =	smov.u32 s11;
	[sflag:s12] =	ssyncadd.s32 $0xFFFFFC00  }
0x6f: {  	[tilespmem:s13], [sflag:$0x3] =	stream.linear.gather [hbm4b:s6+s3], $0x400, $0x38;
	[tilespmem:$0xE800] =	vst v63  }
0x70: {  	_ =	swait.ge [sflag:s12], $0x400  }
0x71: {  	[sflag:s12] =	ssyncset.done $0x0  }
0x72: {  	[sflag:s12] =	ssyncadd.s32 $0xFFFFFC00  }
0x73: {  	[tilespmem:s15], [sflag:$0x1] =	stream.indirect.gather [hbm4b:s4+s14], $0x40, s3, s14, $0xb8;
	[tilespmem:$0xE800] =	vst v63  }
0x74: {  	_ =	swait.ge [sflag:s16], $0x2000  }
0x75: {  	[sflag:s16] =	ssyncset.done $0x0  }
0x76: {  	[sflag:s16] =	ssyncadd.s32 $0xFFFFE000  }
0x77: {  	[tilespmem:s17], [sflag:$0x2] =	stream.indirect.gather [hbm4b:s4+s14], $0x40, s14, s14, $0xb8;
	[tilespmem:$0xE800] =	vst v63  }
0x78: {  	_ = 	snop  }
0x79: {  	[spmem:s2] =	stream.indirect.scatter.add.bf16 [tilespmem:s15], [sflag:$0x3], $0x40, s13, s14, $0xb8;
	[tilespmem:$0xE800] =	vst v63  }
0x7a: {  	_ =	swait.ge [sflag:s12], $0x2000  }
0x7b: {  	[sflag:s12] =	ssyncset.done $0x0  }
0x7c: {  	[sflag:s12] =	ssyncadd.s32 $0xFFFFE000  }
0x7d: {  	_ =	swait.ge [sflag:s18], $0x2000  }
0x7e: {  	[sflag:s18] =	ssyncset.done $0x0  }
0x7f: {  	[sflag:s18] =	ssyncadd.s32 $0xFFFFE000  }
0x80: {  	[tilespmem:s15], [sflag:$0x1] =	stream.indirect.gather [hbm4b:s4+s14], $0x40, s19, s14, $0xb8;
	[tilespmem:$0xE800] =	vst v63  }
0x81: {  	_ = 	snop  }
0x82: {  	[spmem:s2] =	stream.indirect.scatter.add.bf16 [tilespmem:s17], [sflag:$0x3], $0x40, s20, s14, $0xb8;
	[tilespmem:$0xE800] =	vst v63  }
0x83: {  	_ =	swait.ge [sflag:s12], $0x2000  }
0x84: {  	[sflag:s12] =	ssyncset.done $0x0  }
0x85: {  	[sflag:s12] =	ssyncadd.s32 $0xFFFFE000  }
0x86: {  	_ =	swait.ge [sflag:s16], $0x2000  }
0x87: {  	[sflag:s16] =	ssyncset.done $0x0  }
0x88: {  	[sflag:s16] =	ssyncadd.s32 $0xFFFFE000  }
0x89: {  	[tilespmem:s17], [sflag:$0x2] =	stream.indirect.gather [hbm4b:s4+s14], $0x40, s21, s14, $0xb8;
	[tilespmem:$0xE800] =	vst v63  }
0x8a: {  	_ = 	snop  }
0x8b: {  	[spmem:s2] =	stream.indirect.scatter.add.bf16 [tilespmem:s15], [sflag:$0x3], $0x40, s22, s14, $0xb8;
	[tilespmem:$0xE800] =	vst v63  }
0x8c: {  	_ =	swait.ge [sflag:s12], $0x2000  }
0x8d: {  	[sflag:s12] =	ssyncset.done $0x0  }
0x8e: {  	[sflag:s12] =	ssyncadd.s32 $0xFFFFE000  }
0x8f: {  	_ =	swait.ge [sflag:s18], $0x2000  }
0x90: {  	[sflag:s18] =	ssyncset.done $0x0  }
0x91: {  	[sflag:s18] =	ssyncadd.s32 $0xFFFFE000  }
0x92: {  	[tilespmem:s15], [sflag:$0x1] =	stream.indirect.gather [hbm4b:s4+s14], $0x40, s23, s14, $0xb8;
	[tilespmem:$0xE800] =	vst v63  }
0x93: {  	_ = 	snop  }
0x94: {  	[spmem:s2] =	stream.indirect.scatter.add.bf16 [tilespmem:s17], [sflag:$0x3], $0x40, s24, s14, $0xb8;
	[tilespmem:$0xE800] =	vst v63  }
0x95: {  	_ =	swait.ge [sflag:s12], $0x2000  }
0x96: {  	[sflag:s12] =	ssyncset.done $0x0  }
0x97: {  	[sflag:s12] =	ssyncadd.s32 $0xFFFFE000  }
0x98: {  	_ =	swait.ge [sflag:s16], $0x2000  }
0x99: {  	[sflag:s16] =	ssyncset.done $0x0  }
0x9a: {  	[sflag:s16] =	ssyncadd.s32 $0xFFFFE000  }
0x9b: {  	[tilespmem:s17], [sflag:$0x2] =	stream.indirect.gather [hbm4b:s4+s14], $0x40, s25, s14, $0xb8;
	[tilespmem:$0xE800] =	vst v63  }
0x9c: {  	_ = 	snop  }
0x9d: {  	[spmem:s2] =	stream.indirect.scatter.add.bf16 [tilespmem:s15], [sflag:$0x3], $0x40, s26, s14, $0xb8;
	[tilespmem:$0xE800] =	vst v63  }
0x9e: {  	_ =	swait.ge [sflag:s12], $0x2000  }
0x9f: {  	[sflag:s12] =	ssyncset.done $0x0  }
0xa0: {  	[sflag:s12] =	ssyncadd.s32 $0xFFFFE000  }
0xa1: {  	_ =	swait.ge [sflag:s18], $0x2000  }
0xa2: {  	[sflag:s18] =	ssyncset.done $0x0  }
0xa3: {  	[sflag:s18] =	ssyncadd.s32 $0xFFFFE000  }
0xa4: {  	[tilespmem:s15], [sflag:$0x1] =	stream.indirect.gather [hbm4b:s4+s14], $0x40, s28, s14, $0xb8;
	[tilespmem:$0xE800] =	vst v63  }
0xa5: {  	_ = 	snop  }
0xa6: {  	[spmem:s2] =	stream.indirect.scatter.add.bf16 [tilespmem:s17], [sflag:$0x3], $0x40, s29, s14, $0xb8;
	[tilespmem:$0xE800] =	vst v63  }
0xa7: {  	_ =	swait.ge [sflag:s12], $0x2000  }
0xa8: {  	[sflag:s12] =	ssyncset.done $0x0  }
0xa9: {  	[sflag:s12] =	ssyncadd.s32 $0xFFFFE000  }
0xaa: {  	_ =	swait.ge [sflag:s16], $0x2000  }
0xab: {  	[sflag:s16] =	ssyncset.done $0x0  }
0xac: {  	[sflag:s16] =	ssyncadd.s32 $0xFFFFE000  }
0xad: {  	[tilespmem:s17], [sflag:$0x2] =	stream.indirect.gather [hbm4b:s4+s14], $0x40, s30, s14, $0xb8;
	[tilespmem:$0xE800] =	vst v63  }
0xae: {  	_ = 	snop  }
0xaf: {  	[spmem:s2] =	stream.indirect.scatter.add.bf16 [tilespmem:s15], [sflag:$0x3], $0x40, s31, s14, $0xb8;
	[tilespmem:$0xE800] =	vst v63  }
0xb0: {  	_ =	swait.ge [sflag:s12], $0x2000  }
0xb1: {  	[sflag:s12] =	ssyncset.done $0x0  }
0xb2: {  	[sflag:s12] =	ssyncadd.s32 $0xFFFFE000  }
0xb3: {  	_ =	swait.ge [sflag:s18], $0x2000  }
.Ltmp0:
0xb4: {  	[sflag:s18] =	ssyncset.done $0x0;
	(pc) =	sbr.rel @p0 .LBB2_2-.Ltmp0, $4  }
0xb5: {  	[sflag:s18] =	ssyncadd.s32 $0xFFFFE000  }
0xb6: {  	[spmem:s2] =	stream.indirect.scatter.add.bf16 [tilespmem:s17], [sflag:$0x3], $0x40, s1, s14, $0xb8;
	[tilespmem:$0xE800] =	vst v63  }
0xb7: {  	_ =	swait.ge [sflag:s12], $0x2000  }
0xb8: {  	s7 =	smov.u32 s8;
	[sflag:s12] =	ssyncset.done $0x0  }
0xb9: {  	s6 =	sadd.s32 s5, s10;
	[sflag:s12] =	ssyncadd.s32 $0xFFFFE000  }
0xba: {  	[tilespmem:s3], [sflag:$0x3] =	stream.linear.gather [hbm4b:s6+s3], $0x400, $0x38;
	[tilespmem:$0xE800] =	vst v63  }
0xbb: {  	_ =	swait.ge [sflag:s12], $0x400  }
0xbc: {  	[sflag:s12] =	ssyncset.done $0x0  }
0xbd: {  	s7 =	sadd.s32 s5, s9;
	[sflag:s12] =	ssyncadd.s32 $0xFFFFFC00  }
0xbe: {  	[tilespmem:s13], [sflag:$0x3] =	stream.linear.gather [hbm4b:s7+s3], $0x400, $0x38;
	[tilespmem:$0xE800] =	vst v63  }
0xbf: {  	_ =	swait.ge [sflag:s12], $0x400  }
0xc0: {  	[sflag:s12] =	ssyncset.done $0x0  }
0xc1: {  	[sflag:s12] =	ssyncadd.s32 $0xFFFFFC00  }
0xc2: {  	[tilespmem:s15], [sflag:$0x1] =	stream.indirect.gather [hbm4b:s4+s14], $0x40, s3, s14, $0xb8;
	[tilespmem:$0xE800] =	vst v63  }
0xc3: {  	_ =	swait.ge [sflag:s16], $0x2000  }
0xc4: {  	[sflag:s16] =	ssyncset.done $0x0  }
0xc5: {  	[sflag:s16] =	ssyncadd.s32 $0xFFFFE000  }
0xc6: {  	[tilespmem:s17], [sflag:$0x2] =	stream.indirect.gather [hbm4b:s4+s14], $0x40, s14, s14, $0xb8;
	[tilespmem:$0xE800] =	vst v63  }
0xc7: {  	_ = 	snop  }
0xc8: {  	[spmem:s2] =	stream.indirect.scatter.add.bf16 [tilespmem:s15], [sflag:$0x3], $0x40, s13, s14, $0xb8;
	[tilespmem:$0xE800] =	vst v63  }
0xc9: {  	_ =	swait.ge [sflag:s12], $0x2000  }
0xca: {  	[sflag:s12] =	ssyncset.done $0x0  }
0xcb: {  	[sflag:s12] =	ssyncadd.s32 $0xFFFFE000  }
0xcc: {  	_ =	swait.ge [sflag:s18], $0x2000  }
0xcd: {  	[sflag:s18] =	ssyncset.done $0x0  }
0xce: {  	[sflag:s18] =	ssyncadd.s32 $0xFFFFE000  }
0xcf: {  	[tilespmem:s15], [sflag:$0x1] =	stream.indirect.gather [hbm4b:s4+s14], $0x40, s19, s14, $0xb8;
	[tilespmem:$0xE800] =	vst v63  }
0xd0: {  	_ = 	snop  }
0xd1: {  	[spmem:s2] =	stream.indirect.scatter.add.bf16 [tilespmem:s17], [sflag:$0x3], $0x40, s20, s14, $0xb8;
	[tilespmem:$0xE800] =	vst v63  }
0xd2: {  	_ =	swait.ge [sflag:s12], $0x2000  }
0xd3: {  	[sflag:s12] =	ssyncset.done $0x0  }
0xd4: {  	[sflag:s12] =	ssyncadd.s32 $0xFFFFE000  }
0xd5: {  	_ =	swait.ge [sflag:s16], $0x2000  }
0xd6: {  	[sflag:s16] =	ssyncset.done $0x0  }
0xd7: {  	[sflag:s16] =	ssyncadd.s32 $0xFFFFE000  }
0xd8: {  	[tilespmem:s17], [sflag:$0x2] =	stream.indirect.gather [hbm4b:s4+s14], $0x40, s21, s14, $0xb8;
	[tilespmem:$0xE800] =	vst v63  }
0xd9: {  	_ = 	snop  }
0xda: {  	[spmem:s2] =	stream.indirect.scatter.add.bf16 [tilespmem:s15], [sflag:$0x3], $0x40, s22, s14, $0xb8;
	[tilespmem:$0xE800] =	vst v63  }
0xdb: {  	_ =	swait.ge [sflag:s12], $0x2000  }
0xdc: {  	[sflag:s12] =	ssyncset.done $0x0  }
0xdd: {  	[sflag:s12] =	ssyncadd.s32 $0xFFFFE000  }
0xde: {  	_ =	swait.ge [sflag:s18], $0x2000  }
0xdf: {  	[sflag:s18] =	ssyncset.done $0x0  }
0xe0: {  	[sflag:s18] =	ssyncadd.s32 $0xFFFFE000  }
0xe1: {  	[tilespmem:s15], [sflag:$0x1] =	stream.indirect.gather [hbm4b:s4+s14], $0x40, s23, s14, $0xb8;
	[tilespmem:$0xE800] =	vst v63  }
0xe2: {  	_ = 	snop  }
0xe3: {  	[spmem:s2] =	stream.indirect.scatter.add.bf16 [tilespmem:s17], [sflag:$0x3], $0x40, s24, s14, $0xb8;
	[tilespmem:$0xE800] =	vst v63  }
0xe4: {  	_ =	swait.ge [sflag:s12], $0x2000  }
0xe5: {  	[sflag:s12] =	ssyncset.done $0x0  }
0xe6: {  	[sflag:s12] =	ssyncadd.s32 $0xFFFFE000  }
0xe7: {  	_ =	swait.ge [sflag:s16], $0x2000  }
0xe8: {  	[sflag:s16] =	ssyncset.done $0x0  }
0xe9: {  	[sflag:s16] =	ssyncadd.s32 $0xFFFFE000  }
0xea: {  	[tilespmem:s17], [sflag:$0x2] =	stream.indirect.gather [hbm4b:s4+s14], $0x40, s25, s14, $0xb8;
	[tilespmem:$0xE800] =	vst v63  }
0xeb: {  	_ = 	snop  }
0xec: {  	[spmem:s2] =	stream.indirect.scatter.add.bf16 [tilespmem:s15], [sflag:$0x3], $0x40, s26, s14, $0xb8;
	[tilespmem:$0xE800] =	vst v63  }
0xed: {  	_ =	swait.ge [sflag:s12], $0x2000  }
0xee: {  	[sflag:s12] =	ssyncset.done $0x0  }
0xef: {  	[sflag:s12] =	ssyncadd.s32 $0xFFFFE000  }
0xf0: {  	_ =	swait.ge [sflag:s18], $0x2000  }
0xf1: {  	[sflag:s18] =	ssyncset.done $0x0  }
0xf2: {  	[sflag:s18] =	ssyncadd.s32 $0xFFFFE000  }
0xf3: {  	[tilespmem:s15], [sflag:$0x1] =	stream.indirect.gather [hbm4b:s4+s14], $0x40, s28, s14, $0xb8;
	[tilespmem:$0xE800] =	vst v63  }
0xf4: {  	_ = 	snop  }
0xf5: {  	[spmem:s2] =	stream.indirect.scatter.add.bf16 [tilespmem:s17], [sflag:$0x3], $0x40, s29, s14, $0xb8;
	[tilespmem:$0xE800] =	vst v63  }
0xf6: {  	_ =	swait.ge [sflag:s12], $0x2000  }
0xf7: {  	[sflag:s12] =	ssyncset.done $0x0  }
0xf8: {  	[sflag:s12] =	ssyncadd.s32 $0xFFFFE000  }
0xf9: {  	_ =	swait.ge [sflag:s16], $0x2000  }
0xfa: {  	[sflag:s16] =	ssyncset.done $0x0  }
0xfb: {  	[sflag:s16] =	ssyncadd.s32 $0xFFFFE000  }
0xfc: {  	[tilespmem:s17], [sflag:$0x2] =	stream.indirect.gather [hbm4b:s4+s14], $0x40, s30, s14, $0xb8;
	[tilespmem:$0xE800] =	vst v63  }
0xfd: {  	_ = 	snop  }
0xfe: {  	[spmem:s2] =	stream.indirect.scatter.add.bf16 [tilespmem:s15], [sflag:$0x3], $0x40, s31, s14, $0xb8;
	[tilespmem:$0xE800] =	vst v63  }
0xff: {  	_ =	swait.ge [sflag:s12], $0x2000  }
0x100: {  	[sflag:s12] =	ssyncset.done $0x0  }
0x101: {  	[sflag:s12] =	ssyncadd.s32 $0xFFFFE000  }
0x102: {  	_ =	swait.ge [sflag:s18], $0x2000  }
0x103: {  	[sflag:s18] =	ssyncset.done $0x0  }
0x104: {  	[sflag:s18] =	ssyncadd.s32 $0xFFFFE000  }
0x105: {  	[spmem:s2] =	stream.indirect.scatter.add.bf16 [tilespmem:s17], [sflag:$0x3], $0x40, s1, s14, $0xb8;
	[tilespmem:$0xE800] =	vst v63  }
0x106: {  	_ =	swait.ge [sflag:s12], $0x2000  }
0x107: {  	[sflag:s12] =	ssyncset.done $0x0  }
0x108: {  	[sflag:s12] =	ssyncadd.s32 $0xFFFFE000  }
0x109: {  	[bflag:$0x0] =	sbarrier.arrive $0xFFFF  }
0x10a: {  	s6 =	rddreg [dreg:$0x4]  }
0x10b: {  	s8 =	rddreg [dreg:$0x5]  }
0x10c: {  	s7 =	rddreg [dreg:$0x7]  }
0x10d: {  	[hbm:s8], [sflag:s6] =	dma.local [spmem:s7], $0x1400  }
0x10e: {  	_ =	swait.ge [sflag:s12], $0x1400  }
0x10f: {  	s0 =	sadd.s32 $0x1, s0;
	s11 =	rddreg [dreg:$0x6]  }
0x110: {  	p0 =	sne.s32 s0, s11  }
.Ltmp1:
0x111: {  	_ = 	snop;
	(pc) =	sbr.rel @p0 .LBB2_1-.Ltmp1, $3  }
0x112: {  	_ =	sdelay $0x1  }
0x113: {  	[sflag:s12] =	ssyncset.done $0x0  }
0x114: {  	[sflag:s12] =	ssyncadd.s32 $0xFFFFEC00  }
0x115: {  	_ =	sfence.sel $0x180000  }
0x116: {  	[bflag:$0x0] =	sbarrier.arrive $0xFFFF  }
0x117: {  	_ =	strace $0x9000004D  }
0x118: {  	s0 =	stileid.u32;
	[bflag:$0x2] =	sbarrier.arrive $0xFFFF  }
0x119: {  	p0 =	sne.s32 s0, $0x0;
	s0 =	rddreg [dreg:$0x2]  }
0x11a: {  	s0 =	sadd.s32 @!p0 $0x100000, s0  }
0x11b: {  	[sflag:s0] =	ssyncadd.tile.s32 @!p0 $0x1;
	_ =	shalt  }
.Lfunc_end2:
_tile_overlayer_lowered:
.L_overlay_start_2:
0x11c: {  	(tag) =	ssettag $0x2  }
0x11d: {  	s0 =	rddreg [dreg:$0x0];
	s2 =	stileid.u32  }
0x11e: {  	s1 =	rddreg [dreg:$0x1];
	p0 =	sne.s32 s2, $0x0  }
0x11f: {  	s3 =	rddreg [dreg:$0x2];
	[bflag:$0x3] =	sbarrier.arrive $0xFFFF;
	s2 =	simm.s32 @!p0 $0x1C03  }
0x120: {  	[timem:s3], [sflag:s2] =	dma.local @!p0 [hbm:s0], s1  }
0x121: {  	s0 =	simm.s32 @!p0 $0x3  }
0x122: {  	_ =	swait.ge @!p0 [sflag:s0], s1  }
0x123: {  	s1 =	ssub.s32 @!p0 $0x0, s1;
	[sflag:s0] =	ssyncset.done @!p0 $0x0  }
0x124: {  	[sflag:s0] =	ssyncadd.s32 @!p0 s1  }
0x125: {  	[bflag:$0x3] =	sbarrier.arrive $0xFFFF  }
0x126: {  	_ =	shalt  }

// kernel: kernel.20.cloned.1.call-start
scs
__scs_entry_jumppad:
0x0: {  	(pc) =	sbr.rel $0x88, $3  }
0x1: {  	(tag) =	ssettag $0x0;
	lr =	simm.s32 $0x1  }
0x2: {  	[smem:$0x3F93] =	sst lr;
	_ =	strace $0xD0000000  }
0x3: {  	_ = 	snop  }
0x4: {  	_ = 	snop  }
0x5: {  	_ = 	snop  }
0x6: {  	_ = 	snop  }
0x7: {  	_ = 	snop  }
__scs_overlays_trampoline_lowered:
0x8: {  	[smem:$0x3FA2] =	sst s0  }
0x9: {  	[smem:$0x3FA3] =	sst s1  }
0xa: {  	[smem:$0x3FA4] =	sst s2  }
0xb: {  	[smem:$0x3FA5] =	sst s3  }
0xc: {  	[smem:$0x3FA6] =	sst s4  }
0xd: {  	[smem:$0x3FA7] =	sst s5  }
0xe: {  	[smem:$0x3FA8] =	sst s6  }
0xf: {  	[smem:$0x3FA9] =	sst s7  }
0x10: {  	[smem:$0x3FAA] =	sst s8  }
0x11: {  	[smem:$0x3FAB] =	sst s9;
	s0 =	simm.s32 @!p0 $0x0  }
0x12: {  	s1 =	sld [smem:$0x3F91];
	s0 =	simm.s32 @p0 $0x1  }
0x13: {  	[smem:$0x3FAC] =	sst s0;
	s0 =	simm.s32 @!p1 $0x0  }
0x14: {  	s2 =	sld [smem:$0x3F90];
	s0 =	simm.s32 @p1 $0x1  }
0x15: {  	[smem:$0x3FAD] =	sst s0;
	s0 =	simm.s32 @!p2 $0x0  }
0x16: {  	s3 =	sld [smem:$0x3FDB];
	s0 =	simm.s32 @p2 $0x1  }
0x17: {  	s4 =	simm.s32 $0x1BF5;
	[smem:$0x3FAF] =	sst s0  }
0x18: {  	s0 =	sld [smem:$0x3F92];
	_ =	swait.ge [sflag:s4], $0x0  }
0x19: {  	s7 =	sld [smem:$0x3F93]  }
0x1a: {  	s8 =	sadd.s32 $0xFFFFE003, lr  }
0x1b: {  	s9 =	sadd.s32 $0xFFFFFEF7, lr;
	s5 =	simm.s32 $0xFFFFFFFF;
	p2 =	slt.u32 s8, $0xFFFFF086  }
0x1c: {  	p1 =	slt.u32 s9, $0xF7A;
	s5 =	simm.s32 @!p2 $0x0  }
0x1d: {  	s5 =	simm.s32 @p1 $0x1;
	p0 =	seq.s32 s7, s2  }
0x1e: {  	s7 =	smul.u32 @!p0 $0xF7A, s2;
	p2 =	seq.s32 @!p0 s5, $0x0  }
0x1f: {  	s9 =	smul.u32 $0xF7A, s1;
	s8 =	simm.s32 @!p0 $0x1BF5;
	p2 =	por !p2, p0  }
0x20: {  	[sflag:s8] =	ssyncset.s32 @!p0 $0xFFFFF086;
	s6 =	sadd.s32 @!p0 s3, s7;
	s7 =	simm.s32 @!p0 $0x108  }
0x21: {  	s3 =	sadd.s32 s3, s9;
	s6 =	sadd.s32 @!p0 $0x88, s6;
	s7 =	simm.s32 @p2 $0x1082  }
0x22: {  	[simem:s7], [sflag:s8] =	dma.local @!p0 [hbm:s6], $0xF7A  }
0x23: {  	s9 =	sor.u32 $0xD0000000, s2;
	s6 =	simm.s32 $0x108;
	_ =	swait.ge @!p0 [sflag:s8], $0x0  }
0x24: {  	s3 =	sadd.s32 $0x88, s3;
	s6 =	simm.s32 @!p1 $0x1082;
	[sflag:s4] =	ssyncset.s32 $0xFFFFF086  }
0x25: {  	[simem:s6], [sflag:s4] =	dma.local [hbm:s3], $0xF7A  }
0x26: {  	[smem:$0x3F93] =	sst s1;
	(tag) =	ssettag s2;
	_ =	strace s9  }
0x27: {  	s1 =	sld [smem:$0x3FA3]  }
0x28: {  	s2 =	sld [smem:$0x3FA4]  }
0x29: {  	s4 =	sld [smem:$0x3FA6]  }
0x2a: {  	p0 =	seq.s32 s5, $0x0;
	s5 =	sld [smem:$0x3FA7]  }
0x2b: {  	s6 =	sld [smem:$0x3FA8]  }
0x2c: {  	s7 =	sld [smem:$0x3FA9]  }
0x2d: {  	s3 =	simm.s32 $0x108;
	s8 =	sld [smem:$0x3FAA]  }
0x2e: {  	s3 =	simm.s32 @!p0 $0x1082;
	s9 =	sld [smem:$0x3FAB]  }
0x2f: {  	lr =	sadd.s32 s0, s3;
	s0 =	sld [smem:$0x3FA2]  }
0x30: {  	s3 =	sld [smem:$0x3FA5]  }
0x31: {  	[smem:$0x3FAE] =	sst s10  }
0x32: {  	s10 =	sld [smem:$0x3FAC];
	_ =	sdelay $0x3  }
0x33: {  	p0 =	seq.s32 s10, $0x1;
	s10 =	sld [smem:$0x3FAE];
	_ =	sdelay $0x3  }
0x34: {  	[smem:$0x3FAE] =	sst s10  }
0x35: {  	s10 =	sld [smem:$0x3FAD];
	_ =	sdelay $0x3  }
0x36: {  	p1 =	seq.s32 s10, $0x1;
	s10 =	sld [smem:$0x3FAE];
	_ =	sdelay $0x3  }
0x37: {  	[smem:$0x3FAE] =	sst s10  }
0x38: {  	s10 =	sld [smem:$0x3FAF]  }
0x39: {  	_ = 	snop;
	(pc) =	sbr.ind lr, $3  }
0x3a: {  	_ = 	snop  }
0x3b: {  	_ = 	snop  }
0x3c: {  	p2 =	seq.s32 s10, $0x1;
	s10 =	sld [smem:$0x3FAE]  }
0x3d: {  	_ =	shalt  }
0x3e: {  	_ =	shalt  }
0x3f: {  	_ =	shalt  }
0x40: {  	_ =	shalt  }
0x41: {  	_ =	shalt  }
0x42: {  	_ =	shalt  }
0x43: {  	_ =	shalt  }
0x44: {  	_ =	shalt  }
0x45: {  	_ =	shalt  }
0x46: {  	_ =	shalt  }
0x47: {  	_ =	shalt  }
0x48: {  	_ =	shalt  }
0x49: {  	_ =	shalt  }
0x4a: {  	_ =	shalt  }
0x4b: {  	_ =	shalt  }
0x4c: {  	_ =	shalt  }
0x4d: {  	_ =	shalt  }
0x4e: {  	_ =	shalt  }
0x4f: {  	_ =	shalt  }
0x50: {  	_ =	shalt  }
0x51: {  	_ =	shalt  }
0x52: {  	_ =	shalt  }
0x53: {  	_ =	shalt  }
0x54: {  	_ =	shalt  }
0x55: {  	_ =	shalt  }
0x56: {  	_ =	shalt  }
0x57: {  	_ =	shalt  }
0x58: {  	_ =	shalt  }
0x59: {  	_ =	shalt  }
0x5a: {  	_ =	shalt  }
0x5b: {  	_ =	shalt  }
0x5c: {  	_ =	shalt  }
0x5d: {  	_ =	shalt  }
0x5e: {  	_ =	shalt  }
0x5f: {  	_ =	shalt  }
0x60: {  	_ =	shalt  }
0x61: {  	_ =	shalt  }
0x62: {  	_ =	shalt  }
0x63: {  	_ =	shalt  }
0x64: {  	_ =	shalt  }
0x65: {  	_ =	shalt  }
0x66: {  	_ =	shalt  }
0x67: {  	_ =	shalt  }
0x68: {  	_ =	shalt  }
0x69: {  	_ =	shalt  }
0x6a: {  	_ =	shalt  }
0x6b: {  	_ =	shalt  }
0x6c: {  	_ =	shalt  }
0x6d: {  	_ =	shalt  }
0x6e: {  	_ =	shalt  }
0x6f: {  	_ =	shalt  }
0x70: {  	_ =	shalt  }
0x71: {  	_ =	shalt  }
0x72: {  	_ =	shalt  }
0x73: {  	_ =	shalt  }
0x74: {  	_ =	shalt  }
0x75: {  	_ =	shalt  }
0x76: {  	_ =	shalt  }
0x77: {  	_ =	shalt  }
0x78: {  	_ =	shalt  }
0x79: {  	_ =	shalt  }
0x7a: {  	_ =	shalt  }
0x7b: {  	_ =	shalt  }
0x7c: {  	_ =	shalt  }
0x7d: {  	_ =	shalt  }
0x7e: {  	_ =	shalt  }
0x7f: {  	_ =	shalt  }
0x80: {  	_ =	shalt  }
0x81: {  	_ =	shalt  }
0x82: {  	_ =	shalt  }
0x83: {  	_ =	shalt  }
0x84: {  	_ =	shalt  }
0x85: {  	_ =	shalt  }
0x86: {  	_ =	shalt  }
0x87: {  	_ =	shalt  }
.Lfunc_end0:
.L_simem_size_0:
called_computation.3_lowered:
.L_overlay_start_0:
0x88: {  	s2 =	sld [smem:$0x3FD9]  }
0x89: {  	s3 =	sld [smem:$0x3FFE];
	_ =	sdelay $0x1  }
0x8a: {  	s1 =	srdreg.scid  }
0x8b: {  	s0 =	sand.u32 $0x1, s1  }
0x8c: {  	s17 =	sshll.u32 s0, $0xA;
	s2 =	sadd.s32 s3, s2  }
0x8d: {  	s2 =	sadd.s32 s2, s17  }
0x8e: {  	[smem:$0x3FBA] =	sst s2  }
0x8f: {  	_ = 	snop  }
0x90: {  	s2 =	sld [smem:$0x3FD0];
	(tm) =	ssettm $0x1  }
0x91: {  	s18 =	sld [smem:$0x3FFB];
	_ =	sdelay $0x3  }
0x92: {  	_ =	strace s18  }
0x93: {  	s3 =	sld [smem:$0x3FFC];
	_ =	sdelay $0x3  }
0x94: {  	_ =	strace s3  }
0x95: {  	s3 =	sld [smem:$0x3FFD];
	_ =	sdelay $0x3  }
0x96: {  	_ =	strace s3  }
0x97: {  	_ =	strace $0x8FFFFFFF  }
0x98: {  	s19 =	sld [smem:$0x3FDB];
	_ =	sdelay $0x1  }
0x99: {  	s4 =	simm.s32 $_scs_section_size  }
0x9a: {  	s5 =	simm.s32 $_size__tile_overlayer_lowered;
	s6 =	simm.s32 $_tile_overlayer_lowered  }
0x9b: {  	s22 =	simm.s32 $0x1BFF;
	s21 =	sshll.u32 s6, $0x1;
	s3 =	sadd.s32 s4, s19  }
0x9c: {  	s7 =	simm.s32 $0x0;
	s20 =	sshll.u32 s5, $0x1;
	s5 =	sadd.s32 s21, s3  }
0x9d: {  	[timem:s7], [sflag:s22] =	dma.local [hbm:s5], s20  }
0x9e: {  	_ =	swait.ge [sflag:s22], s20  }
0x9f: {  	s4 =	ssub.s32 $0x0, s20;
	[sflag:s22] =	ssyncset.done $0x0  }
0xa0: {  	[sflag:s22] =	ssyncadd.s32 s4;
	_ =	sdelay $0x1  }
0xa1: {  	s23 =	simm.s32 $0x1B8B  }
0xa2: {  	_ =	swait.ge [sflag:s23], $0x1  }
0xa3: {  	[sflag:s23] =	ssyncset.done $0x0  }
0xa4: {  	s25 =	simm.s32 $0x1B8E;
	s24 =	sld [smem:$0x3FFE];
	[sflag:s23] =	ssyncadd.s32 $0xFFFFFFFF  }
0xa5: {  	s26 =	simm.s32 $execute0_lowered;
	[smem:$0x3FD2] =	sst s25  }
0xa6: {  	s5 =	sshll.u32 s26, $0x1;
	_ =	strace $0x8000004F;
	[dreg:$0x1] =	wrdreg $0xFFFFFFFF  }
0xa7: {  	s28 =	simm.s32 $_size_execute0_lowered;
	s3 =	sadd.s32 s3, s5;
	[dreg:$0x0] =	wrdreg $0x0  }
0xa8: {  	s5 =	sshll.u32 s28, $0x1;
	[dreg:$0x2] =	wrdreg s3  }
0xa9: {  	[dreg:$0x3] =	wrdreg s5  }
0xaa: {  	[dreg:$0x4] =	wrdreg $0xC0  }
0xab: {  	_ =	task [dreg:s7], $0x5FFFF  }
0xac: {  	[dreg:$0x1] =	wrdreg $0xFFFFFFFF  }
0xad: {  	[dreg:$0x0] =	wrdreg $0x60  }
0xae: {  	[dreg:$0x2] =	wrdreg s24  }
0xaf: {  	[dreg:$0x3] =	wrdreg s2  }
0xb0: {  	[dreg:$0x4] =	wrdreg $0x48000  }
0xb1: {  	[dreg:$0x5] =	wrdreg $0x9  }
0xb2: {  	_ =	task.clear_ibuf [dreg:s7], $0x6FFFF;
	_ =	strace $0x9000004F  }
0xb3: {  	s29 =	simm.s32 $0x9;
	_ =	strace $0x80000051  }
0xb4: {  	_ =	swait.ge [sflag:s29], $0x1  }
0xb5: {  	[sflag:s29] =	ssyncadd.s32 $0xFFFFFFFF  }
0xb6: {  	_ =	strace $0x90000051  }
0xb7: {  	_ =	sfence  }
0xb8: {  	s30 =	sld [smem:$0x0];
	_ =	sdelay $0x2  }
0xb9: {  	s31 =	sshll.u32 s1, $0xD;
	s1 =	sshrl.u32 s1, $0x2  }
0xba: {  	s3 =	sand.u32 $0x4000, s31;
	s1 =	sadd.s32 s1, s30  }
0xbb: {  	s0 =	sor.u32 s3, s0;
	s1 =	sshll.u32 s1, $0x11  }
0xbc: {  	s0 =	sor.u32 s1, s0  }
0xbd: {  	s0 =	sadd.s32 $0x8F2B, s0  }
0xbe: {  	[sflag:s0] =	ssyncadd.remote.s32 $0x1  }
0xbf: {  	_ =	sfence.sel $0xFFFF  }
0xc0: {  	[dreg:$0x0] =	wrdreg $0xFFFFFFFF;
	(pc) =	sbr.abs _section_cstart, $3  }
0xc1: {  	[dreg:$0x1] =	wrdreg $0xFFFFFFFF  }
0xc2: {  	_ =	task.clear_ibuf [dreg:s7], $0x2FFFF;
	_ =	strace $0x9FFFFFFF  }
0xc3: {  	(tm) =	ssettm $0x7FFFFFFF  }
tec
execute0_lowered:
.L_overlay_start_1:
0x0: {  	(tag) =	ssettag $0x1  }
0x1: {  	s0 =	rddreg [dreg:$0x0]  }
0x2: {  	s1 =	srdreg.scid;
	s9 =	stileid.u32  }
0x3: {  	s3 =	rddreg [dreg:$0x2];
	s4 =	simm.s32 $0x0;
	s12 =	simm.s32 $0x3  }
0x4: {  	s13 =	simm.s32 $0x400;
	s14 =	simm.s32 $0x80;
	s15 =	simm.s32 $0x800  }
0x5: {  	s16 =	simm.s32 $0x1;
	s17 =	simm.s32 $0x2800;
	s18 =	simm.s32 $0x2  }
0x6: {  	s19 =	simm.s32 $0x100;
	s20 =	simm.s32 $0x480;
	s21 =	simm.s32 $0x180  }
0x7: {  	s22 =	simm.s32 $0x500;
	s28 =	simm.s32 $0x300;
	s29 =	simm.s32 $0x680  }
0x8: {  	s30 =	simm.s32 $0x380;
	s1 =	sand.u32 $0x1, s1;
	s2 =	smul.u32 $0xA000, s9  }
0x9: {  	s31 =	simm.s32 $0x700;
	[smem:$0x7FF] =	sst s4;
	s5 =	smul.u32 $0xA0000, s1  }
0xa: {  	s24 =	sshll.u32 s9, $0x6;
	s6 =	smul.u32 $0x5000, s1;
	s1 =	ssub.s32 $0x2, s1  }
0xb: {  	s9 =	smul.u32 $0x500, s9;
	_ =	strace $0x80000050;
	s23 =	sshrl.u32 s1, $0x1  }
0xc: {  	s7 =	sadd.s32 s2, s5;
	s5 =	sadd.s32 $0x18600, s0;
	s8 =	sadd.s32 s6, s0  }
0xd: {  	s1 =	ssub.s32 s1, s23;
	s2 =	sadd.s32 s2, s3;
	s6 =	sor.u32 $0x1C03, s24  }
0xe: {  	s23 =	simm.s32 $0x200;
	s24 =	simm.s32 $0x580;
	s7 =	sshrl.u32 s7, $0x3  }
0xf: {  	s25 =	smax.u32 s1, $0x1;
	s26 =	sadd.s32 s9, s8;
	[dreg:$0x4] =	wrdreg s6  }
0x10: {  	s1 =	simm.s32 $0x780;
	s0 =	sadd.s32 s7, s0;
	[dreg:$0x6] =	wrdreg s25  }
0x11: {  	s9 =	sadd.s32 $0xE600, s26;
	s10 =	sadd.s32 $0x2DA00, s26;
	s7 =	sshrl.u32 s2, $0x3  }
0x12: {  	s25 =	simm.s32 $0x280;
	s0 =	sadd.s32 $0x87A00, s0;
	[dreg:$0x7] =	wrdreg s7  }
0x13: {  	s26 =	simm.s32 $0x600;
	[dreg:$0x5] =	wrdreg s0;
	s0 =	simm.s32 $0x0  }
.LBB2_1:
0x14: {  	s2 =	rddreg [dreg:$0x1]  }
0x15: {  	[spmem:s7], [sflag:s6] =	dma.local [hbm:s2], $0x1400  }
0x16: {  	_ =	swait.ge [sflag:s12], $0x1400  }
0x17: {  	[sflag:s12] =	ssyncset.done $0x0  }
0x18: {  	[sflag:s12] =	ssyncadd.s32 $0xFFFFEC00  }
0x19: {  	s8 =	sadd.s32 $0x0, s10;
	[bflag:$0x0] =	sbarrier.arrive $0xFFFF  }
0x1a: {  	[tilespmem:s4], [sflag:$0x3] =	stream.linear.gather [hbm4b:s8+s4], $0x400, $0x38;
	[tilespmem:$0xE800] =	vst v63  }
0x1b: {  	_ =	swait.ge [sflag:s12], $0x400  }
0x1c: {  	[sflag:s12] =	ssyncset.done $0x0  }
0x1d: {  	s11 =	sadd.s32 $0x0, s9;
	[sflag:s12] =	ssyncadd.s32 $0xFFFFFC00  }
0x1e: {  	[tilespmem:s13], [sflag:$0x3] =	stream.linear.gather [hbm4b:s11+s4], $0x400, $0x38;
	[tilespmem:$0xE800] =	vst v63  }
0x1f: {  	_ =	swait.ge [sflag:s12], $0x400  }
0x20: {  	[sflag:s12] =	ssyncset.done $0x0  }
0x21: {  	[sflag:s12] =	ssyncadd.s32 $0xFFFFFC00  }
0x22: {  	[tilespmem:s15], [sflag:$0x1] =	stream.indirect.gather [hbm4b:s5+s14], $0x40, s4, s14, $0xb8;
	[tilespmem:$0xE800] =	vst v63  }
0x23: {  	_ =	swait.ge [sflag:s16], $0x2000  }
0x24: {  	[sflag:s16] =	ssyncset.done $0x0  }
0x25: {  	[sflag:s16] =	ssyncadd.s32 $0xFFFFE000  }
0x26: {  	[tilespmem:s17], [sflag:$0x2] =	stream.indirect.gather [hbm4b:s5+s14], $0x40, s14, s14, $0xb8;
	[tilespmem:$0xE800] =	vst v63  }
0x27: {  	_ = 	snop  }
0x28: {  	[spmem:s3] =	stream.indirect.scatter.add.f32 [tilespmem:s15], [sflag:$0x3], $0x40, s13, s14, $0xb8;
	[tilespmem:$0xE800] =	vst v63  }
0x29: {  	_ =	swait.ge [sflag:s12], $0x2000  }
0x2a: {  	[sflag:s12] =	ssyncset.done $0x0  }
0x2b: {  	[sflag:s12] =	ssyncadd.s32 $0xFFFFE000  }
0x2c: {  	_ =	swait.ge [sflag:s18], $0x2000  }
0x2d: {  	[sflag:s18] =	ssyncset.done $0x0  }
0x2e: {  	[sflag:s18] =	ssyncadd.s32 $0xFFFFE000  }
0x2f: {  	[tilespmem:s15], [sflag:$0x1] =	stream.indirect.gather [hbm4b:s5+s14], $0x40, s19, s14, $0xb8;
	[tilespmem:$0xE800] =	vst v63  }
0x30: {  	_ = 	snop  }
0x31: {  	[spmem:s3] =	stream.indirect.scatter.add.f32 [tilespmem:s17], [sflag:$0x3], $0x40, s20, s14, $0xb8;
	[tilespmem:$0xE800] =	vst v63  }
0x32: {  	_ =	swait.ge [sflag:s12], $0x2000  }
0x33: {  	[sflag:s12] =	ssyncset.done $0x0  }
0x34: {  	[sflag:s12] =	ssyncadd.s32 $0xFFFFE000  }
0x35: {  	_ =	swait.ge [sflag:s16], $0x2000  }
0x36: {  	[sflag:s16] =	ssyncset.done $0x0  }
0x37: {  	[sflag:s16] =	ssyncadd.s32 $0xFFFFE000  }
0x38: {  	[tilespmem:s17], [sflag:$0x2] =	stream.indirect.gather [hbm4b:s5+s14], $0x40, s21, s14, $0xb8;
	[tilespmem:$0xE800] =	vst v63  }
0x39: {  	_ = 	snop  }
0x3a: {  	[spmem:s3] =	stream.indirect.scatter.add.f32 [tilespmem:s15], [sflag:$0x3], $0x40, s22, s14, $0xb8;
	[tilespmem:$0xE800] =	vst v63  }
0x3b: {  	_ =	swait.ge [sflag:s12], $0x2000  }
0x3c: {  	[sflag:s12] =	ssyncset.done $0x0  }
0x3d: {  	[sflag:s12] =	ssyncadd.s32 $0xFFFFE000  }
0x3e: {  	_ =	swait.ge [sflag:s18], $0x2000  }
0x3f: {  	[sflag:s18] =	ssyncset.done $0x0  }
0x40: {  	[sflag:s18] =	ssyncadd.s32 $0xFFFFE000  }
0x41: {  	[tilespmem:s15], [sflag:$0x1] =	stream.indirect.gather [hbm4b:s5+s14], $0x40, s23, s14, $0xb8;
	[tilespmem:$0xE800] =	vst v63  }
0x42: {  	_ = 	snop  }
0x43: {  	[spmem:s3] =	stream.indirect.scatter.add.f32 [tilespmem:s17], [sflag:$0x3], $0x40, s24, s14, $0xb8;
	[tilespmem:$0xE800] =	vst v63  }
0x44: {  	_ =	swait.ge [sflag:s12], $0x2000  }
0x45: {  	[sflag:s12] =	ssyncset.done $0x0  }
0x46: {  	[sflag:s12] =	ssyncadd.s32 $0xFFFFE000  }
0x47: {  	_ =	swait.ge [sflag:s16], $0x2000  }
0x48: {  	[sflag:s16] =	ssyncset.done $0x0  }
0x49: {  	[sflag:s16] =	ssyncadd.s32 $0xFFFFE000  }
0x4a: {  	[tilespmem:s17], [sflag:$0x2] =	stream.indirect.gather [hbm4b:s5+s14], $0x40, s25, s14, $0xb8;
	[tilespmem:$0xE800] =	vst v63  }
0x4b: {  	_ = 	snop  }
0x4c: {  	[spmem:s3] =	stream.indirect.scatter.add.f32 [tilespmem:s15], [sflag:$0x3], $0x40, s26, s14, $0xb8;
	[tilespmem:$0xE800] =	vst v63  }
0x4d: {  	_ =	swait.ge [sflag:s12], $0x2000  }
0x4e: {  	[sflag:s12] =	ssyncset.done $0x0  }
0x4f: {  	[sflag:s12] =	ssyncadd.s32 $0xFFFFE000  }
0x50: {  	_ =	swait.ge [sflag:s18], $0x2000  }
0x51: {  	[sflag:s18] =	ssyncset.done $0x0  }
0x52: {  	[sflag:s18] =	ssyncadd.s32 $0xFFFFE000  }
0x53: {  	[tilespmem:s15], [sflag:$0x1] =	stream.indirect.gather [hbm4b:s5+s14], $0x40, s28, s14, $0xb8;
	[tilespmem:$0xE800] =	vst v63  }
0x54: {  	_ = 	snop  }
0x55: {  	[spmem:s3] =	stream.indirect.scatter.add.f32 [tilespmem:s17], [sflag:$0x3], $0x40, s29, s14, $0xb8;
	[tilespmem:$0xE800] =	vst v63  }
0x56: {  	_ =	swait.ge [sflag:s12], $0x2000  }
0x57: {  	[sflag:s12] =	ssyncset.done $0x0  }
0x58: {  	[sflag:s12] =	ssyncadd.s32 $0xFFFFE000  }
0x59: {  	_ =	swait.ge [sflag:s16], $0x2000  }
0x5a: {  	[sflag:s16] =	ssyncset.done $0x0  }
0x5b: {  	[sflag:s16] =	ssyncadd.s32 $0xFFFFE000  }
0x5c: {  	[tilespmem:s17], [sflag:$0x2] =	stream.indirect.gather [hbm4b:s5+s14], $0x40, s30, s14, $0xb8;
	[tilespmem:$0xE800] =	vst v63  }
0x5d: {  	_ = 	snop  }
0x5e: {  	[spmem:s3] =	stream.indirect.scatter.add.f32 [tilespmem:s15], [sflag:$0x3], $0x40, s31, s14, $0xb8;
	[tilespmem:$0xE800] =	vst v63  }
0x5f: {  	_ =	swait.ge [sflag:s12], $0x2000  }
0x60: {  	[sflag:s12] =	ssyncset.done $0x0  }
0x61: {  	[sflag:s12] =	ssyncadd.s32 $0xFFFFE000  }
0x62: {  	_ =	swait.ge [sflag:s18], $0x2000  }
0x63: {  	[sflag:s18] =	ssyncset.done $0x0  }
0x64: {  	[sflag:s18] =	ssyncadd.s32 $0xFFFFE000  }
0x65: {  	[spmem:s3] =	stream.indirect.scatter.add.f32 [tilespmem:s17], [sflag:$0x3], $0x40, s1, s14, $0xb8;
	[tilespmem:$0xE800] =	vst v63  }
0x66: {  	_ =	swait.ge [sflag:s12], $0x2000  }
0x67: {  	s2 =	simm.s32 $0x80;
	s7 =	simm.s32 $0x100;
	[sflag:s12] =	ssyncset.done $0x0  }
.LBB2_2:
0x68: {  	s6 =	sadd.s32 s2, s10  }
0x69: {  	[sflag:s12] =	ssyncadd.s32 $0xFFFFE000;
	s11 =	smov.u32 s7;
	s8 =	sadd.s32 $0x80, s7  }
0x6a: {  	[tilespmem:s4], [sflag:$0x3] =	stream.linear.gather [hbm4b:s6+s4], $0x400, $0x38;
	[tilespmem:$0xE800] =	vst v63  }
0x6b: {  	p0 =	sne.s32 s7, $0x480;
	_ =	swait.ge [sflag:s12], $0x400  }
0x6c: {  	[sflag:s12] =	ssyncset.done $0x0  }
0x6d: {  	s6 =	sadd.s32 s2, s9;
	s2 =	smov.u32 s11;
	[sflag:s12] =	ssyncadd.s32 $0xFFFFFC00  }
0x6e: {  	[tilespmem:s13], [sflag:$0x3] =	stream.linear.gather [hbm4b:s6+s4], $0x400, $0x38;
	[tilespmem:$0xE800] =	vst v63  }
0x6f: {  	_ =	swait.ge [sflag:s12], $0x400  }
0x70: {  	[sflag:s12] =	ssyncset.done $0x0  }
0x71: {  	[sflag:s12] =	ssyncadd.s32 $0xFFFFFC00  }
0x72: {  	[tilespmem:s15], [sflag:$0x1] =	stream.indirect.gather [hbm4b:s5+s14], $0x40, s4, s14, $0xb8;
	[tilespmem:$0xE800] =	vst v63  }
0x73: {  	_ =	swait.ge [sflag:s16], $0x2000  }
0x74: {  	[sflag:s16] =	ssyncset.done $0x0  }
0x75: {  	[sflag:s16] =	ssyncadd.s32 $0xFFFFE000  }
0x76: {  	[tilespmem:s17], [sflag:$0x2] =	stream.indirect.gather [hbm4b:s5+s14], $0x40, s14, s14, $0xb8;
	[tilespmem:$0xE800] =	vst v63  }
0x77: {  	_ = 	snop  }
0x78: {  	[spmem:s3] =	stream.indirect.scatter.add.f32 [tilespmem:s15], [sflag:$0x3], $0x40, s13, s14, $0xb8;
	[tilespmem:$0xE800] =	vst v63  }
0x79: {  	_ =	swait.ge [sflag:s12], $0x2000  }
0x7a: {  	[sflag:s12] =	ssyncset.done $0x0  }
0x7b: {  	[sflag:s12] =	ssyncadd.s32 $0xFFFFE000  }
0x7c: {  	_ =	swait.ge [sflag:s18], $0x2000  }
0x7d: {  	[sflag:s18] =	ssyncset.done $0x0  }
0x7e: {  	[sflag:s18] =	ssyncadd.s32 $0xFFFFE000  }
0x7f: {  	[tilespmem:s15], [sflag:$0x1] =	stream.indirect.gather [hbm4b:s5+s14], $0x40, s19, s14, $0xb8;
	[tilespmem:$0xE800] =	vst v63  }
0x80: {  	_ = 	snop  }
0x81: {  	[spmem:s3] =	stream.indirect.scatter.add.f32 [tilespmem:s17], [sflag:$0x3], $0x40, s20, s14, $0xb8;
	[tilespmem:$0xE800] =	vst v63  }
0x82: {  	_ =	swait.ge [sflag:s12], $0x2000  }
0x83: {  	[sflag:s12] =	ssyncset.done $0x0  }
0x84: {  	[sflag:s12] =	ssyncadd.s32 $0xFFFFE000  }
0x85: {  	_ =	swait.ge [sflag:s16], $0x2000  }
0x86: {  	[sflag:s16] =	ssyncset.done $0x0  }
0x87: {  	[sflag:s16] =	ssyncadd.s32 $0xFFFFE000  }
0x88: {  	[tilespmem:s17], [sflag:$0x2] =	stream.indirect.gather [hbm4b:s5+s14], $0x40, s21, s14, $0xb8;
	[tilespmem:$0xE800] =	vst v63  }
0x89: {  	_ = 	snop  }
0x8a: {  	[spmem:s3] =	stream.indirect.scatter.add.f32 [tilespmem:s15], [sflag:$0x3], $0x40, s22, s14, $0xb8;
	[tilespmem:$0xE800] =	vst v63  }
0x8b: {  	_ =	swait.ge [sflag:s12], $0x2000  }
0x8c: {  	[sflag:s12] =	ssyncset.done $0x0  }
0x8d: {  	[sflag:s12] =	ssyncadd.s32 $0xFFFFE000  }
0x8e: {  	_ =	swait.ge [sflag:s18], $0x2000  }
0x8f: {  	[sflag:s18] =	ssyncset.done $0x0  }
0x90: {  	[sflag:s18] =	ssyncadd.s32 $0xFFFFE000  }
0x91: {  	[tilespmem:s15], [sflag:$0x1] =	stream.indirect.gather [hbm4b:s5+s14], $0x40, s23, s14, $0xb8;
	[tilespmem:$0xE800] =	vst v63  }
0x92: {  	_ = 	snop  }
0x93: {  	[spmem:s3] =	stream.indirect.scatter.add.f32 [tilespmem:s17], [sflag:$0x3], $0x40, s24, s14, $0xb8;
	[tilespmem:$0xE800] =	vst v63  }
0x94: {  	_ =	swait.ge [sflag:s12], $0x2000  }
0x95: {  	[sflag:s12] =	ssyncset.done $0x0  }
0x96: {  	[sflag:s12] =	ssyncadd.s32 $0xFFFFE000  }
0x97: {  	_ =	swait.ge [sflag:s16], $0x2000  }
0x98: {  	[sflag:s16] =	ssyncset.done $0x0  }
0x99: {  	[sflag:s16] =	ssyncadd.s32 $0xFFFFE000  }
0x9a: {  	[tilespmem:s17], [sflag:$0x2] =	stream.indirect.gather [hbm4b:s5+s14], $0x40, s25, s14, $0xb8;
	[tilespmem:$0xE800] =	vst v63  }
0x9b: {  	_ = 	snop  }
0x9c: {  	[spmem:s3] =	stream.indirect.scatter.add.f32 [tilespmem:s15], [sflag:$0x3], $0x40, s26, s14, $0xb8;
	[tilespmem:$0xE800] =	vst v63  }
0x9d: {  	_ =	swait.ge [sflag:s12], $0x2000  }
0x9e: {  	[sflag:s12] =	ssyncset.done $0x0  }
0x9f: {  	[sflag:s12] =	ssyncadd.s32 $0xFFFFE000  }
0xa0: {  	_ =	swait.ge [sflag:s18], $0x2000  }
0xa1: {  	[sflag:s18] =	ssyncset.done $0x0  }
0xa2: {  	[sflag:s18] =	ssyncadd.s32 $0xFFFFE000  }
0xa3: {  	[tilespmem:s15], [sflag:$0x1] =	stream.indirect.gather [hbm4b:s5+s14], $0x40, s28, s14, $0xb8;
	[tilespmem:$0xE800] =	vst v63  }
0xa4: {  	_ = 	snop  }
0xa5: {  	[spmem:s3] =	stream.indirect.scatter.add.f32 [tilespmem:s17], [sflag:$0x3], $0x40, s29, s14, $0xb8;
	[tilespmem:$0xE800] =	vst v63  }
0xa6: {  	_ =	swait.ge [sflag:s12], $0x2000  }
0xa7: {  	[sflag:s12] =	ssyncset.done $0x0  }
0xa8: {  	[sflag:s12] =	ssyncadd.s32 $0xFFFFE000  }
0xa9: {  	_ =	swait.ge [sflag:s16], $0x2000  }
0xaa: {  	[sflag:s16] =	ssyncset.done $0x0  }
0xab: {  	[sflag:s16] =	ssyncadd.s32 $0xFFFFE000  }
0xac: {  	[tilespmem:s17], [sflag:$0x2] =	stream.indirect.gather [hbm4b:s5+s14], $0x40, s30, s14, $0xb8;
	[tilespmem:$0xE800] =	vst v63  }
0xad: {  	_ = 	snop  }
0xae: {  	[spmem:s3] =	stream.indirect.scatter.add.f32 [tilespmem:s15], [sflag:$0x3], $0x40, s31, s14, $0xb8;
	[tilespmem:$0xE800] =	vst v63  }
0xaf: {  	_ =	swait.ge [sflag:s12], $0x2000  }
0xb0: {  	[sflag:s12] =	ssyncset.done $0x0  }
0xb1: {  	[sflag:s12] =	ssyncadd.s32 $0xFFFFE000  }
0xb2: {  	_ =	swait.ge [sflag:s18], $0x2000  }
.Ltmp0:
0xb3: {  	[sflag:s18] =	ssyncset.done $0x0;
	(pc) =	sbr.rel @p0 .LBB2_2-.Ltmp0, $4  }
0xb4: {  	[sflag:s18] =	ssyncadd.s32 $0xFFFFE000  }
0xb5: {  	[spmem:s3] =	stream.indirect.scatter.add.f32 [tilespmem:s17], [sflag:$0x3], $0x40, s1, s14, $0xb8;
	[tilespmem:$0xE800] =	vst v63  }
0xb6: {  	_ =	swait.ge [sflag:s12], $0x2000  }
0xb7: {  	s7 =	smov.u32 s8;
	[sflag:s12] =	ssyncset.done $0x0  }
0xb8: {  	s6 =	sadd.s32 s2, s10;
	[sflag:s12] =	ssyncadd.s32 $0xFFFFE000  }
0xb9: {  	[tilespmem:s4], [sflag:$0x3] =	stream.linear.gather [hbm4b:s6+s4], $0x400, $0x38;
	[tilespmem:$0xE800] =	vst v63  }
0xba: {  	_ =	swait.ge [sflag:s12], $0x400  }
0xbb: {  	[sflag:s12] =	ssyncset.done $0x0  }
0xbc: {  	s7 =	sadd.s32 s2, s9;
	[sflag:s12] =	ssyncadd.s32 $0xFFFFFC00  }
0xbd: {  	[tilespmem:s13], [sflag:$0x3] =	stream.linear.gather [hbm4b:s7+s4], $0x400, $0x38;
	[tilespmem:$0xE800] =	vst v63  }
0xbe: {  	_ =	swait.ge [sflag:s12], $0x400  }
0xbf: {  	[sflag:s12] =	ssyncset.done $0x0  }
0xc0: {  	[sflag:s12] =	ssyncadd.s32 $0xFFFFFC00  }
0xc1: {  	[tilespmem:s15], [sflag:$0x1] =	stream.indirect.gather [hbm4b:s5+s14], $0x40, s4, s14, $0xb8;
	[tilespmem:$0xE800] =	vst v63  }
0xc2: {  	_ =	swait.ge [sflag:s16], $0x2000  }
0xc3: {  	[sflag:s16] =	ssyncset.done $0x0  }
0xc4: {  	[sflag:s16] =	ssyncadd.s32 $0xFFFFE000  }
0xc5: {  	[tilespmem:s17], [sflag:$0x2] =	stream.indirect.gather [hbm4b:s5+s14], $0x40, s14, s14, $0xb8;
	[tilespmem:$0xE800] =	vst v63  }
0xc6: {  	_ = 	snop  }
0xc7: {  	[spmem:s3] =	stream.indirect.scatter.add.f32 [tilespmem:s15], [sflag:$0x3], $0x40, s13, s14, $0xb8;
	[tilespmem:$0xE800] =	vst v63  }
0xc8: {  	_ =	swait.ge [sflag:s12], $0x2000  }
0xc9: {  	[sflag:s12] =	ssyncset.done $0x0  }
0xca: {  	[sflag:s12] =	ssyncadd.s32 $0xFFFFE000  }
0xcb: {  	_ =	swait.ge [sflag:s18], $0x2000  }
0xcc: {  	[sflag:s18] =	ssyncset.done $0x0  }
0xcd: {  	[sflag:s18] =	ssyncadd.s32 $0xFFFFE000  }
0xce: {  	[tilespmem:s15], [sflag:$0x1] =	stream.indirect.gather [hbm4b:s5+s14], $0x40, s19, s14, $0xb8;
	[tilespmem:$0xE800] =	vst v63  }
0xcf: {  	_ = 	snop  }
0xd0: {  	[spmem:s3] =	stream.indirect.scatter.add.f32 [tilespmem:s17], [sflag:$0x3], $0x40, s20, s14, $0xb8;
	[tilespmem:$0xE800] =	vst v63  }
0xd1: {  	_ =	swait.ge [sflag:s12], $0x2000  }
0xd2: {  	[sflag:s12] =	ssyncset.done $0x0  }
0xd3: {  	[sflag:s12] =	ssyncadd.s32 $0xFFFFE000  }
0xd4: {  	_ =	swait.ge [sflag:s16], $0x2000  }
0xd5: {  	[sflag:s16] =	ssyncset.done $0x0  }
0xd6: {  	[sflag:s16] =	ssyncadd.s32 $0xFFFFE000  }
0xd7: {  	[tilespmem:s17], [sflag:$0x2] =	stream.indirect.gather [hbm4b:s5+s14], $0x40, s21, s14, $0xb8;
	[tilespmem:$0xE800] =	vst v63  }
0xd8: {  	_ = 	snop  }
0xd9: {  	[spmem:s3] =	stream.indirect.scatter.add.f32 [tilespmem:s15], [sflag:$0x3], $0x40, s22, s14, $0xb8;
	[tilespmem:$0xE800] =	vst v63  }
0xda: {  	_ =	swait.ge [sflag:s12], $0x2000  }
0xdb: {  	[sflag:s12] =	ssyncset.done $0x0  }
0xdc: {  	[sflag:s12] =	ssyncadd.s32 $0xFFFFE000  }
0xdd: {  	_ =	swait.ge [sflag:s18], $0x2000  }
0xde: {  	[sflag:s18] =	ssyncset.done $0x0  }
0xdf: {  	[sflag:s18] =	ssyncadd.s32 $0xFFFFE000  }
0xe0: {  	[tilespmem:s15], [sflag:$0x1] =	stream.indirect.gather [hbm4b:s5+s14], $0x40, s23, s14, $0xb8;
	[tilespmem:$0xE800] =	vst v63  }
0xe1: {  	_ = 	snop  }
0xe2: {  	[spmem:s3] =	stream.indirect.scatter.add.f32 [tilespmem:s17], [sflag:$0x3], $0x40, s24, s14, $0xb8;
	[tilespmem:$0xE800] =	vst v63  }
0xe3: {  	_ =	swait.ge [sflag:s12], $0x2000  }
0xe4: {  	[sflag:s12] =	ssyncset.done $0x0  }
0xe5: {  	[sflag:s12] =	ssyncadd.s32 $0xFFFFE000  }
0xe6: {  	_ =	swait.ge [sflag:s16], $0x2000  }
0xe7: {  	[sflag:s16] =	ssyncset.done $0x0  }
0xe8: {  	[sflag:s16] =	ssyncadd.s32 $0xFFFFE000  }
0xe9: {  	[tilespmem:s17], [sflag:$0x2] =	stream.indirect.gather [hbm4b:s5+s14], $0x40, s25, s14, $0xb8;
	[tilespmem:$0xE800] =	vst v63  }
0xea: {  	_ = 	snop  }
0xeb: {  	[spmem:s3] =	stream.indirect.scatter.add.f32 [tilespmem:s15], [sflag:$0x3], $0x40, s26, s14, $0xb8;
	[tilespmem:$0xE800] =	vst v63  }
0xec: {  	_ =	swait.ge [sflag:s12], $0x2000  }
0xed: {  	[sflag:s12] =	ssyncset.done $0x0  }
0xee: {  	[sflag:s12] =	ssyncadd.s32 $0xFFFFE000  }
0xef: {  	_ =	swait.ge [sflag:s18], $0x2000  }
0xf0: {  	[sflag:s18] =	ssyncset.done $0x0  }
0xf1: {  	[sflag:s18] =	ssyncadd.s32 $0xFFFFE000  }
0xf2: {  	[tilespmem:s15], [sflag:$0x1] =	stream.indirect.gather [hbm4b:s5+s14], $0x40, s28, s14, $0xb8;
	[tilespmem:$0xE800] =	vst v63  }
0xf3: {  	_ = 	snop  }
0xf4: {  	[spmem:s3] =	stream.indirect.scatter.add.f32 [tilespmem:s17], [sflag:$0x3], $0x40, s29, s14, $0xb8;
	[tilespmem:$0xE800] =	vst v63  }
0xf5: {  	_ =	swait.ge [sflag:s12], $0x2000  }
0xf6: {  	[sflag:s12] =	ssyncset.done $0x0  }
0xf7: {  	[sflag:s12] =	ssyncadd.s32 $0xFFFFE000  }
0xf8: {  	_ =	swait.ge [sflag:s16], $0x2000  }
0xf9: {  	[sflag:s16] =	ssyncset.done $0x0  }
0xfa: {  	[sflag:s16] =	ssyncadd.s32 $0xFFFFE000  }
0xfb: {  	[tilespmem:s17], [sflag:$0x2] =	stream.indirect.gather [hbm4b:s5+s14], $0x40, s30, s14, $0xb8;
	[tilespmem:$0xE800] =	vst v63  }
0xfc: {  	_ = 	snop  }
0xfd: {  	[spmem:s3] =	stream.indirect.scatter.add.f32 [tilespmem:s15], [sflag:$0x3], $0x40, s31, s14, $0xb8;
	[tilespmem:$0xE800] =	vst v63  }
0xfe: {  	_ =	swait.ge [sflag:s12], $0x2000  }
0xff: {  	[sflag:s12] =	ssyncset.done $0x0  }
0x100: {  	[sflag:s12] =	ssyncadd.s32 $0xFFFFE000  }
0x101: {  	_ =	swait.ge [sflag:s18], $0x2000  }
0x102: {  	[sflag:s18] =	ssyncset.done $0x0  }
0x103: {  	[sflag:s18] =	ssyncadd.s32 $0xFFFFE000  }
0x104: {  	[spmem:s3] =	stream.indirect.scatter.add.f32 [tilespmem:s17], [sflag:$0x3], $0x40, s1, s14, $0xb8;
	[tilespmem:$0xE800] =	vst v63  }
0x105: {  	_ =	swait.ge [sflag:s12], $0x2000  }
0x106: {  	[sflag:s12] =	ssyncset.done $0x0  }
0x107: {  	[sflag:s12] =	ssyncadd.s32 $0xFFFFE000  }
0x108: {  	[bflag:$0x0] =	sbarrier.arrive $0xFFFF  }
0x109: {  	s6 =	rddreg [dreg:$0x4]  }
0x10a: {  	s8 =	rddreg [dreg:$0x5]  }
0x10b: {  	s7 =	rddreg [dreg:$0x7]  }
0x10c: {  	[hbm:s8], [sflag:s6] =	dma.local [spmem:s7], $0x1400  }
0x10d: {  	_ =	swait.ge [sflag:s12], $0x1400  }
0x10e: {  	s0 =	sadd.s32 $0x1, s0;
	s11 =	rddreg [dreg:$0x6]  }
0x10f: {  	p0 =	sne.s32 s0, s11  }
.Ltmp1:
0x110: {  	_ = 	snop;
	(pc) =	sbr.rel @p0 .LBB2_1-.Ltmp1, $3  }
0x111: {  	_ =	sdelay $0x1  }
0x112: {  	[sflag:s12] =	ssyncset.done $0x0  }
0x113: {  	[sflag:s12] =	ssyncadd.s32 $0xFFFFEC00  }
0x114: {  	_ =	sfence.sel $0x180000  }
0x115: {  	[bflag:$0x0] =	sbarrier.arrive $0xFFFF  }
0x116: {  	_ =	strace $0x90000050  }
0x117: {  	s0 =	stileid.u32;
	[bflag:$0x2] =	sbarrier.arrive $0xFFFF  }
0x118: {  	p0 =	sne.s32 s0, $0x0;
	s0 =	rddreg [dreg:$0x3]  }
0x119: {  	s0 =	sadd.s32 @!p0 $0x100000, s0  }
0x11a: {  	[sflag:s0] =	ssyncadd.tile.s32 @!p0 $0x1;
	_ =	shalt  }
.Lfunc_end2:
_tile_overlayer_lowered:
.L_overlay_start_2:
0x11b: {  	(tag) =	ssettag $0x2  }
0x11c: {  	s0 =	rddreg [dreg:$0x0];
	s2 =	stileid.u32  }
0x11d: {  	s1 =	rddreg [dreg:$0x1];
	p0 =	sne.s32 s2, $0x0  }
0x11e: {  	s3 =	rddreg [dreg:$0x2];
	[bflag:$0x3] =	sbarrier.arrive $0xFFFF;
	s2 =	simm.s32 @!p0 $0x1C03  }
0x11f: {  	[timem:s3], [sflag:s2] =	dma.local @!p0 [hbm:s0], s1  }
0x120: {  	s0 =	simm.s32 @!p0 $0x3  }
0x121: {  	_ =	swait.ge @!p0 [sflag:s0], s1  }
0x122: {  	s1 =	ssub.s32 @!p0 $0x0, s1;
	[sflag:s0] =	ssyncset.done @!p0 $0x0  }
0x123: {  	[sflag:s0] =	ssyncadd.s32 @!p0 s1  }
0x124: {  	[bflag:$0x3] =	sbarrier.arrive $0xFFFF  }
0x125: {  	_ =	shalt  }

// kernel: kernel.23.cloned.1.call-start
scs
__scs_entry_jumppad:
0x0: {  	(pc) =	sbr.rel $0x88, $3  }
0x1: {  	(tag) =	ssettag $0x0;
	lr =	simm.s32 $0x1  }
0x2: {  	[smem:$0x3F93] =	sst lr;
	_ =	strace $0xD0000000  }
0x3: {  	_ = 	snop  }
0x4: {  	_ = 	snop  }
0x5: {  	_ = 	snop  }
0x6: {  	_ = 	snop  }
0x7: {  	_ = 	snop  }
__scs_overlays_trampoline_lowered:
0x8: {  	[smem:$0x3FA2] =	sst s0  }
0x9: {  	[smem:$0x3FA3] =	sst s1  }
0xa: {  	[smem:$0x3FA4] =	sst s2  }
0xb: {  	[smem:$0x3FA5] =	sst s3  }
0xc: {  	[smem:$0x3FA6] =	sst s4  }
0xd: {  	[smem:$0x3FA7] =	sst s5  }
0xe: {  	[smem:$0x3FA8] =	sst s6  }
0xf: {  	[smem:$0x3FA9] =	sst s7  }
0x10: {  	[smem:$0x3FAA] =	sst s8  }
0x11: {  	[smem:$0x3FAB] =	sst s9;
	s0 =	simm.s32 @!p0 $0x0  }
0x12: {  	s1 =	sld [smem:$0x3F91];
	s0 =	simm.s32 @p0 $0x1  }
0x13: {  	[smem:$0x3FAC] =	sst s0;
	s0 =	simm.s32 @!p1 $0x0  }
0x14: {  	s2 =	sld [smem:$0x3F90];
	s0 =	simm.s32 @p1 $0x1  }
0x15: {  	[smem:$0x3FAD] =	sst s0;
	s0 =	simm.s32 @!p2 $0x0  }
0x16: {  	s3 =	sld [smem:$0x3FDB];
	s0 =	simm.s32 @p2 $0x1  }
0x17: {  	s4 =	simm.s32 $0x1BF5;
	[smem:$0x3FAF] =	sst s0  }
0x18: {  	s0 =	sld [smem:$0x3F92];
	_ =	swait.ge [sflag:s4], $0x0  }
0x19: {  	s7 =	sld [smem:$0x3F93]  }
0x1a: {  	s8 =	sadd.s32 $0xFFFFE003, lr  }
0x1b: {  	s9 =	sadd.s32 $0xFFFFFEF7, lr;
	s5 =	simm.s32 $0xFFFFFFFF;
	p2 =	slt.u32 s8, $0xFFFFF086  }
0x1c: {  	p1 =	slt.u32 s9, $0xF7A;
	s5 =	simm.s32 @!p2 $0x0  }
0x1d: {  	s5 =	simm.s32 @p1 $0x1;
	p0 =	seq.s32 s7, s2  }
0x1e: {  	s7 =	smul.u32 @!p0 $0xF7A, s2;
	p2 =	seq.s32 @!p0 s5, $0x0  }
0x1f: {  	s9 =	smul.u32 $0xF7A, s1;
	s8 =	simm.s32 @!p0 $0x1BF5;
	p2 =	por !p2, p0  }
0x20: {  	[sflag:s8] =	ssyncset.s32 @!p0 $0xFFFFF086;
	s6 =	sadd.s32 @!p0 s3, s7;
	s7 =	simm.s32 @!p0 $0x108  }
0x21: {  	s3 =	sadd.s32 s3, s9;
	s6 =	sadd.s32 @!p0 $0x88, s6;
	s7 =	simm.s32 @p2 $0x1082  }
0x22: {  	[simem:s7], [sflag:s8] =	dma.local @!p0 [hbm:s6], $0xF7A  }
0x23: {  	s9 =	sor.u32 $0xD0000000, s2;
	s6 =	simm.s32 $0x108;
	_ =	swait.ge @!p0 [sflag:s8], $0x0  }
0x24: {  	s3 =	sadd.s32 $0x88, s3;
	s6 =	simm.s32 @!p1 $0x1082;
	[sflag:s4] =	ssyncset.s32 $0xFFFFF086  }
0x25: {  	[simem:s6], [sflag:s4] =	dma.local [hbm:s3], $0xF7A  }
0x26: {  	[smem:$0x3F93] =	sst s1;
	(tag) =	ssettag s2;
	_ =	strace s9  }
0x27: {  	s1 =	sld [smem:$0x3FA3]  }
0x28: {  	s2 =	sld [smem:$0x3FA4]  }
0x29: {  	s4 =	sld [smem:$0x3FA6]  }
0x2a: {  	p0 =	seq.s32 s5, $0x0;
	s5 =	sld [smem:$0x3FA7]  }
0x2b: {  	s6 =	sld [smem:$0x3FA8]  }
0x2c: {  	s7 =	sld [smem:$0x3FA9]  }
0x2d: {  	s3 =	simm.s32 $0x108;
	s8 =	sld [smem:$0x3FAA]  }
0x2e: {  	s3 =	simm.s32 @!p0 $0x1082;
	s9 =	sld [smem:$0x3FAB]  }
0x2f: {  	lr =	sadd.s32 s0, s3;
	s0 =	sld [smem:$0x3FA2]  }
0x30: {  	s3 =	sld [smem:$0x3FA5]  }
0x31: {  	[smem:$0x3FAE] =	sst s10  }
0x32: {  	s10 =	sld [smem:$0x3FAC];
	_ =	sdelay $0x3  }
0x33: {  	p0 =	seq.s32 s10, $0x1;
	s10 =	sld [smem:$0x3FAE];
	_ =	sdelay $0x3  }
0x34: {  	[smem:$0x3FAE] =	sst s10  }
0x35: {  	s10 =	sld [smem:$0x3FAD];
	_ =	sdelay $0x3  }
0x36: {  	p1 =	seq.s32 s10, $0x1;
	s10 =	sld [smem:$0x3FAE];
	_ =	sdelay $0x3  }
0x37: {  	[smem:$0x3FAE] =	sst s10  }
0x38: {  	s10 =	sld [smem:$0x3FAF]  }
0x39: {  	_ = 	snop;
	(pc) =	sbr.ind lr, $3  }
0x3a: {  	_ = 	snop  }
0x3b: {  	_ = 	snop  }
0x3c: {  	p2 =	seq.s32 s10, $0x1;
	s10 =	sld [smem:$0x3FAE]  }
0x3d: {  	_ =	shalt  }
0x3e: {  	_ =	shalt  }
0x3f: {  	_ =	shalt  }
0x40: {  	_ =	shalt  }
0x41: {  	_ =	shalt  }
0x42: {  	_ =	shalt  }
0x43: {  	_ =	shalt  }
0x44: {  	_ =	shalt  }
0x45: {  	_ =	shalt  }
0x46: {  	_ =	shalt  }
0x47: {  	_ =	shalt  }
0x48: {  	_ =	shalt  }
0x49: {  	_ =	shalt  }
0x4a: {  	_ =	shalt  }
0x4b: {  	_ =	shalt  }
0x4c: {  	_ =	shalt  }
0x4d: {  	_ =	shalt  }
0x4e: {  	_ =	shalt  }
0x4f: {  	_ =	shalt  }
0x50: {  	_ =	shalt  }
0x51: {  	_ =	shalt  }
0x52: {  	_ =	shalt  }
0x53: {  	_ =	shalt  }
0x54: {  	_ =	shalt  }
0x55: {  	_ =	shalt  }
0x56: {  	_ =	shalt  }
0x57: {  	_ =	shalt  }
0x58: {  	_ =	shalt  }
0x59: {  	_ =	shalt  }
0x5a: {  	_ =	shalt  }
0x5b: {  	_ =	shalt  }
0x5c: {  	_ =	shalt  }
0x5d: {  	_ =	shalt  }
0x5e: {  	_ =	shalt  }
0x5f: {  	_ =	shalt  }
0x60: {  	_ =	shalt  }
0x61: {  	_ =	shalt  }
0x62: {  	_ =	shalt  }
0x63: {  	_ =	shalt  }
0x64: {  	_ =	shalt  }
0x65: {  	_ =	shalt  }
0x66: {  	_ =	shalt  }
0x67: {  	_ =	shalt  }
0x68: {  	_ =	shalt  }
0x69: {  	_ =	shalt  }
0x6a: {  	_ =	shalt  }
0x6b: {  	_ =	shalt  }
0x6c: {  	_ =	shalt  }
0x6d: {  	_ =	shalt  }
0x6e: {  	_ =	shalt  }
0x6f: {  	_ =	shalt  }
0x70: {  	_ =	shalt  }
0x71: {  	_ =	shalt  }
0x72: {  	_ =	shalt  }
0x73: {  	_ =	shalt  }
0x74: {  	_ =	shalt  }
0x75: {  	_ =	shalt  }
0x76: {  	_ =	shalt  }
0x77: {  	_ =	shalt  }
0x78: {  	_ =	shalt  }
0x79: {  	_ =	shalt  }
0x7a: {  	_ =	shalt  }
0x7b: {  	_ =	shalt  }
0x7c: {  	_ =	shalt  }
0x7d: {  	_ =	shalt  }
0x7e: {  	_ =	shalt  }
0x7f: {  	_ =	shalt  }
0x80: {  	_ =	shalt  }
0x81: {  	_ =	shalt  }
0x82: {  	_ =	shalt  }
0x83: {  	_ =	shalt  }
0x84: {  	_ =	shalt  }
0x85: {  	_ =	shalt  }
0x86: {  	_ =	shalt  }
0x87: {  	_ =	shalt  }
.Lfunc_end0:
.L_simem_size_0:
called_computation.4_lowered:
.L_overlay_start_0:
0x88: {  	s2 =	sld [smem:$0x3FD9]  }
0x89: {  	s3 =	sld [smem:$0x3FFE];
	_ =	sdelay $0x1  }
0x8a: {  	s1 =	srdreg.scid  }
0x8b: {  	s0 =	sand.u32 $0x1, s1  }
0x8c: {  	s17 =	sshll.u32 s0, $0xA;
	s2 =	sadd.s32 s3, s2  }
0x8d: {  	s2 =	sadd.s32 s2, s17  }
0x8e: {  	[smem:$0x3FBA] =	sst s2  }
0x8f: {  	_ = 	snop  }
0x90: {  	s2 =	sld [smem:$0x3FD0];
	(tm) =	ssettm $0x1  }
0x91: {  	s18 =	sld [smem:$0x3FFB];
	_ =	sdelay $0x3  }
0x92: {  	_ =	strace s18  }
0x93: {  	s3 =	sld [smem:$0x3FFC];
	_ =	sdelay $0x3  }
0x94: {  	_ =	strace s3  }
0x95: {  	s3 =	sld [smem:$0x3FFD];
	_ =	sdelay $0x3  }
0x96: {  	_ =	strace s3  }
0x97: {  	_ =	strace $0x8FFFFFFF  }
0x98: {  	s19 =	sld [smem:$0x3FDB];
	_ =	sdelay $0x1  }
0x99: {  	s4 =	simm.s32 $_scs_section_size  }
0x9a: {  	s5 =	simm.s32 $_size__tile_overlayer_lowered;
	s6 =	simm.s32 $_tile_overlayer_lowered  }
0x9b: {  	s22 =	simm.s32 $0x1BFF;
	s21 =	sshll.u32 s6, $0x1;
	s3 =	sadd.s32 s4, s19  }
0x9c: {  	s7 =	simm.s32 $0x0;
	s20 =	sshll.u32 s5, $0x1;
	s5 =	sadd.s32 s21, s3  }
0x9d: {  	[timem:s7], [sflag:s22] =	dma.local [hbm:s5], s20  }
0x9e: {  	_ =	swait.ge [sflag:s22], s20  }
0x9f: {  	s4 =	ssub.s32 $0x0, s20;
	[sflag:s22] =	ssyncset.done $0x0  }
0xa0: {  	[sflag:s22] =	ssyncadd.s32 s4;
	_ =	sdelay $0x1  }
0xa1: {  	s23 =	simm.s32 $0x1B8B  }
0xa2: {  	_ =	swait.ge [sflag:s23], $0x1  }
0xa3: {  	[sflag:s23] =	ssyncset.done $0x0  }
0xa4: {  	s25 =	simm.s32 $0x1B8E;
	s24 =	sld [smem:$0x3FFE];
	[sflag:s23] =	ssyncadd.s32 $0xFFFFFFFF  }
0xa5: {  	s26 =	simm.s32 $execute0_lowered;
	[smem:$0x3FD2] =	sst s25  }
0xa6: {  	s5 =	sshll.u32 s26, $0x1;
	_ =	strace $0x80000052;
	[dreg:$0x1] =	wrdreg $0xFFFFFFFF  }
0xa7: {  	s28 =	simm.s32 $_size_execute0_lowered;
	s3 =	sadd.s32 s3, s5;
	[dreg:$0x0] =	wrdreg $0x0  }
0xa8: {  	s5 =	sshll.u32 s28, $0x1;
	[dreg:$0x2] =	wrdreg s3  }
0xa9: {  	[dreg:$0x3] =	wrdreg s5  }
0xaa: {  	[dreg:$0x4] =	wrdreg $0xC0  }
0xab: {  	_ =	task [dreg:s7], $0x5FFFF  }
0xac: {  	[dreg:$0x1] =	wrdreg $0xFFFFFFFF  }
0xad: {  	[dreg:$0x0] =	wrdreg $0x60  }
0xae: {  	[dreg:$0x2] =	wrdreg s24  }
0xaf: {  	[dreg:$0x3] =	wrdreg s2  }
0xb0: {  	[dreg:$0x4] =	wrdreg $0x48000  }
0xb1: {  	[dreg:$0x5] =	wrdreg $0x9  }
0xb2: {  	_ =	task.clear_ibuf [dreg:s7], $0x6FFFF;
	_ =	strace $0x90000052  }
0xb3: {  	s29 =	simm.s32 $0x9;
	_ =	strace $0x80000054  }
0xb4: {  	_ =	swait.ge [sflag:s29], $0x1  }
0xb5: {  	[sflag:s29] =	ssyncadd.s32 $0xFFFFFFFF  }
0xb6: {  	_ =	strace $0x90000054  }
0xb7: {  	_ =	sfence  }
0xb8: {  	s30 =	sld [smem:$0x0];
	_ =	sdelay $0x2  }
0xb9: {  	s31 =	sshll.u32 s1, $0xD;
	s1 =	sshrl.u32 s1, $0x2  }
0xba: {  	s3 =	sand.u32 $0x4000, s31;
	s1 =	sadd.s32 s1, s30  }
0xbb: {  	s0 =	sor.u32 s3, s0;
	s1 =	sshll.u32 s1, $0x11  }
0xbc: {  	s0 =	sor.u32 s1, s0  }
0xbd: {  	s0 =	sadd.s32 $0x8F2B, s0  }
0xbe: {  	[sflag:s0] =	ssyncadd.remote.s32 $0x1  }
0xbf: {  	_ =	sfence.sel $0xFFFF  }
0xc0: {  	[dreg:$0x0] =	wrdreg $0xFFFFFFFF;
	(pc) =	sbr.abs _section_cstart, $3  }
0xc1: {  	[dreg:$0x1] =	wrdreg $0xFFFFFFFF  }
0xc2: {  	_ =	task.clear_ibuf [dreg:s7], $0x2FFFF;
	_ =	strace $0x9FFFFFFF  }
0xc3: {  	(tm) =	ssettm $0x7FFFFFFF  }
tec
execute0_lowered:
.L_overlay_start_1:
0x0: {  	(tag) =	ssettag $0x1  }
0x1: {  	s0 =	rddreg [dreg:$0x0]  }
0x2: {  	s1 =	srdreg.scid;
	s9 =	stileid.u32  }
0x3: {  	s3 =	rddreg [dreg:$0x2];
	s4 =	simm.s32 $0x0;
	s12 =	simm.s32 $0x3  }
0x4: {  	s13 =	simm.s32 $0x400;
	s14 =	simm.s32 $0x80;
	s15 =	simm.s32 $0x800  }
0x5: {  	s16 =	simm.s32 $0x1;
	s17 =	simm.s32 $0x2800;
	s18 =	simm.s32 $0x2  }
0x6: {  	s19 =	simm.s32 $0x100;
	s20 =	simm.s32 $0x480;
	s21 =	simm.s32 $0x180  }
0x7: {  	s22 =	simm.s32 $0x500;
	s28 =	simm.s32 $0x300;
	s29 =	simm.s32 $0x680  }
0x8: {  	s30 =	simm.s32 $0x380;
	s1 =	sand.u32 $0x1, s1;
	s2 =	smul.u32 $0xA000, s9  }
0x9: {  	s31 =	simm.s32 $0x700;
	[smem:$0x7FF] =	sst s4;
	s5 =	smul.u32 $0xA0000, s1  }
0xa: {  	s24 =	sshll.u32 s9, $0x6;
	s6 =	smul.u32 $0x5000, s1;
	s1 =	ssub.s32 $0x2, s1  }
0xb: {  	s9 =	smul.u32 $0x500, s9;
	_ =	strace $0x80000053;
	s23 =	sshrl.u32 s1, $0x1  }
0xc: {  	s7 =	sadd.s32 s2, s5;
	s5 =	sadd.s32 $0x18600, s0;
	s8 =	sadd.s32 s6, s0  }
0xd: {  	s1 =	ssub.s32 s1, s23;
	s2 =	sadd.s32 s2, s3;
	s6 =	sor.u32 $0x1C03, s24  }
0xe: {  	s23 =	simm.s32 $0x200;
	s24 =	simm.s32 $0x580;
	s7 =	sshrl.u32 s7, $0x3  }
0xf: {  	s25 =	smax.u32 s1, $0x1;
	s26 =	sadd.s32 s9, s8;
	[dreg:$0x4] =	wrdreg s6  }
0x10: {  	s1 =	simm.s32 $0x780;
	s0 =	sadd.s32 s7, s0;
	[dreg:$0x6] =	wrdreg s25  }
0x11: {  	s9 =	sadd.s32 $0xE600, s26;
	s10 =	sadd.s32 $0x2DA00, s26;
	s7 =	sshrl.u32 s2, $0x3  }
0x12: {  	s25 =	simm.s32 $0x280;
	s0 =	sadd.s32 $0x37A00, s0;
	[dreg:$0x7] =	wrdreg s7  }
0x13: {  	s26 =	simm.s32 $0x600;
	[dreg:$0x5] =	wrdreg s0;
	s0 =	simm.s32 $0x0  }
.LBB2_1:
0x14: {  	s2 =	rddreg [dreg:$0x1]  }
0x15: {  	[spmem:s7], [sflag:s6] =	dma.local [hbm:s2], $0x1400  }
0x16: {  	_ =	swait.ge [sflag:s12], $0x1400  }
0x17: {  	[sflag:s12] =	ssyncset.done $0x0  }
0x18: {  	[sflag:s12] =	ssyncadd.s32 $0xFFFFEC00  }
0x19: {  	s8 =	sadd.s32 $0x0, s10;
	[bflag:$0x0] =	sbarrier.arrive $0xFFFF  }
0x1a: {  	[tilespmem:s4], [sflag:$0x3] =	stream.linear.gather [hbm4b:s8+s4], $0x400, $0x38;
	[tilespmem:$0xE800] =	vst v63  }
0x1b: {  	_ =	swait.ge [sflag:s12], $0x400  }
0x1c: {  	[sflag:s12] =	ssyncset.done $0x0  }
0x1d: {  	s11 =	sadd.s32 $0x0, s9;
	[sflag:s12] =	ssyncadd.s32 $0xFFFFFC00  }
0x1e: {  	[tilespmem:s13], [sflag:$0x3] =	stream.linear.gather [hbm4b:s11+s4], $0x400, $0x38;
	[tilespmem:$0xE800] =	vst v63  }
0x1f: {  	_ =	swait.ge [sflag:s12], $0x400  }
0x20: {  	[sflag:s12] =	ssyncset.done $0x0  }
0x21: {  	[sflag:s12] =	ssyncadd.s32 $0xFFFFFC00  }
0x22: {  	[tilespmem:s15], [sflag:$0x1] =	stream.indirect.gather [hbm4b:s5+s14], $0x40, s4, s14, $0xb8;
	[tilespmem:$0xE800] =	vst v63  }
0x23: {  	_ =	swait.ge [sflag:s16], $0x2000  }
0x24: {  	[sflag:s16] =	ssyncset.done $0x0  }
0x25: {  	[sflag:s16] =	ssyncadd.s32 $0xFFFFE000  }
0x26: {  	[tilespmem:s17], [sflag:$0x2] =	stream.indirect.gather [hbm4b:s5+s14], $0x40, s14, s14, $0xb8;
	[tilespmem:$0xE800] =	vst v63  }
0x27: {  	_ = 	snop  }
0x28: {  	[spmem:s3] =	stream.indirect.scatter.add.f32 [tilespmem:s15], [sflag:$0x3], $0x40, s13, s14, $0xb8;
	[tilespmem:$0xE800] =	vst v63  }
0x29: {  	_ =	swait.ge [sflag:s12], $0x2000  }
0x2a: {  	[sflag:s12] =	ssyncset.done $0x0  }
0x2b: {  	[sflag:s12] =	ssyncadd.s32 $0xFFFFE000  }
0x2c: {  	_ =	swait.ge [sflag:s18], $0x2000  }
0x2d: {  	[sflag:s18] =	ssyncset.done $0x0  }
0x2e: {  	[sflag:s18] =	ssyncadd.s32 $0xFFFFE000  }
0x2f: {  	[tilespmem:s15], [sflag:$0x1] =	stream.indirect.gather [hbm4b:s5+s14], $0x40, s19, s14, $0xb8;
	[tilespmem:$0xE800] =	vst v63  }
0x30: {  	_ = 	snop  }
0x31: {  	[spmem:s3] =	stream.indirect.scatter.add.f32 [tilespmem:s17], [sflag:$0x3], $0x40, s20, s14, $0xb8;
	[tilespmem:$0xE800] =	vst v63  }
0x32: {  	_ =	swait.ge [sflag:s12], $0x2000  }
0x33: {  	[sflag:s12] =	ssyncset.done $0x0  }
0x34: {  	[sflag:s12] =	ssyncadd.s32 $0xFFFFE000  }
0x35: {  	_ =	swait.ge [sflag:s16], $0x2000  }
0x36: {  	[sflag:s16] =	ssyncset.done $0x0  }
0x37: {  	[sflag:s16] =	ssyncadd.s32 $0xFFFFE000  }
0x38: {  	[tilespmem:s17], [sflag:$0x2] =	stream.indirect.gather [hbm4b:s5+s14], $0x40, s21, s14, $0xb8;
	[tilespmem:$0xE800] =	vst v63  }
0x39: {  	_ = 	snop  }
0x3a: {  	[spmem:s3] =	stream.indirect.scatter.add.f32 [tilespmem:s15], [sflag:$0x3], $0x40, s22, s14, $0xb8;
	[tilespmem:$0xE800] =	vst v63  }
0x3b: {  	_ =	swait.ge [sflag:s12], $0x2000  }
0x3c: {  	[sflag:s12] =	ssyncset.done $0x0  }
0x3d: {  	[sflag:s12] =	ssyncadd.s32 $0xFFFFE000  }
0x3e: {  	_ =	swait.ge [sflag:s18], $0x2000  }
0x3f: {  	[sflag:s18] =	ssyncset.done $0x0  }
0x40: {  	[sflag:s18] =	ssyncadd.s32 $0xFFFFE000  }
0x41: {  	[tilespmem:s15], [sflag:$0x1] =	stream.indirect.gather [hbm4b:s5+s14], $0x40, s23, s14, $0xb8;
	[tilespmem:$0xE800] =	vst v63  }
0x42: {  	_ = 	snop  }
0x43: {  	[spmem:s3] =	stream.indirect.scatter.add.f32 [tilespmem:s17], [sflag:$0x3], $0x40, s24, s14, $0xb8;
	[tilespmem:$0xE800] =	vst v63  }
0x44: {  	_ =	swait.ge [sflag:s12], $0x2000  }
0x45: {  	[sflag:s12] =	ssyncset.done $0x0  }
0x46: {  	[sflag:s12] =	ssyncadd.s32 $0xFFFFE000  }
0x47: {  	_ =	swait.ge [sflag:s16], $0x2000  }
0x48: {  	[sflag:s16] =	ssyncset.done $0x0  }
0x49: {  	[sflag:s16] =	ssyncadd.s32 $0xFFFFE000  }
0x4a: {  	[tilespmem:s17], [sflag:$0x2] =	stream.indirect.gather [hbm4b:s5+s14], $0x40, s25, s14, $0xb8;
	[tilespmem:$0xE800] =	vst v63  }
0x4b: {  	_ = 	snop  }
0x4c: {  	[spmem:s3] =	stream.indirect.scatter.add.f32 [tilespmem:s15], [sflag:$0x3], $0x40, s26, s14, $0xb8;
	[tilespmem:$0xE800] =	vst v63  }
0x4d: {  	_ =	swait.ge [sflag:s12], $0x2000  }
0x4e: {  	[sflag:s12] =	ssyncset.done $0x0  }
0x4f: {  	[sflag:s12] =	ssyncadd.s32 $0xFFFFE000  }
0x50: {  	_ =	swait.ge [sflag:s18], $0x2000  }
0x51: {  	[sflag:s18] =	ssyncset.done $0x0  }
0x52: {  	[sflag:s18] =	ssyncadd.s32 $0xFFFFE000  }
0x53: {  	[tilespmem:s15], [sflag:$0x1] =	stream.indirect.gather [hbm4b:s5+s14], $0x40, s28, s14, $0xb8;
	[tilespmem:$0xE800] =	vst v63  }
0x54: {  	_ = 	snop  }
0x55: {  	[spmem:s3] =	stream.indirect.scatter.add.f32 [tilespmem:s17], [sflag:$0x3], $0x40, s29, s14, $0xb8;
	[tilespmem:$0xE800] =	vst v63  }
0x56: {  	_ =	swait.ge [sflag:s12], $0x2000  }
0x57: {  	[sflag:s12] =	ssyncset.done $0x0  }
0x58: {  	[sflag:s12] =	ssyncadd.s32 $0xFFFFE000  }
0x59: {  	_ =	swait.ge [sflag:s16], $0x2000  }
0x5a: {  	[sflag:s16] =	ssyncset.done $0x0  }
0x5b: {  	[sflag:s16] =	ssyncadd.s32 $0xFFFFE000  }
0x5c: {  	[tilespmem:s17], [sflag:$0x2] =	stream.indirect.gather [hbm4b:s5+s14], $0x40, s30, s14, $0xb8;
	[tilespmem:$0xE800] =	vst v63  }
0x5d: {  	_ = 	snop  }
0x5e: {  	[spmem:s3] =	stream.indirect.scatter.add.f32 [tilespmem:s15], [sflag:$0x3], $0x40, s31, s14, $0xb8;
	[tilespmem:$0xE800] =	vst v63  }
0x5f: {  	_ =	swait.ge [sflag:s12], $0x2000  }
0x60: {  	[sflag:s12] =	ssyncset.done $0x0  }
0x61: {  	[sflag:s12] =	ssyncadd.s32 $0xFFFFE000  }
0x62: {  	_ =	swait.ge [sflag:s18], $0x2000  }
0x63: {  	[sflag:s18] =	ssyncset.done $0x0  }
0x64: {  	[sflag:s18] =	ssyncadd.s32 $0xFFFFE000  }
0x65: {  	[spmem:s3] =	stream.indirect.scatter.add.f32 [tilespmem:s17], [sflag:$0x3], $0x40, s1, s14, $0xb8;
	[tilespmem:$0xE800] =	vst v63  }
0x66: {  	_ =	swait.ge [sflag:s12], $0x2000  }
0x67: {  	s2 =	simm.s32 $0x80;
	s7 =	simm.s32 $0x100;
	[sflag:s12] =	ssyncset.done $0x0  }
.LBB2_2:
0x68: {  	s6 =	sadd.s32 s2, s10  }
0x69: {  	[sflag:s12] =	ssyncadd.s32 $0xFFFFE000;
	s11 =	smov.u32 s7;
	s8 =	sadd.s32 $0x80, s7  }
0x6a: {  	[tilespmem:s4], [sflag:$0x3] =	stream.linear.gather [hbm4b:s6+s4], $0x400, $0x38;
	[tilespmem:$0xE800] =	vst v63  }
0x6b: {  	p0 =	sne.s32 s7, $0x480;
	_ =	swait.ge [sflag:s12], $0x400  }
0x6c: {  	[sflag:s12] =	ssyncset.done $0x0  }
0x6d: {  	s6 =	sadd.s32 s2, s9;
	s2 =	smov.u32 s11;
	[sflag:s12] =	ssyncadd.s32 $0xFFFFFC00  }
0x6e: {  	[tilespmem:s13], [sflag:$0x3] =	stream.linear.gather [hbm4b:s6+s4], $0x400, $0x38;
	[tilespmem:$0xE800] =	vst v63  }
0x6f: {  	_ =	swait.ge [sflag:s12], $0x400  }
0x70: {  	[sflag:s12] =	ssyncset.done $0x0  }
0x71: {  	[sflag:s12] =	ssyncadd.s32 $0xFFFFFC00  }
0x72: {  	[tilespmem:s15], [sflag:$0x1] =	stream.indirect.gather [hbm4b:s5+s14], $0x40, s4, s14, $0xb8;
	[tilespmem:$0xE800] =	vst v63  }
0x73: {  	_ =	swait.ge [sflag:s16], $0x2000  }
0x74: {  	[sflag:s16] =	ssyncset.done $0x0  }
0x75: {  	[sflag:s16] =	ssyncadd.s32 $0xFFFFE000  }
0x76: {  	[tilespmem:s17], [sflag:$0x2] =	stream.indirect.gather [hbm4b:s5+s14], $0x40, s14, s14, $0xb8;
	[tilespmem:$0xE800] =	vst v63  }
0x77: {  	_ = 	snop  }
0x78: {  	[spmem:s3] =	stream.indirect.scatter.add.f32 [tilespmem:s15], [sflag:$0x3], $0x40, s13, s14, $0xb8;
	[tilespmem:$0xE800] =	vst v63  }
0x79: {  	_ =	swait.ge [sflag:s12], $0x2000  }
0x7a: {  	[sflag:s12] =	ssyncset.done $0x0  }
0x7b: {  	[sflag:s12] =	ssyncadd.s32 $0xFFFFE000  }
0x7c: {  	_ =	swait.ge [sflag:s18], $0x2000  }
0x7d: {  	[sflag:s18] =	ssyncset.done $0x0  }
0x7e: {  	[sflag:s18] =	ssyncadd.s32 $0xFFFFE000  }
0x7f: {  	[tilespmem:s15], [sflag:$0x1] =	stream.indirect.gather [hbm4b:s5+s14], $0x40, s19, s14, $0xb8;
	[tilespmem:$0xE800] =	vst v63  }
0x80: {  	_ = 	snop  }
0x81: {  	[spmem:s3] =	stream.indirect.scatter.add.f32 [tilespmem:s17], [sflag:$0x3], $0x40, s20, s14, $0xb8;
	[tilespmem:$0xE800] =	vst v63  }
0x82: {  	_ =	swait.ge [sflag:s12], $0x2000  }
0x83: {  	[sflag:s12] =	ssyncset.done $0x0  }
0x84: {  	[sflag:s12] =	ssyncadd.s32 $0xFFFFE000  }
0x85: {  	_ =	swait.ge [sflag:s16], $0x2000  }
0x86: {  	[sflag:s16] =	ssyncset.done $0x0  }
0x87: {  	[sflag:s16] =	ssyncadd.s32 $0xFFFFE000  }
0x88: {  	[tilespmem:s17], [sflag:$0x2] =	stream.indirect.gather [hbm4b:s5+s14], $0x40, s21, s14, $0xb8;
	[tilespmem:$0xE800] =	vst v63  }
0x89: {  	_ = 	snop  }
0x8a: {  	[spmem:s3] =	stream.indirect.scatter.add.f32 [tilespmem:s15], [sflag:$0x3], $0x40, s22, s14, $0xb8;
	[tilespmem:$0xE800] =	vst v63  }
0x8b: {  	_ =	swait.ge [sflag:s12], $0x2000  }
0x8c: {  	[sflag:s12] =	ssyncset.done $0x0  }
0x8d: {  	[sflag:s12] =	ssyncadd.s32 $0xFFFFE000  }
0x8e: {  	_ =	swait.ge [sflag:s18], $0x2000  }
0x8f: {  	[sflag:s18] =	ssyncset.done $0x0  }
0x90: {  	[sflag:s18] =	ssyncadd.s32 $0xFFFFE000  }
0x91: {  	[tilespmem:s15], [sflag:$0x1] =	stream.indirect.gather [hbm4b:s5+s14], $0x40, s23, s14, $0xb8;
	[tilespmem:$0xE800] =	vst v63  }
0x92: {  	_ = 	snop  }
0x93: {  	[spmem:s3] =	stream.indirect.scatter.add.f32 [tilespmem:s17], [sflag:$0x3], $0x40, s24, s14, $0xb8;
	[tilespmem:$0xE800] =	vst v63  }
0x94: {  	_ =	swait.ge [sflag:s12], $0x2000  }
0x95: {  	[sflag:s12] =	ssyncset.done $0x0  }
0x96: {  	[sflag:s12] =	ssyncadd.s32 $0xFFFFE000  }
0x97: {  	_ =	swait.ge [sflag:s16], $0x2000  }
0x98: {  	[sflag:s16] =	ssyncset.done $0x0  }
0x99: {  	[sflag:s16] =	ssyncadd.s32 $0xFFFFE000  }
0x9a: {  	[tilespmem:s17], [sflag:$0x2] =	stream.indirect.gather [hbm4b:s5+s14], $0x40, s25, s14, $0xb8;
	[tilespmem:$0xE800] =	vst v63  }
0x9b: {  	_ = 	snop  }
0x9c: {  	[spmem:s3] =	stream.indirect.scatter.add.f32 [tilespmem:s15], [sflag:$0x3], $0x40, s26, s14, $0xb8;
	[tilespmem:$0xE800] =	vst v63  }
0x9d: {  	_ =	swait.ge [sflag:s12], $0x2000  }
0x9e: {  	[sflag:s12] =	ssyncset.done $0x0  }
0x9f: {  	[sflag:s12] =	ssyncadd.s32 $0xFFFFE000  }
0xa0: {  	_ =	swait.ge [sflag:s18], $0x2000  }
0xa1: {  	[sflag:s18] =	ssyncset.done $0x0  }
0xa2: {  	[sflag:s18] =	ssyncadd.s32 $0xFFFFE000  }
0xa3: {  	[tilespmem:s15], [sflag:$0x1] =	stream.indirect.gather [hbm4b:s5+s14], $0x40, s28, s14, $0xb8;
	[tilespmem:$0xE800] =	vst v63  }
0xa4: {  	_ = 	snop  }
0xa5: {  	[spmem:s3] =	stream.indirect.scatter.add.f32 [tilespmem:s17], [sflag:$0x3], $0x40, s29, s14, $0xb8;
	[tilespmem:$0xE800] =	vst v63  }
0xa6: {  	_ =	swait.ge [sflag:s12], $0x2000  }
0xa7: {  	[sflag:s12] =	ssyncset.done $0x0  }
0xa8: {  	[sflag:s12] =	ssyncadd.s32 $0xFFFFE000  }
0xa9: {  	_ =	swait.ge [sflag:s16], $0x2000  }
0xaa: {  	[sflag:s16] =	ssyncset.done $0x0  }
0xab: {  	[sflag:s16] =	ssyncadd.s32 $0xFFFFE000  }
0xac: {  	[tilespmem:s17], [sflag:$0x2] =	stream.indirect.gather [hbm4b:s5+s14], $0x40, s30, s14, $0xb8;
	[tilespmem:$0xE800] =	vst v63  }
0xad: {  	_ = 	snop  }
0xae: {  	[spmem:s3] =	stream.indirect.scatter.add.f32 [tilespmem:s15], [sflag:$0x3], $0x40, s31, s14, $0xb8;
	[tilespmem:$0xE800] =	vst v63  }
0xaf: {  	_ =	swait.ge [sflag:s12], $0x2000  }
0xb0: {  	[sflag:s12] =	ssyncset.done $0x0  }
0xb1: {  	[sflag:s12] =	ssyncadd.s32 $0xFFFFE000  }
0xb2: {  	_ =	swait.ge [sflag:s18], $0x2000  }
.Ltmp0:
0xb3: {  	[sflag:s18] =	ssyncset.done $0x0;
	(pc) =	sbr.rel @p0 .LBB2_2-.Ltmp0, $4  }
0xb4: {  	[sflag:s18] =	ssyncadd.s32 $0xFFFFE000  }
0xb5: {  	[spmem:s3] =	stream.indirect.scatter.add.f32 [tilespmem:s17], [sflag:$0x3], $0x40, s1, s14, $0xb8;
	[tilespmem:$0xE800] =	vst v63  }
0xb6: {  	_ =	swait.ge [sflag:s12], $0x2000  }
0xb7: {  	s7 =	smov.u32 s8;
	[sflag:s12] =	ssyncset.done $0x0  }
0xb8: {  	s6 =	sadd.s32 s2, s10;
	[sflag:s12] =	ssyncadd.s32 $0xFFFFE000  }
0xb9: {  	[tilespmem:s4], [sflag:$0x3] =	stream.linear.gather [hbm4b:s6+s4], $0x400, $0x38;
	[tilespmem:$0xE800] =	vst v63  }
0xba: {  	_ =	swait.ge [sflag:s12], $0x400  }
0xbb: {  	[sflag:s12] =	ssyncset.done $0x0  }
0xbc: {  	s7 =	sadd.s32 s2, s9;
	[sflag:s12] =	ssyncadd.s32 $0xFFFFFC00  }
0xbd: {  	[tilespmem:s13], [sflag:$0x3] =	stream.linear.gather [hbm4b:s7+s4], $0x400, $0x38;
	[tilespmem:$0xE800] =	vst v63  }
0xbe: {  	_ =	swait.ge [sflag:s12], $0x400  }
0xbf: {  	[sflag:s12] =	ssyncset.done $0x0  }
0xc0: {  	[sflag:s12] =	ssyncadd.s32 $0xFFFFFC00  }
0xc1: {  	[tilespmem:s15], [sflag:$0x1] =	stream.indirect.gather [hbm4b:s5+s14], $0x40, s4, s14, $0xb8;
	[tilespmem:$0xE800] =	vst v63  }
0xc2: {  	_ =	swait.ge [sflag:s16], $0x2000  }
0xc3: {  	[sflag:s16] =	ssyncset.done $0x0  }
0xc4: {  	[sflag:s16] =	ssyncadd.s32 $0xFFFFE000  }
0xc5: {  	[tilespmem:s17], [sflag:$0x2] =	stream.indirect.gather [hbm4b:s5+s14], $0x40, s14, s14, $0xb8;
	[tilespmem:$0xE800] =	vst v63  }
0xc6: {  	_ = 	snop  }
0xc7: {  	[spmem:s3] =	stream.indirect.scatter.add.f32 [tilespmem:s15], [sflag:$0x3], $0x40, s13, s14, $0xb8;
	[tilespmem:$0xE800] =	vst v63  }
0xc8: {  	_ =	swait.ge [sflag:s12], $0x2000  }
0xc9: {  	[sflag:s12] =	ssyncset.done $0x0  }
0xca: {  	[sflag:s12] =	ssyncadd.s32 $0xFFFFE000  }
0xcb: {  	_ =	swait.ge [sflag:s18], $0x2000  }
0xcc: {  	[sflag:s18] =	ssyncset.done $0x0  }
0xcd: {  	[sflag:s18] =	ssyncadd.s32 $0xFFFFE000  }
0xce: {  	[tilespmem:s15], [sflag:$0x1] =	stream.indirect.gather [hbm4b:s5+s14], $0x40, s19, s14, $0xb8;
	[tilespmem:$0xE800] =	vst v63  }
0xcf: {  	_ = 	snop  }
0xd0: {  	[spmem:s3] =	stream.indirect.scatter.add.f32 [tilespmem:s17], [sflag:$0x3], $0x40, s20, s14, $0xb8;
	[tilespmem:$0xE800] =	vst v63  }
0xd1: {  	_ =	swait.ge [sflag:s12], $0x2000  }
0xd2: {  	[sflag:s12] =	ssyncset.done $0x0  }
0xd3: {  	[sflag:s12] =	ssyncadd.s32 $0xFFFFE000  }
0xd4: {  	_ =	swait.ge [sflag:s16], $0x2000  }
0xd5: {  	[sflag:s16] =	ssyncset.done $0x0  }
0xd6: {  	[sflag:s16] =	ssyncadd.s32 $0xFFFFE000  }
0xd7: {  	[tilespmem:s17], [sflag:$0x2] =	stream.indirect.gather [hbm4b:s5+s14], $0x40, s21, s14, $0xb8;
	[tilespmem:$0xE800] =	vst v63  }
0xd8: {  	_ = 	snop  }
0xd9: {  	[spmem:s3] =	stream.indirect.scatter.add.f32 [tilespmem:s15], [sflag:$0x3], $0x40, s22, s14, $0xb8;
	[tilespmem:$0xE800] =	vst v63  }
0xda: {  	_ =	swait.ge [sflag:s12], $0x2000  }
0xdb: {  	[sflag:s12] =	ssyncset.done $0x0  }
0xdc: {  	[sflag:s12] =	ssyncadd.s32 $0xFFFFE000  }
0xdd: {  	_ =	swait.ge [sflag:s18], $0x2000  }
0xde: {  	[sflag:s18] =	ssyncset.done $0x0  }
0xdf: {  	[sflag:s18] =	ssyncadd.s32 $0xFFFFE000  }
0xe0: {  	[tilespmem:s15], [sflag:$0x1] =	stream.indirect.gather [hbm4b:s5+s14], $0x40, s23, s14, $0xb8;
	[tilespmem:$0xE800] =	vst v63  }
0xe1: {  	_ = 	snop  }
0xe2: {  	[spmem:s3] =	stream.indirect.scatter.add.f32 [tilespmem:s17], [sflag:$0x3], $0x40, s24, s14, $0xb8;
	[tilespmem:$0xE800] =	vst v63  }
0xe3: {  	_ =	swait.ge [sflag:s12], $0x2000  }
0xe4: {  	[sflag:s12] =	ssyncset.done $0x0  }
0xe5: {  	[sflag:s12] =	ssyncadd.s32 $0xFFFFE000  }
0xe6: {  	_ =	swait.ge [sflag:s16], $0x2000  }
0xe7: {  	[sflag:s16] =	ssyncset.done $0x0  }
0xe8: {  	[sflag:s16] =	ssyncadd.s32 $0xFFFFE000  }
0xe9: {  	[tilespmem:s17], [sflag:$0x2] =	stream.indirect.gather [hbm4b:s5+s14], $0x40, s25, s14, $0xb8;
	[tilespmem:$0xE800] =	vst v63  }
0xea: {  	_ = 	snop  }
0xeb: {  	[spmem:s3] =	stream.indirect.scatter.add.f32 [tilespmem:s15], [sflag:$0x3], $0x40, s26, s14, $0xb8;
	[tilespmem:$0xE800] =	vst v63  }
0xec: {  	_ =	swait.ge [sflag:s12], $0x2000  }
0xed: {  	[sflag:s12] =	ssyncset.done $0x0  }
0xee: {  	[sflag:s12] =	ssyncadd.s32 $0xFFFFE000  }
0xef: {  	_ =	swait.ge [sflag:s18], $0x2000  }
0xf0: {  	[sflag:s18] =	ssyncset.done $0x0  }
0xf1: {  	[sflag:s18] =	ssyncadd.s32 $0xFFFFE000  }
0xf2: {  	[tilespmem:s15], [sflag:$0x1] =	stream.indirect.gather [hbm4b:s5+s14], $0x40, s28, s14, $0xb8;
	[tilespmem:$0xE800] =	vst v63  }
0xf3: {  	_ = 	snop  }
0xf4: {  	[spmem:s3] =	stream.indirect.scatter.add.f32 [tilespmem:s17], [sflag:$0x3], $0x40, s29, s14, $0xb8;
	[tilespmem:$0xE800] =	vst v63  }
0xf5: {  	_ =	swait.ge [sflag:s12], $0x2000  }
0xf6: {  	[sflag:s12] =	ssyncset.done $0x0  }
0xf7: {  	[sflag:s12] =	ssyncadd.s32 $0xFFFFE000  }
0xf8: {  	_ =	swait.ge [sflag:s16], $0x2000  }
0xf9: {  	[sflag:s16] =	ssyncset.done $0x0  }
0xfa: {  	[sflag:s16] =	ssyncadd.s32 $0xFFFFE000  }
0xfb: {  	[tilespmem:s17], [sflag:$0x2] =	stream.indirect.gather [hbm4b:s5+s14], $0x40, s30, s14, $0xb8;
	[tilespmem:$0xE800] =	vst v63  }
0xfc: {  	_ = 	snop  }
0xfd: {  	[spmem:s3] =	stream.indirect.scatter.add.f32 [tilespmem:s15], [sflag:$0x3], $0x40, s31, s14, $0xb8;
	[tilespmem:$0xE800] =	vst v63  }
0xfe: {  	_ =	swait.ge [sflag:s12], $0x2000  }
0xff: {  	[sflag:s12] =	ssyncset.done $0x0  }
0x100: {  	[sflag:s12] =	ssyncadd.s32 $0xFFFFE000  }
0x101: {  	_ =	swait.ge [sflag:s18], $0x2000  }
0x102: {  	[sflag:s18] =	ssyncset.done $0x0  }
0x103: {  	[sflag:s18] =	ssyncadd.s32 $0xFFFFE000  }
0x104: {  	[spmem:s3] =	stream.indirect.scatter.add.f32 [tilespmem:s17], [sflag:$0x3], $0x40, s1, s14, $0xb8;
	[tilespmem:$0xE800] =	vst v63  }
0x105: {  	_ =	swait.ge [sflag:s12], $0x2000  }
0x106: {  	[sflag:s12] =	ssyncset.done $0x0  }
0x107: {  	[sflag:s12] =	ssyncadd.s32 $0xFFFFE000  }
0x108: {  	[bflag:$0x0] =	sbarrier.arrive $0xFFFF  }
0x109: {  	s6 =	rddreg [dreg:$0x4]  }
0x10a: {  	s8 =	rddreg [dreg:$0x5]  }
0x10b: {  	s7 =	rddreg [dreg:$0x7]  }
0x10c: {  	[hbm:s8], [sflag:s6] =	dma.local [spmem:s7], $0x1400  }
0x10d: {  	_ =	swait.ge [sflag:s12], $0x1400  }
0x10e: {  	s0 =	sadd.s32 $0x1, s0;
	s11 =	rddreg [dreg:$0x6]  }
0x10f: {  	p0 =	sne.s32 s0, s11  }
.Ltmp1:
0x110: {  	_ = 	snop;
	(pc) =	sbr.rel @p0 .LBB2_1-.Ltmp1, $3  }
0x111: {  	_ =	sdelay $0x1  }
0x112: {  	[sflag:s12] =	ssyncset.done $0x0  }
0x113: {  	[sflag:s12] =	ssyncadd.s32 $0xFFFFEC00  }
0x114: {  	_ =	sfence.sel $0x180000  }
0x115: {  	[bflag:$0x0] =	sbarrier.arrive $0xFFFF  }
0x116: {  	_ =	strace $0x90000053  }
0x117: {  	s0 =	stileid.u32;
	[bflag:$0x2] =	sbarrier.arrive $0xFFFF  }
0x118: {  	p0 =	sne.s32 s0, $0x0;
	s0 =	rddreg [dreg:$0x3]  }
0x119: {  	s0 =	sadd.s32 @!p0 $0x100000, s0  }
0x11a: {  	[sflag:s0] =	ssyncadd.tile.s32 @!p0 $0x1;
	_ =	shalt  }
.Lfunc_end2:
_tile_overlayer_lowered:
.L_overlay_start_2:
0x11b: {  	(tag) =	ssettag $0x2  }
0x11c: {  	s0 =	rddreg [dreg:$0x0];
	s2 =	stileid.u32  }
0x11d: {  	s1 =	rddreg [dreg:$0x1];
	p0 =	sne.s32 s2, $0x0  }
0x11e: {  	s3 =	rddreg [dreg:$0x2];
	[bflag:$0x3] =	sbarrier.arrive $0xFFFF;
	s2 =	simm.s32 @!p0 $0x1C03  }
0x11f: {  	[timem:s3], [sflag:s2] =	dma.local @!p0 [hbm:s0], s1  }
0x120: {  	s0 =	simm.s32 @!p0 $0x3  }
0x121: {  	_ =	swait.ge @!p0 [sflag:s0], s1  }
0x122: {  	s1 =	ssub.s32 @!p0 $0x0, s1;
	[sflag:s0] =	ssyncset.done @!p0 $0x0  }
0x123: {  	[sflag:s0] =	ssyncadd.s32 @!p0 s1  }
0x124: {  	[bflag:$0x3] =	sbarrier.arrive $0xFFFF  }
0x125: {  	_ =	shalt  }

</sc_bundles>
